<compile_context>
chip_gen: v7x
topology: tpu7x:2x2x1
jax: 0.10.2.dev20260603
libtpu: 0.0.44.dev20260713+nightly
codegen_flags: <defaults>
</compile_context>

<pallas_src>
import functools

import jax
import jax.numpy as jnp
from jax import lax
from jax.experimental import pallas as pl
from jax.experimental.pallas import tpu as pltpu
from jax.experimental.pallas import tpu_sc as plsc

VOCAB_DIM = 64
SCALE = 8.0

_info = plsc.get_sparse_core_info()
NC, NS, L = _info.num_cores, _info.num_subcores, _info.num_lanes
NW = NC * NS

BATCH = 128
RING = 4
PADW = 129


def _emb_body(nbpw, nbc, table_hbm, idx_hbm, out_hbm, idx_v, rows_in,
              rows_out, gsems, ssems):
    wid = lax.axis_index("s") * NC + lax.axis_index("c")
    base_b = wid * nbpw
    pltpu.sync_copy(idx_hbm.at[pl.ds(base_b, nbpw)], idx_v)
    iota = lax.iota(jnp.int32, L)

    @plsc.parallel_loop(0, nbpw * (BATCH // L), unroll=8)
    def _dbl(i):
        bb = i >> 3
        k = (i & 7) * L
        v = idx_v[bb, pl.ds(k, L)]
        idx_v[bb, pl.ds(k, L)] = v + v

    def gather(b, r):
        return pltpu.make_async_copy(
            table_hbm.at[idx_v.at[b]], rows_in.at[r], gsems.at[r])

    def store(b, r):
        gb = base_b + b
        t = gb // nbc
        bc = gb - t * nbc
        return pltpu.make_async_copy(
            rows_out.at[r, :, :, pl.ds(0, BATCH)],
            out_hbm.at[pl.ds(t * 8, 8), bc],
            ssems.at[r])

    for r in range(RING):
        gather(r, r).start()

    dt_ds = []
    for j in range(VOCAB_DIM // L):
        d16 = iota + j * L
        dt_ds.append((d16 >> 3, d16 & 7))

    def cycle(g, carry):
        for r in range(RING):
            b = g * RING + r
            gather(b, r).wait()

            @pl.when(g > 0)
            def _wait_prev_store():
                store(b - RING, r).wait()

            for j in range(VOCAB_DIM // L):
                dtv, dsv = dt_ds[j]

                @plsc.parallel_loop(0, BATCH, unroll=8)
                def _txp(bl):
                    v = rows_in[r, bl, pl.ds(j * L, L)]
                    blv = jnp.broadcast_to(bl, (L,))
                    plsc.store_scatter(rows_out.at[r], [dtv, dsv, blv],
                                       v * SCALE)

            store(b, r).start()

            @pl.when(b + RING < nbpw)
            def _next_gather():
                gather(b + RING, r).start()
        return carry

    lax.fori_loop(0, nbpw // RING, cycle, 0)
    for r in range(RING):
        store(nbpw - RING + r, r).wait()


def kernel(x, table):
    b_dim, t_dim = x.shape
    n_rows = b_dim * t_dim
    nbc = b_dim // BATCH
    n_batches = n_rows // BATCH
    nbpw = n_batches // NW
    assert n_batches % (NW * RING) == 0 and VOCAB_DIM == 64

    tbl2 = jnp.pad(table, ((0, 0), (0, VOCAB_DIM))).reshape(-1, VOCAB_DIM)

    idx = x.T.reshape(n_batches, BATCH).astype(jnp.int32)

    mesh = plsc.VectorSubcoreMesh(core_axis_name="c", subcore_axis_name="s")
    k = pl.kernel(
        functools.partial(_emb_body, nbpw, nbc),
        mesh=mesh,
        out_type=jax.ShapeDtypeStruct((t_dim * 8, nbc, 8, BATCH), jnp.float32),
        scratch_types=[
            pltpu.VMEM((nbpw, BATCH), jnp.int32),
            pltpu.VMEM((RING, BATCH, VOCAB_DIM), jnp.float32),
            pltpu.VMEM((RING, 8, 8, PADW), jnp.float32),
            pltpu.SemaphoreType.DMA((RING,)),
            pltpu.SemaphoreType.DMA((RING,)),
        ],
        compiler_params=pltpu.CompilerParams(
            use_tc_tiling_on_sc=False, needs_layout_passes=False),
    )
    out_lin = k(tbl2, idx)
    out = (out_lin.reshape(t_dim, 8, nbc, 8, BATCH)
           .transpose(2, 4, 0, 1, 3)
           .reshape(b_dim, t_dim, VOCAB_DIM))
    return out

# --- scband reference (transcript-rebuilt; emitter-appended) ---
"""Pipeline reference for scband-embedding-53214644797479 (READ-ONLY COPY).

The authoritative reference and input builder live on the scoring server;
editing this copy changes nothing except your own understanding.
"""

import jax, jax.numpy as jnp
import numpy as np
import math

VOCAB = 1000000
D_MODEL = 64

def setup_inputs(seed: int = 0) -> dict:
    key = jax.random.key(seed)
    k1, k2 = jax.random.split(key)
    x = jax.random.randint(k1, (4096, 200), 0, VOCAB, dtype=jnp.int64 if jax.config.jax_enable_x64 else jnp.int32)
    table = jax.random.normal(k2, (VOCAB, D_MODEL), dtype=jnp.float32) * 0.02
    return {"x": x, "table": table}

def reference(x, table):
    scale = math.sqrt(D_MODEL)
    emb = jnp.take(table, x, axis=0)
    return emb * scale

if __name__ == "__main__":
    import jax
    _d = setup_inputs()
    print(jax.jit(kernel)(*tuple(_d.values())))

</pallas_src>

<mosaic_0001>
#map = affine_map<(d0, d1) -> (0, 0)>
#map1 = affine_map<(d0, d1) -> (0, 0, 0, 0)>
module attributes {stable_mosaic.version = 14 : i64} {
  func.func @_emb_body(%arg0: i32, %arg1: i32, %arg2: memref<2000000x64xf32, #tpu.memory_space<hbm>>, %arg3: memref<6400x128xi32, #tpu.memory_space<hbm>>, %arg4: memref<1600x32x8x128xf32, #tpu.memory_space<hbm>>, %arg5: memref<200x128xi32, #tpu.memory_space<vmem>>, %arg6: memref<4x128x64xf32, #tpu.memory_space<vmem>>, %arg7: memref<4x8x8x129xf32, #tpu.memory_space<vmem>>, %arg8: memref<4x!tpu.dma_semaphore, #tpu.memory_space<semaphore_mem>>, %arg9: memref<4x!tpu.dma_semaphore, #tpu.memory_space<semaphore_mem>>) attributes {dimension_semantics = [#tpu.dimension_semantics<core_parallel>, #tpu.dimension_semantics<subcore_parallel>], iteration_bounds = array<i64: 2, 16>, scalar_prefetch = 0 : i64, scratch_operands = 5 : i64, tpu.core_type = #tpu.core_type<sc_vector_subcore>, window_params = [{transform_indices = #map}, {transform_indices = #map}, {transform_indices = #map1}]} {
    %mul3A = arith.constant 2 : i32
    %mul3A_0 = arith.muli %arg1, %mul3A : i32
    %add3A = arith.addi %mul3A_0, %arg0 : i32
    %mul3A_1 = arith.constant 200 : i32
    %mul3A_2 = arith.muli %add3A, %mul3A_1 : i32
    "tpu.region"() ({
      %run_scoped3A = tpu.sem_alloc : memref<!tpu.dma_semaphore, #tpu.memory_space<semaphore_mem>>
      %dma_start3A_307 = arith.constant 0 : i32
      %dma_start3A_308 = tpu.memref_slice %arg3[%mul3A_2, %dma_start3A_307] : memref<6400x128xi32, #tpu.memory_space<hbm>> -> memref<200x128xi32, #tpu.memory_space<hbm>>
      %dma_start3A_309 = arith.constant 0 : i32
      %dma_start3A_310 = tpu.memref_slice %arg3[%mul3A_2, %dma_start3A_309] : memref<6400x128xi32, #tpu.memory_space<hbm>> -> memref<200x128xi32, #tpu.memory_space<hbm>>
      tpu.enqueue_dma source(%dma_start3A_310 : memref<200x128xi32, #tpu.memory_space<hbm>>) target(%arg5 : memref<200x128xi32, #tpu.memory_space<vmem>>) target_semaphore(%run_scoped3A : memref<!tpu.dma_semaphore, #tpu.memory_space<semaphore_mem>>)
      %dma_wait3A_311 = arith.constant 0 : i32
      %dma_wait3A_312 = tpu.memref_slice %arg3[%mul3A_2, %dma_wait3A_311] : memref<6400x128xi32, #tpu.memory_space<hbm>> -> memref<200x128xi32, #tpu.memory_space<hbm>>
      %dma_wait3A_313 = arith.constant 0 : i32
      %dma_wait3A_314 = tpu.memref_slice %arg3[%mul3A_2, %dma_wait3A_313] : memref<6400x128xi32, #tpu.memory_space<hbm>> -> memref<200x128xi32, #tpu.memory_space<hbm>>
      tpu.wait_dma2 semaphore(%run_scoped3A : memref<!tpu.dma_semaphore, #tpu.memory_space<semaphore_mem>>) src(%dma_wait3A_314 : memref<200x128xi32, #tpu.memory_space<hbm>>) dst(%arg5 : memref<200x128xi32, #tpu.memory_space<vmem>>)
      tpu.yield
    }) : () -> ()
    %iota3A = tpu.iota {dimensions = array<i32: 0>} : vector<16xi32>
    %parallel_loop3A = arith.constant 0 : i32
    %parallel_loop3A_3 = arith.constant 1600 : i32
    %parallel_loop3A_4 = arith.constant 1 : i32
    scf.for %parallel_loop3A_307 = %parallel_loop3A to %parallel_loop3A_3 step %parallel_loop3A_4  : i32 {
      %parallel_loop3A_308 = arith.constant 3 : i32
      %parallel_loop3A_309 = arith.shrsi %parallel_loop3A_307, %parallel_loop3A_308 : i32
      %parallel_loop3A_310 = arith.constant 7 : i32
      %parallel_loop3A_311 = arith.andi %parallel_loop3A_307, %parallel_loop3A_310 : i32
      %parallel_loop3A_312 = arith.constant 16 : i32
      %parallel_loop3A_313 = arith.muli %parallel_loop3A_311, %parallel_loop3A_312 : i32
      %parallel_loop3A_314 = arith.index_cast %parallel_loop3A_309 : i32 to index
      %parallel_loop3A_315 = arith.index_cast %parallel_loop3A_313 : i32 to index
      %parallel_loop3A_316 = tpu.vector_load %arg5[%parallel_loop3A_314, %parallel_loop3A_315] {strides = array<i32>} : memref<200x128xi32, #tpu.memory_space<vmem>>, vector<16xi32>,
      %parallel_loop3A_317 = arith.addi %parallel_loop3A_316, %parallel_loop3A_316 : vector<16xi32>
      %parallel_loop3A_318 = arith.index_cast %parallel_loop3A_309 : i32 to index
      %parallel_loop3A_319 = arith.index_cast %parallel_loop3A_313 : i32 to index
      %parallel_loop3A_320 = tpu.vector_load %arg5[%parallel_loop3A_318, %parallel_loop3A_319] {strides = array<i32>} : memref<200x128xi32, #tpu.memory_space<vmem>>, vector<16xi32>,
      tpu.vector_store %arg5[%parallel_loop3A_318, %parallel_loop3A_319], %parallel_loop3A_317 {strides = array<i32>} : memref<200x128xi32, #tpu.memory_space<vmem>>, vector<16xi32>,
    } {sc.loop_unroll_factor = 8 : i64, sc.parallel_access}
    %dma_start3A = arith.constant 0 : i32
    %dma_start3A_5 = arith.constant 0 : i32
    %dma_start3A_6 = arith.constant 0 : i32
    %dma_start3A_7 = arith.constant 0 : i32
    %dma_start3A_8 = arith.constant 0 : i32
    %dma_start3A_9 = tpu.memref_slice %arg6[%dma_start3A_5, %dma_start3A_7, %dma_start3A_8] : memref<4x128x64xf32, #tpu.memory_space<vmem>> -> memref<1x128x64xf32, #tpu.memory_space<vmem>>
    %dma_start3A_10 = tpu.memref_squeeze %dma_start3A_9 : memref<1x128x64xf32, #tpu.memory_space<vmem>> -> memref<128x64xf32, #tpu.memory_space<vmem>>
    %dma_start3A_11 = arith.constant 0 : i32
    %dma_start3A_12 = tpu.memref_slice %arg5[%dma_start3A, %dma_start3A_11] : memref<200x128xi32, #tpu.memory_space<vmem>> -> memref<1x128xi32, #tpu.memory_space<vmem>>
    %dma_start3A_13 = tpu.memref_squeeze %dma_start3A_12 : memref<1x128xi32, #tpu.memory_space<vmem>> -> memref<128xi32, #tpu.memory_space<vmem>>
    %dma_start3A_14 = arith.constant 0 : i32
    %dma_start3A_15 = arith.constant 0 : i32
    %dma_start3A_16 = tpu.memref_slice %arg2[%dma_start3A_14, %dma_start3A_15] : memref<2000000x64xf32, #tpu.memory_space<hbm>> -> memref<2000000x64xf32, #tpu.memory_space<hbm>>
    %dma_start3A_17 = tpu.memref_slice %arg8[%dma_start3A_6] : memref<4x!tpu.dma_semaphore, #tpu.memory_space<semaphore_mem>> -> memref<1x!tpu.dma_semaphore, #tpu.memory_space<semaphore_mem>>
    %dma_start3A_18 = tpu.memref_squeeze %dma_start3A_17 : memref<1x!tpu.dma_semaphore, #tpu.memory_space<semaphore_mem>> -> memref<!tpu.dma_semaphore, #tpu.memory_space<semaphore_mem>>
    tpu.enqueue_indirect_dma source(%dma_start3A_16 : memref<2000000x64xf32, #tpu.memory_space<hbm>>) target(%dma_start3A_10 : memref<128x64xf32, #tpu.memory_space<vmem>>) offsets(%dma_start3A_13 : memref<128xi32, #tpu.memory_space<vmem>>) semaphore(%dma_start3A_18 : memref<!tpu.dma_semaphore, #tpu.memory_space<semaphore_mem>>)
    %dma_start3A_19 = arith.constant 1 : i32
    %dma_start3A_20 = arith.constant 1 : i32
    %dma_start3A_21 = arith.constant 1 : i32
    %dma_start3A_22 = arith.constant 0 : i32
    %dma_start3A_23 = arith.constant 0 : i32
    %dma_start3A_24 = tpu.memref_slice %arg6[%dma_start3A_20, %dma_start3A_22, %dma_start3A_23] : memref<4x128x64xf32, #tpu.memory_space<vmem>> -> memref<1x128x64xf32, #tpu.memory_space<vmem>>
    %dma_start3A_25 = tpu.memref_squeeze %dma_start3A_24 : memref<1x128x64xf32, #tpu.memory_space<vmem>> -> memref<128x64xf32, #tpu.memory_space<vmem>>
    %dma_start3A_26 = arith.constant 0 : i32
    %dma_start3A_27 = tpu.memref_slice %arg5[%dma_start3A_19, %dma_start3A_26] : memref<200x128xi32, #tpu.memory_space<vmem>> -> memref<1x128xi32, #tpu.memory_space<vmem>>
    %dma_start3A_28 = tpu.memref_squeeze %dma_start3A_27 : memref<1x128xi32, #tpu.memory_space<vmem>> -> memref<128xi32, #tpu.memory_space<vmem>>
    %dma_start3A_29 = arith.constant 0 : i32
    %dma_start3A_30 = arith.constant 0 : i32
    %dma_start3A_31 = tpu.memref_slice %arg2[%dma_start3A_29, %dma_start3A_30] : memref<2000000x64xf32, #tpu.memory_space<hbm>> -> memref<2000000x64xf32, #tpu.memory_space<hbm>>
    %dma_start3A_32 = tpu.memref_slice %arg8[%dma_start3A_21] : memref<4x!tpu.dma_semaphore, #tpu.memory_space<semaphore_mem>> -> memref<1x!tpu.dma_semaphore, #tpu.memory_space<semaphore_mem>>
    %dma_start3A_33 = tpu.memref_squeeze %dma_start3A_32 : memref<1x!tpu.dma_semaphore, #tpu.memory_space<semaphore_mem>> -> memref<!tpu.dma_semaphore, #tpu.memory_space<semaphore_mem>>
    tpu.enqueue_indirect_dma source(%dma_start3A_31 : memref<2000000x64xf32, #tpu.memory_space<hbm>>) target(%dma_start3A_25 : memref<128x64xf32, #tpu.memory_space<vmem>>) offsets(%dma_start3A_28 : memref<128xi32, #tpu.memory_space<vmem>>) semaphore(%dma_start3A_33 : memref<!tpu.dma_semaphore, #tpu.memory_space<semaphore_mem>>)
    %dma_start3A_34 = arith.constant 2 : i32
    %dma_start3A_35 = arith.constant 2 : i32
    %dma_start3A_36 = arith.constant 2 : i32
    %dma_start3A_37 = arith.constant 0 : i32
    %dma_start3A_38 = arith.constant 0 : i32
    %dma_start3A_39 = tpu.memref_slice %arg6[%dma_start3A_35, %dma_start3A_37, %dma_start3A_38] : memref<4x128x64xf32, #tpu.memory_space<vmem>> -> memref<1x128x64xf32, #tpu.memory_space<vmem>>
    %dma_start3A_40 = tpu.memref_squeeze %dma_start3A_39 : memref<1x128x64xf32, #tpu.memory_space<vmem>> -> memref<128x64xf32, #tpu.memory_space<vmem>>
    %dma_start3A_41 = arith.constant 0 : i32
    %dma_start3A_42 = tpu.memref_slice %arg5[%dma_start3A_34, %dma_start3A_41] : memref<200x128xi32, #tpu.memory_space<vmem>> -> memref<1x128xi32, #tpu.memory_space<vmem>>
    %dma_start3A_43 = tpu.memref_squeeze %dma_start3A_42 : memref<1x128xi32, #tpu.memory_space<vmem>> -> memref<128xi32, #tpu.memory_space<vmem>>
    %dma_start3A_44 = arith.constant 0 : i32
    %dma_start3A_45 = arith.constant 0 : i32
    %dma_start3A_46 = tpu.memref_slice %arg2[%dma_start3A_44, %dma_start3A_45] : memref<2000000x64xf32, #tpu.memory_space<hbm>> -> memref<2000000x64xf32, #tpu.memory_space<hbm>>
    %dma_start3A_47 = tpu.memref_slice %arg8[%dma_start3A_36] : memref<4x!tpu.dma_semaphore, #tpu.memory_space<semaphore_mem>> -> memref<1x!tpu.dma_semaphore, #tpu.memory_space<semaphore_mem>>
    %dma_start3A_48 = tpu.memref_squeeze %dma_start3A_47 : memref<1x!tpu.dma_semaphore, #tpu.memory_space<semaphore_mem>> -> memref<!tpu.dma_semaphore, #tpu.memory_space<semaphore_mem>>
    tpu.enqueue_indirect_dma source(%dma_start3A_46 : memref<2000000x64xf32, #tpu.memory_space<hbm>>) target(%dma_start3A_40 : memref<128x64xf32, #tpu.memory_space<vmem>>) offsets(%dma_start3A_43 : memref<128xi32, #tpu.memory_space<vmem>>) semaphore(%dma_start3A_48 : memref<!tpu.dma_semaphore, #tpu.memory_space<semaphore_mem>>)
    %dma_start3A_49 = arith.constant 3 : i32
    %dma_start3A_50 = arith.constant 3 : i32
    %dma_start3A_51 = arith.constant 3 : i32
    %dma_start3A_52 = arith.constant 0 : i32
    %dma_start3A_53 = arith.constant 0 : i32
    %dma_start3A_54 = tpu.memref_slice %arg6[%dma_start3A_50, %dma_start3A_52, %dma_start3A_53] : memref<4x128x64xf32, #tpu.memory_space<vmem>> -> memref<1x128x64xf32, #tpu.memory_space<vmem>>
    %dma_start3A_55 = tpu.memref_squeeze %dma_start3A_54 : memref<1x128x64xf32, #tpu.memory_space<vmem>> -> memref<128x64xf32, #tpu.memory_space<vmem>>
    %dma_start3A_56 = arith.constant 0 : i32
    %dma_start3A_57 = tpu.memref_slice %arg5[%dma_start3A_49, %dma_start3A_56] : memref<200x128xi32, #tpu.memory_space<vmem>> -> memref<1x128xi32, #tpu.memory_space<vmem>>
    %dma_start3A_58 = tpu.memref_squeeze %dma_start3A_57 : memref<1x128xi32, #tpu.memory_space<vmem>> -> memref<128xi32, #tpu.memory_space<vmem>>
    %dma_start3A_59 = arith.constant 0 : i32
    %dma_start3A_60 = arith.constant 0 : i32
    %dma_start3A_61 = tpu.memref_slice %arg2[%dma_start3A_59, %dma_start3A_60] : memref<2000000x64xf32, #tpu.memory_space<hbm>> -> memref<2000000x64xf32, #tpu.memory_space<hbm>>
    %dma_start3A_62 = tpu.memref_slice %arg8[%dma_start3A_51] : memref<4x!tpu.dma_semaphore, #tpu.memory_space<semaphore_mem>> -> memref<1x!tpu.dma_semaphore, #tpu.memory_space<semaphore_mem>>
    %dma_start3A_63 = tpu.memref_squeeze %dma_start3A_62 : memref<1x!tpu.dma_semaphore, #tpu.memory_space<semaphore_mem>> -> memref<!tpu.dma_semaphore, #tpu.memory_space<semaphore_mem>>
    tpu.enqueue_indirect_dma source(%dma_start3A_61 : memref<2000000x64xf32, #tpu.memory_space<hbm>>) target(%dma_start3A_55 : memref<128x64xf32, #tpu.memory_space<vmem>>) offsets(%dma_start3A_58 : memref<128xi32, #tpu.memory_space<vmem>>) semaphore(%dma_start3A_63 : memref<!tpu.dma_semaphore, #tpu.memory_space<semaphore_mem>>)
    %add3A_64 = arith.constant 0 : i32
    %add3A_65 = vector.broadcast %add3A_64 : i32 to vector<16xi32>
    %add3A_66 = arith.addi %iota3A, %add3A_65 : vector<16xi32>
    %shift_right_arithmetic3A = arith.constant 3 : i32
    %shift_right_arithmetic3A_67 = vector.broadcast %shift_right_arithmetic3A : i32 to vector<16xi32>
    %shift_right_arithmetic3A_68 = arith.shrsi %add3A_66, %shift_right_arithmetic3A_67 : vector<16xi32>
    %and3A = arith.constant 7 : i32
    %and3A_69 = vector.broadcast %and3A : i32 to vector<16xi32>
    %and3A_70 = arith.andi %add3A_66, %and3A_69 : vector<16xi32>
    %add3A_71 = arith.constant 16 : i32
    %add3A_72 = vector.broadcast %add3A_71 : i32 to vector<16xi32>
    %add3A_73 = arith.addi %iota3A, %add3A_72 : vector<16xi32>
    %shift_right_arithmetic3A_74 = arith.constant 3 : i32
    %shift_right_arithmetic3A_75 = vector.broadcast %shift_right_arithmetic3A_74 : i32 to vector<16xi32>
    %shift_right_arithmetic3A_76 = arith.shrsi %add3A_73, %shift_right_arithmetic3A_75 : vector<16xi32>
    %and3A_77 = arith.constant 7 : i32
    %and3A_78 = vector.broadcast %and3A_77 : i32 to vector<16xi32>
    %and3A_79 = arith.andi %add3A_73, %and3A_78 : vector<16xi32>
    %add3A_80 = arith.constant 32 : i32
    %add3A_81 = vector.broadcast %add3A_80 : i32 to vector<16xi32>
    %add3A_82 = arith.addi %iota3A, %add3A_81 : vector<16xi32>
    %shift_right_arithmetic3A_83 = arith.constant 3 : i32
    %shift_right_arithmetic3A_84 = vector.broadcast %shift_right_arithmetic3A_83 : i32 to vector<16xi32>
    %shift_right_arithmetic3A_85 = arith.shrsi %add3A_82, %shift_right_arithmetic3A_84 : vector<16xi32>
    %and3A_86 = arith.constant 7 : i32
    %and3A_87 = vector.broadcast %and3A_86 : i32 to vector<16xi32>
    %and3A_88 = arith.andi %add3A_82, %and3A_87 : vector<16xi32>
    %add3A_89 = arith.constant 48 : i32
    %add3A_90 = vector.broadcast %add3A_89 : i32 to vector<16xi32>
    %add3A_91 = arith.addi %iota3A, %add3A_90 : vector<16xi32>
    %shift_right_arithmetic3A_92 = arith.constant 3 : i32
    %shift_right_arithmetic3A_93 = vector.broadcast %shift_right_arithmetic3A_92 : i32 to vector<16xi32>
    %shift_right_arithmetic3A_94 = arith.shrsi %add3A_91, %shift_right_arithmetic3A_93 : vector<16xi32>
    %and3A_95 = arith.constant 7 : i32
    %and3A_96 = vector.broadcast %and3A_95 : i32 to vector<16xi32>
    %and3A_97 = arith.andi %add3A_91, %and3A_96 : vector<16xi32>
    %scan3A = arith.constant 0 : i32
    %scan3A_98 = arith.constant 0 : i32
    %scan3A_99 = arith.constant 50 : i32
    %scan3A_100 = arith.addi %scan3A_98, %scan3A_99 : i32
    %scan3A_101 = arith.constant 1 : i32
    scf.for %scan3A_307 = %scan3A_98 to %scan3A_100 step %scan3A_101  : i32 {
      %mul3A_308 = arith.constant 4 : i32
      %mul3A_309 = arith.muli %scan3A_307, %mul3A_308 : i32
      %add3A_310 = arith.constant 0 : i32
      %add3A_311 = arith.addi %mul3A_309, %add3A_310 : i32
      %dma_wait3A_312 = arith.constant 0 : i32
      %dma_wait3A_313 = arith.constant 0 : i32
      %dma_wait3A_314 = arith.constant 0 : i32
      %dma_wait3A_315 = arith.constant 0 : i32
      %dma_wait3A_316 = tpu.memref_slice %arg6[%dma_wait3A_312, %dma_wait3A_314, %dma_wait3A_315] : memref<4x128x64xf32, #tpu.memory_space<vmem>> -> memref<1x128x64xf32, #tpu.memory_space<vmem>>
      %dma_wait3A_317 = tpu.memref_squeeze %dma_wait3A_316 : memref<1x128x64xf32, #tpu.memory_space<vmem>> -> memref<128x64xf32, #tpu.memory_space<vmem>>
      %dma_wait3A_318 = arith.constant 0 : i32
      %dma_wait3A_319 = tpu.memref_slice %arg5[%add3A_311, %dma_wait3A_318] : memref<200x128xi32, #tpu.memory_space<vmem>> -> memref<1x128xi32, #tpu.memory_space<vmem>>
      %dma_wait3A_320 = tpu.memref_squeeze %dma_wait3A_319 : memref<1x128xi32, #tpu.memory_space<vmem>> -> memref<128xi32, #tpu.memory_space<vmem>>
      %dma_wait3A_321 = arith.constant 0 : i32
      %dma_wait3A_322 = arith.constant 0 : i32
      %dma_wait3A_323 = tpu.memref_slice %arg2[%dma_wait3A_321, %dma_wait3A_322] : memref<2000000x64xf32, #tpu.memory_space<hbm>> -> memref<2000000x64xf32, #tpu.memory_space<hbm>>
      %dma_wait3A_324 = tpu.memref_slice %arg8[%dma_wait3A_313] : memref<4x!tpu.dma_semaphore, #tpu.memory_space<semaphore_mem>> -> memref<1x!tpu.dma_semaphore, #tpu.memory_space<semaphore_mem>>
      %dma_wait3A_325 = tpu.memref_squeeze %dma_wait3A_324 : memref<1x!tpu.dma_semaphore, #tpu.memory_space<semaphore_mem>> -> memref<!tpu.dma_semaphore, #tpu.memory_space<semaphore_mem>>
      tpu.wait_indirect_dma semaphore(%dma_wait3A_325 : memref<!tpu.dma_semaphore, #tpu.memory_space<semaphore_mem>>) src(%dma_wait3A_323 : memref<2000000x64xf32, #tpu.memory_space<hbm>>) dst(%dma_wait3A_317 : memref<128x64xf32, #tpu.memory_space<vmem>>)
      %gt3A = arith.constant 0 : i32
      %gt3A_326 = arith.cmpi sgt, %scan3A_307, %gt3A : i32
      %convert_element_type3A = arith.extui %gt3A_326 : i1 to i32
      %cond3A = arith.constant 0 : i32
      %cond3A_327 = arith.cmpi ne, %convert_element_type3A, %cond3A : i32
      scf.if %cond3A_327 {
        %sub3A_680 = arith.constant 4 : i32
        %sub3A_681 = arith.subi %add3A_311, %sub3A_680 : i32
        %add3A_682 = arith.addi %mul3A_2, %sub3A_681 : i32
        %jit3A_683 = arith.constant 32 : i32
        %div3A_684 = arith.divsi %add3A_682, %jit3A_683 : i32
        %sign3A_685 = arith.constant 0 : i32
        %sign3A_686 = arith.cmpi sgt, %add3A_682, %sign3A_685 : i32
        %sign3A_687 = arith.extui %sign3A_686 : i1 to i32
        %sign3A_688 = arith.constant 0 : i32
        %sign3A_689 = arith.cmpi slt, %add3A_682, %sign3A_688 : i32
        %sign3A_690 = arith.extui %sign3A_689 : i1 to i32
        %sign3A_691 = arith.subi %sign3A_687, %sign3A_690 : i32
        %sign3A_692 = arith.constant 0 : i32
        %sign3A_693 = arith.cmpi sgt, %jit3A_683, %sign3A_692 : i32
        %sign3A_694 = arith.extui %sign3A_693 : i1 to i32
        %sign3A_695 = arith.constant 0 : i32
        %sign3A_696 = arith.cmpi slt, %jit3A_683, %sign3A_695 : i32
        %sign3A_697 = arith.extui %sign3A_696 : i1 to i32
        %sign3A_698 = arith.subi %sign3A_694, %sign3A_697 : i32
        %ne3A_699 = arith.cmpi ne, %sign3A_691, %sign3A_698 : i32
        %rem3A_700 = arith.remsi %add3A_682, %jit3A_683 : i32
        %ne3A_701 = arith.constant 0 : i32
        %ne3A_702 = arith.cmpi ne, %rem3A_700, %ne3A_701 : i32
        %and3A_703 = arith.andi %ne3A_699, %ne3A_702 : i1
        %sub3A_704 = arith.constant 1 : i32
        %sub3A_705 = arith.subi %div3A_684, %sub3A_704 : i32
        %select_n3A_706 = arith.select %and3A_703, %sub3A_705, %div3A_684 : i32
        %mul3A_707 = arith.constant 32 : i32
        %mul3A_708 = arith.muli %select_n3A_706, %mul3A_707 : i32
        %sub3A_709 = arith.subi %add3A_682, %mul3A_708 : i32
        %mul3A_710 = arith.constant 8 : i32
        %mul3A_711 = arith.muli %select_n3A_706, %mul3A_710 : i32
        %dma_wait3A_712 = arith.constant 0 : i32
        %dma_wait3A_713 = arith.constant 0 : i32
        %dma_wait3A_714 = arith.constant 0 : i32
        %dma_wait3A_715 = arith.constant 0 : i32
        %dma_wait3A_716 = arith.constant 0 : i32
        %dma_wait3A_717 = tpu.memref_slice %arg7[%dma_wait3A_712, %dma_wait3A_714, %dma_wait3A_715, %dma_wait3A_716] : memref<4x8x8x129xf32, #tpu.memory_space<vmem>> -> memref<1x8x8x128xf32, #tpu.memory_space<vmem>>
        %dma_wait3A_718 = tpu.memref_squeeze %dma_wait3A_717 : memref<1x8x8x128xf32, #tpu.memory_space<vmem>> -> memref<8x8x128xf32, #tpu.memory_space<vmem>>
        %dma_wait3A_719 = arith.constant 0 : i32
        %dma_wait3A_720 = arith.constant 0 : i32
        %dma_wait3A_721 = tpu.memref_slice %arg4[%mul3A_711, %sub3A_709, %dma_wait3A_719, %dma_wait3A_720] : memref<1600x32x8x128xf32, #tpu.memory_space<hbm>> -> memref<8x1x8x128xf32, #tpu.memory_space<hbm>>
        %dma_wait3A_722 = tpu.memref_squeeze %dma_wait3A_721 : memref<8x1x8x128xf32, #tpu.memory_space<hbm>> -> memref<8x8x128xf32, #tpu.memory_space<hbm>>
        %dma_wait3A_723 = tpu.memref_slice %arg9[%dma_wait3A_713] : memref<4x!tpu.dma_semaphore, #tpu.memory_space<semaphore_mem>> -> memref<1x!tpu.dma_semaphore, #tpu.memory_space<semaphore_mem>>
        %dma_wait3A_724 = tpu.memref_squeeze %dma_wait3A_723 : memref<1x!tpu.dma_semaphore, #tpu.memory_space<semaphore_mem>> -> memref<!tpu.dma_semaphore, #tpu.memory_space<semaphore_mem>>
        %dma_wait3A_725 = arith.constant 0 : i32
        %dma_wait3A_726 = arith.constant 0 : i32
        %dma_wait3A_727 = tpu.memref_slice %arg4[%mul3A_711, %sub3A_709, %dma_wait3A_725, %dma_wait3A_726] : memref<1600x32x8x128xf32, #tpu.memory_space<hbm>> -> memref<8x1x8x128xf32, #tpu.memory_space<hbm>>
        %dma_wait3A_728 = tpu.memref_squeeze %dma_wait3A_727 : memref<8x1x8x128xf32, #tpu.memory_space<hbm>> -> memref<8x8x128xf32, #tpu.memory_space<hbm>>
        %dma_wait3A_729 = arith.constant 0 : i32
        %dma_wait3A_730 = arith.constant 0 : i32
        %dma_wait3A_731 = arith.constant 0 : i32
        %dma_wait3A_732 = tpu.memref_slice %arg7[%dma_wait3A_712, %dma_wait3A_729, %dma_wait3A_730, %dma_wait3A_731] : memref<4x8x8x129xf32, #tpu.memory_space<vmem>> -> memref<1x8x8x128xf32, #tpu.memory_space<vmem>>
        %dma_wait3A_733 = tpu.memref_squeeze %dma_wait3A_732 : memref<1x8x8x128xf32, #tpu.memory_space<vmem>> -> memref<8x8x128xf32, #tpu.memory_space<vmem>>
        tpu.wait_dma2 semaphore(%dma_wait3A_724 : memref<!tpu.dma_semaphore, #tpu.memory_space<semaphore_mem>>) src(%dma_wait3A_733 : memref<8x8x128xf32, #tpu.memory_space<vmem>>) dst(%dma_wait3A_728 : memref<8x8x128xf32, #tpu.memory_space<hbm>>)
      } else {
      }
      %parallel_loop3A_328 = arith.constant 0 : i32
      %parallel_loop3A_329 = arith.constant 128 : i32
      %parallel_loop3A_330 = arith.constant 1 : i32
      scf.for %parallel_loop3A_680 = %parallel_loop3A_328 to %parallel_loop3A_329 step %parallel_loop3A_330  : i32 {
        %parallel_loop3A_681 = arith.constant 0 : i32
        %parallel_loop3A_682 = arith.index_cast %parallel_loop3A_681 : i32 to index
        %parallel_loop3A_683 = arith.index_cast %parallel_loop3A_680 : i32 to index
        %parallel_loop3A_684 = arith.constant 0 : index
        %parallel_loop3A_685 = tpu.vector_load %arg6[%parallel_loop3A_682, %parallel_loop3A_683, %parallel_loop3A_684] {strides = array<i32>} : memref<4x128x64xf32, #tpu.memory_space<vmem>>, vector<16xf32>,
        %parallel_loop3A_686 = vector.broadcast %parallel_loop3A_680 : i32 to vector<16xi32>
        %parallel_loop3A_687 = arith.constant 8.000000e+00 : f32
        %parallel_loop3A_688 = vector.broadcast %parallel_loop3A_687 : f32 to vector<16xf32>
        %parallel_loop3A_689 = arith.mulf %parallel_loop3A_685, %parallel_loop3A_688 : vector<16xf32>
        %parallel_loop3A_690 = arith.constant 0 : i32
        %parallel_loop3A_691 = arith.constant 0 : i32
        %parallel_loop3A_692 = arith.constant 0 : i32
        %parallel_loop3A_693 = arith.constant 0 : i32
        %parallel_loop3A_694 = tpu.memref_slice %arg7[%parallel_loop3A_690, %parallel_loop3A_691, %parallel_loop3A_692, %parallel_loop3A_693] : memref<4x8x8x129xf32, #tpu.memory_space<vmem>> -> memref<1x8x8x129xf32, #tpu.memory_space<vmem>>
        %parallel_loop3A_695 = tpu.memref_squeeze %parallel_loop3A_694 : memref<1x8x8x129xf32, #tpu.memory_space<vmem>> -> memref<8x8x129xf32, #tpu.memory_space<vmem>>
        tpu.vector_store_idx %parallel_loop3A_695[%shift_right_arithmetic3A_68, %and3A_70, %parallel_loop3A_686], %parallel_loop3A_689 : memref<8x8x129xf32, #tpu.memory_space<vmem>>[vector<16xi32>, vector<16xi32>, vector<16xi32>], vector<16xf32>,
      } {sc.loop_unroll_factor = 8 : i64, sc.parallel_access}
      %parallel_loop3A_331 = arith.constant 0 : i32
      %parallel_loop3A_332 = arith.constant 128 : i32
      %parallel_loop3A_333 = arith.constant 1 : i32
      scf.for %parallel_loop3A_680 = %parallel_loop3A_331 to %parallel_loop3A_332 step %parallel_loop3A_333  : i32 {
        %parallel_loop3A_681 = arith.constant 0 : i32
        %parallel_loop3A_682 = arith.index_cast %parallel_loop3A_681 : i32 to index
        %parallel_loop3A_683 = arith.index_cast %parallel_loop3A_680 : i32 to index
        %parallel_loop3A_684 = arith.constant 16 : index
        %parallel_loop3A_685 = tpu.vector_load %arg6[%parallel_loop3A_682, %parallel_loop3A_683, %parallel_loop3A_684] {strides = array<i32>} : memref<4x128x64xf32, #tpu.memory_space<vmem>>, vector<16xf32>,
        %parallel_loop3A_686 = vector.broadcast %parallel_loop3A_680 : i32 to vector<16xi32>
        %parallel_loop3A_687 = arith.constant 8.000000e+00 : f32
        %parallel_loop3A_688 = vector.broadcast %parallel_loop3A_687 : f32 to vector<16xf32>
        %parallel_loop3A_689 = arith.mulf %parallel_loop3A_685, %parallel_loop3A_688 : vector<16xf32>
        %parallel_loop3A_690 = arith.constant 0 : i32
        %parallel_loop3A_691 = arith.constant 0 : i32
        %parallel_loop3A_692 = arith.constant 0 : i32
        %parallel_loop3A_693 = arith.constant 0 : i32
        %parallel_loop3A_694 = tpu.memref_slice %arg7[%parallel_loop3A_690, %parallel_loop3A_691, %parallel_loop3A_692, %parallel_loop3A_693] : memref<4x8x8x129xf32, #tpu.memory_space<vmem>> -> memref<1x8x8x129xf32, #tpu.memory_space<vmem>>
        %parallel_loop3A_695 = tpu.memref_squeeze %parallel_loop3A_694 : memref<1x8x8x129xf32, #tpu.memory_space<vmem>> -> memref<8x8x129xf32, #tpu.memory_space<vmem>>
        tpu.vector_store_idx %parallel_loop3A_695[%shift_right_arithmetic3A_76, %and3A_79, %parallel_loop3A_686], %parallel_loop3A_689 : memref<8x8x129xf32, #tpu.memory_space<vmem>>[vector<16xi32>, vector<16xi32>, vector<16xi32>], vector<16xf32>,
      } {sc.loop_unroll_factor = 8 : i64, sc.parallel_access}
      %parallel_loop3A_334 = arith.constant 0 : i32
      %parallel_loop3A_335 = arith.constant 128 : i32
      %parallel_loop3A_336 = arith.constant 1 : i32
      scf.for %parallel_loop3A_680 = %parallel_loop3A_334 to %parallel_loop3A_335 step %parallel_loop3A_336  : i32 {
        %parallel_loop3A_681 = arith.constant 0 : i32
        %parallel_loop3A_682 = arith.index_cast %parallel_loop3A_681 : i32 to index
        %parallel_loop3A_683 = arith.index_cast %parallel_loop3A_680 : i32 to index
        %parallel_loop3A_684 = arith.constant 32 : index
        %parallel_loop3A_685 = tpu.vector_load %arg6[%parallel_loop3A_682, %parallel_loop3A_683, %parallel_loop3A_684] {strides = array<i32>} : memref<4x128x64xf32, #tpu.memory_space<vmem>>, vector<16xf32>,
        %parallel_loop3A_686 = vector.broadcast %parallel_loop3A_680 : i32 to vector<16xi32>
        %parallel_loop3A_687 = arith.constant 8.000000e+00 : f32
        %parallel_loop3A_688 = vector.broadcast %parallel_loop3A_687 : f32 to vector<16xf32>
        %parallel_loop3A_689 = arith.mulf %parallel_loop3A_685, %parallel_loop3A_688 : vector<16xf32>
        %parallel_loop3A_690 = arith.constant 0 : i32
        %parallel_loop3A_691 = arith.constant 0 : i32
        %parallel_loop3A_692 = arith.constant 0 : i32
        %parallel_loop3A_693 = arith.constant 0 : i32
        %parallel_loop3A_694 = tpu.memref_slice %arg7[%parallel_loop3A_690, %parallel_loop3A_691, %parallel_loop3A_692, %parallel_loop3A_693] : memref<4x8x8x129xf32, #tpu.memory_space<vmem>> -> memref<1x8x8x129xf32, #tpu.memory_space<vmem>>
        %parallel_loop3A_695 = tpu.memref_squeeze %parallel_loop3A_694 : memref<1x8x8x129xf32, #tpu.memory_space<vmem>> -> memref<8x8x129xf32, #tpu.memory_space<vmem>>
        tpu.vector_store_idx %parallel_loop3A_695[%shift_right_arithmetic3A_85, %and3A_88, %parallel_loop3A_686], %parallel_loop3A_689 : memref<8x8x129xf32, #tpu.memory_space<vmem>>[vector<16xi32>, vector<16xi32>, vector<16xi32>], vector<16xf32>,
      } {sc.loop_unroll_factor = 8 : i64, sc.parallel_access}
      %parallel_loop3A_337 = arith.constant 0 : i32
      %parallel_loop3A_338 = arith.constant 128 : i32
      %parallel_loop3A_339 = arith.constant 1 : i32
      scf.for %parallel_loop3A_680 = %parallel_loop3A_337 to %parallel_loop3A_338 step %parallel_loop3A_339  : i32 {
        %parallel_loop3A_681 = arith.constant 0 : i32
        %parallel_loop3A_682 = arith.index_cast %parallel_loop3A_681 : i32 to index
        %parallel_loop3A_683 = arith.index_cast %parallel_loop3A_680 : i32 to index
        %parallel_loop3A_684 = arith.constant 48 : index
        %parallel_loop3A_685 = tpu.vector_load %arg6[%parallel_loop3A_682, %parallel_loop3A_683, %parallel_loop3A_684] {strides = array<i32>} : memref<4x128x64xf32, #tpu.memory_space<vmem>>, vector<16xf32>,
        %parallel_loop3A_686 = vector.broadcast %parallel_loop3A_680 : i32 to vector<16xi32>
        %parallel_loop3A_687 = arith.constant 8.000000e+00 : f32
        %parallel_loop3A_688 = vector.broadcast %parallel_loop3A_687 : f32 to vector<16xf32>
        %parallel_loop3A_689 = arith.mulf %parallel_loop3A_685, %parallel_loop3A_688 : vector<16xf32>
        %parallel_loop3A_690 = arith.constant 0 : i32
        %parallel_loop3A_691 = arith.constant 0 : i32
        %parallel_loop3A_692 = arith.constant 0 : i32
        %parallel_loop3A_693 = arith.constant 0 : i32
        %parallel_loop3A_694 = tpu.memref_slice %arg7[%parallel_loop3A_690, %parallel_loop3A_691, %parallel_loop3A_692, %parallel_loop3A_693] : memref<4x8x8x129xf32, #tpu.memory_space<vmem>> -> memref<1x8x8x129xf32, #tpu.memory_space<vmem>>
        %parallel_loop3A_695 = tpu.memref_squeeze %parallel_loop3A_694 : memref<1x8x8x129xf32, #tpu.memory_space<vmem>> -> memref<8x8x129xf32, #tpu.memory_space<vmem>>
        tpu.vector_store_idx %parallel_loop3A_695[%shift_right_arithmetic3A_94, %and3A_97, %parallel_loop3A_686], %parallel_loop3A_689 : memref<8x8x129xf32, #tpu.memory_space<vmem>>[vector<16xi32>, vector<16xi32>, vector<16xi32>], vector<16xf32>,
      } {sc.loop_unroll_factor = 8 : i64, sc.parallel_access}
      %add3A_340 = arith.addi %mul3A_2, %add3A_311 : i32
      %jit3A_341 = arith.constant 32 : i32
      %div3A_342 = arith.divsi %add3A_340, %jit3A_341 : i32
      %sign3A_343 = arith.constant 0 : i32
      %sign3A_344 = arith.cmpi sgt, %add3A_340, %sign3A_343 : i32
      %sign3A_345 = arith.extui %sign3A_344 : i1 to i32
      %sign3A_346 = arith.constant 0 : i32
      %sign3A_347 = arith.cmpi slt, %add3A_340, %sign3A_346 : i32
      %sign3A_348 = arith.extui %sign3A_347 : i1 to i32
      %sign3A_349 = arith.subi %sign3A_345, %sign3A_348 : i32
      %sign3A_350 = arith.constant 0 : i32
      %sign3A_351 = arith.cmpi sgt, %jit3A_341, %sign3A_350 : i32
      %sign3A_352 = arith.extui %sign3A_351 : i1 to i32
      %sign3A_353 = arith.constant 0 : i32
      %sign3A_354 = arith.cmpi slt, %jit3A_341, %sign3A_353 : i32
      %sign3A_355 = arith.extui %sign3A_354 : i1 to i32
      %sign3A_356 = arith.subi %sign3A_352, %sign3A_355 : i32
      %ne3A_357 = arith.cmpi ne, %sign3A_349, %sign3A_356 : i32
      %rem3A_358 = arith.remsi %add3A_340, %jit3A_341 : i32
      %ne3A_359 = arith.constant 0 : i32
      %ne3A_360 = arith.cmpi ne, %rem3A_358, %ne3A_359 : i32
      %and3A_361 = arith.andi %ne3A_357, %ne3A_360 : i1
      %sub3A_362 = arith.constant 1 : i32
      %sub3A_363 = arith.subi %div3A_342, %sub3A_362 : i32
      %select_n3A_364 = arith.select %and3A_361, %sub3A_363, %div3A_342 : i32
      %mul3A_365 = arith.constant 32 : i32
      %mul3A_366 = arith.muli %select_n3A_364, %mul3A_365 : i32
      %sub3A_367 = arith.subi %add3A_340, %mul3A_366 : i32
      %mul3A_368 = arith.constant 8 : i32
      %mul3A_369 = arith.muli %select_n3A_364, %mul3A_368 : i32
      %dma_start3A_370 = arith.constant 0 : i32
      %dma_start3A_371 = arith.constant 0 : i32
      %dma_start3A_372 = arith.constant 0 : i32
      %dma_start3A_373 = arith.constant 0 : i32
      %dma_start3A_374 = arith.constant 0 : i32
      %dma_start3A_375 = tpu.memref_slice %arg7[%dma_start3A_370, %dma_start3A_372, %dma_start3A_373, %dma_start3A_374] : memref<4x8x8x129xf32, #tpu.memory_space<vmem>> -> memref<1x8x8x128xf32, #tpu.memory_space<vmem>>
      %dma_start3A_376 = tpu.memref_squeeze %dma_start3A_375 : memref<1x8x8x128xf32, #tpu.memory_space<vmem>> -> memref<8x8x128xf32, #tpu.memory_space<vmem>>
      %dma_start3A_377 = arith.constant 0 : i32
      %dma_start3A_378 = arith.constant 0 : i32
      %dma_start3A_379 = tpu.memref_slice %arg4[%mul3A_369, %sub3A_367, %dma_start3A_377, %dma_start3A_378] : memref<1600x32x8x128xf32, #tpu.memory_space<hbm>> -> memref<8x1x8x128xf32, #tpu.memory_space<hbm>>
      %dma_start3A_380 = tpu.memref_squeeze %dma_start3A_379 : memref<8x1x8x128xf32, #tpu.memory_space<hbm>> -> memref<8x8x128xf32, #tpu.memory_space<hbm>>
      %dma_start3A_381 = tpu.memref_slice %arg9[%dma_start3A_371] : memref<4x!tpu.dma_semaphore, #tpu.memory_space<semaphore_mem>> -> memref<1x!tpu.dma_semaphore, #tpu.memory_space<semaphore_mem>>
      %dma_start3A_382 = tpu.memref_squeeze %dma_start3A_381 : memref<1x!tpu.dma_semaphore, #tpu.memory_space<semaphore_mem>> -> memref<!tpu.dma_semaphore, #tpu.memory_space<semaphore_mem>>
      %dma_start3A_383 = arith.constant 0 : i32
      %dma_start3A_384 = arith.constant 0 : i32
      %dma_start3A_385 = tpu.memref_slice %arg4[%mul3A_369, %sub3A_367, %dma_start3A_383, %dma_start3A_384] : memref<1600x32x8x128xf32, #tpu.memory_space<hbm>> -> memref<8x1x8x128xf32, #tpu.memory_space<hbm>>
      %dma_start3A_386 = tpu.memref_squeeze %dma_start3A_385 : memref<8x1x8x128xf32, #tpu.memory_space<hbm>> -> memref<8x8x128xf32, #tpu.memory_space<hbm>>
      %dma_start3A_387 = arith.constant 0 : i32
      %dma_start3A_388 = arith.constant 0 : i32
      %dma_start3A_389 = arith.constant 0 : i32
      %dma_start3A_390 = tpu.memref_slice %arg7[%dma_start3A_370, %dma_start3A_387, %dma_start3A_388, %dma_start3A_389] : memref<4x8x8x129xf32, #tpu.memory_space<vmem>> -> memref<1x8x8x128xf32, #tpu.memory_space<vmem>>
      %dma_start3A_391 = tpu.memref_squeeze %dma_start3A_390 : memref<1x8x8x128xf32, #tpu.memory_space<vmem>> -> memref<8x8x128xf32, #tpu.memory_space<vmem>>
      tpu.enqueue_dma source(%dma_start3A_391 : memref<8x8x128xf32, #tpu.memory_space<vmem>>) target(%dma_start3A_386 : memref<8x8x128xf32, #tpu.memory_space<hbm>>) target_semaphore(%dma_start3A_382 : memref<!tpu.dma_semaphore, #tpu.memory_space<semaphore_mem>>)
      %add3A_392 = arith.constant 4 : i32
      %add3A_393 = arith.addi %add3A_311, %add3A_392 : i32
      %lt3A = arith.constant 200 : i32
      %lt3A_394 = arith.cmpi slt, %add3A_393, %lt3A : i32
      %convert_element_type3A_395 = arith.extui %lt3A_394 : i1 to i32
      %cond3A_396 = arith.constant 0 : i32
      %cond3A_397 = arith.cmpi ne, %convert_element_type3A_395, %cond3A_396 : i32
      scf.if %cond3A_397 {
        %add3A_680 = arith.constant 4 : i32
        %add3A_681 = arith.addi %add3A_311, %add3A_680 : i32
        %dma_start3A_682 = arith.constant 0 : i32
        %dma_start3A_683 = arith.constant 0 : i32
        %dma_start3A_684 = arith.constant 0 : i32
        %dma_start3A_685 = arith.constant 0 : i32
        %dma_start3A_686 = tpu.memref_slice %arg6[%dma_start3A_682, %dma_start3A_684, %dma_start3A_685] : memref<4x128x64xf32, #tpu.memory_space<vmem>> -> memref<1x128x64xf32, #tpu.memory_space<vmem>>
        %dma_start3A_687 = tpu.memref_squeeze %dma_start3A_686 : memref<1x128x64xf32, #tpu.memory_space<vmem>> -> memref<128x64xf32, #tpu.memory_space<vmem>>
        %dma_start3A_688 = arith.constant 0 : i32
        %dma_start3A_689 = tpu.memref_slice %arg5[%add3A_681, %dma_start3A_688] : memref<200x128xi32, #tpu.memory_space<vmem>> -> memref<1x128xi32, #tpu.memory_space<vmem>>
        %dma_start3A_690 = tpu.memref_squeeze %dma_start3A_689 : memref<1x128xi32, #tpu.memory_space<vmem>> -> memref<128xi32, #tpu.memory_space<vmem>>
        %dma_start3A_691 = arith.constant 0 : i32
        %dma_start3A_692 = arith.constant 0 : i32
        %dma_start3A_693 = tpu.memref_slice %arg2[%dma_start3A_691, %dma_start3A_692] : memref<2000000x64xf32, #tpu.memory_space<hbm>> -> memref<2000000x64xf32, #tpu.memory_space<hbm>>
        %dma_start3A_694 = tpu.memref_slice %arg8[%dma_start3A_683] : memref<4x!tpu.dma_semaphore, #tpu.memory_space<semaphore_mem>> -> memref<1x!tpu.dma_semaphore, #tpu.memory_space<semaphore_mem>>
        %dma_start3A_695 = tpu.memref_squeeze %dma_start3A_694 : memref<1x!tpu.dma_semaphore, #tpu.memory_space<semaphore_mem>> -> memref<!tpu.dma_semaphore, #tpu.memory_space<semaphore_mem>>
        tpu.enqueue_indirect_dma source(%dma_start3A_693 : memref<2000000x64xf32, #tpu.memory_space<hbm>>) target(%dma_start3A_687 : memref<128x64xf32, #tpu.memory_space<vmem>>) offsets(%dma_start3A_690 : memref<128xi32, #tpu.memory_space<vmem>>) semaphore(%dma_start3A_695 : memref<!tpu.dma_semaphore, #tpu.memory_space<semaphore_mem>>)
      } else {
      }
      %mul3A_398 = arith.constant 4 : i32
      %mul3A_399 = arith.muli %scan3A_307, %mul3A_398 : i32
      %add3A_400 = arith.constant 1 : i32
      %add3A_401 = arith.addi %mul3A_399, %add3A_400 : i32
      %dma_wait3A_402 = arith.constant 1 : i32
      %dma_wait3A_403 = arith.constant 1 : i32
      %dma_wait3A_404 = arith.constant 0 : i32
      %dma_wait3A_405 = arith.constant 0 : i32
      %dma_wait3A_406 = tpu.memref_slice %arg6[%dma_wait3A_402, %dma_wait3A_404, %dma_wait3A_405] : memref<4x128x64xf32, #tpu.memory_space<vmem>> -> memref<1x128x64xf32, #tpu.memory_space<vmem>>
      %dma_wait3A_407 = tpu.memref_squeeze %dma_wait3A_406 : memref<1x128x64xf32, #tpu.memory_space<vmem>> -> memref<128x64xf32, #tpu.memory_space<vmem>>
      %dma_wait3A_408 = arith.constant 0 : i32
      %dma_wait3A_409 = tpu.memref_slice %arg5[%add3A_401, %dma_wait3A_408] : memref<200x128xi32, #tpu.memory_space<vmem>> -> memref<1x128xi32, #tpu.memory_space<vmem>>
      %dma_wait3A_410 = tpu.memref_squeeze %dma_wait3A_409 : memref<1x128xi32, #tpu.memory_space<vmem>> -> memref<128xi32, #tpu.memory_space<vmem>>
      %dma_wait3A_411 = arith.constant 0 : i32
      %dma_wait3A_412 = arith.constant 0 : i32
      %dma_wait3A_413 = tpu.memref_slice %arg2[%dma_wait3A_411, %dma_wait3A_412] : memref<2000000x64xf32, #tpu.memory_space<hbm>> -> memref<2000000x64xf32, #tpu.memory_space<hbm>>
      %dma_wait3A_414 = tpu.memref_slice %arg8[%dma_wait3A_403] : memref<4x!tpu.dma_semaphore, #tpu.memory_space<semaphore_mem>> -> memref<1x!tpu.dma_semaphore, #tpu.memory_space<semaphore_mem>>
      %dma_wait3A_415 = tpu.memref_squeeze %dma_wait3A_414 : memref<1x!tpu.dma_semaphore, #tpu.memory_space<semaphore_mem>> -> memref<!tpu.dma_semaphore, #tpu.memory_space<semaphore_mem>>
      tpu.wait_indirect_dma semaphore(%dma_wait3A_415 : memref<!tpu.dma_semaphore, #tpu.memory_space<semaphore_mem>>) src(%dma_wait3A_413 : memref<2000000x64xf32, #tpu.memory_space<hbm>>) dst(%dma_wait3A_407 : memref<128x64xf32, #tpu.memory_space<vmem>>)
      %gt3A_416 = arith.constant 0 : i32
      %gt3A_417 = arith.cmpi sgt, %scan3A_307, %gt3A_416 : i32
      %convert_element_type3A_418 = arith.extui %gt3A_417 : i1 to i32
      %cond3A_419 = arith.constant 0 : i32
      %cond3A_420 = arith.cmpi ne, %convert_element_type3A_418, %cond3A_419 : i32
      scf.if %cond3A_420 {
        %sub3A_680 = arith.constant 4 : i32
        %sub3A_681 = arith.subi %add3A_401, %sub3A_680 : i32
        %add3A_682 = arith.addi %mul3A_2, %sub3A_681 : i32
        %jit3A_683 = arith.constant 32 : i32
        %div3A_684 = arith.divsi %add3A_682, %jit3A_683 : i32
        %sign3A_685 = arith.constant 0 : i32
        %sign3A_686 = arith.cmpi sgt, %add3A_682, %sign3A_685 : i32
        %sign3A_687 = arith.extui %sign3A_686 : i1 to i32
        %sign3A_688 = arith.constant 0 : i32
        %sign3A_689 = arith.cmpi slt, %add3A_682, %sign3A_688 : i32
        %sign3A_690 = arith.extui %sign3A_689 : i1 to i32
        %sign3A_691 = arith.subi %sign3A_687, %sign3A_690 : i32
        %sign3A_692 = arith.constant 0 : i32
        %sign3A_693 = arith.cmpi sgt, %jit3A_683, %sign3A_692 : i32
        %sign3A_694 = arith.extui %sign3A_693 : i1 to i32
        %sign3A_695 = arith.constant 0 : i32
        %sign3A_696 = arith.cmpi slt, %jit3A_683, %sign3A_695 : i32
        %sign3A_697 = arith.extui %sign3A_696 : i1 to i32
        %sign3A_698 = arith.subi %sign3A_694, %sign3A_697 : i32
        %ne3A_699 = arith.cmpi ne, %sign3A_691, %sign3A_698 : i32
        %rem3A_700 = arith.remsi %add3A_682, %jit3A_683 : i32
        %ne3A_701 = arith.constant 0 : i32
        %ne3A_702 = arith.cmpi ne, %rem3A_700, %ne3A_701 : i32
        %and3A_703 = arith.andi %ne3A_699, %ne3A_702 : i1
        %sub3A_704 = arith.constant 1 : i32
        %sub3A_705 = arith.subi %div3A_684, %sub3A_704 : i32
        %select_n3A_706 = arith.select %and3A_703, %sub3A_705, %div3A_684 : i32
        %mul3A_707 = arith.constant 32 : i32
        %mul3A_708 = arith.muli %select_n3A_706, %mul3A_707 : i32
        %sub3A_709 = arith.subi %add3A_682, %mul3A_708 : i32
        %mul3A_710 = arith.constant 8 : i32
        %mul3A_711 = arith.muli %select_n3A_706, %mul3A_710 : i32
        %dma_wait3A_712 = arith.constant 1 : i32
        %dma_wait3A_713 = arith.constant 1 : i32
        %dma_wait3A_714 = arith.constant 0 : i32
        %dma_wait3A_715 = arith.constant 0 : i32
        %dma_wait3A_716 = arith.constant 0 : i32
        %dma_wait3A_717 = tpu.memref_slice %arg7[%dma_wait3A_712, %dma_wait3A_714, %dma_wait3A_715, %dma_wait3A_716] : memref<4x8x8x129xf32, #tpu.memory_space<vmem>> -> memref<1x8x8x128xf32, #tpu.memory_space<vmem>>
        %dma_wait3A_718 = tpu.memref_squeeze %dma_wait3A_717 : memref<1x8x8x128xf32, #tpu.memory_space<vmem>> -> memref<8x8x128xf32, #tpu.memory_space<vmem>>
        %dma_wait3A_719 = arith.constant 0 : i32
        %dma_wait3A_720 = arith.constant 0 : i32
        %dma_wait3A_721 = tpu.memref_slice %arg4[%mul3A_711, %sub3A_709, %dma_wait3A_719, %dma_wait3A_720] : memref<1600x32x8x128xf32, #tpu.memory_space<hbm>> -> memref<8x1x8x128xf32, #tpu.memory_space<hbm>>
        %dma_wait3A_722 = tpu.memref_squeeze %dma_wait3A_721 : memref<8x1x8x128xf32, #tpu.memory_space<hbm>> -> memref<8x8x128xf32, #tpu.memory_space<hbm>>
        %dma_wait3A_723 = tpu.memref_slice %arg9[%dma_wait3A_713] : memref<4x!tpu.dma_semaphore, #tpu.memory_space<semaphore_mem>> -> memref<1x!tpu.dma_semaphore, #tpu.memory_space<semaphore_mem>>
        %dma_wait3A_724 = tpu.memref_squeeze %dma_wait3A_723 : memref<1x!tpu.dma_semaphore, #tpu.memory_space<semaphore_mem>> -> memref<!tpu.dma_semaphore, #tpu.memory_space<semaphore_mem>>
        %dma_wait3A_725 = arith.constant 0 : i32
        %dma_wait3A_726 = arith.constant 0 : i32
        %dma_wait3A_727 = tpu.memref_slice %arg4[%mul3A_711, %sub3A_709, %dma_wait3A_725, %dma_wait3A_726] : memref<1600x32x8x128xf32, #tpu.memory_space<hbm>> -> memref<8x1x8x128xf32, #tpu.memory_space<hbm>>
        %dma_wait3A_728 = tpu.memref_squeeze %dma_wait3A_727 : memref<8x1x8x128xf32, #tpu.memory_space<hbm>> -> memref<8x8x128xf32, #tpu.memory_space<hbm>>
        %dma_wait3A_729 = arith.constant 0 : i32
        %dma_wait3A_730 = arith.constant 0 : i32
        %dma_wait3A_731 = arith.constant 0 : i32
        %dma_wait3A_732 = tpu.memref_slice %arg7[%dma_wait3A_712, %dma_wait3A_729, %dma_wait3A_730, %dma_wait3A_731] : memref<4x8x8x129xf32, #tpu.memory_space<vmem>> -> memref<1x8x8x128xf32, #tpu.memory_space<vmem>>
        %dma_wait3A_733 = tpu.memref_squeeze %dma_wait3A_732 : memref<1x8x8x128xf32, #tpu.memory_space<vmem>> -> memref<8x8x128xf32, #tpu.memory_space<vmem>>
        tpu.wait_dma2 semaphore(%dma_wait3A_724 : memref<!tpu.dma_semaphore, #tpu.memory_space<semaphore_mem>>) src(%dma_wait3A_733 : memref<8x8x128xf32, #tpu.memory_space<vmem>>) dst(%dma_wait3A_728 : memref<8x8x128xf32, #tpu.memory_space<hbm>>)
      } else {
      }
      %parallel_loop3A_421 = arith.constant 0 : i32
      %parallel_loop3A_422 = arith.constant 128 : i32
      %parallel_loop3A_423 = arith.constant 1 : i32
      scf.for %parallel_loop3A_680 = %parallel_loop3A_421 to %parallel_loop3A_422 step %parallel_loop3A_423  : i32 {
        %parallel_loop3A_681 = arith.constant 1 : i32
        %parallel_loop3A_682 = arith.index_cast %parallel_loop3A_681 : i32 to index
        %parallel_loop3A_683 = arith.index_cast %parallel_loop3A_680 : i32 to index
        %parallel_loop3A_684 = arith.constant 0 : index
        %parallel_loop3A_685 = tpu.vector_load %arg6[%parallel_loop3A_682, %parallel_loop3A_683, %parallel_loop3A_684] {strides = array<i32>} : memref<4x128x64xf32, #tpu.memory_space<vmem>>, vector<16xf32>,
        %parallel_loop3A_686 = vector.broadcast %parallel_loop3A_680 : i32 to vector<16xi32>
        %parallel_loop3A_687 = arith.constant 8.000000e+00 : f32
        %parallel_loop3A_688 = vector.broadcast %parallel_loop3A_687 : f32 to vector<16xf32>
        %parallel_loop3A_689 = arith.mulf %parallel_loop3A_685, %parallel_loop3A_688 : vector<16xf32>
        %parallel_loop3A_690 = arith.constant 1 : i32
        %parallel_loop3A_691 = arith.constant 0 : i32
        %parallel_loop3A_692 = arith.constant 0 : i32
        %parallel_loop3A_693 = arith.constant 0 : i32
        %parallel_loop3A_694 = tpu.memref_slice %arg7[%parallel_loop3A_690, %parallel_loop3A_691, %parallel_loop3A_692, %parallel_loop3A_693] : memref<4x8x8x129xf32, #tpu.memory_space<vmem>> -> memref<1x8x8x129xf32, #tpu.memory_space<vmem>>
        %parallel_loop3A_695 = tpu.memref_squeeze %parallel_loop3A_694 : memref<1x8x8x129xf32, #tpu.memory_space<vmem>> -> memref<8x8x129xf32, #tpu.memory_space<vmem>>
        tpu.vector_store_idx %parallel_loop3A_695[%shift_right_arithmetic3A_68, %and3A_70, %parallel_loop3A_686], %parallel_loop3A_689 : memref<8x8x129xf32, #tpu.memory_space<vmem>>[vector<16xi32>, vector<16xi32>, vector<16xi32>], vector<16xf32>,
      } {sc.loop_unroll_factor = 8 : i64, sc.parallel_access}
      %parallel_loop3A_424 = arith.constant 0 : i32
      %parallel_loop3A_425 = arith.constant 128 : i32
      %parallel_loop3A_426 = arith.constant 1 : i32
      scf.for %parallel_loop3A_680 = %parallel_loop3A_424 to %parallel_loop3A_425 step %parallel_loop3A_426  : i32 {
        %parallel_loop3A_681 = arith.constant 1 : i32
        %parallel_loop3A_682 = arith.index_cast %parallel_loop3A_681 : i32 to index
        %parallel_loop3A_683 = arith.index_cast %parallel_loop3A_680 : i32 to index
        %parallel_loop3A_684 = arith.constant 16 : index
        %parallel_loop3A_685 = tpu.vector_load %arg6[%parallel_loop3A_682, %parallel_loop3A_683, %parallel_loop3A_684] {strides = array<i32>} : memref<4x128x64xf32, #tpu.memory_space<vmem>>, vector<16xf32>,
        %parallel_loop3A_686 = vector.broadcast %parallel_loop3A_680 : i32 to vector<16xi32>
        %parallel_loop3A_687 = arith.constant 8.000000e+00 : f32
        %parallel_loop3A_688 = vector.broadcast %parallel_loop3A_687 : f32 to vector<16xf32>
        %parallel_loop3A_689 = arith.mulf %parallel_loop3A_685, %parallel_loop3A_688 : vector<16xf32>
        %parallel_loop3A_690 = arith.constant 1 : i32
        %parallel_loop3A_691 = arith.constant 0 : i32
        %parallel_loop3A_692 = arith.constant 0 : i32
        %parallel_loop3A_693 = arith.constant 0 : i32
        %parallel_loop3A_694 = tpu.memref_slice %arg7[%parallel_loop3A_690, %parallel_loop3A_691, %parallel_loop3A_692, %parallel_loop3A_693] : memref<4x8x8x129xf32, #tpu.memory_space<vmem>> -> memref<1x8x8x129xf32, #tpu.memory_space<vmem>>
        %parallel_loop3A_695 = tpu.memref_squeeze %parallel_loop3A_694 : memref<1x8x8x129xf32, #tpu.memory_space<vmem>> -> memref<8x8x129xf32, #tpu.memory_space<vmem>>
        tpu.vector_store_idx %parallel_loop3A_695[%shift_right_arithmetic3A_76, %and3A_79, %parallel_loop3A_686], %parallel_loop3A_689 : memref<8x8x129xf32, #tpu.memory_space<vmem>>[vector<16xi32>, vector<16xi32>, vector<16xi32>], vector<16xf32>,
      } {sc.loop_unroll_factor = 8 : i64, sc.parallel_access}
      %parallel_loop3A_427 = arith.constant 0 : i32
      %parallel_loop3A_428 = arith.constant 128 : i32
      %parallel_loop3A_429 = arith.constant 1 : i32
      scf.for %parallel_loop3A_680 = %parallel_loop3A_427 to %parallel_loop3A_428 step %parallel_loop3A_429  : i32 {
        %parallel_loop3A_681 = arith.constant 1 : i32
        %parallel_loop3A_682 = arith.index_cast %parallel_loop3A_681 : i32 to index
        %parallel_loop3A_683 = arith.index_cast %parallel_loop3A_680 : i32 to index
        %parallel_loop3A_684 = arith.constant 32 : index
        %parallel_loop3A_685 = tpu.vector_load %arg6[%parallel_loop3A_682, %parallel_loop3A_683, %parallel_loop3A_684] {strides = array<i32>} : memref<4x128x64xf32, #tpu.memory_space<vmem>>, vector<16xf32>,
        %parallel_loop3A_686 = vector.broadcast %parallel_loop3A_680 : i32 to vector<16xi32>
        %parallel_loop3A_687 = arith.constant 8.000000e+00 : f32
        %parallel_loop3A_688 = vector.broadcast %parallel_loop3A_687 : f32 to vector<16xf32>
        %parallel_loop3A_689 = arith.mulf %parallel_loop3A_685, %parallel_loop3A_688 : vector<16xf32>
        %parallel_loop3A_690 = arith.constant 1 : i32
        %parallel_loop3A_691 = arith.constant 0 : i32
        %parallel_loop3A_692 = arith.constant 0 : i32
        %parallel_loop3A_693 = arith.constant 0 : i32
        %parallel_loop3A_694 = tpu.memref_slice %arg7[%parallel_loop3A_690, %parallel_loop3A_691, %parallel_loop3A_692, %parallel_loop3A_693] : memref<4x8x8x129xf32, #tpu.memory_space<vmem>> -> memref<1x8x8x129xf32, #tpu.memory_space<vmem>>
        %parallel_loop3A_695 = tpu.memref_squeeze %parallel_loop3A_694 : memref<1x8x8x129xf32, #tpu.memory_space<vmem>> -> memref<8x8x129xf32, #tpu.memory_space<vmem>>
        tpu.vector_store_idx %parallel_loop3A_695[%shift_right_arithmetic3A_85, %and3A_88, %parallel_loop3A_686], %parallel_loop3A_689 : memref<8x8x129xf32, #tpu.memory_space<vmem>>[vector<16xi32>, vector<16xi32>, vector<16xi32>], vector<16xf32>,
      } {sc.loop_unroll_factor = 8 : i64, sc.parallel_access}
      %parallel_loop3A_430 = arith.constant 0 : i32
      %parallel_loop3A_431 = arith.constant 128 : i32
      %parallel_loop3A_432 = arith.constant 1 : i32
      scf.for %parallel_loop3A_680 = %parallel_loop3A_430 to %parallel_loop3A_431 step %parallel_loop3A_432  : i32 {
        %parallel_loop3A_681 = arith.constant 1 : i32
        %parallel_loop3A_682 = arith.index_cast %parallel_loop3A_681 : i32 to index
        %parallel_loop3A_683 = arith.index_cast %parallel_loop3A_680 : i32 to index
        %parallel_loop3A_684 = arith.constant 48 : index
        %parallel_loop3A_685 = tpu.vector_load %arg6[%parallel_loop3A_682, %parallel_loop3A_683, %parallel_loop3A_684] {strides = array<i32>} : memref<4x128x64xf32, #tpu.memory_space<vmem>>, vector<16xf32>,
        %parallel_loop3A_686 = vector.broadcast %parallel_loop3A_680 : i32 to vector<16xi32>
        %parallel_loop3A_687 = arith.constant 8.000000e+00 : f32
        %parallel_loop3A_688 = vector.broadcast %parallel_loop3A_687 : f32 to vector<16xf32>
        %parallel_loop3A_689 = arith.mulf %parallel_loop3A_685, %parallel_loop3A_688 : vector<16xf32>
        %parallel_loop3A_690 = arith.constant 1 : i32
        %parallel_loop3A_691 = arith.constant 0 : i32
        %parallel_loop3A_692 = arith.constant 0 : i32
        %parallel_loop3A_693 = arith.constant 0 : i32
        %parallel_loop3A_694 = tpu.memref_slice %arg7[%parallel_loop3A_690, %parallel_loop3A_691, %parallel_loop3A_692, %parallel_loop3A_693] : memref<4x8x8x129xf32, #tpu.memory_space<vmem>> -> memref<1x8x8x129xf32, #tpu.memory_space<vmem>>
        %parallel_loop3A_695 = tpu.memref_squeeze %parallel_loop3A_694 : memref<1x8x8x129xf32, #tpu.memory_space<vmem>> -> memref<8x8x129xf32, #tpu.memory_space<vmem>>
        tpu.vector_store_idx %parallel_loop3A_695[%shift_right_arithmetic3A_94, %and3A_97, %parallel_loop3A_686], %parallel_loop3A_689 : memref<8x8x129xf32, #tpu.memory_space<vmem>>[vector<16xi32>, vector<16xi32>, vector<16xi32>], vector<16xf32>,
      } {sc.loop_unroll_factor = 8 : i64, sc.parallel_access}
      %add3A_433 = arith.addi %mul3A_2, %add3A_401 : i32
      %jit3A_434 = arith.constant 32 : i32
      %div3A_435 = arith.divsi %add3A_433, %jit3A_434 : i32
      %sign3A_436 = arith.constant 0 : i32
      %sign3A_437 = arith.cmpi sgt, %add3A_433, %sign3A_436 : i32
      %sign3A_438 = arith.extui %sign3A_437 : i1 to i32
      %sign3A_439 = arith.constant 0 : i32
      %sign3A_440 = arith.cmpi slt, %add3A_433, %sign3A_439 : i32
      %sign3A_441 = arith.extui %sign3A_440 : i1 to i32
      %sign3A_442 = arith.subi %sign3A_438, %sign3A_441 : i32
      %sign3A_443 = arith.constant 0 : i32
      %sign3A_444 = arith.cmpi sgt, %jit3A_434, %sign3A_443 : i32
      %sign3A_445 = arith.extui %sign3A_444 : i1 to i32
      %sign3A_446 = arith.constant 0 : i32
      %sign3A_447 = arith.cmpi slt, %jit3A_434, %sign3A_446 : i32
      %sign3A_448 = arith.extui %sign3A_447 : i1 to i32
      %sign3A_449 = arith.subi %sign3A_445, %sign3A_448 : i32
      %ne3A_450 = arith.cmpi ne, %sign3A_442, %sign3A_449 : i32
      %rem3A_451 = arith.remsi %add3A_433, %jit3A_434 : i32
      %ne3A_452 = arith.constant 0 : i32
      %ne3A_453 = arith.cmpi ne, %rem3A_451, %ne3A_452 : i32
      %and3A_454 = arith.andi %ne3A_450, %ne3A_453 : i1
      %sub3A_455 = arith.constant 1 : i32
      %sub3A_456 = arith.subi %div3A_435, %sub3A_455 : i32
      %select_n3A_457 = arith.select %and3A_454, %sub3A_456, %div3A_435 : i32
      %mul3A_458 = arith.constant 32 : i32
      %mul3A_459 = arith.muli %select_n3A_457, %mul3A_458 : i32
      %sub3A_460 = arith.subi %add3A_433, %mul3A_459 : i32
      %mul3A_461 = arith.constant 8 : i32
      %mul3A_462 = arith.muli %select_n3A_457, %mul3A_461 : i32
      %dma_start3A_463 = arith.constant 1 : i32
      %dma_start3A_464 = arith.constant 1 : i32
      %dma_start3A_465 = arith.constant 0 : i32
      %dma_start3A_466 = arith.constant 0 : i32
      %dma_start3A_467 = arith.constant 0 : i32
      %dma_start3A_468 = tpu.memref_slice %arg7[%dma_start3A_463, %dma_start3A_465, %dma_start3A_466, %dma_start3A_467] : memref<4x8x8x129xf32, #tpu.memory_space<vmem>> -> memref<1x8x8x128xf32, #tpu.memory_space<vmem>>
      %dma_start3A_469 = tpu.memref_squeeze %dma_start3A_468 : memref<1x8x8x128xf32, #tpu.memory_space<vmem>> -> memref<8x8x128xf32, #tpu.memory_space<vmem>>
      %dma_start3A_470 = arith.constant 0 : i32
      %dma_start3A_471 = arith.constant 0 : i32
      %dma_start3A_472 = tpu.memref_slice %arg4[%mul3A_462, %sub3A_460, %dma_start3A_470, %dma_start3A_471] : memref<1600x32x8x128xf32, #tpu.memory_space<hbm>> -> memref<8x1x8x128xf32, #tpu.memory_space<hbm>>
      %dma_start3A_473 = tpu.memref_squeeze %dma_start3A_472 : memref<8x1x8x128xf32, #tpu.memory_space<hbm>> -> memref<8x8x128xf32, #tpu.memory_space<hbm>>
      %dma_start3A_474 = tpu.memref_slice %arg9[%dma_start3A_464] : memref<4x!tpu.dma_semaphore, #tpu.memory_space<semaphore_mem>> -> memref<1x!tpu.dma_semaphore, #tpu.memory_space<semaphore_mem>>
      %dma_start3A_475 = tpu.memref_squeeze %dma_start3A_474 : memref<1x!tpu.dma_semaphore, #tpu.memory_space<semaphore_mem>> -> memref<!tpu.dma_semaphore, #tpu.memory_space<semaphore_mem>>
      %dma_start3A_476 = arith.constant 0 : i32
      %dma_start3A_477 = arith.constant 0 : i32
      %dma_start3A_478 = tpu.memref_slice %arg4[%mul3A_462, %sub3A_460, %dma_start3A_476, %dma_start3A_477] : memref<1600x32x8x128xf32, #tpu.memory_space<hbm>> -> memref<8x1x8x128xf32, #tpu.memory_space<hbm>>
      %dma_start3A_479 = tpu.memref_squeeze %dma_start3A_478 : memref<8x1x8x128xf32, #tpu.memory_space<hbm>> -> memref<8x8x128xf32, #tpu.memory_space<hbm>>
      %dma_start3A_480 = arith.constant 0 : i32
      %dma_start3A_481 = arith.constant 0 : i32
      %dma_start3A_482 = arith.constant 0 : i32
      %dma_start3A_483 = tpu.memref_slice %arg7[%dma_start3A_463, %dma_start3A_480, %dma_start3A_481, %dma_start3A_482] : memref<4x8x8x129xf32, #tpu.memory_space<vmem>> -> memref<1x8x8x128xf32, #tpu.memory_space<vmem>>
      %dma_start3A_484 = tpu.memref_squeeze %dma_start3A_483 : memref<1x8x8x128xf32, #tpu.memory_space<vmem>> -> memref<8x8x128xf32, #tpu.memory_space<vmem>>
      tpu.enqueue_dma source(%dma_start3A_484 : memref<8x8x128xf32, #tpu.memory_space<vmem>>) target(%dma_start3A_479 : memref<8x8x128xf32, #tpu.memory_space<hbm>>) target_semaphore(%dma_start3A_475 : memref<!tpu.dma_semaphore, #tpu.memory_space<semaphore_mem>>)
      %add3A_485 = arith.constant 4 : i32
      %add3A_486 = arith.addi %add3A_401, %add3A_485 : i32
      %lt3A_487 = arith.constant 200 : i32
      %lt3A_488 = arith.cmpi slt, %add3A_486, %lt3A_487 : i32
      %convert_element_type3A_489 = arith.extui %lt3A_488 : i1 to i32
      %cond3A_490 = arith.constant 0 : i32
      %cond3A_491 = arith.cmpi ne, %convert_element_type3A_489, %cond3A_490 : i32
      scf.if %cond3A_491 {
        %add3A_680 = arith.constant 4 : i32
        %add3A_681 = arith.addi %add3A_401, %add3A_680 : i32
        %dma_start3A_682 = arith.constant 1 : i32
        %dma_start3A_683 = arith.constant 1 : i32
        %dma_start3A_684 = arith.constant 0 : i32
        %dma_start3A_685 = arith.constant 0 : i32
        %dma_start3A_686 = tpu.memref_slice %arg6[%dma_start3A_682, %dma_start3A_684, %dma_start3A_685] : memref<4x128x64xf32, #tpu.memory_space<vmem>> -> memref<1x128x64xf32, #tpu.memory_space<vmem>>
        %dma_start3A_687 = tpu.memref_squeeze %dma_start3A_686 : memref<1x128x64xf32, #tpu.memory_space<vmem>> -> memref<128x64xf32, #tpu.memory_space<vmem>>
        %dma_start3A_688 = arith.constant 0 : i32
        %dma_start3A_689 = tpu.memref_slice %arg5[%add3A_681, %dma_start3A_688] : memref<200x128xi32, #tpu.memory_space<vmem>> -> memref<1x128xi32, #tpu.memory_space<vmem>>
        %dma_start3A_690 = tpu.memref_squeeze %dma_start3A_689 : memref<1x128xi32, #tpu.memory_space<vmem>> -> memref<128xi32, #tpu.memory_space<vmem>>
        %dma_start3A_691 = arith.constant 0 : i32
        %dma_start3A_692 = arith.constant 0 : i32
        %dma_start3A_693 = tpu.memref_slice %arg2[%dma_start3A_691, %dma_start3A_692] : memref<2000000x64xf32, #tpu.memory_space<hbm>> -> memref<2000000x64xf32, #tpu.memory_space<hbm>>
        %dma_start3A_694 = tpu.memref_slice %arg8[%dma_start3A_683] : memref<4x!tpu.dma_semaphore, #tpu.memory_space<semaphore_mem>> -> memref<1x!tpu.dma_semaphore, #tpu.memory_space<semaphore_mem>>
        %dma_start3A_695 = tpu.memref_squeeze %dma_start3A_694 : memref<1x!tpu.dma_semaphore, #tpu.memory_space<semaphore_mem>> -> memref<!tpu.dma_semaphore, #tpu.memory_space<semaphore_mem>>
        tpu.enqueue_indirect_dma source(%dma_start3A_693 : memref<2000000x64xf32, #tpu.memory_space<hbm>>) target(%dma_start3A_687 : memref<128x64xf32, #tpu.memory_space<vmem>>) offsets(%dma_start3A_690 : memref<128xi32, #tpu.memory_space<vmem>>) semaphore(%dma_start3A_695 : memref<!tpu.dma_semaphore, #tpu.memory_space<semaphore_mem>>)
      } else {
      }
      %mul3A_492 = arith.constant 4 : i32
      %mul3A_493 = arith.muli %scan3A_307, %mul3A_492 : i32
      %add3A_494 = arith.constant 2 : i32
      %add3A_495 = arith.addi %mul3A_493, %add3A_494 : i32
      %dma_wait3A_496 = arith.constant 2 : i32
      %dma_wait3A_497 = arith.constant 2 : i32
      %dma_wait3A_498 = arith.constant 0 : i32
      %dma_wait3A_499 = arith.constant 0 : i32
      %dma_wait3A_500 = tpu.memref_slice %arg6[%dma_wait3A_496, %dma_wait3A_498, %dma_wait3A_499] : memref<4x128x64xf32, #tpu.memory_space<vmem>> -> memref<1x128x64xf32, #tpu.memory_space<vmem>>
      %dma_wait3A_501 = tpu.memref_squeeze %dma_wait3A_500 : memref<1x128x64xf32, #tpu.memory_space<vmem>> -> memref<128x64xf32, #tpu.memory_space<vmem>>
      %dma_wait3A_502 = arith.constant 0 : i32
      %dma_wait3A_503 = tpu.memref_slice %arg5[%add3A_495, %dma_wait3A_502] : memref<200x128xi32, #tpu.memory_space<vmem>> -> memref<1x128xi32, #tpu.memory_space<vmem>>
      %dma_wait3A_504 = tpu.memref_squeeze %dma_wait3A_503 : memref<1x128xi32, #tpu.memory_space<vmem>> -> memref<128xi32, #tpu.memory_space<vmem>>
      %dma_wait3A_505 = arith.constant 0 : i32
      %dma_wait3A_506 = arith.constant 0 : i32
      %dma_wait3A_507 = tpu.memref_slice %arg2[%dma_wait3A_505, %dma_wait3A_506] : memref<2000000x64xf32, #tpu.memory_space<hbm>> -> memref<2000000x64xf32, #tpu.memory_space<hbm>>
      %dma_wait3A_508 = tpu.memref_slice %arg8[%dma_wait3A_497] : memref<4x!tpu.dma_semaphore, #tpu.memory_space<semaphore_mem>> -> memref<1x!tpu.dma_semaphore, #tpu.memory_space<semaphore_mem>>
      %dma_wait3A_509 = tpu.memref_squeeze %dma_wait3A_508 : memref<1x!tpu.dma_semaphore, #tpu.memory_space<semaphore_mem>> -> memref<!tpu.dma_semaphore, #tpu.memory_space<semaphore_mem>>
      tpu.wait_indirect_dma semaphore(%dma_wait3A_509 : memref<!tpu.dma_semaphore, #tpu.memory_space<semaphore_mem>>) src(%dma_wait3A_507 : memref<2000000x64xf32, #tpu.memory_space<hbm>>) dst(%dma_wait3A_501 : memref<128x64xf32, #tpu.memory_space<vmem>>)
      %gt3A_510 = arith.constant 0 : i32
      %gt3A_511 = arith.cmpi sgt, %scan3A_307, %gt3A_510 : i32
      %convert_element_type3A_512 = arith.extui %gt3A_511 : i1 to i32
      %cond3A_513 = arith.constant 0 : i32
      %cond3A_514 = arith.cmpi ne, %convert_element_type3A_512, %cond3A_513 : i32
      scf.if %cond3A_514 {
        %sub3A_680 = arith.constant 4 : i32
        %sub3A_681 = arith.subi %add3A_495, %sub3A_680 : i32
        %add3A_682 = arith.addi %mul3A_2, %sub3A_681 : i32
        %jit3A_683 = arith.constant 32 : i32
        %div3A_684 = arith.divsi %add3A_682, %jit3A_683 : i32
        %sign3A_685 = arith.constant 0 : i32
        %sign3A_686 = arith.cmpi sgt, %add3A_682, %sign3A_685 : i32
        %sign3A_687 = arith.extui %sign3A_686 : i1 to i32
        %sign3A_688 = arith.constant 0 : i32
        %sign3A_689 = arith.cmpi slt, %add3A_682, %sign3A_688 : i32
        %sign3A_690 = arith.extui %sign3A_689 : i1 to i32
        %sign3A_691 = arith.subi %sign3A_687, %sign3A_690 : i32
        %sign3A_692 = arith.constant 0 : i32
        %sign3A_693 = arith.cmpi sgt, %jit3A_683, %sign3A_692 : i32
        %sign3A_694 = arith.extui %sign3A_693 : i1 to i32
        %sign3A_695 = arith.constant 0 : i32
        %sign3A_696 = arith.cmpi slt, %jit3A_683, %sign3A_695 : i32
        %sign3A_697 = arith.extui %sign3A_696 : i1 to i32
        %sign3A_698 = arith.subi %sign3A_694, %sign3A_697 : i32
        %ne3A_699 = arith.cmpi ne, %sign3A_691, %sign3A_698 : i32
        %rem3A_700 = arith.remsi %add3A_682, %jit3A_683 : i32
        %ne3A_701 = arith.constant 0 : i32
        %ne3A_702 = arith.cmpi ne, %rem3A_700, %ne3A_701 : i32
        %and3A_703 = arith.andi %ne3A_699, %ne3A_702 : i1
        %sub3A_704 = arith.constant 1 : i32
        %sub3A_705 = arith.subi %div3A_684, %sub3A_704 : i32
        %select_n3A_706 = arith.select %and3A_703, %sub3A_705, %div3A_684 : i32
        %mul3A_707 = arith.constant 32 : i32
        %mul3A_708 = arith.muli %select_n3A_706, %mul3A_707 : i32
        %sub3A_709 = arith.subi %add3A_682, %mul3A_708 : i32
        %mul3A_710 = arith.constant 8 : i32
        %mul3A_711 = arith.muli %select_n3A_706, %mul3A_710 : i32
        %dma_wait3A_712 = arith.constant 2 : i32
        %dma_wait3A_713 = arith.constant 2 : i32
        %dma_wait3A_714 = arith.constant 0 : i32
        %dma_wait3A_715 = arith.constant 0 : i32
        %dma_wait3A_716 = arith.constant 0 : i32
        %dma_wait3A_717 = tpu.memref_slice %arg7[%dma_wait3A_712, %dma_wait3A_714, %dma_wait3A_715, %dma_wait3A_716] : memref<4x8x8x129xf32, #tpu.memory_space<vmem>> -> memref<1x8x8x128xf32, #tpu.memory_space<vmem>>
        %dma_wait3A_718 = tpu.memref_squeeze %dma_wait3A_717 : memref<1x8x8x128xf32, #tpu.memory_space<vmem>> -> memref<8x8x128xf32, #tpu.memory_space<vmem>>
        %dma_wait3A_719 = arith.constant 0 : i32
        %dma_wait3A_720 = arith.constant 0 : i32
        %dma_wait3A_721 = tpu.memref_slice %arg4[%mul3A_711, %sub3A_709, %dma_wait3A_719, %dma_wait3A_720] : memref<1600x32x8x128xf32, #tpu.memory_space<hbm>> -> memref<8x1x8x128xf32, #tpu.memory_space<hbm>>
        %dma_wait3A_722 = tpu.memref_squeeze %dma_wait3A_721 : memref<8x1x8x128xf32, #tpu.memory_space<hbm>> -> memref<8x8x128xf32, #tpu.memory_space<hbm>>
        %dma_wait3A_723 = tpu.memref_slice %arg9[%dma_wait3A_713] : memref<4x!tpu.dma_semaphore, #tpu.memory_space<semaphore_mem>> -> memref<1x!tpu.dma_semaphore, #tpu.memory_space<semaphore_mem>>
        %dma_wait3A_724 = tpu.memref_squeeze %dma_wait3A_723 : memref<1x!tpu.dma_semaphore, #tpu.memory_space<semaphore_mem>> -> memref<!tpu.dma_semaphore, #tpu.memory_space<semaphore_mem>>
        %dma_wait3A_725 = arith.constant 0 : i32
        %dma_wait3A_726 = arith.constant 0 : i32
        %dma_wait3A_727 = tpu.memref_slice %arg4[%mul3A_711, %sub3A_709, %dma_wait3A_725, %dma_wait3A_726] : memref<1600x32x8x128xf32, #tpu.memory_space<hbm>> -> memref<8x1x8x128xf32, #tpu.memory_space<hbm>>
        %dma_wait3A_728 = tpu.memref_squeeze %dma_wait3A_727 : memref<8x1x8x128xf32, #tpu.memory_space<hbm>> -> memref<8x8x128xf32, #tpu.memory_space<hbm>>
        %dma_wait3A_729 = arith.constant 0 : i32
        %dma_wait3A_730 = arith.constant 0 : i32
        %dma_wait3A_731 = arith.constant 0 : i32
        %dma_wait3A_732 = tpu.memref_slice %arg7[%dma_wait3A_712, %dma_wait3A_729, %dma_wait3A_730, %dma_wait3A_731] : memref<4x8x8x129xf32, #tpu.memory_space<vmem>> -> memref<1x8x8x128xf32, #tpu.memory_space<vmem>>
        %dma_wait3A_733 = tpu.memref_squeeze %dma_wait3A_732 : memref<1x8x8x128xf32, #tpu.memory_space<vmem>> -> memref<8x8x128xf32, #tpu.memory_space<vmem>>
        tpu.wait_dma2 semaphore(%dma_wait3A_724 : memref<!tpu.dma_semaphore, #tpu.memory_space<semaphore_mem>>) src(%dma_wait3A_733 : memref<8x8x128xf32, #tpu.memory_space<vmem>>) dst(%dma_wait3A_728 : memref<8x8x128xf32, #tpu.memory_space<hbm>>)
      } else {
      }
      %parallel_loop3A_515 = arith.constant 0 : i32
      %parallel_loop3A_516 = arith.constant 128 : i32
      %parallel_loop3A_517 = arith.constant 1 : i32
      scf.for %parallel_loop3A_680 = %parallel_loop3A_515 to %parallel_loop3A_516 step %parallel_loop3A_517  : i32 {
        %parallel_loop3A_681 = arith.constant 2 : i32
        %parallel_loop3A_682 = arith.index_cast %parallel_loop3A_681 : i32 to index
        %parallel_loop3A_683 = arith.index_cast %parallel_loop3A_680 : i32 to index
        %parallel_loop3A_684 = arith.constant 0 : index
        %parallel_loop3A_685 = tpu.vector_load %arg6[%parallel_loop3A_682, %parallel_loop3A_683, %parallel_loop3A_684] {strides = array<i32>} : memref<4x128x64xf32, #tpu.memory_space<vmem>>, vector<16xf32>,
        %parallel_loop3A_686 = vector.broadcast %parallel_loop3A_680 : i32 to vector<16xi32>
        %parallel_loop3A_687 = arith.constant 8.000000e+00 : f32
        %parallel_loop3A_688 = vector.broadcast %parallel_loop3A_687 : f32 to vector<16xf32>
        %parallel_loop3A_689 = arith.mulf %parallel_loop3A_685, %parallel_loop3A_688 : vector<16xf32>
        %parallel_loop3A_690 = arith.constant 2 : i32
        %parallel_loop3A_691 = arith.constant 0 : i32
        %parallel_loop3A_692 = arith.constant 0 : i32
        %parallel_loop3A_693 = arith.constant 0 : i32
        %parallel_loop3A_694 = tpu.memref_slice %arg7[%parallel_loop3A_690, %parallel_loop3A_691, %parallel_loop3A_692, %parallel_loop3A_693] : memref<4x8x8x129xf32, #tpu.memory_space<vmem>> -> memref<1x8x8x129xf32, #tpu.memory_space<vmem>>
        %parallel_loop3A_695 = tpu.memref_squeeze %parallel_loop3A_694 : memref<1x8x8x129xf32, #tpu.memory_space<vmem>> -> memref<8x8x129xf32, #tpu.memory_space<vmem>>
        tpu.vector_store_idx %parallel_loop3A_695[%shift_right_arithmetic3A_68, %and3A_70, %parallel_loop3A_686], %parallel_loop3A_689 : memref<8x8x129xf32, #tpu.memory_space<vmem>>[vector<16xi32>, vector<16xi32>, vector<16xi32>], vector<16xf32>,
      } {sc.loop_unroll_factor = 8 : i64, sc.parallel_access}
      %parallel_loop3A_518 = arith.constant 0 : i32
      %parallel_loop3A_519 = arith.constant 128 : i32
      %parallel_loop3A_520 = arith.constant 1 : i32
      scf.for %parallel_loop3A_680 = %parallel_loop3A_518 to %parallel_loop3A_519 step %parallel_loop3A_520  : i32 {
        %parallel_loop3A_681 = arith.constant 2 : i32
        %parallel_loop3A_682 = arith.index_cast %parallel_loop3A_681 : i32 to index
        %parallel_loop3A_683 = arith.index_cast %parallel_loop3A_680 : i32 to index
        %parallel_loop3A_684 = arith.constant 16 : index
        %parallel_loop3A_685 = tpu.vector_load %arg6[%parallel_loop3A_682, %parallel_loop3A_683, %parallel_loop3A_684] {strides = array<i32>} : memref<4x128x64xf32, #tpu.memory_space<vmem>>, vector<16xf32>,
        %parallel_loop3A_686 = vector.broadcast %parallel_loop3A_680 : i32 to vector<16xi32>
        %parallel_loop3A_687 = arith.constant 8.000000e+00 : f32
        %parallel_loop3A_688 = vector.broadcast %parallel_loop3A_687 : f32 to vector<16xf32>
        %parallel_loop3A_689 = arith.mulf %parallel_loop3A_685, %parallel_loop3A_688 : vector<16xf32>
        %parallel_loop3A_690 = arith.constant 2 : i32
        %parallel_loop3A_691 = arith.constant 0 : i32
        %parallel_loop3A_692 = arith.constant 0 : i32
        %parallel_loop3A_693 = arith.constant 0 : i32
        %parallel_loop3A_694 = tpu.memref_slice %arg7[%parallel_loop3A_690, %parallel_loop3A_691, %parallel_loop3A_692, %parallel_loop3A_693] : memref<4x8x8x129xf32, #tpu.memory_space<vmem>> -> memref<1x8x8x129xf32, #tpu.memory_space<vmem>>
        %parallel_loop3A_695 = tpu.memref_squeeze %parallel_loop3A_694 : memref<1x8x8x129xf32, #tpu.memory_space<vmem>> -> memref<8x8x129xf32, #tpu.memory_space<vmem>>
        tpu.vector_store_idx %parallel_loop3A_695[%shift_right_arithmetic3A_76, %and3A_79, %parallel_loop3A_686], %parallel_loop3A_689 : memref<8x8x129xf32, #tpu.memory_space<vmem>>[vector<16xi32>, vector<16xi32>, vector<16xi32>], vector<16xf32>,
      } {sc.loop_unroll_factor = 8 : i64, sc.parallel_access}
      %parallel_loop3A_521 = arith.constant 0 : i32
      %parallel_loop3A_522 = arith.constant 128 : i32
      %parallel_loop3A_523 = arith.constant 1 : i32
      scf.for %parallel_loop3A_680 = %parallel_loop3A_521 to %parallel_loop3A_522 step %parallel_loop3A_523  : i32 {
        %parallel_loop3A_681 = arith.constant 2 : i32
        %parallel_loop3A_682 = arith.index_cast %parallel_loop3A_681 : i32 to index
        %parallel_loop3A_683 = arith.index_cast %parallel_loop3A_680 : i32 to index
        %parallel_loop3A_684 = arith.constant 32 : index
        %parallel_loop3A_685 = tpu.vector_load %arg6[%parallel_loop3A_682, %parallel_loop3A_683, %parallel_loop3A_684] {strides = array<i32>} : memref<4x128x64xf32, #tpu.memory_space<vmem>>, vector<16xf32>,
        %parallel_loop3A_686 = vector.broadcast %parallel_loop3A_680 : i32 to vector<16xi32>
        %parallel_loop3A_687 = arith.constant 8.000000e+00 : f32
        %parallel_loop3A_688 = vector.broadcast %parallel_loop3A_687 : f32 to vector<16xf32>
        %parallel_loop3A_689 = arith.mulf %parallel_loop3A_685, %parallel_loop3A_688 : vector<16xf32>
        %parallel_loop3A_690 = arith.constant 2 : i32
        %parallel_loop3A_691 = arith.constant 0 : i32
        %parallel_loop3A_692 = arith.constant 0 : i32
        %parallel_loop3A_693 = arith.constant 0 : i32
        %parallel_loop3A_694 = tpu.memref_slice %arg7[%parallel_loop3A_690, %parallel_loop3A_691, %parallel_loop3A_692, %parallel_loop3A_693] : memref<4x8x8x129xf32, #tpu.memory_space<vmem>> -> memref<1x8x8x129xf32, #tpu.memory_space<vmem>>
        %parallel_loop3A_695 = tpu.memref_squeeze %parallel_loop3A_694 : memref<1x8x8x129xf32, #tpu.memory_space<vmem>> -> memref<8x8x129xf32, #tpu.memory_space<vmem>>
        tpu.vector_store_idx %parallel_loop3A_695[%shift_right_arithmetic3A_85, %and3A_88, %parallel_loop3A_686], %parallel_loop3A_689 : memref<8x8x129xf32, #tpu.memory_space<vmem>>[vector<16xi32>, vector<16xi32>, vector<16xi32>], vector<16xf32>,
      } {sc.loop_unroll_factor = 8 : i64, sc.parallel_access}
      %parallel_loop3A_524 = arith.constant 0 : i32
      %parallel_loop3A_525 = arith.constant 128 : i32
      %parallel_loop3A_526 = arith.constant 1 : i32
      scf.for %parallel_loop3A_680 = %parallel_loop3A_524 to %parallel_loop3A_525 step %parallel_loop3A_526  : i32 {
        %parallel_loop3A_681 = arith.constant 2 : i32
        %parallel_loop3A_682 = arith.index_cast %parallel_loop3A_681 : i32 to index
        %parallel_loop3A_683 = arith.index_cast %parallel_loop3A_680 : i32 to index
        %parallel_loop3A_684 = arith.constant 48 : index
        %parallel_loop3A_685 = tpu.vector_load %arg6[%parallel_loop3A_682, %parallel_loop3A_683, %parallel_loop3A_684] {strides = array<i32>} : memref<4x128x64xf32, #tpu.memory_space<vmem>>, vector<16xf32>,
        %parallel_loop3A_686 = vector.broadcast %parallel_loop3A_680 : i32 to vector<16xi32>
        %parallel_loop3A_687 = arith.constant 8.000000e+00 : f32
        %parallel_loop3A_688 = vector.broadcast %parallel_loop3A_687 : f32 to vector<16xf32>
        %parallel_loop3A_689 = arith.mulf %parallel_loop3A_685, %parallel_loop3A_688 : vector<16xf32>
        %parallel_loop3A_690 = arith.constant 2 : i32
        %parallel_loop3A_691 = arith.constant 0 : i32
        %parallel_loop3A_692 = arith.constant 0 : i32
        %parallel_loop3A_693 = arith.constant 0 : i32
        %parallel_loop3A_694 = tpu.memref_slice %arg7[%parallel_loop3A_690, %parallel_loop3A_691, %parallel_loop3A_692, %parallel_loop3A_693] : memref<4x8x8x129xf32, #tpu.memory_space<vmem>> -> memref<1x8x8x129xf32, #tpu.memory_space<vmem>>
        %parallel_loop3A_695 = tpu.memref_squeeze %parallel_loop3A_694 : memref<1x8x8x129xf32, #tpu.memory_space<vmem>> -> memref<8x8x129xf32, #tpu.memory_space<vmem>>
        tpu.vector_store_idx %parallel_loop3A_695[%shift_right_arithmetic3A_94, %and3A_97, %parallel_loop3A_686], %parallel_loop3A_689 : memref<8x8x129xf32, #tpu.memory_space<vmem>>[vector<16xi32>, vector<16xi32>, vector<16xi32>], vector<16xf32>,
      } {sc.loop_unroll_factor = 8 : i64, sc.parallel_access}
      %add3A_527 = arith.addi %mul3A_2, %add3A_495 : i32
      %jit3A_528 = arith.constant 32 : i32
      %div3A_529 = arith.divsi %add3A_527, %jit3A_528 : i32
      %sign3A_530 = arith.constant 0 : i32
      %sign3A_531 = arith.cmpi sgt, %add3A_527, %sign3A_530 : i32
      %sign3A_532 = arith.extui %sign3A_531 : i1 to i32
      %sign3A_533 = arith.constant 0 : i32
      %sign3A_534 = arith.cmpi slt, %add3A_527, %sign3A_533 : i32
      %sign3A_535 = arith.extui %sign3A_534 : i1 to i32
      %sign3A_536 = arith.subi %sign3A_532, %sign3A_535 : i32
      %sign3A_537 = arith.constant 0 : i32
      %sign3A_538 = arith.cmpi sgt, %jit3A_528, %sign3A_537 : i32
      %sign3A_539 = arith.extui %sign3A_538 : i1 to i32
      %sign3A_540 = arith.constant 0 : i32
      %sign3A_541 = arith.cmpi slt, %jit3A_528, %sign3A_540 : i32
      %sign3A_542 = arith.extui %sign3A_541 : i1 to i32
      %sign3A_543 = arith.subi %sign3A_539, %sign3A_542 : i32
      %ne3A_544 = arith.cmpi ne, %sign3A_536, %sign3A_543 : i32
      %rem3A_545 = arith.remsi %add3A_527, %jit3A_528 : i32
      %ne3A_546 = arith.constant 0 : i32
      %ne3A_547 = arith.cmpi ne, %rem3A_545, %ne3A_546 : i32
      %and3A_548 = arith.andi %ne3A_544, %ne3A_547 : i1
      %sub3A_549 = arith.constant 1 : i32
      %sub3A_550 = arith.subi %div3A_529, %sub3A_549 : i32
      %select_n3A_551 = arith.select %and3A_548, %sub3A_550, %div3A_529 : i32
      %mul3A_552 = arith.constant 32 : i32
      %mul3A_553 = arith.muli %select_n3A_551, %mul3A_552 : i32
      %sub3A_554 = arith.subi %add3A_527, %mul3A_553 : i32
      %mul3A_555 = arith.constant 8 : i32
      %mul3A_556 = arith.muli %select_n3A_551, %mul3A_555 : i32
      %dma_start3A_557 = arith.constant 2 : i32
      %dma_start3A_558 = arith.constant 2 : i32
      %dma_start3A_559 = arith.constant 0 : i32
      %dma_start3A_560 = arith.constant 0 : i32
      %dma_start3A_561 = arith.constant 0 : i32
      %dma_start3A_562 = tpu.memref_slice %arg7[%dma_start3A_557, %dma_start3A_559, %dma_start3A_560, %dma_start3A_561] : memref<4x8x8x129xf32, #tpu.memory_space<vmem>> -> memref<1x8x8x128xf32, #tpu.memory_space<vmem>>
      %dma_start3A_563 = tpu.memref_squeeze %dma_start3A_562 : memref<1x8x8x128xf32, #tpu.memory_space<vmem>> -> memref<8x8x128xf32, #tpu.memory_space<vmem>>
      %dma_start3A_564 = arith.constant 0 : i32
      %dma_start3A_565 = arith.constant 0 : i32
      %dma_start3A_566 = tpu.memref_slice %arg4[%mul3A_556, %sub3A_554, %dma_start3A_564, %dma_start3A_565] : memref<1600x32x8x128xf32, #tpu.memory_space<hbm>> -> memref<8x1x8x128xf32, #tpu.memory_space<hbm>>
      %dma_start3A_567 = tpu.memref_squeeze %dma_start3A_566 : memref<8x1x8x128xf32, #tpu.memory_space<hbm>> -> memref<8x8x128xf32, #tpu.memory_space<hbm>>
      %dma_start3A_568 = tpu.memref_slice %arg9[%dma_start3A_558] : memref<4x!tpu.dma_semaphore, #tpu.memory_space<semaphore_mem>> -> memref<1x!tpu.dma_semaphore, #tpu.memory_space<semaphore_mem>>
      %dma_start3A_569 = tpu.memref_squeeze %dma_start3A_568 : memref<1x!tpu.dma_semaphore, #tpu.memory_space<semaphore_mem>> -> memref<!tpu.dma_semaphore, #tpu.memory_space<semaphore_mem>>
      %dma_start3A_570 = arith.constant 0 : i32
      %dma_start3A_571 = arith.constant 0 : i32
      %dma_start3A_572 = tpu.memref_slice %arg4[%mul3A_556, %sub3A_554, %dma_start3A_570, %dma_start3A_571] : memref<1600x32x8x128xf32, #tpu.memory_space<hbm>> -> memref<8x1x8x128xf32, #tpu.memory_space<hbm>>
      %dma_start3A_573 = tpu.memref_squeeze %dma_start3A_572 : memref<8x1x8x128xf32, #tpu.memory_space<hbm>> -> memref<8x8x128xf32, #tpu.memory_space<hbm>>
      %dma_start3A_574 = arith.constant 0 : i32
      %dma_start3A_575 = arith.constant 0 : i32
      %dma_start3A_576 = arith.constant 0 : i32
      %dma_start3A_577 = tpu.memref_slice %arg7[%dma_start3A_557, %dma_start3A_574, %dma_start3A_575, %dma_start3A_576] : memref<4x8x8x129xf32, #tpu.memory_space<vmem>> -> memref<1x8x8x128xf32, #tpu.memory_space<vmem>>
      %dma_start3A_578 = tpu.memref_squeeze %dma_start3A_577 : memref<1x8x8x128xf32, #tpu.memory_space<vmem>> -> memref<8x8x128xf32, #tpu.memory_space<vmem>>
      tpu.enqueue_dma source(%dma_start3A_578 : memref<8x8x128xf32, #tpu.memory_space<vmem>>) target(%dma_start3A_573 : memref<8x8x128xf32, #tpu.memory_space<hbm>>) target_semaphore(%dma_start3A_569 : memref<!tpu.dma_semaphore, #tpu.memory_space<semaphore_mem>>)
      %add3A_579 = arith.constant 4 : i32
      %add3A_580 = arith.addi %add3A_495, %add3A_579 : i32
      %lt3A_581 = arith.constant 200 : i32
      %lt3A_582 = arith.cmpi slt, %add3A_580, %lt3A_581 : i32
      %convert_element_type3A_583 = arith.extui %lt3A_582 : i1 to i32
      %cond3A_584 = arith.constant 0 : i32
      %cond3A_585 = arith.cmpi ne, %convert_element_type3A_583, %cond3A_584 : i32
      scf.if %cond3A_585 {
        %add3A_680 = arith.constant 4 : i32
        %add3A_681 = arith.addi %add3A_495, %add3A_680 : i32
        %dma_start3A_682 = arith.constant 2 : i32
        %dma_start3A_683 = arith.constant 2 : i32
        %dma_start3A_684 = arith.constant 0 : i32
        %dma_start3A_685 = arith.constant 0 : i32
        %dma_start3A_686 = tpu.memref_slice %arg6[%dma_start3A_682, %dma_start3A_684, %dma_start3A_685] : memref<4x128x64xf32, #tpu.memory_space<vmem>> -> memref<1x128x64xf32, #tpu.memory_space<vmem>>
        %dma_start3A_687 = tpu.memref_squeeze %dma_start3A_686 : memref<1x128x64xf32, #tpu.memory_space<vmem>> -> memref<128x64xf32, #tpu.memory_space<vmem>>
        %dma_start3A_688 = arith.constant 0 : i32
        %dma_start3A_689 = tpu.memref_slice %arg5[%add3A_681, %dma_start3A_688] : memref<200x128xi32, #tpu.memory_space<vmem>> -> memref<1x128xi32, #tpu.memory_space<vmem>>
        %dma_start3A_690 = tpu.memref_squeeze %dma_start3A_689 : memref<1x128xi32, #tpu.memory_space<vmem>> -> memref<128xi32, #tpu.memory_space<vmem>>
        %dma_start3A_691 = arith.constant 0 : i32
        %dma_start3A_692 = arith.constant 0 : i32
        %dma_start3A_693 = tpu.memref_slice %arg2[%dma_start3A_691, %dma_start3A_692] : memref<2000000x64xf32, #tpu.memory_space<hbm>> -> memref<2000000x64xf32, #tpu.memory_space<hbm>>
        %dma_start3A_694 = tpu.memref_slice %arg8[%dma_start3A_683] : memref<4x!tpu.dma_semaphore, #tpu.memory_space<semaphore_mem>> -> memref<1x!tpu.dma_semaphore, #tpu.memory_space<semaphore_mem>>
        %dma_start3A_695 = tpu.memref_squeeze %dma_start3A_694 : memref<1x!tpu.dma_semaphore, #tpu.memory_space<semaphore_mem>> -> memref<!tpu.dma_semaphore, #tpu.memory_space<semaphore_mem>>
        tpu.enqueue_indirect_dma source(%dma_start3A_693 : memref<2000000x64xf32, #tpu.memory_space<hbm>>) target(%dma_start3A_687 : memref<128x64xf32, #tpu.memory_space<vmem>>) offsets(%dma_start3A_690 : memref<128xi32, #tpu.memory_space<vmem>>) semaphore(%dma_start3A_695 : memref<!tpu.dma_semaphore, #tpu.memory_space<semaphore_mem>>)
      } else {
      }
      %mul3A_586 = arith.constant 4 : i32
      %mul3A_587 = arith.muli %scan3A_307, %mul3A_586 : i32
      %add3A_588 = arith.constant 3 : i32
      %add3A_589 = arith.addi %mul3A_587, %add3A_588 : i32
      %dma_wait3A_590 = arith.constant 3 : i32
      %dma_wait3A_591 = arith.constant 3 : i32
      %dma_wait3A_592 = arith.constant 0 : i32
      %dma_wait3A_593 = arith.constant 0 : i32
      %dma_wait3A_594 = tpu.memref_slice %arg6[%dma_wait3A_590, %dma_wait3A_592, %dma_wait3A_593] : memref<4x128x64xf32, #tpu.memory_space<vmem>> -> memref<1x128x64xf32, #tpu.memory_space<vmem>>
      %dma_wait3A_595 = tpu.memref_squeeze %dma_wait3A_594 : memref<1x128x64xf32, #tpu.memory_space<vmem>> -> memref<128x64xf32, #tpu.memory_space<vmem>>
      %dma_wait3A_596 = arith.constant 0 : i32
      %dma_wait3A_597 = tpu.memref_slice %arg5[%add3A_589, %dma_wait3A_596] : memref<200x128xi32, #tpu.memory_space<vmem>> -> memref<1x128xi32, #tpu.memory_space<vmem>>
      %dma_wait3A_598 = tpu.memref_squeeze %dma_wait3A_597 : memref<1x128xi32, #tpu.memory_space<vmem>> -> memref<128xi32, #tpu.memory_space<vmem>>
      %dma_wait3A_599 = arith.constant 0 : i32
      %dma_wait3A_600 = arith.constant 0 : i32
      %dma_wait3A_601 = tpu.memref_slice %arg2[%dma_wait3A_599, %dma_wait3A_600] : memref<2000000x64xf32, #tpu.memory_space<hbm>> -> memref<2000000x64xf32, #tpu.memory_space<hbm>>
      %dma_wait3A_602 = tpu.memref_slice %arg8[%dma_wait3A_591] : memref<4x!tpu.dma_semaphore, #tpu.memory_space<semaphore_mem>> -> memref<1x!tpu.dma_semaphore, #tpu.memory_space<semaphore_mem>>
      %dma_wait3A_603 = tpu.memref_squeeze %dma_wait3A_602 : memref<1x!tpu.dma_semaphore, #tpu.memory_space<semaphore_mem>> -> memref<!tpu.dma_semaphore, #tpu.memory_space<semaphore_mem>>
      tpu.wait_indirect_dma semaphore(%dma_wait3A_603 : memref<!tpu.dma_semaphore, #tpu.memory_space<semaphore_mem>>) src(%dma_wait3A_601 : memref<2000000x64xf32, #tpu.memory_space<hbm>>) dst(%dma_wait3A_595 : memref<128x64xf32, #tpu.memory_space<vmem>>)
      %gt3A_604 = arith.constant 0 : i32
      %gt3A_605 = arith.cmpi sgt, %scan3A_307, %gt3A_604 : i32
      %convert_element_type3A_606 = arith.extui %gt3A_605 : i1 to i32
      %cond3A_607 = arith.constant 0 : i32
      %cond3A_608 = arith.cmpi ne, %convert_element_type3A_606, %cond3A_607 : i32
      scf.if %cond3A_608 {
        %sub3A_680 = arith.constant 4 : i32
        %sub3A_681 = arith.subi %add3A_589, %sub3A_680 : i32
        %add3A_682 = arith.addi %mul3A_2, %sub3A_681 : i32
        %jit3A_683 = arith.constant 32 : i32
        %div3A_684 = arith.divsi %add3A_682, %jit3A_683 : i32
        %sign3A_685 = arith.constant 0 : i32
        %sign3A_686 = arith.cmpi sgt, %add3A_682, %sign3A_685 : i32
        %sign3A_687 = arith.extui %sign3A_686 : i1 to i32
        %sign3A_688 = arith.constant 0 : i32
        %sign3A_689 = arith.cmpi slt, %add3A_682, %sign3A_688 : i32
        %sign3A_690 = arith.extui %sign3A_689 : i1 to i32
        %sign3A_691 = arith.subi %sign3A_687, %sign3A_690 : i32
        %sign3A_692 = arith.constant 0 : i32
        %sign3A_693 = arith.cmpi sgt, %jit3A_683, %sign3A_692 : i32
        %sign3A_694 = arith.extui %sign3A_693 : i1 to i32
        %sign3A_695 = arith.constant 0 : i32
        %sign3A_696 = arith.cmpi slt, %jit3A_683, %sign3A_695 : i32
        %sign3A_697 = arith.extui %sign3A_696 : i1 to i32
        %sign3A_698 = arith.subi %sign3A_694, %sign3A_697 : i32
        %ne3A_699 = arith.cmpi ne, %sign3A_691, %sign3A_698 : i32
        %rem3A_700 = arith.remsi %add3A_682, %jit3A_683 : i32
        %ne3A_701 = arith.constant 0 : i32
        %ne3A_702 = arith.cmpi ne, %rem3A_700, %ne3A_701 : i32
        %and3A_703 = arith.andi %ne3A_699, %ne3A_702 : i1
        %sub3A_704 = arith.constant 1 : i32
        %sub3A_705 = arith.subi %div3A_684, %sub3A_704 : i32
        %select_n3A_706 = arith.select %and3A_703, %sub3A_705, %div3A_684 : i32
        %mul3A_707 = arith.constant 32 : i32
        %mul3A_708 = arith.muli %select_n3A_706, %mul3A_707 : i32
        %sub3A_709 = arith.subi %add3A_682, %mul3A_708 : i32
        %mul3A_710 = arith.constant 8 : i32
        %mul3A_711 = arith.muli %select_n3A_706, %mul3A_710 : i32
        %dma_wait3A_712 = arith.constant 3 : i32
        %dma_wait3A_713 = arith.constant 3 : i32
        %dma_wait3A_714 = arith.constant 0 : i32
        %dma_wait3A_715 = arith.constant 0 : i32
        %dma_wait3A_716 = arith.constant 0 : i32
        %dma_wait3A_717 = tpu.memref_slice %arg7[%dma_wait3A_712, %dma_wait3A_714, %dma_wait3A_715, %dma_wait3A_716] : memref<4x8x8x129xf32, #tpu.memory_space<vmem>> -> memref<1x8x8x128xf32, #tpu.memory_space<vmem>>
        %dma_wait3A_718 = tpu.memref_squeeze %dma_wait3A_717 : memref<1x8x8x128xf32, #tpu.memory_space<vmem>> -> memref<8x8x128xf32, #tpu.memory_space<vmem>>
        %dma_wait3A_719 = arith.constant 0 : i32
        %dma_wait3A_720 = arith.constant 0 : i32
        %dma_wait3A_721 = tpu.memref_slice %arg4[%mul3A_711, %sub3A_709, %dma_wait3A_719, %dma_wait3A_720] : memref<1600x32x8x128xf32, #tpu.memory_space<hbm>> -> memref<8x1x8x128xf32, #tpu.memory_space<hbm>>
        %dma_wait3A_722 = tpu.memref_squeeze %dma_wait3A_721 : memref<8x1x8x128xf32, #tpu.memory_space<hbm>> -> memref<8x8x128xf32, #tpu.memory_space<hbm>>
        %dma_wait3A_723 = tpu.memref_slice %arg9[%dma_wait3A_713] : memref<4x!tpu.dma_semaphore, #tpu.memory_space<semaphore_mem>> -> memref<1x!tpu.dma_semaphore, #tpu.memory_space<semaphore_mem>>
        %dma_wait3A_724 = tpu.memref_squeeze %dma_wait3A_723 : memref<1x!tpu.dma_semaphore, #tpu.memory_space<semaphore_mem>> -> memref<!tpu.dma_semaphore, #tpu.memory_space<semaphore_mem>>
        %dma_wait3A_725 = arith.constant 0 : i32
        %dma_wait3A_726 = arith.constant 0 : i32
        %dma_wait3A_727 = tpu.memref_slice %arg4[%mul3A_711, %sub3A_709, %dma_wait3A_725, %dma_wait3A_726] : memref<1600x32x8x128xf32, #tpu.memory_space<hbm>> -> memref<8x1x8x128xf32, #tpu.memory_space<hbm>>
        %dma_wait3A_728 = tpu.memref_squeeze %dma_wait3A_727 : memref<8x1x8x128xf32, #tpu.memory_space<hbm>> -> memref<8x8x128xf32, #tpu.memory_space<hbm>>
        %dma_wait3A_729 = arith.constant 0 : i32
        %dma_wait3A_730 = arith.constant 0 : i32
        %dma_wait3A_731 = arith.constant 0 : i32
        %dma_wait3A_732 = tpu.memref_slice %arg7[%dma_wait3A_712, %dma_wait3A_729, %dma_wait3A_730, %dma_wait3A_731] : memref<4x8x8x129xf32, #tpu.memory_space<vmem>> -> memref<1x8x8x128xf32, #tpu.memory_space<vmem>>
        %dma_wait3A_733 = tpu.memref_squeeze %dma_wait3A_732 : memref<1x8x8x128xf32, #tpu.memory_space<vmem>> -> memref<8x8x128xf32, #tpu.memory_space<vmem>>
        tpu.wait_dma2 semaphore(%dma_wait3A_724 : memref<!tpu.dma_semaphore, #tpu.memory_space<semaphore_mem>>) src(%dma_wait3A_733 : memref<8x8x128xf32, #tpu.memory_space<vmem>>) dst(%dma_wait3A_728 : memref<8x8x128xf32, #tpu.memory_space<hbm>>)
      } else {
      }
      %parallel_loop3A_609 = arith.constant 0 : i32
      %parallel_loop3A_610 = arith.constant 128 : i32
      %parallel_loop3A_611 = arith.constant 1 : i32
      scf.for %parallel_loop3A_680 = %parallel_loop3A_609 to %parallel_loop3A_610 step %parallel_loop3A_611  : i32 {
        %parallel_loop3A_681 = arith.constant 3 : i32
        %parallel_loop3A_682 = arith.index_cast %parallel_loop3A_681 : i32 to index
        %parallel_loop3A_683 = arith.index_cast %parallel_loop3A_680 : i32 to index
        %parallel_loop3A_684 = arith.constant 0 : index
        %parallel_loop3A_685 = tpu.vector_load %arg6[%parallel_loop3A_682, %parallel_loop3A_683, %parallel_loop3A_684] {strides = array<i32>} : memref<4x128x64xf32, #tpu.memory_space<vmem>>, vector<16xf32>,
        %parallel_loop3A_686 = vector.broadcast %parallel_loop3A_680 : i32 to vector<16xi32>
        %parallel_loop3A_687 = arith.constant 8.000000e+00 : f32
        %parallel_loop3A_688 = vector.broadcast %parallel_loop3A_687 : f32 to vector<16xf32>
        %parallel_loop3A_689 = arith.mulf %parallel_loop3A_685, %parallel_loop3A_688 : vector<16xf32>
        %parallel_loop3A_690 = arith.constant 3 : i32
        %parallel_loop3A_691 = arith.constant 0 : i32
        %parallel_loop3A_692 = arith.constant 0 : i32
        %parallel_loop3A_693 = arith.constant 0 : i32
        %parallel_loop3A_694 = tpu.memref_slice %arg7[%parallel_loop3A_690, %parallel_loop3A_691, %parallel_loop3A_692, %parallel_loop3A_693] : memref<4x8x8x129xf32, #tpu.memory_space<vmem>> -> memref<1x8x8x129xf32, #tpu.memory_space<vmem>>
        %parallel_loop3A_695 = tpu.memref_squeeze %parallel_loop3A_694 : memref<1x8x8x129xf32, #tpu.memory_space<vmem>> -> memref<8x8x129xf32, #tpu.memory_space<vmem>>
        tpu.vector_store_idx %parallel_loop3A_695[%shift_right_arithmetic3A_68, %and3A_70, %parallel_loop3A_686], %parallel_loop3A_689 : memref<8x8x129xf32, #tpu.memory_space<vmem>>[vector<16xi32>, vector<16xi32>, vector<16xi32>], vector<16xf32>,
      } {sc.loop_unroll_factor = 8 : i64, sc.parallel_access}
      %parallel_loop3A_612 = arith.constant 0 : i32
      %parallel_loop3A_613 = arith.constant 128 : i32
      %parallel_loop3A_614 = arith.constant 1 : i32
      scf.for %parallel_loop3A_680 = %parallel_loop3A_612 to %parallel_loop3A_613 step %parallel_loop3A_614  : i32 {
        %parallel_loop3A_681 = arith.constant 3 : i32
        %parallel_loop3A_682 = arith.index_cast %parallel_loop3A_681 : i32 to index
        %parallel_loop3A_683 = arith.index_cast %parallel_loop3A_680 : i32 to index
        %parallel_loop3A_684 = arith.constant 16 : index
        %parallel_loop3A_685 = tpu.vector_load %arg6[%parallel_loop3A_682, %parallel_loop3A_683, %parallel_loop3A_684] {strides = array<i32>} : memref<4x128x64xf32, #tpu.memory_space<vmem>>, vector<16xf32>,
        %parallel_loop3A_686 = vector.broadcast %parallel_loop3A_680 : i32 to vector<16xi32>
        %parallel_loop3A_687 = arith.constant 8.000000e+00 : f32
        %parallel_loop3A_688 = vector.broadcast %parallel_loop3A_687 : f32 to vector<16xf32>
        %parallel_loop3A_689 = arith.mulf %parallel_loop3A_685, %parallel_loop3A_688 : vector<16xf32>
        %parallel_loop3A_690 = arith.constant 3 : i32
        %parallel_loop3A_691 = arith.constant 0 : i32
        %parallel_loop3A_692 = arith.constant 0 : i32
        %parallel_loop3A_693 = arith.constant 0 : i32
        %parallel_loop3A_694 = tpu.memref_slice %arg7[%parallel_loop3A_690, %parallel_loop3A_691, %parallel_loop3A_692, %parallel_loop3A_693] : memref<4x8x8x129xf32, #tpu.memory_space<vmem>> -> memref<1x8x8x129xf32, #tpu.memory_space<vmem>>
        %parallel_loop3A_695 = tpu.memref_squeeze %parallel_loop3A_694 : memref<1x8x8x129xf32, #tpu.memory_space<vmem>> -> memref<8x8x129xf32, #tpu.memory_space<vmem>>
        tpu.vector_store_idx %parallel_loop3A_695[%shift_right_arithmetic3A_76, %and3A_79, %parallel_loop3A_686], %parallel_loop3A_689 : memref<8x8x129xf32, #tpu.memory_space<vmem>>[vector<16xi32>, vector<16xi32>, vector<16xi32>], vector<16xf32>,
      } {sc.loop_unroll_factor = 8 : i64, sc.parallel_access}
      %parallel_loop3A_615 = arith.constant 0 : i32
      %parallel_loop3A_616 = arith.constant 128 : i32
      %parallel_loop3A_617 = arith.constant 1 : i32
      scf.for %parallel_loop3A_680 = %parallel_loop3A_615 to %parallel_loop3A_616 step %parallel_loop3A_617  : i32 {
        %parallel_loop3A_681 = arith.constant 3 : i32
        %parallel_loop3A_682 = arith.index_cast %parallel_loop3A_681 : i32 to index
        %parallel_loop3A_683 = arith.index_cast %parallel_loop3A_680 : i32 to index
        %parallel_loop3A_684 = arith.constant 32 : index
        %parallel_loop3A_685 = tpu.vector_load %arg6[%parallel_loop3A_682, %parallel_loop3A_683, %parallel_loop3A_684] {strides = array<i32>} : memref<4x128x64xf32, #tpu.memory_space<vmem>>, vector<16xf32>,
        %parallel_loop3A_686 = vector.broadcast %parallel_loop3A_680 : i32 to vector<16xi32>
        %parallel_loop3A_687 = arith.constant 8.000000e+00 : f32
        %parallel_loop3A_688 = vector.broadcast %parallel_loop3A_687 : f32 to vector<16xf32>
        %parallel_loop3A_689 = arith.mulf %parallel_loop3A_685, %parallel_loop3A_688 : vector<16xf32>
        %parallel_loop3A_690 = arith.constant 3 : i32
        %parallel_loop3A_691 = arith.constant 0 : i32
        %parallel_loop3A_692 = arith.constant 0 : i32
        %parallel_loop3A_693 = arith.constant 0 : i32
        %parallel_loop3A_694 = tpu.memref_slice %arg7[%parallel_loop3A_690, %parallel_loop3A_691, %parallel_loop3A_692, %parallel_loop3A_693] : memref<4x8x8x129xf32, #tpu.memory_space<vmem>> -> memref<1x8x8x129xf32, #tpu.memory_space<vmem>>
        %parallel_loop3A_695 = tpu.memref_squeeze %parallel_loop3A_694 : memref<1x8x8x129xf32, #tpu.memory_space<vmem>> -> memref<8x8x129xf32, #tpu.memory_space<vmem>>
        tpu.vector_store_idx %parallel_loop3A_695[%shift_right_arithmetic3A_85, %and3A_88, %parallel_loop3A_686], %parallel_loop3A_689 : memref<8x8x129xf32, #tpu.memory_space<vmem>>[vector<16xi32>, vector<16xi32>, vector<16xi32>], vector<16xf32>,
      } {sc.loop_unroll_factor = 8 : i64, sc.parallel_access}
      %parallel_loop3A_618 = arith.constant 0 : i32
      %parallel_loop3A_619 = arith.constant 128 : i32
      %parallel_loop3A_620 = arith.constant 1 : i32
      scf.for %parallel_loop3A_680 = %parallel_loop3A_618 to %parallel_loop3A_619 step %parallel_loop3A_620  : i32 {
        %parallel_loop3A_681 = arith.constant 3 : i32
        %parallel_loop3A_682 = arith.index_cast %parallel_loop3A_681 : i32 to index
        %parallel_loop3A_683 = arith.index_cast %parallel_loop3A_680 : i32 to index
        %parallel_loop3A_684 = arith.constant 48 : index
        %parallel_loop3A_685 = tpu.vector_load %arg6[%parallel_loop3A_682, %parallel_loop3A_683, %parallel_loop3A_684] {strides = array<i32>} : memref<4x128x64xf32, #tpu.memory_space<vmem>>, vector<16xf32>,
        %parallel_loop3A_686 = vector.broadcast %parallel_loop3A_680 : i32 to vector<16xi32>
        %parallel_loop3A_687 = arith.constant 8.000000e+00 : f32
        %parallel_loop3A_688 = vector.broadcast %parallel_loop3A_687 : f32 to vector<16xf32>
        %parallel_loop3A_689 = arith.mulf %parallel_loop3A_685, %parallel_loop3A_688 : vector<16xf32>
        %parallel_loop3A_690 = arith.constant 3 : i32
        %parallel_loop3A_691 = arith.constant 0 : i32
        %parallel_loop3A_692 = arith.constant 0 : i32
        %parallel_loop3A_693 = arith.constant 0 : i32
        %parallel_loop3A_694 = tpu.memref_slice %arg7[%parallel_loop3A_690, %parallel_loop3A_691, %parallel_loop3A_692, %parallel_loop3A_693] : memref<4x8x8x129xf32, #tpu.memory_space<vmem>> -> memref<1x8x8x129xf32, #tpu.memory_space<vmem>>
        %parallel_loop3A_695 = tpu.memref_squeeze %parallel_loop3A_694 : memref<1x8x8x129xf32, #tpu.memory_space<vmem>> -> memref<8x8x129xf32, #tpu.memory_space<vmem>>
        tpu.vector_store_idx %parallel_loop3A_695[%shift_right_arithmetic3A_94, %and3A_97, %parallel_loop3A_686], %parallel_loop3A_689 : memref<8x8x129xf32, #tpu.memory_space<vmem>>[vector<16xi32>, vector<16xi32>, vector<16xi32>], vector<16xf32>,
      } {sc.loop_unroll_factor = 8 : i64, sc.parallel_access}
      %add3A_621 = arith.addi %mul3A_2, %add3A_589 : i32
      %jit3A_622 = arith.constant 32 : i32
      %div3A_623 = arith.divsi %add3A_621, %jit3A_622 : i32
      %sign3A_624 = arith.constant 0 : i32
      %sign3A_625 = arith.cmpi sgt, %add3A_621, %sign3A_624 : i32
      %sign3A_626 = arith.extui %sign3A_625 : i1 to i32
      %sign3A_627 = arith.constant 0 : i32
      %sign3A_628 = arith.cmpi slt, %add3A_621, %sign3A_627 : i32
      %sign3A_629 = arith.extui %sign3A_628 : i1 to i32
      %sign3A_630 = arith.subi %sign3A_626, %sign3A_629 : i32
      %sign3A_631 = arith.constant 0 : i32
      %sign3A_632 = arith.cmpi sgt, %jit3A_622, %sign3A_631 : i32
      %sign3A_633 = arith.extui %sign3A_632 : i1 to i32
      %sign3A_634 = arith.constant 0 : i32
      %sign3A_635 = arith.cmpi slt, %jit3A_622, %sign3A_634 : i32
      %sign3A_636 = arith.extui %sign3A_635 : i1 to i32
      %sign3A_637 = arith.subi %sign3A_633, %sign3A_636 : i32
      %ne3A_638 = arith.cmpi ne, %sign3A_630, %sign3A_637 : i32
      %rem3A_639 = arith.remsi %add3A_621, %jit3A_622 : i32
      %ne3A_640 = arith.constant 0 : i32
      %ne3A_641 = arith.cmpi ne, %rem3A_639, %ne3A_640 : i32
      %and3A_642 = arith.andi %ne3A_638, %ne3A_641 : i1
      %sub3A_643 = arith.constant 1 : i32
      %sub3A_644 = arith.subi %div3A_623, %sub3A_643 : i32
      %select_n3A_645 = arith.select %and3A_642, %sub3A_644, %div3A_623 : i32
      %mul3A_646 = arith.constant 32 : i32
      %mul3A_647 = arith.muli %select_n3A_645, %mul3A_646 : i32
      %sub3A_648 = arith.subi %add3A_621, %mul3A_647 : i32
      %mul3A_649 = arith.constant 8 : i32
      %mul3A_650 = arith.muli %select_n3A_645, %mul3A_649 : i32
      %dma_start3A_651 = arith.constant 3 : i32
      %dma_start3A_652 = arith.constant 3 : i32
      %dma_start3A_653 = arith.constant 0 : i32
      %dma_start3A_654 = arith.constant 0 : i32
      %dma_start3A_655 = arith.constant 0 : i32
      %dma_start3A_656 = tpu.memref_slice %arg7[%dma_start3A_651, %dma_start3A_653, %dma_start3A_654, %dma_start3A_655] : memref<4x8x8x129xf32, #tpu.memory_space<vmem>> -> memref<1x8x8x128xf32, #tpu.memory_space<vmem>>
      %dma_start3A_657 = tpu.memref_squeeze %dma_start3A_656 : memref<1x8x8x128xf32, #tpu.memory_space<vmem>> -> memref<8x8x128xf32, #tpu.memory_space<vmem>>
      %dma_start3A_658 = arith.constant 0 : i32
      %dma_start3A_659 = arith.constant 0 : i32
      %dma_start3A_660 = tpu.memref_slice %arg4[%mul3A_650, %sub3A_648, %dma_start3A_658, %dma_start3A_659] : memref<1600x32x8x128xf32, #tpu.memory_space<hbm>> -> memref<8x1x8x128xf32, #tpu.memory_space<hbm>>
      %dma_start3A_661 = tpu.memref_squeeze %dma_start3A_660 : memref<8x1x8x128xf32, #tpu.memory_space<hbm>> -> memref<8x8x128xf32, #tpu.memory_space<hbm>>
      %dma_start3A_662 = tpu.memref_slice %arg9[%dma_start3A_652] : memref<4x!tpu.dma_semaphore, #tpu.memory_space<semaphore_mem>> -> memref<1x!tpu.dma_semaphore, #tpu.memory_space<semaphore_mem>>
      %dma_start3A_663 = tpu.memref_squeeze %dma_start3A_662 : memref<1x!tpu.dma_semaphore, #tpu.memory_space<semaphore_mem>> -> memref<!tpu.dma_semaphore, #tpu.memory_space<semaphore_mem>>
      %dma_start3A_664 = arith.constant 0 : i32
      %dma_start3A_665 = arith.constant 0 : i32
      %dma_start3A_666 = tpu.memref_slice %arg4[%mul3A_650, %sub3A_648, %dma_start3A_664, %dma_start3A_665] : memref<1600x32x8x128xf32, #tpu.memory_space<hbm>> -> memref<8x1x8x128xf32, #tpu.memory_space<hbm>>
      %dma_start3A_667 = tpu.memref_squeeze %dma_start3A_666 : memref<8x1x8x128xf32, #tpu.memory_space<hbm>> -> memref<8x8x128xf32, #tpu.memory_space<hbm>>
      %dma_start3A_668 = arith.constant 0 : i32
      %dma_start3A_669 = arith.constant 0 : i32
      %dma_start3A_670 = arith.constant 0 : i32
      %dma_start3A_671 = tpu.memref_slice %arg7[%dma_start3A_651, %dma_start3A_668, %dma_start3A_669, %dma_start3A_670] : memref<4x8x8x129xf32, #tpu.memory_space<vmem>> -> memref<1x8x8x128xf32, #tpu.memory_space<vmem>>
      %dma_start3A_672 = tpu.memref_squeeze %dma_start3A_671 : memref<1x8x8x128xf32, #tpu.memory_space<vmem>> -> memref<8x8x128xf32, #tpu.memory_space<vmem>>
      tpu.enqueue_dma source(%dma_start3A_672 : memref<8x8x128xf32, #tpu.memory_space<vmem>>) target(%dma_start3A_667 : memref<8x8x128xf32, #tpu.memory_space<hbm>>) target_semaphore(%dma_start3A_663 : memref<!tpu.dma_semaphore, #tpu.memory_space<semaphore_mem>>)
      %add3A_673 = arith.constant 4 : i32
      %add3A_674 = arith.addi %add3A_589, %add3A_673 : i32
      %lt3A_675 = arith.constant 200 : i32
      %lt3A_676 = arith.cmpi slt, %add3A_674, %lt3A_675 : i32
      %convert_element_type3A_677 = arith.extui %lt3A_676 : i1 to i32
      %cond3A_678 = arith.constant 0 : i32
      %cond3A_679 = arith.cmpi ne, %convert_element_type3A_677, %cond3A_678 : i32
      scf.if %cond3A_679 {
        %add3A_680 = arith.constant 4 : i32
        %add3A_681 = arith.addi %add3A_589, %add3A_680 : i32
        %dma_start3A_682 = arith.constant 3 : i32
        %dma_start3A_683 = arith.constant 3 : i32
        %dma_start3A_684 = arith.constant 0 : i32
        %dma_start3A_685 = arith.constant 0 : i32
        %dma_start3A_686 = tpu.memref_slice %arg6[%dma_start3A_682, %dma_start3A_684, %dma_start3A_685] : memref<4x128x64xf32, #tpu.memory_space<vmem>> -> memref<1x128x64xf32, #tpu.memory_space<vmem>>
        %dma_start3A_687 = tpu.memref_squeeze %dma_start3A_686 : memref<1x128x64xf32, #tpu.memory_space<vmem>> -> memref<128x64xf32, #tpu.memory_space<vmem>>
        %dma_start3A_688 = arith.constant 0 : i32
        %dma_start3A_689 = tpu.memref_slice %arg5[%add3A_681, %dma_start3A_688] : memref<200x128xi32, #tpu.memory_space<vmem>> -> memref<1x128xi32, #tpu.memory_space<vmem>>
        %dma_start3A_690 = tpu.memref_squeeze %dma_start3A_689 : memref<1x128xi32, #tpu.memory_space<vmem>> -> memref<128xi32, #tpu.memory_space<vmem>>
        %dma_start3A_691 = arith.constant 0 : i32
        %dma_start3A_692 = arith.constant 0 : i32
        %dma_start3A_693 = tpu.memref_slice %arg2[%dma_start3A_691, %dma_start3A_692] : memref<2000000x64xf32, #tpu.memory_space<hbm>> -> memref<2000000x64xf32, #tpu.memory_space<hbm>>
        %dma_start3A_694 = tpu.memref_slice %arg8[%dma_start3A_683] : memref<4x!tpu.dma_semaphore, #tpu.memory_space<semaphore_mem>> -> memref<1x!tpu.dma_semaphore, #tpu.memory_space<semaphore_mem>>
        %dma_start3A_695 = tpu.memref_squeeze %dma_start3A_694 : memref<1x!tpu.dma_semaphore, #tpu.memory_space<semaphore_mem>> -> memref<!tpu.dma_semaphore, #tpu.memory_space<semaphore_mem>>
        tpu.enqueue_indirect_dma source(%dma_start3A_693 : memref<2000000x64xf32, #tpu.memory_space<hbm>>) target(%dma_start3A_687 : memref<128x64xf32, #tpu.memory_space<vmem>>) offsets(%dma_start3A_690 : memref<128xi32, #tpu.memory_space<vmem>>) semaphore(%dma_start3A_695 : memref<!tpu.dma_semaphore, #tpu.memory_space<semaphore_mem>>)
      } else {
      }
    }
    %scan3A_102 = arith.constant 50 : i32
    %add3A_103 = arith.constant 196 : i32
    %add3A_104 = arith.addi %mul3A_2, %add3A_103 : i32
    %jit3A = arith.constant 32 : i32
    %div3A = arith.divsi %add3A_104, %jit3A : i32
    %sign3A = arith.constant 0 : i32
    %sign3A_105 = arith.cmpi sgt, %add3A_104, %sign3A : i32
    %sign3A_106 = arith.extui %sign3A_105 : i1 to i32
    %sign3A_107 = arith.constant 0 : i32
    %sign3A_108 = arith.cmpi slt, %add3A_104, %sign3A_107 : i32
    %sign3A_109 = arith.extui %sign3A_108 : i1 to i32
    %sign3A_110 = arith.subi %sign3A_106, %sign3A_109 : i32
    %sign3A_111 = arith.constant 0 : i32
    %sign3A_112 = arith.cmpi sgt, %jit3A, %sign3A_111 : i32
    %sign3A_113 = arith.extui %sign3A_112 : i1 to i32
    %sign3A_114 = arith.constant 0 : i32
    %sign3A_115 = arith.cmpi slt, %jit3A, %sign3A_114 : i32
    %sign3A_116 = arith.extui %sign3A_115 : i1 to i32
    %sign3A_117 = arith.subi %sign3A_113, %sign3A_116 : i32
    %ne3A = arith.cmpi ne, %sign3A_110, %sign3A_117 : i32
    %rem3A = arith.remsi %add3A_104, %jit3A : i32
    %ne3A_118 = arith.constant 0 : i32
    %ne3A_119 = arith.cmpi ne, %rem3A, %ne3A_118 : i32
    %and3A_120 = arith.andi %ne3A, %ne3A_119 : i1
    %sub3A = arith.constant 1 : i32
    %sub3A_121 = arith.subi %div3A, %sub3A : i32
    %select_n3A = arith.select %and3A_120, %sub3A_121, %div3A : i32
    %mul3A_122 = arith.constant 32 : i32
    %mul3A_123 = arith.muli %select_n3A, %mul3A_122 : i32
    %sub3A_124 = arith.subi %add3A_104, %mul3A_123 : i32
    %mul3A_125 = arith.constant 8 : i32
    %mul3A_126 = arith.muli %select_n3A, %mul3A_125 : i32
    %dma_wait3A = arith.constant 0 : i32
    %dma_wait3A_127 = arith.constant 0 : i32
    %dma_wait3A_128 = arith.constant 0 : i32
    %dma_wait3A_129 = arith.constant 0 : i32
    %dma_wait3A_130 = arith.constant 0 : i32
    %dma_wait3A_131 = tpu.memref_slice %arg7[%dma_wait3A, %dma_wait3A_128, %dma_wait3A_129, %dma_wait3A_130] : memref<4x8x8x129xf32, #tpu.memory_space<vmem>> -> memref<1x8x8x128xf32, #tpu.memory_space<vmem>>
    %dma_wait3A_132 = tpu.memref_squeeze %dma_wait3A_131 : memref<1x8x8x128xf32, #tpu.memory_space<vmem>> -> memref<8x8x128xf32, #tpu.memory_space<vmem>>
    %dma_wait3A_133 = arith.constant 0 : i32
    %dma_wait3A_134 = arith.constant 0 : i32
    %dma_wait3A_135 = tpu.memref_slice %arg4[%mul3A_126, %sub3A_124, %dma_wait3A_133, %dma_wait3A_134] : memref<1600x32x8x128xf32, #tpu.memory_space<hbm>> -> memref<8x1x8x128xf32, #tpu.memory_space<hbm>>
    %dma_wait3A_136 = tpu.memref_squeeze %dma_wait3A_135 : memref<8x1x8x128xf32, #tpu.memory_space<hbm>> -> memref<8x8x128xf32, #tpu.memory_space<hbm>>
    %dma_wait3A_137 = tpu.memref_slice %arg9[%dma_wait3A_127] : memref<4x!tpu.dma_semaphore, #tpu.memory_space<semaphore_mem>> -> memref<1x!tpu.dma_semaphore, #tpu.memory_space<semaphore_mem>>
    %dma_wait3A_138 = tpu.memref_squeeze %dma_wait3A_137 : memref<1x!tpu.dma_semaphore, #tpu.memory_space<semaphore_mem>> -> memref<!tpu.dma_semaphore, #tpu.memory_space<semaphore_mem>>
    %dma_wait3A_139 = arith.constant 0 : i32
    %dma_wait3A_140 = arith.constant 0 : i32
    %dma_wait3A_141 = tpu.memref_slice %arg4[%mul3A_126, %sub3A_124, %dma_wait3A_139, %dma_wait3A_140] : memref<1600x32x8x128xf32, #tpu.memory_space<hbm>> -> memref<8x1x8x128xf32, #tpu.memory_space<hbm>>
    %dma_wait3A_142 = tpu.memref_squeeze %dma_wait3A_141 : memref<8x1x8x128xf32, #tpu.memory_space<hbm>> -> memref<8x8x128xf32, #tpu.memory_space<hbm>>
    %dma_wait3A_143 = arith.constant 0 : i32
    %dma_wait3A_144 = arith.constant 0 : i32
    %dma_wait3A_145 = arith.constant 0 : i32
    %dma_wait3A_146 = tpu.memref_slice %arg7[%dma_wait3A, %dma_wait3A_143, %dma_wait3A_144, %dma_wait3A_145] : memref<4x8x8x129xf32, #tpu.memory_space<vmem>> -> memref<1x8x8x128xf32, #tpu.memory_space<vmem>>
    %dma_wait3A_147 = tpu.memref_squeeze %dma_wait3A_146 : memref<1x8x8x128xf32, #tpu.memory_space<vmem>> -> memref<8x8x128xf32, #tpu.memory_space<vmem>>
    tpu.wait_dma2 semaphore(%dma_wait3A_138 : memref<!tpu.dma_semaphore, #tpu.memory_space<semaphore_mem>>) src(%dma_wait3A_147 : memref<8x8x128xf32, #tpu.memory_space<vmem>>) dst(%dma_wait3A_142 : memref<8x8x128xf32, #tpu.memory_space<hbm>>)
    %add3A_148 = arith.constant 197 : i32
    %add3A_149 = arith.addi %mul3A_2, %add3A_148 : i32
    %jit3A_150 = arith.constant 32 : i32
    %div3A_151 = arith.divsi %add3A_149, %jit3A_150 : i32
    %sign3A_152 = arith.constant 0 : i32
    %sign3A_153 = arith.cmpi sgt, %add3A_149, %sign3A_152 : i32
    %sign3A_154 = arith.extui %sign3A_153 : i1 to i32
    %sign3A_155 = arith.constant 0 : i32
    %sign3A_156 = arith.cmpi slt, %add3A_149, %sign3A_155 : i32
    %sign3A_157 = arith.extui %sign3A_156 : i1 to i32
    %sign3A_158 = arith.subi %sign3A_154, %sign3A_157 : i32
    %sign3A_159 = arith.constant 0 : i32
    %sign3A_160 = arith.cmpi sgt, %jit3A_150, %sign3A_159 : i32
    %sign3A_161 = arith.extui %sign3A_160 : i1 to i32
    %sign3A_162 = arith.constant 0 : i32
    %sign3A_163 = arith.cmpi slt, %jit3A_150, %sign3A_162 : i32
    %sign3A_164 = arith.extui %sign3A_163 : i1 to i32
    %sign3A_165 = arith.subi %sign3A_161, %sign3A_164 : i32
    %ne3A_166 = arith.cmpi ne, %sign3A_158, %sign3A_165 : i32
    %rem3A_167 = arith.remsi %add3A_149, %jit3A_150 : i32
    %ne3A_168 = arith.constant 0 : i32
    %ne3A_169 = arith.cmpi ne, %rem3A_167, %ne3A_168 : i32
    %and3A_170 = arith.andi %ne3A_166, %ne3A_169 : i1
    %sub3A_171 = arith.constant 1 : i32
    %sub3A_172 = arith.subi %div3A_151, %sub3A_171 : i32
    %select_n3A_173 = arith.select %and3A_170, %sub3A_172, %div3A_151 : i32
    %mul3A_174 = arith.constant 32 : i32
    %mul3A_175 = arith.muli %select_n3A_173, %mul3A_174 : i32
    %sub3A_176 = arith.subi %add3A_149, %mul3A_175 : i32
    %mul3A_177 = arith.constant 8 : i32
    %mul3A_178 = arith.muli %select_n3A_173, %mul3A_177 : i32
    %dma_wait3A_179 = arith.constant 1 : i32
    %dma_wait3A_180 = arith.constant 1 : i32
    %dma_wait3A_181 = arith.constant 0 : i32
    %dma_wait3A_182 = arith.constant 0 : i32
    %dma_wait3A_183 = arith.constant 0 : i32
    %dma_wait3A_184 = tpu.memref_slice %arg7[%dma_wait3A_179, %dma_wait3A_181, %dma_wait3A_182, %dma_wait3A_183] : memref<4x8x8x129xf32, #tpu.memory_space<vmem>> -> memref<1x8x8x128xf32, #tpu.memory_space<vmem>>
    %dma_wait3A_185 = tpu.memref_squeeze %dma_wait3A_184 : memref<1x8x8x128xf32, #tpu.memory_space<vmem>> -> memref<8x8x128xf32, #tpu.memory_space<vmem>>
    %dma_wait3A_186 = arith.constant 0 : i32
    %dma_wait3A_187 = arith.constant 0 : i32
    %dma_wait3A_188 = tpu.memref_slice %arg4[%mul3A_178, %sub3A_176, %dma_wait3A_186, %dma_wait3A_187] : memref<1600x32x8x128xf32, #tpu.memory_space<hbm>> -> memref<8x1x8x128xf32, #tpu.memory_space<hbm>>
    %dma_wait3A_189 = tpu.memref_squeeze %dma_wait3A_188 : memref<8x1x8x128xf32, #tpu.memory_space<hbm>> -> memref<8x8x128xf32, #tpu.memory_space<hbm>>
    %dma_wait3A_190 = tpu.memref_slice %arg9[%dma_wait3A_180] : memref<4x!tpu.dma_semaphore, #tpu.memory_space<semaphore_mem>> -> memref<1x!tpu.dma_semaphore, #tpu.memory_space<semaphore_mem>>
    %dma_wait3A_191 = tpu.memref_squeeze %dma_wait3A_190 : memref<1x!tpu.dma_semaphore, #tpu.memory_space<semaphore_mem>> -> memref<!tpu.dma_semaphore, #tpu.memory_space<semaphore_mem>>
    %dma_wait3A_192 = arith.constant 0 : i32
    %dma_wait3A_193 = arith.constant 0 : i32
    %dma_wait3A_194 = tpu.memref_slice %arg4[%mul3A_178, %sub3A_176, %dma_wait3A_192, %dma_wait3A_193] : memref<1600x32x8x128xf32, #tpu.memory_space<hbm>> -> memref<8x1x8x128xf32, #tpu.memory_space<hbm>>
    %dma_wait3A_195 = tpu.memref_squeeze %dma_wait3A_194 : memref<8x1x8x128xf32, #tpu.memory_space<hbm>> -> memref<8x8x128xf32, #tpu.memory_space<hbm>>
    %dma_wait3A_196 = arith.constant 0 : i32
    %dma_wait3A_197 = arith.constant 0 : i32
    %dma_wait3A_198 = arith.constant 0 : i32
    %dma_wait3A_199 = tpu.memref_slice %arg7[%dma_wait3A_179, %dma_wait3A_196, %dma_wait3A_197, %dma_wait3A_198] : memref<4x8x8x129xf32, #tpu.memory_space<vmem>> -> memref<1x8x8x128xf32, #tpu.memory_space<vmem>>
    %dma_wait3A_200 = tpu.memref_squeeze %dma_wait3A_199 : memref<1x8x8x128xf32, #tpu.memory_space<vmem>> -> memref<8x8x128xf32, #tpu.memory_space<vmem>>
    tpu.wait_dma2 semaphore(%dma_wait3A_191 : memref<!tpu.dma_semaphore, #tpu.memory_space<semaphore_mem>>) src(%dma_wait3A_200 : memref<8x8x128xf32, #tpu.memory_space<vmem>>) dst(%dma_wait3A_195 : memref<8x8x128xf32, #tpu.memory_space<hbm>>)
    %add3A_201 = arith.constant 198 : i32
    %add3A_202 = arith.addi %mul3A_2, %add3A_201 : i32
    %jit3A_203 = arith.constant 32 : i32
    %div3A_204 = arith.divsi %add3A_202, %jit3A_203 : i32
    %sign3A_205 = arith.constant 0 : i32
    %sign3A_206 = arith.cmpi sgt, %add3A_202, %sign3A_205 : i32
    %sign3A_207 = arith.extui %sign3A_206 : i1 to i32
    %sign3A_208 = arith.constant 0 : i32
    %sign3A_209 = arith.cmpi slt, %add3A_202, %sign3A_208 : i32
    %sign3A_210 = arith.extui %sign3A_209 : i1 to i32
    %sign3A_211 = arith.subi %sign3A_207, %sign3A_210 : i32
    %sign3A_212 = arith.constant 0 : i32
    %sign3A_213 = arith.cmpi sgt, %jit3A_203, %sign3A_212 : i32
    %sign3A_214 = arith.extui %sign3A_213 : i1 to i32
    %sign3A_215 = arith.constant 0 : i32
    %sign3A_216 = arith.cmpi slt, %jit3A_203, %sign3A_215 : i32
    %sign3A_217 = arith.extui %sign3A_216 : i1 to i32
    %sign3A_218 = arith.subi %sign3A_214, %sign3A_217 : i32
    %ne3A_219 = arith.cmpi ne, %sign3A_211, %sign3A_218 : i32
    %rem3A_220 = arith.remsi %add3A_202, %jit3A_203 : i32
    %ne3A_221 = arith.constant 0 : i32
    %ne3A_222 = arith.cmpi ne, %rem3A_220, %ne3A_221 : i32
    %and3A_223 = arith.andi %ne3A_219, %ne3A_222 : i1
    %sub3A_224 = arith.constant 1 : i32
    %sub3A_225 = arith.subi %div3A_204, %sub3A_224 : i32
    %select_n3A_226 = arith.select %and3A_223, %sub3A_225, %div3A_204 : i32
    %mul3A_227 = arith.constant 32 : i32
    %mul3A_228 = arith.muli %select_n3A_226, %mul3A_227 : i32
    %sub3A_229 = arith.subi %add3A_202, %mul3A_228 : i32
    %mul3A_230 = arith.constant 8 : i32
    %mul3A_231 = arith.muli %select_n3A_226, %mul3A_230 : i32
    %dma_wait3A_232 = arith.constant 2 : i32
    %dma_wait3A_233 = arith.constant 2 : i32
    %dma_wait3A_234 = arith.constant 0 : i32
    %dma_wait3A_235 = arith.constant 0 : i32
    %dma_wait3A_236 = arith.constant 0 : i32
    %dma_wait3A_237 = tpu.memref_slice %arg7[%dma_wait3A_232, %dma_wait3A_234, %dma_wait3A_235, %dma_wait3A_236] : memref<4x8x8x129xf32, #tpu.memory_space<vmem>> -> memref<1x8x8x128xf32, #tpu.memory_space<vmem>>
    %dma_wait3A_238 = tpu.memref_squeeze %dma_wait3A_237 : memref<1x8x8x128xf32, #tpu.memory_space<vmem>> -> memref<8x8x128xf32, #tpu.memory_space<vmem>>
    %dma_wait3A_239 = arith.constant 0 : i32
    %dma_wait3A_240 = arith.constant 0 : i32
    %dma_wait3A_241 = tpu.memref_slice %arg4[%mul3A_231, %sub3A_229, %dma_wait3A_239, %dma_wait3A_240] : memref<1600x32x8x128xf32, #tpu.memory_space<hbm>> -> memref<8x1x8x128xf32, #tpu.memory_space<hbm>>
    %dma_wait3A_242 = tpu.memref_squeeze %dma_wait3A_241 : memref<8x1x8x128xf32, #tpu.memory_space<hbm>> -> memref<8x8x128xf32, #tpu.memory_space<hbm>>
    %dma_wait3A_243 = tpu.memref_slice %arg9[%dma_wait3A_233] : memref<4x!tpu.dma_semaphore, #tpu.memory_space<semaphore_mem>> -> memref<1x!tpu.dma_semaphore, #tpu.memory_space<semaphore_mem>>
    %dma_wait3A_244 = tpu.memref_squeeze %dma_wait3A_243 : memref<1x!tpu.dma_semaphore, #tpu.memory_space<semaphore_mem>> -> memref<!tpu.dma_semaphore, #tpu.memory_space<semaphore_mem>>
    %dma_wait3A_245 = arith.constant 0 : i32
    %dma_wait3A_246 = arith.constant 0 : i32
    %dma_wait3A_247 = tpu.memref_slice %arg4[%mul3A_231, %sub3A_229, %dma_wait3A_245, %dma_wait3A_246] : memref<1600x32x8x128xf32, #tpu.memory_space<hbm>> -> memref<8x1x8x128xf32, #tpu.memory_space<hbm>>
    %dma_wait3A_248 = tpu.memref_squeeze %dma_wait3A_247 : memref<8x1x8x128xf32, #tpu.memory_space<hbm>> -> memref<8x8x128xf32, #tpu.memory_space<hbm>>
    %dma_wait3A_249 = arith.constant 0 : i32
    %dma_wait3A_250 = arith.constant 0 : i32
    %dma_wait3A_251 = arith.constant 0 : i32
    %dma_wait3A_252 = tpu.memref_slice %arg7[%dma_wait3A_232, %dma_wait3A_249, %dma_wait3A_250, %dma_wait3A_251] : memref<4x8x8x129xf32, #tpu.memory_space<vmem>> -> memref<1x8x8x128xf32, #tpu.memory_space<vmem>>
    %dma_wait3A_253 = tpu.memref_squeeze %dma_wait3A_252 : memref<1x8x8x128xf32, #tpu.memory_space<vmem>> -> memref<8x8x128xf32, #tpu.memory_space<vmem>>
    tpu.wait_dma2 semaphore(%dma_wait3A_244 : memref<!tpu.dma_semaphore, #tpu.memory_space<semaphore_mem>>) src(%dma_wait3A_253 : memref<8x8x128xf32, #tpu.memory_space<vmem>>) dst(%dma_wait3A_248 : memref<8x8x128xf32, #tpu.memory_space<hbm>>)
    %add3A_254 = arith.constant 199 : i32
    %add3A_255 = arith.addi %mul3A_2, %add3A_254 : i32
    %jit3A_256 = arith.constant 32 : i32
    %div3A_257 = arith.divsi %add3A_255, %jit3A_256 : i32
    %sign3A_258 = arith.constant 0 : i32
    %sign3A_259 = arith.cmpi sgt, %add3A_255, %sign3A_258 : i32
    %sign3A_260 = arith.extui %sign3A_259 : i1 to i32
    %sign3A_261 = arith.constant 0 : i32
    %sign3A_262 = arith.cmpi slt, %add3A_255, %sign3A_261 : i32
    %sign3A_263 = arith.extui %sign3A_262 : i1 to i32
    %sign3A_264 = arith.subi %sign3A_260, %sign3A_263 : i32
    %sign3A_265 = arith.constant 0 : i32
    %sign3A_266 = arith.cmpi sgt, %jit3A_256, %sign3A_265 : i32
    %sign3A_267 = arith.extui %sign3A_266 : i1 to i32
    %sign3A_268 = arith.constant 0 : i32
    %sign3A_269 = arith.cmpi slt, %jit3A_256, %sign3A_268 : i32
    %sign3A_270 = arith.extui %sign3A_269 : i1 to i32
    %sign3A_271 = arith.subi %sign3A_267, %sign3A_270 : i32
    %ne3A_272 = arith.cmpi ne, %sign3A_264, %sign3A_271 : i32
    %rem3A_273 = arith.remsi %add3A_255, %jit3A_256 : i32
    %ne3A_274 = arith.constant 0 : i32
    %ne3A_275 = arith.cmpi ne, %rem3A_273, %ne3A_274 : i32
    %and3A_276 = arith.andi %ne3A_272, %ne3A_275 : i1
    %sub3A_277 = arith.constant 1 : i32
    %sub3A_278 = arith.subi %div3A_257, %sub3A_277 : i32
    %select_n3A_279 = arith.select %and3A_276, %sub3A_278, %div3A_257 : i32
    %mul3A_280 = arith.constant 32 : i32
    %mul3A_281 = arith.muli %select_n3A_279, %mul3A_280 : i32
    %sub3A_282 = arith.subi %add3A_255, %mul3A_281 : i32
    %mul3A_283 = arith.constant 8 : i32
    %mul3A_284 = arith.muli %select_n3A_279, %mul3A_283 : i32
    %dma_wait3A_285 = arith.constant 3 : i32
    %dma_wait3A_286 = arith.constant 3 : i32
    %dma_wait3A_287 = arith.constant 0 : i32
    %dma_wait3A_288 = arith.constant 0 : i32
    %dma_wait3A_289 = arith.constant 0 : i32
    %dma_wait3A_290 = tpu.memref_slice %arg7[%dma_wait3A_285, %dma_wait3A_287, %dma_wait3A_288, %dma_wait3A_289] : memref<4x8x8x129xf32, #tpu.memory_space<vmem>> -> memref<1x8x8x128xf32, #tpu.memory_space<vmem>>
    %dma_wait3A_291 = tpu.memref_squeeze %dma_wait3A_290 : memref<1x8x8x128xf32, #tpu.memory_space<vmem>> -> memref<8x8x128xf32, #tpu.memory_space<vmem>>
    %dma_wait3A_292 = arith.constant 0 : i32
    %dma_wait3A_293 = arith.constant 0 : i32
    %dma_wait3A_294 = tpu.memref_slice %arg4[%mul3A_284, %sub3A_282, %dma_wait3A_292, %dma_wait3A_293] : memref<1600x32x8x128xf32, #tpu.memory_space<hbm>> -> memref<8x1x8x128xf32, #tpu.memory_space<hbm>>
    %dma_wait3A_295 = tpu.memref_squeeze %dma_wait3A_294 : memref<8x1x8x128xf32, #tpu.memory_space<hbm>> -> memref<8x8x128xf32, #tpu.memory_space<hbm>>
    %dma_wait3A_296 = tpu.memref_slice %arg9[%dma_wait3A_286] : memref<4x!tpu.dma_semaphore, #tpu.memory_space<semaphore_mem>> -> memref<1x!tpu.dma_semaphore, #tpu.memory_space<semaphore_mem>>
    %dma_wait3A_297 = tpu.memref_squeeze %dma_wait3A_296 : memref<1x!tpu.dma_semaphore, #tpu.memory_space<semaphore_mem>> -> memref<!tpu.dma_semaphore, #tpu.memory_space<semaphore_mem>>
    %dma_wait3A_298 = arith.constant 0 : i32
    %dma_wait3A_299 = arith.constant 0 : i32
    %dma_wait3A_300 = tpu.memref_slice %arg4[%mul3A_284, %sub3A_282, %dma_wait3A_298, %dma_wait3A_299] : memref<1600x32x8x128xf32, #tpu.memory_space<hbm>> -> memref<8x1x8x128xf32, #tpu.memory_space<hbm>>
    %dma_wait3A_301 = tpu.memref_squeeze %dma_wait3A_300 : memref<8x1x8x128xf32, #tpu.memory_space<hbm>> -> memref<8x8x128xf32, #tpu.memory_space<hbm>>
    %dma_wait3A_302 = arith.constant 0 : i32
    %dma_wait3A_303 = arith.constant 0 : i32
    %dma_wait3A_304 = arith.constant 0 : i32
    %dma_wait3A_305 = tpu.memref_slice %arg7[%dma_wait3A_285, %dma_wait3A_302, %dma_wait3A_303, %dma_wait3A_304] : memref<4x8x8x129xf32, #tpu.memory_space<vmem>> -> memref<1x8x8x128xf32, #tpu.memory_space<vmem>>
    %dma_wait3A_306 = tpu.memref_squeeze %dma_wait3A_305 : memref<1x8x8x128xf32, #tpu.memory_space<vmem>> -> memref<8x8x128xf32, #tpu.memory_space<vmem>>
    tpu.wait_dma2 semaphore(%dma_wait3A_297 : memref<!tpu.dma_semaphore, #tpu.memory_space<semaphore_mem>>) src(%dma_wait3A_306 : memref<8x8x128xf32, #tpu.memory_space<vmem>>) dst(%dma_wait3A_301 : memref<8x8x128xf32, #tpu.memory_space<hbm>>)
    return
  }
}

</mosaic_0001>

<sc_bundles>
// kernel: kernel.3.cloned.1.call-start
scs
__scs_entry_jumppad:
0x0: {  	(pc) =	sbr.rel $0x88, $3  }
0x1: {  	(tag) =	ssettag $0x0;
	lr =	simm.s32 $0x1  }
0x2: {  	[smem:$0x3F9F] =	sst lr;
	_ =	strace $0xD0000000  }
0x3: {  	_ = 	snop  }
0x4: {  	_ = 	snop  }
0x5: {  	_ = 	snop  }
0x6: {  	_ = 	snop  }
0x7: {  	_ = 	snop  }
__scs_overlays_trampoline_lowered:
0x8: {  	[smem:$0x3FAE] =	sst s0  }
0x9: {  	[smem:$0x3FAF] =	sst s1  }
0xa: {  	[smem:$0x3FB0] =	sst s2  }
0xb: {  	[smem:$0x3FB1] =	sst s3  }
0xc: {  	[smem:$0x3FB2] =	sst s4  }
0xd: {  	[smem:$0x3FB3] =	sst s5  }
0xe: {  	[smem:$0x3FB4] =	sst s6  }
0xf: {  	[smem:$0x3FB5] =	sst s7  }
0x10: {  	[smem:$0x3FB6] =	sst s8  }
0x11: {  	[smem:$0x3FB7] =	sst s9;
	s0 =	simm.s32 @!p0 $0x0  }
0x12: {  	s1 =	sld [smem:$0x3F9D];
	s0 =	simm.s32 @p0 $0x1  }
0x13: {  	[smem:$0x3FB8] =	sst s0;
	s0 =	simm.s32 @!p1 $0x0  }
0x14: {  	s2 =	sld [smem:$0x3F9C];
	s0 =	simm.s32 @p1 $0x1  }
0x15: {  	[smem:$0x3FB9] =	sst s0;
	s0 =	simm.s32 @!p2 $0x0  }
0x16: {  	s3 =	sld [smem:$0x3FDB];
	s0 =	simm.s32 @p2 $0x1  }
0x17: {  	s4 =	simm.s32 $0x1BF5;
	[smem:$0x3FBB] =	sst s0  }
0x18: {  	s0 =	sld [smem:$0x3F9E];
	_ =	swait.ge [sflag:s4], $0x0  }
0x19: {  	s7 =	sld [smem:$0x3F9F]  }
0x1a: {  	s8 =	sadd.s32 $0xFFFFE003, lr  }
0x1b: {  	s9 =	sadd.s32 $0xFFFFFEF7, lr;
	s5 =	simm.s32 $0xFFFFFFFF;
	p2 =	slt.u32 s8, $0xFFFFF086  }
0x1c: {  	p1 =	slt.u32 s9, $0xF7A;
	s5 =	simm.s32 @!p2 $0x0  }
0x1d: {  	s5 =	simm.s32 @p1 $0x1;
	p0 =	seq.s32 s7, s2  }
0x1e: {  	s7 =	smul.u32 @!p0 $0xF7A, s2;
	p2 =	seq.s32 @!p0 s5, $0x0  }
0x1f: {  	s9 =	smul.u32 $0xF7A, s1;
	s8 =	simm.s32 @!p0 $0x1BF5;
	p2 =	por !p2, p0  }
0x20: {  	[sflag:s8] =	ssyncset.s32 @!p0 $0xFFFFF086;
	s6 =	sadd.s32 @!p0 s3, s7;
	s7 =	simm.s32 @!p0 $0x108  }
0x21: {  	s3 =	sadd.s32 s3, s9;
	s6 =	sadd.s32 @!p0 $0x88, s6;
	s7 =	simm.s32 @p2 $0x1082  }
0x22: {  	[simem:s7], [sflag:s8] =	dma.local @!p0 [hbm:s6], $0xF7A  }
0x23: {  	s9 =	sor.u32 $0xD0000000, s2;
	s6 =	simm.s32 $0x108;
	_ =	swait.ge @!p0 [sflag:s8], $0x0  }
0x24: {  	s3 =	sadd.s32 $0x88, s3;
	s6 =	simm.s32 @!p1 $0x1082;
	[sflag:s4] =	ssyncset.s32 $0xFFFFF086  }
0x25: {  	[simem:s6], [sflag:s4] =	dma.local [hbm:s3], $0xF7A  }
0x26: {  	[smem:$0x3F9F] =	sst s1;
	(tag) =	ssettag s2;
	_ =	strace s9  }
0x27: {  	s1 =	sld [smem:$0x3FAF]  }
0x28: {  	s2 =	sld [smem:$0x3FB0]  }
0x29: {  	s4 =	sld [smem:$0x3FB2]  }
0x2a: {  	p0 =	seq.s32 s5, $0x0;
	s5 =	sld [smem:$0x3FB3]  }
0x2b: {  	s6 =	sld [smem:$0x3FB4]  }
0x2c: {  	s7 =	sld [smem:$0x3FB5]  }
0x2d: {  	s3 =	simm.s32 $0x108;
	s8 =	sld [smem:$0x3FB6]  }
0x2e: {  	s3 =	simm.s32 @!p0 $0x1082;
	s9 =	sld [smem:$0x3FB7]  }
0x2f: {  	lr =	sadd.s32 s0, s3;
	s0 =	sld [smem:$0x3FAE]  }
0x30: {  	s3 =	sld [smem:$0x3FB1]  }
0x31: {  	[smem:$0x3FBA] =	sst s10  }
0x32: {  	s10 =	sld [smem:$0x3FB8];
	_ =	sdelay $0x3  }
0x33: {  	p0 =	seq.s32 s10, $0x1;
	s10 =	sld [smem:$0x3FBA];
	_ =	sdelay $0x3  }
0x34: {  	[smem:$0x3FBA] =	sst s10  }
0x35: {  	s10 =	sld [smem:$0x3FB9];
	_ =	sdelay $0x3  }
0x36: {  	p1 =	seq.s32 s10, $0x1;
	s10 =	sld [smem:$0x3FBA];
	_ =	sdelay $0x3  }
0x37: {  	[smem:$0x3FBA] =	sst s10  }
0x38: {  	s10 =	sld [smem:$0x3FBB]  }
0x39: {  	_ = 	snop;
	(pc) =	sbr.ind lr, $3  }
0x3a: {  	_ = 	snop  }
0x3b: {  	_ = 	snop  }
0x3c: {  	p2 =	seq.s32 s10, $0x1;
	s10 =	sld [smem:$0x3FBA]  }
0x3d: {  	_ =	shalt  }
0x3e: {  	_ =	shalt  }
0x3f: {  	_ =	shalt  }
0x40: {  	_ =	shalt  }
0x41: {  	_ =	shalt  }
0x42: {  	_ =	shalt  }
0x43: {  	_ =	shalt  }
0x44: {  	_ =	shalt  }
0x45: {  	_ =	shalt  }
0x46: {  	_ =	shalt  }
0x47: {  	_ =	shalt  }
0x48: {  	_ =	shalt  }
0x49: {  	_ =	shalt  }
0x4a: {  	_ =	shalt  }
0x4b: {  	_ =	shalt  }
0x4c: {  	_ =	shalt  }
0x4d: {  	_ =	shalt  }
0x4e: {  	_ =	shalt  }
0x4f: {  	_ =	shalt  }
0x50: {  	_ =	shalt  }
0x51: {  	_ =	shalt  }
0x52: {  	_ =	shalt  }
0x53: {  	_ =	shalt  }
0x54: {  	_ =	shalt  }
0x55: {  	_ =	shalt  }
0x56: {  	_ =	shalt  }
0x57: {  	_ =	shalt  }
0x58: {  	_ =	shalt  }
0x59: {  	_ =	shalt  }
0x5a: {  	_ =	shalt  }
0x5b: {  	_ =	shalt  }
0x5c: {  	_ =	shalt  }
0x5d: {  	_ =	shalt  }
0x5e: {  	_ =	shalt  }
0x5f: {  	_ =	shalt  }
0x60: {  	_ =	shalt  }
0x61: {  	_ =	shalt  }
0x62: {  	_ =	shalt  }
0x63: {  	_ =	shalt  }
0x64: {  	_ =	shalt  }
0x65: {  	_ =	shalt  }
0x66: {  	_ =	shalt  }
0x67: {  	_ =	shalt  }
0x68: {  	_ =	shalt  }
0x69: {  	_ =	shalt  }
0x6a: {  	_ =	shalt  }
0x6b: {  	_ =	shalt  }
0x6c: {  	_ =	shalt  }
0x6d: {  	_ =	shalt  }
0x6e: {  	_ =	shalt  }
0x6f: {  	_ =	shalt  }
0x70: {  	_ =	shalt  }
0x71: {  	_ =	shalt  }
0x72: {  	_ =	shalt  }
0x73: {  	_ =	shalt  }
0x74: {  	_ =	shalt  }
0x75: {  	_ =	shalt  }
0x76: {  	_ =	shalt  }
0x77: {  	_ =	shalt  }
0x78: {  	_ =	shalt  }
0x79: {  	_ =	shalt  }
0x7a: {  	_ =	shalt  }
0x7b: {  	_ =	shalt  }
0x7c: {  	_ =	shalt  }
0x7d: {  	_ =	shalt  }
0x7e: {  	_ =	shalt  }
0x7f: {  	_ =	shalt  }
0x80: {  	_ =	shalt  }
0x81: {  	_ =	shalt  }
0x82: {  	_ =	shalt  }
0x83: {  	_ =	shalt  }
0x84: {  	_ =	shalt  }
0x85: {  	_ =	shalt  }
0x86: {  	_ =	shalt  }
0x87: {  	_ =	shalt  }
.Lfunc_end0:
.L_simem_size_0:
called_computation.1_lowered:
.L_overlay_start_0:
0x88: {  	s2 =	sld [smem:$0x3FD9]  }
0x89: {  	s3 =	sld [smem:$0x3FFE];
	_ =	sdelay $0x1  }
0x8a: {  	s1 =	srdreg.scid  }
0x8b: {  	s0 =	sand.u32 $0x1, s1  }
0x8c: {  	s17 =	sshll.u32 s0, $0xA;
	s2 =	sadd.s32 s3, s2  }
0x8d: {  	s2 =	sadd.s32 s2, s17  }
0x8e: {  	[smem:$0x3FC6] =	sst s2  }
0x8f: {  	_ = 	snop  }
0x90: {  	s2 =	sld [smem:$0x3FD0];
	(tm) =	ssettm $0x1  }
0x91: {  	s18 =	sld [smem:$0x3FFB];
	_ =	sdelay $0x3  }
0x92: {  	_ =	strace s18  }
0x93: {  	s3 =	sld [smem:$0x3FFC];
	_ =	sdelay $0x3  }
0x94: {  	_ =	strace s3  }
0x95: {  	s3 =	sld [smem:$0x3FFD];
	_ =	sdelay $0x3  }
0x96: {  	_ =	strace s3  }
0x97: {  	_ =	strace $0x8FFFFFFF  }
0x98: {  	s19 =	sld [smem:$0x3FDB];
	_ =	sdelay $0x1  }
0x99: {  	s4 =	simm.s32 $_scs_section_size  }
0x9a: {  	s5 =	simm.s32 $_size__tile_overlayer_lowered;
	s6 =	simm.s32 $_tile_overlayer_lowered  }
0x9b: {  	s22 =	simm.s32 $0x1BFF;
	s21 =	sshll.u32 s6, $0x1;
	s3 =	sadd.s32 s4, s19  }
0x9c: {  	s7 =	simm.s32 $0x0;
	s20 =	sshll.u32 s5, $0x1;
	s5 =	sadd.s32 s21, s3  }
0x9d: {  	[timem:s7], [sflag:s22] =	dma.local [hbm:s5], s20  }
0x9e: {  	_ =	swait.ge [sflag:s22], s20  }
0x9f: {  	s4 =	ssub.s32 $0x0, s20;
	[sflag:s22] =	ssyncset.done $0x0  }
0xa0: {  	[sflag:s22] =	ssyncadd.s32 s4;
	_ =	sdelay $0x1  }
0xa1: {  	s23 =	simm.s32 $0x1B8B  }
0xa2: {  	_ =	swait.ge [sflag:s23], $0x1  }
0xa3: {  	[sflag:s23] =	ssyncset.done $0x0  }
0xa4: {  	s25 =	simm.s32 $0x1B8E;
	s24 =	sld [smem:$0x3FFE];
	[sflag:s23] =	ssyncadd.s32 $0xFFFFFFFF  }
0xa5: {  	s26 =	simm.s32 $execute0_lowered;
	[smem:$0x3FD2] =	sst s25  }
0xa6: {  	s5 =	sshll.u32 s26, $0x1;
	_ =	strace $0x80000049;
	[dreg:$0x1] =	wrdreg $0xFFFFFFFF  }
0xa7: {  	s28 =	simm.s32 $_size_execute0_lowered;
	s3 =	sadd.s32 s3, s5;
	[dreg:$0x0] =	wrdreg $0x0  }
0xa8: {  	s5 =	sshll.u32 s28, $0x1;
	[dreg:$0x2] =	wrdreg s3  }
0xa9: {  	[dreg:$0x3] =	wrdreg s5  }
0xaa: {  	[dreg:$0x4] =	wrdreg $0xC0  }
0xab: {  	_ =	task [dreg:s7], $0x5FFFF  }
0xac: {  	[dreg:$0x1] =	wrdreg $0xFFFFFFFF  }
0xad: {  	[dreg:$0x0] =	wrdreg $0x60  }
0xae: {  	[dreg:$0x2] =	wrdreg s24  }
0xaf: {  	[dreg:$0x3] =	wrdreg s2  }
0xb0: {  	[dreg:$0x4] =	wrdreg $0x9  }
0xb1: {  	_ =	task.clear_ibuf [dreg:s7], $0x5FFFF;
	_ =	strace $0x90000049  }
0xb2: {  	s29 =	simm.s32 $0x9;
	_ =	strace $0x8000004B  }
0xb3: {  	_ =	swait.ge [sflag:s29], $0x1  }
0xb4: {  	[sflag:s29] =	ssyncadd.s32 $0xFFFFFFFF  }
0xb5: {  	_ =	strace $0x9000004B  }
0xb6: {  	_ =	sfence  }
0xb7: {  	s30 =	sld [smem:$0x0];
	_ =	sdelay $0x2  }
0xb8: {  	s31 =	sshll.u32 s1, $0xD;
	s1 =	sshrl.u32 s1, $0x2  }
0xb9: {  	s3 =	sand.u32 $0x4000, s31;
	s1 =	sadd.s32 s1, s30  }
0xba: {  	s0 =	sor.u32 s3, s0;
	s1 =	sshll.u32 s1, $0x11  }
0xbb: {  	s0 =	sor.u32 s1, s0  }
0xbc: {  	s0 =	sadd.s32 $0x8F2B, s0  }
0xbd: {  	[sflag:s0] =	ssyncadd.remote.s32 $0x1  }
0xbe: {  	_ =	sfence.sel $0xFFFF  }
0xbf: {  	[dreg:$0x0] =	wrdreg $0xFFFFFFFF;
	(pc) =	sbr.abs _section_cstart, $3  }
0xc0: {  	[dreg:$0x1] =	wrdreg $0xFFFFFFFF  }
0xc1: {  	_ =	task.clear_ibuf [dreg:s7], $0x2FFFF;
	_ =	strace $0x9FFFFFFF  }
0xc2: {  	(tm) =	ssettm $0x7FFFFFFF  }
0xc3: {  	_ =	shalt  }
tec
execute0_lowered:
.L_overlay_start_1:
0x0: {  	(tag) =	ssettag $0x1  }
0x1: {  	v0 =	vlaneseq.u32  }
0x2: {  	v0 =	vmul.u32 $0x88, v0  }
0x3: {  	s0 =	rddreg [dreg:$0x0];
	s1 =	srdreg.scid;
	v1 =	vimm.s32 $0x0;
	vm0 =	vcmask $0x300  }
0x4: {  	s3 =	stileid.u32;
	s2 =	rddreg [dreg:$0x1];
	s9 =	simm.s32 $0x80;
	v1 =	vsel vm0, $0x3, v1;
	v2 =	vor.u32 $0x1, v0  }
0x5: {  	s15 =	simm.s32 $0xC400;
	s16 =	simm.s32 $0x1;
	s17 =	simm.s32 $0xE400;
	v3 =	vor.u32 $0x2, v0;
	v4 =	vor.u32 $0x3, v0;
	v5 =	vor.u32 $0x4, v0  }
0x6: {  	s18 =	simm.s32 $0x2;
	s19 =	simm.s32 $0x10600;
	s20 =	simm.s32 $0x3;
	v6 =	vor.u32 $0x5, v0;
	v7 =	vor.u32 $0x6, v0;
	v8 =	vor.u32 $0x7, v0  }
0x7: {  	s21 =	simm.s32 $0x12800;
	s1 =	sand.u32 $0x1, s1;
	s4 =	sshll.u32 s3, $0x1;
	v9 =	vadd.s32 $0x880, v0;
	v10 =	vadd.s32 $0x881, v0;
	v11 =	vadd.s32 $0x882, v0  }
0x8: {  	s22 =	simm.s32 $0x4;
	s23 =	simm.s32 $0x14A00;
	s5 =	sor.u32 s1, s4;
	v12 =	vadd.s32 $0x883, v0;
	v13 =	vadd.s32 $0x884, v0;
	v14 =	vadd.s32 $0x885, v0  }
0x9: {  	s28 =	simm.s32 $0x8;
	s1 =	ssub.s32 $0x2, s1;
	s6 =	smul.u32 $0xC80, s5;
	v15 =	vadd.s32 $0x886, v0;
	v16 =	vadd.s32 $0x887, v0;
	v17 =	vadd.s32 $0x1100, v0  }
.Ltmp0:
0xa: {  	s3 =	simm.s32 $0x0;
	s7 =	sshrl.u32 s1, $0x1;
	v18 =	vadd.s32 $0x1101, v0;
	v19 =	vadd.s32 $0x1102, v0;
	v20 =	vadd.s32 $0x1103, v0;
	(pc) =	sbr.rel .LBB2_1-.Ltmp0, $4  }
0xb: {  	[smem:$0x7FF] =	sst s3;
	s4 =	sadd.s32 $0xF5BE00, s0;
	v21 =	vadd.s32 $0x1104, v0;
	v22 =	vadd.s32 $0x1105, v0;
	v23 =	vadd.s32 $0x1106, v0;
	s1 =	ssub.s32 s1, s7  }
0xc: {  	_ =	strace $0x8000004A;
	v24 =	vadd.s32 $0x1107, v0;
	v25 =	vadd.s32 $0x1980, v0;
	v26 =	vadd.s32 $0x1981, v0;
	s0 =	sadd.s32 s6, s0;
	s31 =	smax.u32 s1, $0x1  }
0xd: {  	s29 =	simm.s32 $0x0;
	v27 =	vadd.s32 $0x1982, v0;
	v28 =	vadd.s32 $0x1983, v0;
	v29 =	vadd.s32 $0x1984, v0;
	s0 =	sadd.s32 $0xF42E00, s0;
	[dreg:$0x4] =	wrdreg s31  }
0xe: {  	s30 =	simm.s32 $0x0;
	s5 =	smul.u32 $0xC8, s5;
	v30 =	vadd.s32 $0x1985, v0;
	v31 =	vadd.s32 $0x1986, v0;
	v32 =	vadd.s32 $0x1987, v0;
	[dreg:$0x3] =	wrdreg s0  }
.LBB2_69:
0xf: {  	s0 =	simm.s32 $0x5  }
0x10: {  	_ =	swait.ge [sflag:s0], $0x2000  }
0x11: {  	[sflag:s0] =	ssyncset.done $0x0  }
0x12: {  	s25 =	simm.s32 $0x6;
	[sflag:s0] =	ssyncadd.s32 $0xFFFFE000  }
0x13: {  	_ =	swait.ge [sflag:s25], $0x2000  }
0x14: {  	[sflag:s25] =	ssyncset.done $0x0  }
0x15: {  	s26 =	simm.s32 $0x7;
	[sflag:s25] =	ssyncadd.s32 $0xFFFFE000  }
0x16: {  	_ =	swait.ge [sflag:s26], $0x2000  }
0x17: {  	[sflag:s26] =	ssyncset.done $0x0  }
0x18: {  	[sflag:s26] =	ssyncadd.s32 $0xFFFFE000  }
0x19: {  	_ =	swait.ge [sflag:s28], $0x2000  }
0x1a: {  	s29 =	sadd.s32 $0x1, s29;
	s31 =	rddreg [dreg:$0x4]  }
0x1b: {  	p0 =	sne.s32 s29, s31  }
.Ltmp1:
0x1c: {  	_ = 	snop;
	(pc) =	sbr.rel @!p0 .LBB2_70-.Ltmp1, $3  }
0x1d: {  	_ =	sdelay $0x1  }
0x1e: {  	[sflag:s28] =	ssyncset.done $0x0  }
0x1f: {  	[sflag:s28] =	ssyncadd.s32 $0xFFFFE000  }
.LBB2_1:
0x20: {  	s0 =	rddreg [dreg:$0x3];
	s31 =	simm.s32 $0x9  }
0x21: {  	[tilespmem:s3], [sflag:$0x9] =	stream.linear.gather [hbm4b:s0+s3], $0x6400, $0x38;
	[tilespmem:$0x16C00] =	vst v63  }
0x22: {  	_ =	swait.ge [sflag:s31], $0x6400  }
0x23: {  	[sflag:s31] =	ssyncset.done $0x0  }
0x24: {  	s0 =	simm.s32 $0x40;
	[sflag:s31] =	ssyncadd.s32 $0xFFFF9C00  }
0x25: {  	v36 =	vld [tilespmem:s0+$0x30]  }
0x26: {  	v37 =	vld [tilespmem:s0+$0xFFFFFFD0]  }
0x27: {  	v38 =	vld [tilespmem:s0+$0xFFFFFFE0]  }
0x28: {  	v35 =	vld [tilespmem:s0+$0xFFFFFFF0]  }
0x29: {  	v34 =	vld [tilespmem:s0+$0x0]  }
0x2a: {  	v33 =	vld [tilespmem:s0+$0x10];
	v39 =	vshll.u32 v36, $0x1  }
0x2b: {  	v40 =	vshll.u32 v37, $0x1;
	v36 =	vld [tilespmem:s0+$0x20];
	[tilespmem:s0+$0x30] =	vst v39  }
0x2c: {  	s1 =	simm.s32 $0x0;
	s6 =	simm.s32 $0xC0;
	v37 =	vld [tilespmem:s0+$0xFFFFFFC0];
	v38 =	vshll.u32 v38, $0x1;
	[tilespmem:s0+$0xFFFFFFD0] =	vst v40  }
.LBB2_2:
0x2d: {  	v39 =	vld [tilespmem:s6+$0x30];
	s1 =	sadd.s32 $0x8, s1;
	[tilespmem:s0+$0xFFFFFFE0] =	vst v38;
	v35 =	vshll.u32 v35, $0x1  }
0x2e: {  	v38 =	vld [tilespmem:s6+$0xFFFFFFD0];
	p0 =	slt.u32 s1, $0x638;
	[tilespmem:s0+$0xFFFFFFF0] =	vst v35;
	v34 =	vshll.u32 v34, $0x1  }
0x2f: {  	v40 =	vld [tilespmem:s6+$0xFFFFFFE0];
	[tilespmem:s0+$0x0] =	vst v34;
	v33 =	vshll.u32 v33, $0x1  }
.Ltmp2:
0x30: {  	v35 =	vld [tilespmem:s6+$0xFFFFFFF0];
	[tilespmem:s0+$0x10] =	vst v33;
	v33 =	vshll.u32 v36, $0x1;
	(pc) =	sbr.rel @p0 .LBB2_2-.Ltmp2, $4  }
0x31: {  	v34 =	vld [tilespmem:s6+$0x0];
	v36 =	vshll.u32 v37, $0x1;
	[tilespmem:s0+$0x20] =	vst v33  }
0x32: {  	v33 =	vld [tilespmem:s6+$0x10];
	v37 =	vshll.u32 v39, $0x1;
	[tilespmem:s0+$0xFFFFFFC0] =	vst v36;
	s0 =	smov.u32 s6  }
0x33: {  	v38 =	vshll.u32 v38, $0x1;
	v36 =	vld [tilespmem:s6+$0x20];
	[tilespmem:s6+$0x30] =	vst v37  }
0x34: {  	s6 =	sadd.s32 $0x80, s6;
	v37 =	vld [tilespmem:s0+$0xFFFFFFC0];
	[tilespmem:s0+$0xFFFFFFD0] =	vst v38;
	v38 =	vshll.u32 v40, $0x1  }
0x35: {  	[tilespmem:s0+$0xFFFFFFE0] =	vst v38;
	v35 =	vshll.u32 v35, $0x1  }
0x36: {  	[tilespmem:s0+$0xFFFFFFF0] =	vst v35;
	v34 =	vshll.u32 v34, $0x1  }
0x37: {  	[tilespmem:s0+$0x0] =	vst v34;
	v33 =	vshll.u32 v33, $0x1  }
0x38: {  	[tilespmem:s0+$0x10] =	vst v33;
	v62 =	vshll.u32 v36, $0x1  }
0x39: {  	v63 =	vshll.u32 v37, $0x1;
	[tilespmem:s0+$0x20] =	vst v62  }
0x3a: {  	s14 =	simm.s32 $0x6400;
	[tilespmem:s0+$0xFFFFFFC0] =	vst v63  }
0x3b: {  	[tilespmem:s14], [sflag:$0x1] =	stream.indirect.gather [hbm4b:s4+s9], $0x40, s30, s9, $0xb8;
	[tilespmem:$0x16C00] =	vst v63  }
0x3c: {  	s24 =	simm.s32 $0x8400  }
0x3d: {  	[tilespmem:s24], [sflag:$0x2] =	stream.indirect.gather [hbm4b:s4+s9], $0x40, s9, s9, $0xb8;
	[tilespmem:$0x16C00] =	vst v63  }
0x3e: {  	s25 =	simm.s32 $0x100;
	s1 =	simm.s32 $0xA400  }
0x3f: {  	[tilespmem:s1], [sflag:$0x3] =	stream.indirect.gather [hbm4b:s4+s9], $0x40, s25, s9, $0xb8;
	[tilespmem:$0x16C00] =	vst v63  }
0x40: {  	s26 =	simm.s32 $0x180;
	s31 =	simm.s32 $0x0  }
0x41: {  	[tilespmem:s15], [sflag:$0x4] =	stream.indirect.gather [hbm4b:s4+s9], $0x40, s26, s9, $0xb8;
	[tilespmem:$0x16C00] =	vst v63  }
.LBB2_4:
0x42: {  	_ =	swait.ge [sflag:s16], $0x2000;
	p0 =	seq.s32 s31, $0x0;
	v33 =	vmov s30;
	s0 =	simm.s32 $0x1  }
0x43: {  	s1 =	simm.s32 $0x2;
	s6 =	simm.s32 $0x3;
	s8 =	simm.s32 $0x6;
	v33 =	vshrl.u32 v33, $0x3  }
0x44: {  	s10 =	simm.s32 $0x7;
	[sflag:s16] =	ssyncset.done $0x0;
	v34 =	vmov s0;
	v35 =	vmov s1;
	s1 =	simm.s32 $0x4;
	v36 =	vmov s6  }
0x45: {  	s6 =	simm.s32 $0x5;
	s7 =	simm.s32 @!p0 $0x5;
	v39 =	vmov s8;
	v40 =	vmov s10;
	[sflag:s16] =	ssyncadd.s32 $0xFFFFE000;
	v37 =	vmov s1  }
0x46: {  	v38 =	vmov s6;
	v33 =	vshll.u32 v33, v1;
	v34 =	vshrl.u32 v34, $0x3;
	_ =	swait.ge @!p0 [sflag:s7], $0x2000  }
0x47: {  	v35 =	vshrl.u32 v35, $0x3;
	v36 =	vshrl.u32 v36, $0x3;
	v40 =	vshrl.u32 v40, $0x3;
	[sflag:s7] =	ssyncset.done @!p0 $0x0  }
0x48: {  	s0 =	simm.s32 $0x6500;
	v39 =	vshrl.u32 v39, $0x3;
	v37 =	vshrl.u32 v37, $0x3;
	v40 =	vshll.u32 v40, v1;
	[sflag:s7] =	ssyncadd.s32 @!p0 $0xFFFFE000  }
0x49: {  	v38 =	vshrl.u32 v38, $0x3;
	v34 =	vshll.u32 v34, v1;
	v40 =	vbroadcast v40, $0x0;
	v41 =	vld [tilespmem:s0+$0xC0]  }
0x4a: {  	v35 =	vshll.u32 v35, v1;
	v36 =	vshll.u32 v36, v1;
	v34 =	vbroadcast v34, $0x0;
	v42 =	vld [tilespmem:s0+$0xFFFFFF40]  }
0x4b: {  	v54 =	vshll.u32 v39, v1;
	v35 =	vbroadcast v35, $0x0;
	v43 =	vld [tilespmem:s0+$0xFFFFFF80];
	v40 =	vadd.s32 v8, v40  }
0x4c: {  	v37 =	vshll.u32 v37, v1;
	v36 =	vbroadcast v36, $0x0;
	v34 =	vadd.s32 v2, v34;
	v44 =	vld [tilespmem:s0+$0xFFFFFFC0]  }
0x4d: {  	v38 =	vshll.u32 v38, v1;
	v53 =	vbroadcast v37, $0x0;
	v45 =	vadd.s32 v3, v35;
	v46 =	vld [tilespmem:s0+$0x0]  }
0x4e: {  	v38 =	vbroadcast v38, $0x0;
	v36 =	vadd.s32 v4, v36;
	v47 =	vld [tilespmem:s0+$0x40];
	v55 =	vmul.f32 $8.000000000e+00, v41  }
0x4f: {  	v57 =	vbroadcast v54, $0x0;
	v49 =	vld [tilespmem:s0+$0x80];
	v48 =	vadd.s32 v5, v53;
	v56 =	vmul.f32 $8.000000000e+00, v42  }
0x50: {  	s11 =	simm.s32 $0x8;
	v33 =	vbroadcast v33, $0x0;
	v58 =	vld [tilespmem:s0+$0xFFFFFF00];
	v50 =	vadd.s32 v6, v38;
	v59 =	vmul.f32 $8.000000000e+00, v43;
	[tilespmem:v40+s17+$0x0] =	vst.idx.msk $0xffff, v55  }
0x51: {  	s12 =	simm.s32 $0x9;
	v60 =	vmov s11;
	v61 =	vmul.f32 $8.000000000e+00, v44;
	[tilespmem:v34+s17+$0x0] =	vst.idx.msk $0xffff, v56;
	v34 =	vadd.s32 v7, v57  }
0x52: {  	s13 =	simm.s32 $0xA;
	v39 =	vmov s12;
	v33 =	vadd.s32 v0, v33;
	v62 =	vmul.f32 $8.000000000e+00, v46;
	[tilespmem:v45+s17+$0x0] =	vst.idx.msk $0xffff, v59  }
0x53: {  	s14 =	simm.s32 $0xB;
	s25 =	simm.s32 $0xD;
	v35 =	vshrl.u32 v60, $0x3;
	v38 =	vmov s13;
	v63 =	vmul.f32 $8.000000000e+00, v47;
	[tilespmem:v36+s17+$0x0] =	vst.idx.msk $0xffff, v61  }
0x54: {  	s24 =	simm.s32 $0xC;
	s26 =	simm.s32 $0xE;
	v42 =	vmov s14;
	v43 =	vmov s25;
	[tilespmem:v48+s17+$0x0] =	vst.idx.msk $0xffff, v62;
	v36 =	vmul.f32 $8.000000000e+00, v49  }
0x55: {  	s1 =	sshll.u32 s31, $0x2;
	s6 =	simm.s32 $0x10;
	s7 =	simm.s32 $0xF;
	v41 =	vmov s26;
	v37 =	vmul.f32 $8.000000000e+00, v58;
	v40 =	vmov s24;
	[tilespmem:v50+s17+$0x0] =	vst.idx.msk $0xffff, v63  }
.LBB2_5:
0x56: {  	p1 =	slt.u32 s6, $0x78;
	v35 =	vshll.u32 v35, v1;
	v39 =	vshrl.u32 v39, $0x3;
	v44 =	vmov s7;
	[tilespmem:v34+s17+$0x0] =	vst.idx.msk $0xffff, v36  }
0x57: {  	v34 =	vshrl.u32 v38, $0x3;
	v36 =	vshrl.u32 v42, $0x3;
	v38 =	vshrl.u32 v44, $0x3;
	[tilespmem:v33+s17+$0x0] =	vst.idx.msk $0xffff, v37  }
0x58: {  	s0 =	sadd.s32 $0x200, s0;
	v33 =	vshrl.u32 v40, $0x3;
	v37 =	vshrl.u32 v43, $0x3;
	v38 =	vshll.u32 v38, v1  }
0x59: {  	v39 =	vshll.u32 v39, v1;
	v40 =	vshrl.u32 v41, $0x3;
	v41 =	vld [tilespmem:s0+$0xC0];
	v38 =	vbroadcast v38, $0x0  }
0x5a: {  	v34 =	vshll.u32 v34, v1;
	v36 =	vshll.u32 v36, v1;
	v39 =	vbroadcast v39, $0x0;
	v42 =	vld [tilespmem:s0+$0xFFFFFF40]  }
0x5b: {  	v34 =	vbroadcast v34, $0x0;
	v33 =	vshll.u32 v33, v1;
	v43 =	vld [tilespmem:s0+$0xFFFFFF80];
	v38 =	vadd.s32 v8, v38  }
0x5c: {  	v36 =	vbroadcast v36, $0x0;
	v37 =	vshll.u32 v37, v1;
	v39 =	vadd.s32 v2, v39;
	v44 =	vld [tilespmem:s0+$0xFFFFFFC0]  }
0x5d: {  	v33 =	vbroadcast v33, $0x0;
	v45 =	vadd.s32 v3, v34;
	v34 =	vshll.u32 v40, v1;
	v46 =	vld [tilespmem:s0+$0x0]  }
0x5e: {  	v37 =	vbroadcast v37, $0x0;
	v36 =	vadd.s32 v4, v36;
	v40 =	vld [tilespmem:s0+$0x40];
	v41 =	vmul.f32 $8.000000000e+00, v41  }
0x5f: {  	v47 =	vadd.s32 v5, v33;
	v33 =	vbroadcast v34, $0x0;
	v42 =	vmul.f32 $8.000000000e+00, v42;
	v48 =	vld [tilespmem:s0+$0x80]  }
0x60: {  	v50 =	vbroadcast v35, $0x0;
	v51 =	vadd.s32 v6, v37;
	v49 =	vld [tilespmem:s0+$0xFFFFFF00];
	v43 =	vmul.f32 $8.000000000e+00, v43;
	[tilespmem:v38+s17+$0x0] =	vst.idx.msk $0xffff, v41  }
.Ltmp3:
0x61: {  	v35 =	vmov s6;
	v34 =	vadd.s32 v7, v33;
	[tilespmem:v39+s17+$0x0] =	vst.idx.msk $0xffff, v42;
	v37 =	vmul.f32 $8.000000000e+00, v44;
	(pc) =	sbr.rel @p1 .LBB2_5-.Ltmp3, $4  }
0x62: {  	s7 =	sadd.s32 $0x1, s6;
	s8 =	sadd.s32 $0x2, s6;
	v35 =	vshrl.u32 v35, $0x3;
	v33 =	vadd.s32 v0, v50;
	[tilespmem:v45+s17+$0x0] =	vst.idx.msk $0xffff, v43;
	v41 =	vmul.f32 $8.000000000e+00, v46  }
0x63: {  	v38 =	vmov s8;
	s8 =	sadd.s32 $0x4, s6;
	v39 =	vmov s7;
	s7 =	sadd.s32 $0x3, s6;
	[tilespmem:v36+s17+$0x0] =	vst.idx.msk $0xffff, v37;
	v44 =	vmul.f32 $8.000000000e+00, v40  }
0x64: {  	v42 =	vmov s7;
	s7 =	sadd.s32 $0x5, s6;
	v40 =	vmov s8;
	s8 =	sadd.s32 $0x6, s6;
	[tilespmem:v47+s17+$0x0] =	vst.idx.msk $0xffff, v41;
	v36 =	vmul.f32 $8.000000000e+00, v48  }
0x65: {  	v43 =	vmov s7;
	s7 =	sadd.s32 $0x7, s6;
	s6 =	sadd.s32 $0x8, s6;
	v41 =	vmov s8;
	v37 =	vmul.f32 $8.000000000e+00, v49;
	[tilespmem:v51+s17+$0x0] =	vst.idx.msk $0xffff, v44  }
0x66: {  	v35 =	vshll.u32 v35, v1  }
0x67: {  	v39 =	vshrl.u32 v39, $0x3;
	v44 =	vmov s7;
	v38 =	vshrl.u32 v38, $0x3  }
0x68: {  	v42 =	vshrl.u32 v42, $0x3;
	v40 =	vshrl.u32 v40, $0x3;
	v43 =	vshrl.u32 v43, $0x3  }
0x69: {  	s0 =	sadd.s32 $0x200, s0;
	v41 =	vshrl.u32 v41, $0x3;
	v44 =	vshrl.u32 v44, $0x3;
	v39 =	vshll.u32 v39, v1  }
0x6a: {  	v38 =	vshll.u32 v38, v1;
	v42 =	vshll.u32 v42, v1;
	v55 =	vld [tilespmem:s0+$0xFFFFFF00];
	v35 =	vbroadcast v35, $0x0  }
0x6b: {  	v46 =	vld [tilespmem:s0+$0xFFFFFF40];
	v40 =	vshll.u32 v40, v1;
	v43 =	vshll.u32 v43, v1;
	v39 =	vbroadcast v39, $0x0  }
0x6c: {  	v47 =	vld [tilespmem:s0+$0xFFFFFF80];
	v41 =	vshll.u32 v41, v1;
	v38 =	vbroadcast v38, $0x0;
	v59 =	vadd.s32 v0, v35  }
0x6d: {  	v48 =	vld [tilespmem:s0+$0xFFFFFFC0];
	v44 =	vshll.u32 v44, v1;
	v42 =	vbroadcast v42, $0x0;
	v39 =	vadd.s32 v2, v39  }
0x6e: {  	v49 =	vld [tilespmem:s0+$0x0];
	v40 =	vbroadcast v40, $0x0;
	v54 =	vbroadcast v41, $0x0;
	v38 =	vadd.s32 v3, v38  }
0x6f: {  	[tilespmem:v34+s17+$0x0] =	vst.idx.msk $0xffff, v36;
	v45 =	vld [tilespmem:s0+$0xC0];
	v44 =	vbroadcast v44, $0x0;
	v61 =	vadd.s32 v4, v42;
	v41 =	vmul.f32 $8.000000000e+00, v55  }
0x70: {  	v50 =	vld [tilespmem:s0+$0x40];
	[tilespmem:v33+s17+$0x0] =	vst.idx.msk $0xffff, v37;
	v62 =	vbroadcast v43, $0x0;
	v53 =	vadd.s32 v5, v40;
	v52 =	vmul.f32 $8.000000000e+00, v46  }
0x71: {  	v51 =	vld [tilespmem:s0+$0x80];
	v44 =	vadd.s32 v8, v44;
	v56 =	vmul.f32 $8.000000000e+00, v47;
	[tilespmem:v59+s17+$0x0] =	vst.idx.msk $0xffff, v41  }
0x72: {  	v36 =	vadd.s32 v6, v62;
	v57 =	vmul.f32 $8.000000000e+00, v48;
	[tilespmem:v39+s17+$0x0] =	vst.idx.msk $0xffff, v52  }
0x73: {  	p2 =	por $0x1, $0x1;
	s6 =	simm.s32 $0x2;
	v58 =	vadd.s32 v7, v54;
	v60 =	vmul.f32 $8.000000000e+00, v49;
	[tilespmem:v38+s17+$0x0] =	vst.idx.msk $0xffff, v56  }
.Ltmp4:
0x74: {  	s12 =	simm.s32 $0x0;
	s26 =	simm.s32 $0x6;
	v34 =	vmov s6;
	v63 =	vmul.f32 $8.000000000e+00, v45;
	[tilespmem:v61+s17+$0x0] =	vst.idx.msk $0xffff, v57;
	(pc) =	sbr.rel @!p2 .LBB2_10-.Ltmp4, $4  }
0x75: {  	s11 =	simm.s32 $0x6510;
	s13 =	simm.s32 $0x1;
	v37 =	vmov s26;
	v62 =	vmov s12;
	v61 =	vmul.f32 $8.000000000e+00, v50;
	[tilespmem:v53+s17+$0x0] =	vst.idx.msk $0xffff, v60  }
0x76: {  	s14 =	simm.s32 $0x3;
	s24 =	simm.s32 $0x4;
	s25 =	simm.s32 $0x5;
	v35 =	vmov s13;
	v33 =	vshrl.u32 v62, $0x3;
	[tilespmem:v44+s17+$0x0] =	vst.idx.msk $0xffff, v63;
	v63 =	vmul.f32 $8.000000000e+00, v51  }
0x77: {  	s10 =	simm.s32 $0x7;
	p1 =	por $0x0, $0x0;
	s8 =	simm.s32 $0x7;
	v42 =	vmovc v33;
	v45 =	vmovc v35;
	v38 =	vmov s14;
	v39 =	vmov s25;
	[tilespmem:v36+s17+$0x0] =	vst.idx.msk $0xffff, v61;
	v36 =	vmov s24  }
0x78: {  	p3 =	por $0x0, $0x0;
	s0 =	simm.s32 $0x8;
	s6 =	simm.s32 $0x6510;
	v46 =	vmovc v34;
	v49 =	vmovc v37;
	v48 =	vmov v38;
	v50 =	vmov v39;
	[tilespmem:v58+s17+$0x0] =	vst.idx.msk $0xffff, v63;
	v47 =	vmov v36  }
0x79: {  	v40 =	vshll.u32 v33, v1;
	v41 =	vshrl.u32 v35, $0x3;
	v42 =	vmov s10  }
0x7a: {  	v43 =	vshrl.u32 v34, $0x3;
	v44 =	vshrl.u32 v38, $0x3;
	v45 =	vshrl.u32 v36, $0x3  }
0x7b: {  	v46 =	vshrl.u32 v39, $0x3;
	v47 =	vshrl.u32 v37, $0x3;
	v41 =	vshll.u32 v41, v1  }
0x7c: {  	v49 =	vld [tilespmem:s11+$0xFFFFFF40];
	v42 =	vshrl.u32 v42, $0x3;
	v43 =	vshll.u32 v43, v1;
	v41 =	vbroadcast v41, $0x0  }
0x7d: {  	v50 =	vld [tilespmem:s11+$0xFFFFFF80];
	v44 =	vshll.u32 v44, v1;
	v45 =	vshll.u32 v45, v1;
	v43 =	vbroadcast v43, $0x0  }
0x7e: {  	v51 =	vld [tilespmem:s11+$0xFFFFFFC0];
	v46 =	vshll.u32 v46, v1;
	v44 =	vbroadcast v44, $0x0;
	v41 =	vadd.s32 v10, v41  }
0x7f: {  	v52 =	vld [tilespmem:s11+$0x0];
	v42 =	vshll.u32 v42, v1;
	v45 =	vbroadcast v45, $0x0;
	v43 =	vadd.s32 v11, v43  }
0x80: {  	v48 =	vld [tilespmem:s11+$0xC0];
	v47 =	vshll.u32 v47, v1;
	v42 =	vbroadcast v42, $0x0;
	v44 =	vadd.s32 v12, v44  }
0x81: {  	v53 =	vld [tilespmem:s11+$0x40];
	v46 =	vbroadcast v46, $0x0;
	v54 =	vadd.s32 v13, v45;
	v49 =	vmul.f32 $8.000000000e+00, v49  }
0x82: {  	v55 =	vld [tilespmem:s11+$0x80];
	v62 =	vbroadcast v47, $0x0;
	v42 =	vadd.s32 v16, v42;
	v50 =	vmul.f32 $8.000000000e+00, v50  }
0x83: {  	v56 =	vld [tilespmem:s11+$0xFFFFFF00];
	p4 =	por $0x1, $0x1;
	v63 =	vbroadcast v40, $0x0;
	v57 =	vadd.s32 v14, v46;
	v61 =	vmul.f32 $8.000000000e+00, v51;
	[tilespmem:v41+s17+$0x0] =	vst.idx.msk $0xffff, v49  }
.Ltmp5:
0x84: {  	v60 =	vmov s0;
	s24 =	simm.s32 $0xC;
	v40 =	vadd.s32 v15, v62;
	v62 =	vmul.f32 $8.000000000e+00, v52;
	[tilespmem:v43+s17+$0x0] =	vst.idx.msk $0xffff, v50;
	(pc) =	sbr.rel @!p4 .LBB2_8-.Ltmp5, $4  }
0x85: {  	s6 =	simm.s32 $0x9;
	s7 =	simm.s32 $0xA;
	v47 =	vmov s24;
	v48 =	vmul.f32 $8.000000000e+00, v48;
	v41 =	vadd.s32 v9, v63;
	[tilespmem:v44+s17+$0x0] =	vst.idx.msk $0xffff, v61  }
0x86: {  	s25 =	simm.s32 $0xD;
	s26 =	simm.s32 $0xE;
	v45 =	vmov s6;
	v46 =	vmov s7;
	v63 =	vmul.f32 $8.000000000e+00, v53;
	[tilespmem:v54+s17+$0x0] =	vst.idx.msk $0xffff, v62  }
0x87: {  	s14 =	simm.s32 $0xB;
	s8 =	simm.s32 $0xF;
	v43 =	vmul.f32 $8.000000000e+00, v55;
	v50 =	vmov s25;
	v49 =	vmov s26;
	[tilespmem:v42+s17+$0x0] =	vst.idx.msk $0xffff, v48  }
0x88: {  	p3 =	por $0x1, $0x1;
	s7 =	simm.s32 $0x10;
	s6 =	simm.s32 $0x6510;
	v44 =	vmul.f32 $8.000000000e+00, v56;
	v42 =	vshrl.u32 v60, $0x3;
	v48 =	vmov s14;
	[tilespmem:v57+s17+$0x0] =	vst.idx.msk $0xffff, v63  }
.LBB2_9:
0x89: {  	p4 =	slt.u32 s7, $0x78;
	v42 =	vshll.u32 v42, v1;
	v45 =	vshrl.u32 v45, $0x3;
	v51 =	vmov s8;
	[tilespmem:v40+s17+$0x0] =	vst.idx.msk $0xffff, v43  }
0x8a: {  	v40 =	vshrl.u32 v46, $0x3;
	v43 =	vshrl.u32 v48, $0x3;
	v46 =	vshrl.u32 v51, $0x3;
	[tilespmem:v41+s17+$0x0] =	vst.idx.msk $0xffff, v44  }
0x8b: {  	s6 =	sadd.s32 $0x200, s6;
	v41 =	vshrl.u32 v47, $0x3;
	v44 =	vshrl.u32 v50, $0x3;
	v46 =	vshll.u32 v46, v1  }
0x8c: {  	v45 =	vshll.u32 v45, v1;
	v47 =	vshrl.u32 v49, $0x3;
	v48 =	vld [tilespmem:s6+$0xC0];
	v46 =	vbroadcast v46, $0x0  }
0x8d: {  	v40 =	vshll.u32 v40, v1;
	v43 =	vshll.u32 v43, v1;
	v45 =	vbroadcast v45, $0x0;
	v49 =	vld [tilespmem:s6+$0xFFFFFF40]  }
0x8e: {  	v40 =	vbroadcast v40, $0x0;
	v41 =	vshll.u32 v41, v1;
	v50 =	vld [tilespmem:s6+$0xFFFFFF80];
	v46 =	vadd.s32 v16, v46  }
0x8f: {  	v43 =	vbroadcast v43, $0x0;
	v44 =	vshll.u32 v44, v1;
	v45 =	vadd.s32 v10, v45;
	v51 =	vld [tilespmem:s6+$0xFFFFFFC0]  }
0x90: {  	v52 =	vadd.s32 v11, v40;
	v40 =	vbroadcast v41, $0x0;
	v41 =	vshll.u32 v47, v1;
	v53 =	vld [tilespmem:s6+$0x0]  }
0x91: {  	v44 =	vbroadcast v44, $0x0;
	v43 =	vadd.s32 v12, v43;
	v47 =	vld [tilespmem:s6+$0x40];
	v48 =	vmul.f32 $8.000000000e+00, v48  }
0x92: {  	v54 =	vadd.s32 v13, v40;
	v40 =	vbroadcast v41, $0x0;
	v49 =	vmul.f32 $8.000000000e+00, v49;
	v55 =	vld [tilespmem:s6+$0x80]  }
0x93: {  	v57 =	vadd.s32 v14, v44;
	v41 =	vbroadcast v42, $0x0;
	v56 =	vld [tilespmem:s6+$0xFFFFFF00];
	v50 =	vmul.f32 $8.000000000e+00, v50;
	[tilespmem:v46+s17+$0x0] =	vst.idx.msk $0xffff, v48  }
.Ltmp6:
0x94: {  	v42 =	vmov s7;
	v40 =	vadd.s32 v15, v40;
	[tilespmem:v45+s17+$0x0] =	vst.idx.msk $0xffff, v49;
	v44 =	vmul.f32 $8.000000000e+00, v51;
	(pc) =	sbr.rel @p4 .LBB2_9-.Ltmp6, $4  }
0x95: {  	s8 =	sadd.s32 $0x1, s7;
	s12 =	sadd.s32 $0x2, s7;
	v42 =	vshrl.u32 v42, $0x3;
	v41 =	vadd.s32 v9, v41;
	[tilespmem:v52+s17+$0x0] =	vst.idx.msk $0xffff, v50;
	v49 =	vmul.f32 $8.000000000e+00, v53  }
0x96: {  	v46 =	vmov s12;
	s12 =	sadd.s32 $0x4, s7;
	v45 =	vmov s8;
	s8 =	sadd.s32 $0x3, s7;
	[tilespmem:v43+s17+$0x0] =	vst.idx.msk $0xffff, v44;
	v51 =	vmul.f32 $8.000000000e+00, v47  }
0x97: {  	v48 =	vmov s8;
	s8 =	sadd.s32 $0x5, s7;
	v47 =	vmov s12;
	s12 =	sadd.s32 $0x6, s7;
	[tilespmem:v54+s17+$0x0] =	vst.idx.msk $0xffff, v49;
	v43 =	vmul.f32 $8.000000000e+00, v55  }
0x98: {  	v50 =	vmov s8;
	s8 =	sadd.s32 $0x7, s7;
	s7 =	sadd.s32 $0x8, s7;
	v49 =	vmov s12;
	v44 =	vmul.f32 $8.000000000e+00, v56;
	[tilespmem:v57+s17+$0x0] =	vst.idx.msk $0xffff, v51  }
.LBB2_10:
0x99: {  	v42 =	vshll.u32 v42, v1  }
0x9a: {  	v45 =	vshrl.u32 v45, $0x3;
	v51 =	vmov s8;
	v46 =	vshrl.u32 v46, $0x3  }
0x9b: {  	v48 =	vshrl.u32 v48, $0x3;
	s6 =	sadd.s32 @p3 $0x200, s6;
	v47 =	vshrl.u32 v47, $0x3;
	v50 =	vshrl.u32 v50, $0x3  }
0x9c: {  	v49 =	vshrl.u32 v49, $0x3;
	v51 =	vshrl.u32 v51, $0x3;
	s11 =	smov.u32 @p3 s6;
	v45 =	vshll.u32 v45, v1  }
0x9d: {  	v46 =	vshll.u32 v46, v1;
	v48 =	vshll.u32 v48, v1;
	v53 =	vld [tilespmem:s11+$0xFFFFFF40];
	v45 =	vbroadcast v45, $0x0  }
0x9e: {  	v50 =	vshll.u32 v50, v1;
	v49 =	vshll.u32 v49, v1;
	v54 =	vld [tilespmem:s11+$0xFFFFFF80];
	v46 =	vbroadcast v46, $0x0  }
0x9f: {  	v51 =	vshll.u32 v51, v1;
	v55 =	vld [tilespmem:s11+$0xFFFFFFC0];
	v48 =	vbroadcast v48, $0x0;
	v45 =	vadd.s32 v10, v45  }
0xa0: {  	v59 =	vbroadcast v50, $0x0;
	v62 =	vld [tilespmem:s11+$0x80];
	v49 =	vbroadcast v49, $0x0;
	v46 =	vadd.s32 v11, v46  }
0xa1: {  	[tilespmem:v40+s17+$0x0] =	vst.idx.msk @p3 $0xffff, v43;
	v42 =	vbroadcast v42, $0x0;
	v63 =	vld [tilespmem:s11+$0xFFFFFF00];
	v51 =	vbroadcast v51, $0x0;
	v40 =	vadd.s32 v12, v48  }
0xa2: {  	v52 =	vld [tilespmem:s11+$0xC0];
	v48 =	vadd.s32 v14, v59;
	v59 =	vadd.s32 v15, v49;
	v61 =	vmul.f32 $8.000000000e+00, v53  }
0xa3: {  	v47 =	vshll.u32 v47, v1;
	[tilespmem:v41+s17+$0x0] =	vst.idx.msk @p3 $0xffff, v44;
	v43 =	vld [tilespmem:s11+$0x40];
	v42 =	vadd.s32 v9, v42;
	v57 =	vmul.f32 $8.000000000e+00, v54  }
0xa4: {  	v56 =	vld [tilespmem:s11+$0x0];
	v47 =	vbroadcast v47, $0x0;
	v51 =	vadd.s32 v16, v51;
	v58 =	vmul.f32 $8.000000000e+00, v55;
	[tilespmem:v45+s17+$0x0] =	vst.idx.msk $0xffff, v61  }
0xa5: {  	v62 =	vmul.f32 $8.000000000e+00, v62;
	[tilespmem:v46+s17+$0x0] =	vst.idx.msk $0xffff, v57  }
0xa6: {  	v44 =	vadd.s32 v13, v47;
	v63 =	vmul.f32 $8.000000000e+00, v63;
	[tilespmem:v40+s17+$0x0] =	vst.idx.msk $0xffff, v58  }
.Ltmp7:
0xa7: {  	v60 =	vmul.f32 $8.000000000e+00, v52;
	[tilespmem:v59+s17+$0x0] =	vst.idx.msk $0xffff, v62;
	(pc) =	sbr.rel @!p2 .LBB2_11-.Ltmp7, $4  }
0xa8: {  	v61 =	vmul.f32 $8.000000000e+00, v43;
	[tilespmem:v42+s17+$0x0] =	vst.idx.msk $0xffff, v63  }
0xa9: {  	[tilespmem:v51+s17+$0x0] =	vst.idx.msk $0xffff, v60;
	v60 =	vmul.f32 $8.000000000e+00, v56  }
0xaa: {  	[tilespmem:v48+s17+$0x0] =	vst.idx.msk $0xffff, v61  }
0xab: {  	s11 =	simm.s32 $0x6520;
	[tilespmem:v44+s17+$0x0] =	vst.idx.msk $0xffff, v60  }
0xac: {  	v33 =	vshll.u32 v33, v1;
	v35 =	vshrl.u32 v35, $0x3;
	v40 =	vmov s10  }
0xad: {  	v34 =	vshrl.u32 v34, $0x3;
	v38 =	vshrl.u32 v38, $0x3;
	v36 =	vshrl.u32 v36, $0x3  }
0xae: {  	v39 =	vshrl.u32 v39, $0x3;
	v40 =	vshrl.u32 v40, $0x3;
	v35 =	vshll.u32 v35, v1  }
0xaf: {  	v37 =	vshrl.u32 v37, $0x3;
	v42 =	vld [tilespmem:s11+$0xFFFFFF40];
	v40 =	vshll.u32 v40, v1;
	v35 =	vbroadcast v35, $0x0  }
0xb0: {  	v41 =	vld [tilespmem:s11+$0xC0];
	v34 =	vshll.u32 v34, v1;
	v38 =	vshll.u32 v38, v1;
	v40 =	vbroadcast v40, $0x0  }
0xb1: {  	v43 =	vld [tilespmem:s11+$0xFFFFFF80];
	v36 =	vshll.u32 v36, v1;
	v34 =	vbroadcast v34, $0x0;
	v35 =	vadd.s32 v18, v35  }
0xb2: {  	v44 =	vld [tilespmem:s11+$0xFFFFFFC0];
	v39 =	vshll.u32 v39, v1;
	v38 =	vbroadcast v38, $0x0;
	v40 =	vadd.s32 v24, v40  }
0xb3: {  	v45 =	vld [tilespmem:s11+$0x0];
	v37 =	vshll.u32 v37, v1;
	v36 =	vbroadcast v36, $0x0;
	v34 =	vadd.s32 v19, v34  }
0xb4: {  	v46 =	vld [tilespmem:s11+$0x40];
	v39 =	vbroadcast v39, $0x0;
	v38 =	vadd.s32 v20, v38;
	v42 =	vmul.f32 $8.000000000e+00, v42  }
0xb5: {  	v48 =	vld [tilespmem:s11+$0x80];
	v58 =	vbroadcast v37, $0x0;
	v47 =	vadd.s32 v21, v36;
	v41 =	vmul.f32 $8.000000000e+00, v41  }
0xb6: {  	v49 =	vld [tilespmem:s11+$0xFFFFFF00];
	p2 =	por $0x1, $0x1;
	v59 =	vbroadcast v33, $0x0;
	v50 =	vadd.s32 v22, v39;
	v43 =	vmul.f32 $8.000000000e+00, v43;
	[tilespmem:v35+s17+$0x0] =	vst.idx.msk $0xffff, v42  }
.Ltmp8:
0xb7: {  	v60 =	vmov s0;
	v61 =	vmul.f32 $8.000000000e+00, v44;
	[tilespmem:v40+s17+$0x0] =	vst.idx.msk $0xffff, v41;
	v40 =	vadd.s32 v23, v58;
	(pc) =	sbr.rel @!p2 .LBB2_13-.Ltmp8, $4  }
0xb8: {  	s24 =	simm.s32 $0xC;
	s26 =	simm.s32 $0xE;
	v33 =	vshrl.u32 v60, $0x3;
	v62 =	vmul.f32 $8.000000000e+00, v45;
	[tilespmem:v34+s17+$0x0] =	vst.idx.msk $0xffff, v43;
	v41 =	vadd.s32 v17, v59  }
0xb9: {  	s13 =	simm.s32 $0x9;
	s25 =	simm.s32 $0xD;
	v37 =	vmov s26;
	v36 =	vmov s24;
	v63 =	vmul.f32 $8.000000000e+00, v46;
	[tilespmem:v38+s17+$0x0] =	vst.idx.msk $0xffff, v61  }
0xba: {  	s6 =	simm.s32 $0xA;
	s14 =	simm.s32 $0xB;
	s10 =	simm.s32 $0xF;
	v39 =	vmov s25;
	v35 =	vmov s13;
	[tilespmem:v47+s17+$0x0] =	vst.idx.msk $0xffff, v62;
	v42 =	vmul.f32 $8.000000000e+00, v48  }
0xbb: {  	p1 =	por $0x1, $0x1;
	s0 =	simm.s32 $0x6520;
	v34 =	vmov s6;
	v38 =	vmov s14;
	s6 =	simm.s32 $0x10;
	v43 =	vmul.f32 $8.000000000e+00, v49;
	[tilespmem:v50+s17+$0x0] =	vst.idx.msk $0xffff, v63  }
.LBB2_14:
0xbc: {  	p2 =	slt.u32 s6, $0x78;
	v33 =	vshll.u32 v33, v1;
	v35 =	vshrl.u32 v35, $0x3;
	v44 =	vmov s10;
	[tilespmem:v40+s17+$0x0] =	vst.idx.msk $0xffff, v42  }
0xbd: {  	v34 =	vshrl.u32 v34, $0x3;
	v38 =	vshrl.u32 v38, $0x3;
	v40 =	vshrl.u32 v44, $0x3;
	[tilespmem:v41+s17+$0x0] =	vst.idx.msk $0xffff, v43  }
0xbe: {  	v36 =	vshrl.u32 v36, $0x3;
	v39 =	vshrl.u32 v39, $0x3;
	s0 =	sadd.s32 $0x200, s0;
	v40 =	vshll.u32 v40, v1  }
0xbf: {  	v37 =	vshrl.u32 v37, $0x3;
	v35 =	vshll.u32 v35, v1;
	v41 =	vld [tilespmem:s0+$0xC0];
	v40 =	vbroadcast v40, $0x0  }
0xc0: {  	v34 =	vshll.u32 v34, v1;
	v38 =	vshll.u32 v38, v1;
	v35 =	vbroadcast v35, $0x0;
	v42 =	vld [tilespmem:s0+$0xFFFFFF40]  }
0xc1: {  	v36 =	vshll.u32 v36, v1;
	v34 =	vbroadcast v34, $0x0;
	v43 =	vld [tilespmem:s0+$0xFFFFFF80];
	v40 =	vadd.s32 v24, v40  }
0xc2: {  	v39 =	vshll.u32 v39, v1;
	v38 =	vbroadcast v38, $0x0;
	v35 =	vadd.s32 v18, v35;
	v44 =	vld [tilespmem:s0+$0xFFFFFFC0]  }
0xc3: {  	v37 =	vshll.u32 v37, v1;
	v36 =	vbroadcast v36, $0x0;
	v34 =	vadd.s32 v19, v34;
	v45 =	vld [tilespmem:s0+$0x0]  }
0xc4: {  	v39 =	vbroadcast v39, $0x0;
	v38 =	vadd.s32 v20, v38;
	v46 =	vld [tilespmem:s0+$0x40];
	v41 =	vmul.f32 $8.000000000e+00, v41  }
0xc5: {  	v47 =	vadd.s32 v21, v36;
	v36 =	vbroadcast v37, $0x0;
	v42 =	vmul.f32 $8.000000000e+00, v42;
	v48 =	vld [tilespmem:s0+$0x80]  }
0xc6: {  	v37 =	vbroadcast v33, $0x0;
	v50 =	vadd.s32 v22, v39;
	v49 =	vld [tilespmem:s0+$0xFFFFFF00];
	v43 =	vmul.f32 $8.000000000e+00, v43;
	[tilespmem:v40+s17+$0x0] =	vst.idx.msk $0xffff, v41  }
.Ltmp9:
0xc7: {  	v33 =	vmov s6;
	v40 =	vadd.s32 v23, v36;
	[tilespmem:v35+s17+$0x0] =	vst.idx.msk $0xffff, v42;
	v39 =	vmul.f32 $8.000000000e+00, v44;
	(pc) =	sbr.rel @p2 .LBB2_14-.Ltmp9, $4  }
0xc8: {  	s7 =	sadd.s32 $0x1, s6;
	s8 =	sadd.s32 $0x2, s6;
	v33 =	vshrl.u32 v33, $0x3;
	v41 =	vadd.s32 v17, v37;
	[tilespmem:v34+s17+$0x0] =	vst.idx.msk $0xffff, v43;
	v37 =	vmul.f32 $8.000000000e+00, v45  }
0xc9: {  	v35 =	vmov s7;
	s7 =	sadd.s32 $0x3, s6;
	v34 =	vmov s8;
	s8 =	sadd.s32 $0x4, s6;
	[tilespmem:v38+s17+$0x0] =	vst.idx.msk $0xffff, v39;
	v44 =	vmul.f32 $8.000000000e+00, v46  }
0xca: {  	v38 =	vmov s7;
	v36 =	vmov s8;
	s7 =	sadd.s32 $0x5, s6;
	s8 =	sadd.s32 $0x6, s6;
	[tilespmem:v47+s17+$0x0] =	vst.idx.msk $0xffff, v37;
	v42 =	vmul.f32 $8.000000000e+00, v48  }
0xcb: {  	s10 =	sadd.s32 $0x7, s6;
	s6 =	sadd.s32 $0x8, s6;
	v39 =	vmov s7;
	v37 =	vmov s8;
	v43 =	vmul.f32 $8.000000000e+00, v49;
	[tilespmem:v50+s17+$0x0] =	vst.idx.msk $0xffff, v44  }
.LBB2_15:
0xcc: {  	v33 =	vshll.u32 v33, v1;
	v35 =	vshrl.u32 v35, $0x3;
	v44 =	vmov s10  }
0xcd: {  	v34 =	vshrl.u32 v34, $0x3;
	v38 =	vshrl.u32 v38, $0x3;
	s0 =	sadd.s32 @p1 $0x200, s0;
	v36 =	vshrl.u32 v36, $0x3  }
0xce: {  	v39 =	vshrl.u32 v39, $0x3;
	v37 =	vshrl.u32 v37, $0x3;
	s11 =	smov.u32 @p1 s0;
	v35 =	vshll.u32 v35, v1  }
0xcf: {  	v44 =	vshrl.u32 v44, $0x3;
	v34 =	vshll.u32 v34, v1;
	v46 =	vld [tilespmem:s11+$0xFFFFFF40];
	v35 =	vbroadcast v35, $0x0  }
0xd0: {  	v38 =	vshll.u32 v38, v1;
	v36 =	vshll.u32 v36, v1;
	v47 =	vld [tilespmem:s11+$0xFFFFFF80];
	v34 =	vbroadcast v34, $0x0  }
0xd1: {  	v39 =	vshll.u32 v39, v1;
	v48 =	vld [tilespmem:s11+$0xFFFFFFC0];
	v38 =	vbroadcast v38, $0x0;
	v35 =	vadd.s32 v18, v35  }
0xd2: {  	v37 =	vshll.u32 v37, v1;
	v49 =	vld [tilespmem:s11+$0x0];
	v36 =	vbroadcast v36, $0x0;
	v34 =	vadd.s32 v19, v34  }
0xd3: {  	v33 =	vbroadcast v33, $0x0;
	v51 =	vld [tilespmem:s11+$0x40];
	v39 =	vbroadcast v39, $0x0;
	v38 =	vadd.s32 v20, v38  }
0xd4: {  	[tilespmem:v40+s17+$0x0] =	vst.idx.msk @p1 $0xffff, v42;
	v54 =	vld [tilespmem:s11+$0x80];
	v37 =	vbroadcast v37, $0x0;
	v36 =	vadd.s32 v21, v36;
	v53 =	vmul.f32 $8.000000000e+00, v46  }
0xd5: {  	[tilespmem:v41+s17+$0x0] =	vst.idx.msk @p1 $0xffff, v43;
	v44 =	vshll.u32 v44, v1;
	v55 =	vld [tilespmem:s11+$0xFFFFFF00];
	v39 =	vadd.s32 v22, v39;
	v56 =	vmul.f32 $8.000000000e+00, v47  }
0xd6: {  	v45 =	vld [tilespmem:s11+$0xC0];
	v44 =	vbroadcast v44, $0x0;
	v58 =	vadd.s32 v23, v37;
	v57 =	vmul.f32 $8.000000000e+00, v48;
	[tilespmem:v35+s17+$0x0] =	vst.idx.msk $0xffff, v53  }
0xd7: {  	v33 =	vadd.s32 v17, v33;
	v59 =	vmul.f32 $8.000000000e+00, v49;
	[tilespmem:v34+s17+$0x0] =	vst.idx.msk $0xffff, v56  }
0xd8: {  	p2 =	por $0x1, $0x1;
	v44 =	vadd.s32 v24, v44;
	v60 =	vmul.f32 $8.000000000e+00, v51;
	[tilespmem:v38+s17+$0x0] =	vst.idx.msk $0xffff, v57  }
.Ltmp10:
0xd9: {  	v61 =	vmul.f32 $8.000000000e+00, v54;
	[tilespmem:v36+s17+$0x0] =	vst.idx.msk $0xffff, v59;
	(pc) =	sbr.rel @!p2 .LBB2_16-.Ltmp10, $4  }
0xda: {  	s6 =	simm.s32 $0x0;
	s24 =	simm.s32 $0x3;
	v62 =	vmul.f32 $8.000000000e+00, v55;
	[tilespmem:v39+s17+$0x0] =	vst.idx.msk $0xffff, v60  }
0xdb: {  	s7 =	simm.s32 $0x1;
	s14 =	simm.s32 $0x2;
	s25 =	simm.s32 $0x5;
	v63 =	vmov s6;
	v40 =	vmov s24;
	v52 =	vmul.f32 $8.000000000e+00, v45;
	[tilespmem:v58+s17+$0x0] =	vst.idx.msk $0xffff, v61  }
0xdc: {  	s8 =	simm.s32 $0x4;
	s26 =	simm.s32 $0x6;
	s0 =	simm.s32 $0x6530;
	v43 =	vmov s25;
	v37 =	vmov s7;
	v35 =	vmov s14;
	[tilespmem:v33+s17+$0x0] =	vst.idx.msk $0xffff, v62  }
0xdd: {  	s6 =	simm.s32 $0x8;
	p1 =	por $0x0, $0x0;
	v38 =	vmov s8;
	v36 =	vshrl.u32 v63, $0x3;
	v39 =	vmov s26;
	s8 =	simm.s32 $0x7;
	[tilespmem:v44+s17+$0x0] =	vst.idx.msk $0xffff, v52  }
0xde: {  	v33 =	vshll.u32 v36, v1;
	v34 =	vshrl.u32 v37, $0x3;
	v50 =	vmov s8  }
0xdf: {  	v35 =	vshrl.u32 v35, $0x3;
	v51 =	vshrl.u32 v40, $0x3;
	v38 =	vshrl.u32 v38, $0x3  }
0xe0: {  	v52 =	vshrl.u32 v43, $0x3;
	v39 =	vshrl.u32 v39, $0x3;
	v41 =	vld [tilespmem:s0+$0xC0];
	v34 =	vshll.u32 v34, v1  }
0xe1: {  	v42 =	vld [tilespmem:s0+$0xFFFFFF40];
	v36 =	vshrl.u32 v50, $0x3;
	v35 =	vshll.u32 v35, v1;
	v34 =	vbroadcast v34, $0x0  }
0xe2: {  	v53 =	vld [tilespmem:s0+$0xFFFFFF80];
	v37 =	vshll.u32 v51, v1;
	v38 =	vshll.u32 v38, v1;
	v35 =	vbroadcast v35, $0x0  }
0xe3: {  	v44 =	vld [tilespmem:s0+$0xFFFFFFC0];
	v40 =	vshll.u32 v52, v1;
	v37 =	vbroadcast v37, $0x0;
	v34 =	vadd.s32 v26, v34  }
0xe4: {  	v45 =	vld [tilespmem:s0+$0x0];
	v39 =	vshll.u32 v39, v1;
	v38 =	vbroadcast v38, $0x0;
	v35 =	vadd.s32 v27, v35  }
0xe5: {  	v47 =	vld [tilespmem:s0+$0x40];
	v36 =	vshll.u32 v36, v1;
	v54 =	vbroadcast v40, $0x0;
	v46 =	vadd.s32 v28, v37  }
0xe6: {  	v48 =	vld [tilespmem:s0+$0x80];
	v36 =	vbroadcast v36, $0x0;
	v57 =	vadd.s32 v29, v38;
	v56 =	vmul.f32 $8.000000000e+00, v42  }
0xe7: {  	v49 =	vld [tilespmem:s0+$0xFFFFFF00];
	v58 =	vbroadcast v39, $0x0;
	v50 =	vadd.s32 v30, v54;
	v43 =	vmul.f32 $8.000000000e+00, v53  }
0xe8: {  	p2 =	por $0x1, $0x1;
	v59 =	vbroadcast v33, $0x0;
	v36 =	vadd.s32 v32, v36;
	v61 =	vmul.f32 $8.000000000e+00, v44;
	[tilespmem:v34+s17+$0x0] =	vst.idx.msk $0xffff, v56  }
.Ltmp11:
0xe9: {  	v60 =	vmov s6;
	s14 =	simm.s32 $0xB;
	v33 =	vadd.s32 v31, v58;
	v62 =	vmul.f32 $8.000000000e+00, v45;
	[tilespmem:v35+s17+$0x0] =	vst.idx.msk $0xffff, v43;
	(pc) =	sbr.rel @!p2 .LBB2_18-.Ltmp11, $4  }
0xea: {  	s13 =	simm.s32 $0x9;
	s26 =	simm.s32 $0xE;
	v40 =	vmov s14;
	v63 =	vmul.f32 $8.000000000e+00, v47;
	v34 =	vadd.s32 v25, v59;
	[tilespmem:v46+s17+$0x0] =	vst.idx.msk $0xffff, v61  }
0xeb: {  	s24 =	simm.s32 $0xC;
	v39 =	vmov s26;
	v37 =	vmov s13;
	v55 =	vmul.f32 $8.000000000e+00, v41;
	[tilespmem:v57+s17+$0x0] =	vst.idx.msk $0xffff, v62  }
0xec: {  	s7 =	simm.s32 $0xA;
	s25 =	simm.s32 $0xD;
	s8 =	simm.s32 $0xF;
	v38 =	vmov s24;
	v41 =	vmul.f32 $8.000000000e+00, v48;
	v42 =	vmul.f32 $8.000000000e+00, v49;
	[tilespmem:v50+s17+$0x0] =	vst.idx.msk $0xffff, v63  }
0xed: {  	p1 =	por $0x1, $0x1;
	s6 =	simm.s32 $0x6530;
	v35 =	vmov s7;
	v43 =	vmov s25;
	s7 =	simm.s32 $0x10;
	[tilespmem:v36+s17+$0x0] =	vst.idx.msk $0xffff, v55;
	v36 =	vshrl.u32 v60, $0x3  }
.LBB2_19:
0xee: {  	p2 =	slt.u32 s7, $0x78;
	v36 =	vshll.u32 v36, v1;
	v37 =	vshrl.u32 v37, $0x3;
	v44 =	vmov s8;
	[tilespmem:v33+s17+$0x0] =	vst.idx.msk $0xffff, v41  }
0xef: {  	v33 =	vshrl.u32 v35, $0x3;
	v35 =	vshrl.u32 v40, $0x3;
	v40 =	vshrl.u32 v44, $0x3;
	[tilespmem:v34+s17+$0x0] =	vst.idx.msk $0xffff, v42  }
0xf0: {  	s6 =	sadd.s32 $0x200, s6;
	v34 =	vshrl.u32 v38, $0x3;
	v38 =	vshrl.u32 v43, $0x3;
	v40 =	vshll.u32 v40, v1  }
0xf1: {  	v39 =	vshrl.u32 v39, $0x3;
	v37 =	vshll.u32 v37, v1;
	v41 =	vld [tilespmem:s6+$0xC0];
	v40 =	vbroadcast v40, $0x0  }
0xf2: {  	v33 =	vshll.u32 v33, v1;
	v35 =	vshll.u32 v35, v1;
	v37 =	vbroadcast v37, $0x0;
	v42 =	vld [tilespmem:s6+$0xFFFFFF40]  }
0xf3: {  	v33 =	vbroadcast v33, $0x0;
	v34 =	vshll.u32 v34, v1;
	v43 =	vld [tilespmem:s6+$0xFFFFFF80];
	v40 =	vadd.s32 v32, v40  }
0xf4: {  	v35 =	vbroadcast v35, $0x0;
	v38 =	vshll.u32 v38, v1;
	v37 =	vadd.s32 v26, v37;
	v44 =	vld [tilespmem:s6+$0xFFFFFFC0]  }
0xf5: {  	v45 =	vadd.s32 v27, v33;
	v33 =	vbroadcast v34, $0x0;
	v34 =	vshll.u32 v39, v1;
	v46 =	vld [tilespmem:s6+$0x0]  }
0xf6: {  	v39 =	vadd.s32 v28, v35;
	v35 =	vbroadcast v38, $0x0;
	v47 =	vld [tilespmem:s6+$0x40];
	v38 =	vmul.f32 $8.000000000e+00, v41  }
0xf7: {  	v41 =	vmul.f32 $8.000000000e+00, v42;
	v42 =	vadd.s32 v29, v33;
	v48 =	vld [tilespmem:s6+$0x80];
	v33 =	vbroadcast v34, $0x0  }
0xf8: {  	v50 =	vadd.s32 v30, v35;
	v34 =	vbroadcast v36, $0x0;
	v49 =	vld [tilespmem:s6+$0xFFFFFF00];
	v43 =	vmul.f32 $8.000000000e+00, v43;
	[tilespmem:v40+s17+$0x0] =	vst.idx.msk $0xffff, v38  }
.Ltmp12:
0xf9: {  	v35 =	vmov s7;
	[tilespmem:v37+s17+$0x0] =	vst.idx.msk $0xffff, v41;
	v38 =	vmul.f32 $8.000000000e+00, v44;
	v33 =	vadd.s32 v31, v33;
	(pc) =	sbr.rel @p2 .LBB2_19-.Ltmp12, $4  }
0xfa: {  	s8 =	sadd.s32 $0x1, s7;
	s10 =	sadd.s32 $0x2, s7;
	v36 =	vshrl.u32 v35, $0x3;
	v34 =	vadd.s32 v25, v34;
	[tilespmem:v45+s17+$0x0] =	vst.idx.msk $0xffff, v43;
	v41 =	vmul.f32 $8.000000000e+00, v46  }
0xfb: {  	v35 =	vmov s10;
	s10 =	sadd.s32 $0x4, s7;
	v37 =	vmov s8;
	s8 =	sadd.s32 $0x3, s7;
	[tilespmem:v39+s17+$0x0] =	vst.idx.msk $0xffff, v38;
	v44 =	vmul.f32 $8.000000000e+00, v47  }
0xfc: {  	v40 =	vmov s8;
	s8 =	sadd.s32 $0x5, s7;
	v38 =	vmov s10;
	s10 =	sadd.s32 $0x6, s7;
	[tilespmem:v42+s17+$0x0] =	vst.idx.msk $0xffff, v41;
	v41 =	vmul.f32 $8.000000000e+00, v48  }
0xfd: {  	v43 =	vmov s8;
	s8 =	sadd.s32 $0x7, s7;
	s7 =	sadd.s32 $0x8, s7;
	v39 =	vmov s10;
	v42 =	vmul.f32 $8.000000000e+00, v49;
	[tilespmem:v50+s17+$0x0] =	vst.idx.msk $0xffff, v44  }
.LBB2_20:
0xfe: {  	v36 =	vshll.u32 v36, v1;
	v37 =	vshrl.u32 v37, $0x3;
	v44 =	vmov s8  }
0xff: {  	v35 =	vshrl.u32 v35, $0x3;
	v40 =	vshrl.u32 v40, $0x3;
	s6 =	sadd.s32 @p1 $0x200, s6;
	v38 =	vshrl.u32 v38, $0x3  }
0x100: {  	v43 =	vshrl.u32 v43, $0x3;
	v39 =	vshrl.u32 v39, $0x3;
	s0 =	smov.u32 @p1 s6;
	v37 =	vshll.u32 v37, v1  }
0x101: {  	v44 =	vshrl.u32 v44, $0x3;
	v35 =	vshll.u32 v35, v1;
	v46 =	vld [tilespmem:s0+$0xFFFFFF40];
	v37 =	vbroadcast v37, $0x0  }
0x102: {  	v40 =	vshll.u32 v40, v1;
	v38 =	vshll.u32 v38, v1;
	v47 =	vld [tilespmem:s0+$0xFFFFFF80];
	v35 =	vbroadcast v35, $0x0  }
0x103: {  	v43 =	vshll.u32 v43, v1;
	v48 =	vld [tilespmem:s0+$0xFFFFFFC0];
	v40 =	vbroadcast v40, $0x0;
	v37 =	vadd.s32 v26, v37  }
0x104: {  	v39 =	vshll.u32 v39, v1;
	v49 =	vld [tilespmem:s0+$0x0];
	v38 =	vbroadcast v38, $0x0;
	v35 =	vadd.s32 v27, v35  }
0x105: {  	v36 =	vbroadcast v36, $0x0;
	v51 =	vld [tilespmem:s0+$0x40];
	v52 =	vbroadcast v43, $0x0;
	v50 =	vadd.s32 v28, v40  }
0x106: {  	[tilespmem:v33+s17+$0x0] =	vst.idx.msk @p1 $0xffff, v41;
	v55 =	vld [tilespmem:s0+$0x80];
	v39 =	vbroadcast v39, $0x0;
	v38 =	vadd.s32 v29, v38;
	v54 =	vmul.f32 $8.000000000e+00, v46  }
0x107: {  	[tilespmem:v34+s17+$0x0] =	vst.idx.msk @p1 $0xffff, v42;
	v44 =	vshll.u32 v44, v1;
	v56 =	vld [tilespmem:s0+$0xFFFFFF00];
	v41 =	vadd.s32 v30, v52;
	v57 =	vmul.f32 $8.000000000e+00, v47  }
0x108: {  	v45 =	vld [tilespmem:s0+$0xC0];
	v44 =	vbroadcast v44, $0x0;
	v59 =	vadd.s32 v31, v39;
	v58 =	vmul.f32 $8.000000000e+00, v48;
	[tilespmem:v37+s17+$0x0] =	vst.idx.msk $0xffff, v54  }
0x109: {  	s13 =	sadd.s32 s5, s1;
	v36 =	vadd.s32 v25, v36;
	v60 =	vmul.f32 $8.000000000e+00, v49;
	[tilespmem:v35+s17+$0x0] =	vst.idx.msk $0xffff, v57  }
0x10a: {  	s14 =	sshrl.u32 s13, $0x5;
	v44 =	vadd.s32 v32, v44;
	v61 =	vmul.f32 $8.000000000e+00, v51;
	[tilespmem:v50+s17+$0x0] =	vst.idx.msk $0xffff, v58  }
0x10b: {  	s0 =	sshll.u32 s13, $0xA;
	s7 =	sshll.u32 s14, $0xF;
	v62 =	vmul.f32 $8.000000000e+00, v55;
	[tilespmem:v38+s17+$0x0] =	vst.idx.msk $0xffff, v60  }
0x10c: {  	s6 =	sshll.u32 s14, $0x12;
	s0 =	ssub.s32 s0, s7;
	v63 =	vmul.f32 $8.000000000e+00, v56;
	[tilespmem:v41+s17+$0x0] =	vst.idx.msk $0xffff, v61  }
0x10d: {  	s0 =	sadd.s32 s6, s0;
	v53 =	vmul.f32 $8.000000000e+00, v45;
	[tilespmem:v59+s17+$0x0] =	vst.idx.msk $0xffff, v62  }
0x10e: {  	s0 =	sshrl.u32 s0, $0x3;
	[tilespmem:v36+s17+$0x0] =	vst.idx.msk $0xffff, v63  }
0x10f: {  	s24 =	simm.s32 $0xE400;
	s6 =	sadd.s32 s2, s0;
	[tilespmem:v44+s17+$0x0] =	vst.idx.msk $0xffff, v53  }
0x110: {  	[hbm4b:s6+s3] =	stream.linear.scatter [tilespmem:s24], [sflag:$0x5], $0x80, $0x38;
	[tilespmem:$0x16C00] =	vst v63  }
0x111: {  	s25 =	simm.s32 $0xE488;
	s26 =	sadd.s32 $0x10, s6  }
0x112: {  	[hbm4b:s26+s3] =	stream.linear.scatter [tilespmem:s25], [sflag:$0x5], $0x80, $0x38;
	[tilespmem:$0x16C00] =	vst v63  }
0x113: {  	s10 =	simm.s32 $0xE598;
	s7 =	simm.s32 $0xE510;
	s8 =	sadd.s32 $0x20, s6  }
0x114: {  	[hbm4b:s8+s3] =	stream.linear.scatter [tilespmem:s7], [sflag:$0x5], $0x80, $0x38;
	[tilespmem:$0x16C00] =	vst v63  }
0x115: {  	s12 =	simm.s32 $0xE620;
	s14 =	simm.s32 $0xE6A8;
	s11 =	sadd.s32 $0x30, s6  }
0x116: {  	[hbm4b:s11+s3] =	stream.linear.scatter [tilespmem:s10], [sflag:$0x5], $0x80, $0x38;
	[tilespmem:$0x16C00] =	vst v63  }
0x117: {  	s0 =	simm.s32 $0x440;
	s13 =	sadd.s32 $0x40, s6;
	s24 =	sadd.s32 $0x50, s6  }
0x118: {  	[hbm4b:s13+s3] =	stream.linear.scatter [tilespmem:s12], [sflag:$0x5], $0x80, $0x38;
	[tilespmem:$0x16C00] =	vst v63  }
0x119: {  	s25 =	simm.s32 $0xE730;
	s26 =	sadd.s32 $0x60, s6;
	s7 =	simm.s32 $0x2200  }
0x11a: {  	[hbm4b:s24+s3] =	stream.linear.scatter [tilespmem:s14], [sflag:$0x5], $0x80, $0x38;
	[tilespmem:$0x16C00] =	vst v63  }
0x11b: {  	s8 =	simm.s32 $0xE7B8;
	s10 =	sadd.s32 $0x70, s6;
	s6 =	sadd.s32 $0x1000, s6  }
0x11c: {  	[hbm4b:s26+s3] =	stream.linear.scatter [tilespmem:s25], [sflag:$0x5], $0x80, $0x38;
	[tilespmem:$0x16C00] =	vst v63  }
.LBB2_21:
0x11d: {  	[hbm4b:s10+s3] =	stream.linear.scatter [tilespmem:s8], [sflag:$0x5], $0x80, $0x38;
	[tilespmem:$0x16C00] =	vst v63  }
0x11e: {  	s8 =	smov.u32 s0;
	s0 =	smov.u32 s7  }
0x11f: {  	s11 =	sadd.s32 $0x1100, s7;
	s0 =	sshra.s32 s0, $0x2;
	s10 =	sadd.s32 $0xE400, s8  }
0x120: {  	[hbm4b:s6+s3] =	stream.linear.scatter [tilespmem:s10], [sflag:$0x5], $0x80, $0x38;
	[tilespmem:$0x16C00] =	vst v63  }
0x121: {  	p1 =	sne.s32 s7, $0x7700;
	s7 =	sadd.s32 $0xE488, s8;
	s10 =	sadd.s32 $0x10, s6  }
0x122: {  	[hbm4b:s10+s3] =	stream.linear.scatter [tilespmem:s7], [sflag:$0x5], $0x80, $0x38;
	[tilespmem:$0x16C00] =	vst v63  }
0x123: {  	s7 =	sadd.s32 $0xE510, s8;
	s10 =	sadd.s32 $0x20, s6  }
0x124: {  	[hbm4b:s10+s3] =	stream.linear.scatter [tilespmem:s7], [sflag:$0x5], $0x80, $0x38;
	[tilespmem:$0x16C00] =	vst v63  }
0x125: {  	s7 =	sadd.s32 $0xE598, s8;
	s10 =	sadd.s32 $0x30, s6  }
0x126: {  	[hbm4b:s10+s3] =	stream.linear.scatter [tilespmem:s7], [sflag:$0x5], $0x80, $0x38;
	[tilespmem:$0x16C00] =	vst v63  }
0x127: {  	s7 =	sadd.s32 $0xE620, s8;
	s10 =	sadd.s32 $0x40, s6  }
0x128: {  	[hbm4b:s10+s3] =	stream.linear.scatter [tilespmem:s7], [sflag:$0x5], $0x80, $0x38;
	[tilespmem:$0x16C00] =	vst v63  }
.Ltmp13:
0x129: {  	s7 =	sadd.s32 $0xE6A8, s8;
	s10 =	sadd.s32 $0x50, s6;
	(pc) =	sbr.rel @p1 .LBB2_21-.Ltmp13, $4  }
0x12a: {  	[hbm4b:s10+s3] =	stream.linear.scatter [tilespmem:s7], [sflag:$0x5], $0x80, $0x38;
	[tilespmem:$0x16C00] =	vst v63  }
0x12b: {  	s7 =	sadd.s32 $0xE730, s8;
	s10 =	sadd.s32 $0x60, s6;
	s8 =	sadd.s32 $0xE7B8, s8  }
0x12c: {  	[hbm4b:s10+s3] =	stream.linear.scatter [tilespmem:s7], [sflag:$0x5], $0x80, $0x38;
	[tilespmem:$0x16C00] =	vst v63  }
0x12d: {  	s10 =	sadd.s32 $0x70, s6;
	s6 =	sadd.s32 $0x1000, s6;
	s7 =	smov.u32 s11  }
0x12e: {  	[hbm4b:s10+s3] =	stream.linear.scatter [tilespmem:s8], [sflag:$0x5], $0x80, $0x38;
	[tilespmem:$0x16C00] =	vst v63  }
0x12f: {  	s7 =	sadd.s32 $0xE400, s0  }
0x130: {  	[hbm4b:s6+s3] =	stream.linear.scatter [tilespmem:s7], [sflag:$0x5], $0x80, $0x38;
	[tilespmem:$0x16C00] =	vst v63  }
0x131: {  	s14 =	sadd.s32 $0xE488, s0;
	s24 =	sadd.s32 $0x10, s6  }
0x132: {  	[hbm4b:s24+s3] =	stream.linear.scatter [tilespmem:s14], [sflag:$0x5], $0x80, $0x38;
	[tilespmem:$0x16C00] =	vst v63  }
0x133: {  	s25 =	sadd.s32 $0xE510, s0;
	s26 =	sadd.s32 $0x20, s6;
	s8 =	sadd.s32 $0xE598, s0  }
0x134: {  	[hbm4b:s26+s3] =	stream.linear.scatter [tilespmem:s25], [sflag:$0x5], $0x80, $0x38;
	[tilespmem:$0x16C00] =	vst v63  }
0x135: {  	s10 =	sadd.s32 $0x30, s6;
	s11 =	sadd.s32 $0xE620, s0;
	s12 =	sadd.s32 $0x40, s6  }
0x136: {  	[hbm4b:s10+s3] =	stream.linear.scatter [tilespmem:s8], [sflag:$0x5], $0x80, $0x38;
	[tilespmem:$0x16C00] =	vst v63  }
0x137: {  	s13 =	sadd.s32 $0xE6A8, s0;
	p1 =	seq.s32 s31, $0x31;
	s14 =	sadd.s32 $0x50, s6  }
0x138: {  	[hbm4b:s12+s3] =	stream.linear.scatter [tilespmem:s11], [sflag:$0x5], $0x80, $0x38;
	[tilespmem:$0x16C00] =	vst v63  }
0x139: {  	s24 =	sadd.s32 $0xE730, s0;
	s26 =	sadd.s32 $0xE7B8, s0;
	s0 =	sshll.u32 @!p1 s31, $0x9  }
0x13a: {  	[hbm4b:s14+s3] =	stream.linear.scatter [tilespmem:s13], [sflag:$0x5], $0x80, $0x38;
	[tilespmem:$0x16C00] =	vst v63  }
0x13b: {  	s25 =	sadd.s32 $0x60, s6;
	s0 =	sand.u32 @!p1 $0x3FFFFE00, s0  }
0x13c: {  	[hbm4b:s25+s3] =	stream.linear.scatter [tilespmem:s24], [sflag:$0x5], $0x80, $0x38;
	[tilespmem:$0x16C00] =	vst v63  }
0x13d: {  	s7 =	sadd.s32 $0x70, s6;
	s6 =	sadd.s32 @!p1 $0x200, s0  }
0x13e: {  	[hbm4b:s7+s3] =	stream.linear.scatter [tilespmem:s26], [sflag:$0x5], $0x80, $0x38;
	[tilespmem:$0x16C00] =	vst v63  }
0x13f: {  	s8 =	simm.s32 @!p1 $0x6400;
	s10 =	simm.s32 $0x1;
	s7 =	simm.s32 @!p1 $0x80  }
0x140: {  	[tilespmem:s8], [sflag:$0x1] =	stream.indirect.gather @!p1 [hbm4b:s4+s7], $0x40, s6, s7, $0xb8;
	[tilespmem:$0x16C00] =	vst v63  }
0x141: {  	v34 =	vmov s10;
	_ =	swait.ge [sflag:s18], $0x2000  }
0x142: {  	s11 =	simm.s32 $0x2;
	s12 =	simm.s32 $0x3;
	v59 =	vshrl.u32 v34, $0x3;
	[sflag:s18] =	ssyncset.done $0x0  }
0x143: {  	s10 =	simm.s32 @!p0 $0x6;
	v35 =	vmov s11;
	v36 =	vmov s12;
	v41 =	vshll.u32 v59, v1;
	s13 =	simm.s32 $0x4;
	[sflag:s18] =	ssyncadd.s32 $0xFFFFE000  }
0x144: {  	s14 =	simm.s32 $0x5;
	v35 =	vshrl.u32 v35, $0x3;
	v36 =	vshrl.u32 v36, $0x3;
	v37 =	vmov s13;
	s25 =	simm.s32 $0x7;
	_ =	swait.ge @!p0 [sflag:s10], $0x2000  }
0x145: {  	v38 =	vmov s14;
	v35 =	vshll.u32 v35, v1;
	v60 =	vmov s25;
	s8 =	simm.s32 $0x0;
	[sflag:s10] =	ssyncset.done @!p0 $0x0  }
0x146: {  	v36 =	vshll.u32 v36, v1;
	v34 =	vshrl.u32 v60, $0x3;
	v33 =	vmov s8;
	s8 =	simm.s32 $0x85C0;
	[sflag:s10] =	ssyncadd.s32 @!p0 $0xFFFFE000  }
0x147: {  	v37 =	vshrl.u32 v37, $0x3;
	v34 =	vshll.u32 v34, v1;
	v33 =	vshrl.u32 v33, $0x3;
	v42 =	vld [tilespmem:s8+$0x0]  }
0x148: {  	v35 =	vbroadcast v35, $0x0;
	v40 =	vshll.u32 v33, v1;
	v33 =	vbroadcast v34, $0x0;
	v43 =	vld [tilespmem:s8+$0xFFFFFE80]  }
0x149: {  	s24 =	simm.s32 $0x6;
	v38 =	vshrl.u32 v38, $0x3;
	v36 =	vbroadcast v36, $0x0;
	v34 =	vbroadcast v41, $0x0;
	v61 =	vld [tilespmem:s8+$0xFFFFFEC0]  }
0x14a: {  	v39 =	vmov s24;
	v37 =	vshll.u32 v37, v1;
	v44 =	vadd.s32 v8, v33;
	v46 =	vld [tilespmem:s8+$0xFFFFFF00]  }
0x14b: {  	v38 =	vshll.u32 v38, v1;
	v39 =	vshrl.u32 v39, $0x3;
	v45 =	vadd.s32 v2, v34;
	v48 =	vld [tilespmem:s8+$0xFFFFFF40]  }
0x14c: {  	v47 =	vadd.s32 v3, v35;
	v37 =	vbroadcast v37, $0x0;
	v49 =	vadd.s32 v4, v36;
	v50 =	vld [tilespmem:s8+$0xFFFFFF80]  }
0x14d: {  	v38 =	vbroadcast v38, $0x0;
	v39 =	vshll.u32 v39, v1;
	v54 =	vld [tilespmem:s8+$0xFFFFFE40];
	v42 =	vmul.f32 $8.000000000e+00, v42  }
0x14e: {  	v52 =	vadd.s32 v5, v37;
	v39 =	vbroadcast v39, $0x0;
	v53 =	vld [tilespmem:s8+$0xFFFFFFC0];
	v43 =	vmul.f32 $8.000000000e+00, v43  }
0x14f: {  	s26 =	simm.s32 $0x8;
	v55 =	vadd.s32 v6, v38;
	v40 =	vbroadcast v40, $0x0;
	v51 =	vmul.f32 $8.000000000e+00, v61;
	[tilespmem:v44+s19+$0x0] =	vst.idx.msk $0xffff, v42  }
0x150: {  	s11 =	simm.s32 $0x9;
	v41 =	vmov s26;
	v62 =	vmul.f32 $8.000000000e+00, v46;
	[tilespmem:v45+s19+$0x0] =	vst.idx.msk $0xffff, v43;
	v43 =	vadd.s32 v7, v39  }
0x151: {  	s7 =	simm.s32 $0xE;
	v63 =	vmul.f32 $8.000000000e+00, v48;
	v48 =	vmov s11;
	v42 =	vadd.s32 v0, v40;
	[tilespmem:v47+s19+$0x0] =	vst.idx.msk $0xffff, v51  }
0x152: {  	s12 =	simm.s32 $0xA;
	v56 =	vmul.f32 $8.000000000e+00, v50;
	v50 =	vmov s7;
	v46 =	vmul.f32 $8.000000000e+00, v54;
	[tilespmem:v49+s19+$0x0] =	vst.idx.msk $0xffff, v62  }
0x153: {  	s13 =	simm.s32 $0xB;
	s14 =	simm.s32 $0xC;
	s6 =	simm.s32 $0xD;
	v44 =	vshrl.u32 v41, $0x3;
	v47 =	vmov s12;
	[tilespmem:v52+s19+$0x0] =	vst.idx.msk $0xffff, v63;
	v45 =	vmul.f32 $8.000000000e+00, v53  }
0x154: {  	s25 =	simm.s32 $0xF;
	s24 =	simm.s32 $0x10;
	s10 =	sor.u32 $0x1, s1;
	v51 =	vmov s13;
	v49 =	vmov s14;
	v52 =	vmov s6;
	[tilespmem:v55+s19+$0x0] =	vst.idx.msk $0xffff, v56  }
.LBB2_23:
0x155: {  	p2 =	slt.u32 s24, $0x78;
	v44 =	vshll.u32 v44, v1;
	v48 =	vshrl.u32 v48, $0x3;
	v53 =	vmov s25;
	[tilespmem:v43+s19+$0x0] =	vst.idx.msk $0xffff, v45  }
0x156: {  	v43 =	vshrl.u32 v47, $0x3;
	v45 =	vshrl.u32 v51, $0x3;
	v47 =	vshrl.u32 v53, $0x3;
	[tilespmem:v42+s19+$0x0] =	vst.idx.msk $0xffff, v46  }
0x157: {  	s8 =	sadd.s32 $0x200, s8;
	v42 =	vshrl.u32 v49, $0x3;
	v46 =	vshrl.u32 v52, $0x3;
	v47 =	vshll.u32 v47, v1  }
0x158: {  	v48 =	vshll.u32 v48, v1;
	v49 =	vshrl.u32 v50, $0x3;
	v50 =	vld [tilespmem:s8+$0x0];
	v47 =	vbroadcast v47, $0x0  }
0x159: {  	v43 =	vshll.u32 v43, v1;
	v45 =	vshll.u32 v45, v1;
	v48 =	vbroadcast v48, $0x0;
	v51 =	vld [tilespmem:s8+$0xFFFFFE80]  }
0x15a: {  	v43 =	vbroadcast v43, $0x0;
	v42 =	vshll.u32 v42, v1;
	v52 =	vld [tilespmem:s8+$0xFFFFFEC0];
	v47 =	vadd.s32 v8, v47  }
0x15b: {  	v45 =	vbroadcast v45, $0x0;
	v46 =	vshll.u32 v46, v1;
	v48 =	vadd.s32 v2, v48;
	v53 =	vld [tilespmem:s8+$0xFFFFFF00]  }
0x15c: {  	v42 =	vbroadcast v42, $0x0;
	v54 =	vadd.s32 v3, v43;
	v43 =	vshll.u32 v49, v1;
	v55 =	vld [tilespmem:s8+$0xFFFFFF40]  }
0x15d: {  	v46 =	vbroadcast v46, $0x0;
	v45 =	vadd.s32 v4, v45;
	v49 =	vld [tilespmem:s8+$0xFFFFFF80];
	v50 =	vmul.f32 $8.000000000e+00, v50  }
0x15e: {  	v56 =	vadd.s32 v5, v42;
	v42 =	vbroadcast v43, $0x0;
	v51 =	vmul.f32 $8.000000000e+00, v51;
	v57 =	vld [tilespmem:s8+$0xFFFFFFC0]  }
0x15f: {  	v59 =	vbroadcast v44, $0x0;
	v60 =	vadd.s32 v6, v46;
	v58 =	vld [tilespmem:s8+$0xFFFFFE40];
	v52 =	vmul.f32 $8.000000000e+00, v52;
	[tilespmem:v47+s19+$0x0] =	vst.idx.msk $0xffff, v50  }
.Ltmp14:
0x160: {  	v44 =	vmov s24;
	v43 =	vadd.s32 v7, v42;
	[tilespmem:v48+s19+$0x0] =	vst.idx.msk $0xffff, v51;
	v46 =	vmul.f32 $8.000000000e+00, v53;
	(pc) =	sbr.rel @p2 .LBB2_23-.Ltmp14, $4  }
0x161: {  	s25 =	sadd.s32 $0x1, s24;
	s26 =	sadd.s32 $0x2, s24;
	v44 =	vshrl.u32 v44, $0x3;
	v42 =	vadd.s32 v0, v59;
	[tilespmem:v54+s19+$0x0] =	vst.idx.msk $0xffff, v52;
	v50 =	vmul.f32 $8.000000000e+00, v55  }
0x162: {  	v47 =	vmov s26;
	s26 =	sadd.s32 $0x4, s24;
	v48 =	vmov s25;
	s25 =	sadd.s32 $0x3, s24;
	[tilespmem:v45+s19+$0x0] =	vst.idx.msk $0xffff, v46;
	v53 =	vmul.f32 $8.000000000e+00, v49  }
0x163: {  	v51 =	vmov s25;
	s25 =	sadd.s32 $0x5, s24;
	v49 =	vmov s26;
	s26 =	sadd.s32 $0x6, s24;
	[tilespmem:v56+s19+$0x0] =	vst.idx.msk $0xffff, v50;
	v45 =	vmul.f32 $8.000000000e+00, v57  }
0x164: {  	v52 =	vmov s25;
	s25 =	sadd.s32 $0x7, s24;
	s24 =	sadd.s32 $0x8, s24;
	v50 =	vmov s26;
	v46 =	vmul.f32 $8.000000000e+00, v58;
	[tilespmem:v60+s19+$0x0] =	vst.idx.msk $0xffff, v53  }
0x165: {  	v44 =	vshll.u32 v44, v1;
	v48 =	vshrl.u32 v48, $0x3  }
0x166: {  	v53 =	vmov s25;
	v47 =	vshrl.u32 v47, $0x3;
	v51 =	vshrl.u32 v51, $0x3  }
0x167: {  	v49 =	vshrl.u32 v49, $0x3;
	v52 =	vshrl.u32 v52, $0x3;
	s8 =	sadd.s32 $0x200, s8;
	v50 =	vshrl.u32 v50, $0x3  }
0x168: {  	v53 =	vshrl.u32 v53, $0x3;
	v48 =	vshll.u32 v48, v1;
	v47 =	vshll.u32 v47, v1;
	v56 =	vld [tilespmem:s8+$0xFFFFFEC0]  }
0x169: {  	v51 =	vshll.u32 v51, v1;
	v49 =	vshll.u32 v49, v1;
	v60 =	vld [tilespmem:s8+$0xFFFFFE40];
	v44 =	vbroadcast v44, $0x0  }
0x16a: {  	v55 =	vld [tilespmem:s8+$0xFFFFFE80];
	v52 =	vshll.u32 v52, v1;
	v53 =	vshll.u32 v53, v1;
	v48 =	vbroadcast v48, $0x0  }
0x16b: {  	v47 =	vbroadcast v47, $0x0;
	v51 =	vbroadcast v51, $0x0;
	v44 =	vadd.s32 v0, v44  }
0x16c: {  	v54 =	vld [tilespmem:s8+$0x0];
	v50 =	vshll.u32 v50, v1;
	v53 =	vbroadcast v53, $0x0;
	v48 =	vadd.s32 v2, v48  }
0x16d: {  	[tilespmem:v43+s19+$0x0] =	vst.idx.msk $0xffff, v45;
	v58 =	vld [tilespmem:s8+$0xFFFFFF40];
	v49 =	vbroadcast v49, $0x0;
	v47 =	vadd.s32 v3, v47;
	v43 =	vadd.s32 v4, v51  }
0x16e: {  	v57 =	vld [tilespmem:s8+$0xFFFFFF00];
	v53 =	vadd.s32 v8, v53;
	v61 =	vmul.f32 $8.000000000e+00, v56;
	v56 =	vmul.f32 $8.000000000e+00, v60  }
0x16f: {  	v45 =	vld [tilespmem:s8+$0xFFFFFF80];
	[tilespmem:v42+s19+$0x0] =	vst.idx.msk $0xffff, v46;
	v51 =	vbroadcast v52, $0x0;
	v46 =	vadd.s32 v5, v49;
	v63 =	vmul.f32 $8.000000000e+00, v55  }
0x170: {  	v59 =	vld [tilespmem:s8+$0xFFFFFFC0];
	v50 =	vbroadcast v50, $0x0;
	[tilespmem:v44+s19+$0x0] =	vst.idx.msk $0xffff, v56  }
0x171: {  	v62 =	vmul.f32 $8.000000000e+00, v54;
	v51 =	vadd.s32 v6, v51;
	[tilespmem:v48+s19+$0x0] =	vst.idx.msk $0xffff, v63  }
0x172: {  	v52 =	vmul.f32 $8.000000000e+00, v58;
	v63 =	vadd.s32 v7, v50;
	[tilespmem:v47+s19+$0x0] =	vst.idx.msk $0xffff, v61  }
0x173: {  	[tilespmem:v53+s19+$0x0] =	vst.idx.msk $0xffff, v62;
	v62 =	vmul.f32 $8.000000000e+00, v57  }
0x174: {  	[tilespmem:v46+s19+$0x0] =	vst.idx.msk $0xffff, v52;
	v53 =	vmul.f32 $8.000000000e+00, v45  }
0x175: {  	v55 =	vmul.f32 $8.000000000e+00, v59;
	[tilespmem:v43+s19+$0x0] =	vst.idx.msk $0xffff, v62  }
0x176: {  	[tilespmem:v51+s19+$0x0] =	vst.idx.msk $0xffff, v53  }
0x177: {  	s8 =	simm.s32 $0x85D0;
	[tilespmem:v63+s19+$0x0] =	vst.idx.msk $0xffff, v55  }
0x178: {  	v42 =	vld [tilespmem:s8+$0x0]  }
0x179: {  	v43 =	vld [tilespmem:s8+$0xFFFFFE80]  }
0x17a: {  	v33 =	vadd.s32 v16, v33;
	v44 =	vld [tilespmem:s8+$0xFFFFFEC0]  }
0x17b: {  	v34 =	vadd.s32 v10, v34;
	v45 =	vld [tilespmem:s8+$0xFFFFFF00]  }
0x17c: {  	v35 =	vadd.s32 v11, v35;
	v46 =	vld [tilespmem:s8+$0xFFFFFF40]  }
0x17d: {  	v36 =	vadd.s32 v12, v36;
	v47 =	vld [tilespmem:s8+$0xFFFFFF80];
	v42 =	vmul.f32 $8.000000000e+00, v42  }
0x17e: {  	v57 =	vadd.s32 v13, v37;
	v58 =	vld [tilespmem:s8+$0xFFFFFFC0];
	v43 =	vmul.f32 $8.000000000e+00, v43  }
0x17f: {  	v60 =	vadd.s32 v14, v38;
	v59 =	vld [tilespmem:s8+$0xFFFFFE40];
	v44 =	vmul.f32 $8.000000000e+00, v44;
	[tilespmem:v33+s19+$0x0] =	vst.idx.msk $0xffff, v42  }
0x180: {  	v61 =	vmul.f32 $8.000000000e+00, v45;
	[tilespmem:v34+s19+$0x0] =	vst.idx.msk $0xffff, v43;
	v34 =	vadd.s32 v15, v39  }
0x181: {  	v38 =	vmov s12;
	v62 =	vmul.f32 $8.000000000e+00, v46;
	v33 =	vadd.s32 v9, v40;
	[tilespmem:v35+s19+$0x0] =	vst.idx.msk $0xffff, v44  }
0x182: {  	v37 =	vshrl.u32 v41, $0x3;
	v41 =	vmov s11;
	v63 =	vmul.f32 $8.000000000e+00, v47;
	[tilespmem:v36+s19+$0x0] =	vst.idx.msk $0xffff, v61  }
0x183: {  	v42 =	vmov s13;
	v39 =	vmov s14;
	[tilespmem:v57+s19+$0x0] =	vst.idx.msk $0xffff, v62;
	v35 =	vmul.f32 $8.000000000e+00, v58  }
0x184: {  	v43 =	vmov s6;
	v40 =	vmov s7;
	s7 =	simm.s32 $0xF;
	s6 =	simm.s32 $0x10;
	v36 =	vmul.f32 $8.000000000e+00, v59;
	[tilespmem:v60+s19+$0x0] =	vst.idx.msk $0xffff, v63  }
.LBB2_25:
0x185: {  	p2 =	slt.u32 s6, $0x78;
	v37 =	vshll.u32 v37, v1;
	v41 =	vshrl.u32 v41, $0x3;
	v44 =	vmov s7;
	[tilespmem:v34+s19+$0x0] =	vst.idx.msk $0xffff, v35  }
0x186: {  	v34 =	vshrl.u32 v38, $0x3;
	v35 =	vshrl.u32 v42, $0x3;
	v38 =	vshrl.u32 v44, $0x3;
	[tilespmem:v33+s19+$0x0] =	vst.idx.msk $0xffff, v36  }
0x187: {  	s8 =	sadd.s32 $0x200, s8;
	v33 =	vshrl.u32 v39, $0x3;
	v36 =	vshrl.u32 v43, $0x3;
	v38 =	vshll.u32 v38, v1  }
0x188: {  	v40 =	vshrl.u32 v40, $0x3;
	v39 =	vshll.u32 v41, v1;
	v41 =	vld [tilespmem:s8+$0x0];
	v38 =	vbroadcast v38, $0x0  }
0x189: {  	v34 =	vshll.u32 v34, v1;
	v35 =	vshll.u32 v35, v1;
	v39 =	vbroadcast v39, $0x0;
	v42 =	vld [tilespmem:s8+$0xFFFFFE80]  }
0x18a: {  	v34 =	vbroadcast v34, $0x0;
	v33 =	vshll.u32 v33, v1;
	v43 =	vld [tilespmem:s8+$0xFFFFFEC0];
	v38 =	vadd.s32 v16, v38  }
0x18b: {  	v35 =	vbroadcast v35, $0x0;
	v36 =	vshll.u32 v36, v1;
	v39 =	vadd.s32 v10, v39;
	v44 =	vld [tilespmem:s8+$0xFFFFFF00]  }
0x18c: {  	v33 =	vbroadcast v33, $0x0;
	v45 =	vadd.s32 v11, v34;
	v34 =	vshll.u32 v40, v1;
	v46 =	vld [tilespmem:s8+$0xFFFFFF40]  }
0x18d: {  	v36 =	vbroadcast v36, $0x0;
	v35 =	vadd.s32 v12, v35;
	v40 =	vld [tilespmem:s8+$0xFFFFFF80];
	v41 =	vmul.f32 $8.000000000e+00, v41  }
0x18e: {  	v47 =	vadd.s32 v13, v33;
	v33 =	vbroadcast v34, $0x0;
	v42 =	vmul.f32 $8.000000000e+00, v42;
	v48 =	vld [tilespmem:s8+$0xFFFFFFC0]  }
0x18f: {  	v50 =	vbroadcast v37, $0x0;
	v51 =	vadd.s32 v14, v36;
	v49 =	vld [tilespmem:s8+$0xFFFFFE40];
	v43 =	vmul.f32 $8.000000000e+00, v43;
	[tilespmem:v38+s19+$0x0] =	vst.idx.msk $0xffff, v41  }
.Ltmp15:
0x190: {  	v36 =	vmov s6;
	v34 =	vadd.s32 v15, v33;
	[tilespmem:v39+s19+$0x0] =	vst.idx.msk $0xffff, v42;
	v39 =	vmul.f32 $8.000000000e+00, v44;
	(pc) =	sbr.rel @p2 .LBB2_25-.Ltmp15, $4  }
0x191: {  	s7 =	sadd.s32 $0x1, s6;
	s11 =	sadd.s32 $0x2, s6;
	v37 =	vshrl.u32 v36, $0x3;
	v33 =	vadd.s32 v9, v50;
	[tilespmem:v45+s19+$0x0] =	vst.idx.msk $0xffff, v43;
	v36 =	vmul.f32 $8.000000000e+00, v46  }
0x192: {  	v41 =	vmov s7;
	v38 =	vmov s11;
	s7 =	sadd.s32 $0x3, s6;
	s11 =	sadd.s32 $0x4, s6;
	[tilespmem:v35+s19+$0x0] =	vst.idx.msk $0xffff, v39;
	v44 =	vmul.f32 $8.000000000e+00, v40  }
0x193: {  	v42 =	vmov s7;
	s7 =	sadd.s32 $0x5, s6;
	v39 =	vmov s11;
	s11 =	sadd.s32 $0x6, s6;
	[tilespmem:v47+s19+$0x0] =	vst.idx.msk $0xffff, v36;
	v35 =	vmul.f32 $8.000000000e+00, v48  }
0x194: {  	v43 =	vmov s7;
	s7 =	sadd.s32 $0x7, s6;
	s6 =	sadd.s32 $0x8, s6;
	v40 =	vmov s11;
	v36 =	vmul.f32 $8.000000000e+00, v49;
	[tilespmem:v51+s19+$0x0] =	vst.idx.msk $0xffff, v44  }
0x195: {  	v37 =	vshll.u32 v37, v1;
	v41 =	vshrl.u32 v41, $0x3;
	v44 =	vmov s7  }
0x196: {  	v38 =	vshrl.u32 v38, $0x3;
	v42 =	vshrl.u32 v42, $0x3;
	v39 =	vshrl.u32 v39, $0x3  }
0x197: {  	s6 =	sadd.s32 $0x200, s8;
	v43 =	vshrl.u32 v43, $0x3;
	v40 =	vshrl.u32 v40, $0x3;
	v44 =	vshrl.u32 v44, $0x3  }
0x198: {  	v41 =	vshll.u32 v41, v1;
	v38 =	vshll.u32 v38, v1;
	v56 =	vld [tilespmem:s6+$0xFFFFFE40];
	v37 =	vbroadcast v37, $0x0  }
0x199: {  	v46 =	vld [tilespmem:s6+$0xFFFFFE80];
	v42 =	vshll.u32 v42, v1;
	v39 =	vshll.u32 v39, v1;
	v41 =	vbroadcast v41, $0x0  }
0x19a: {  	v47 =	vld [tilespmem:s6+$0xFFFFFEC0];
	v43 =	vshll.u32 v43, v1;
	v38 =	vbroadcast v38, $0x0;
	v59 =	vadd.s32 v9, v37  }
0x19b: {  	v48 =	vld [tilespmem:s6+$0xFFFFFF00];
	v40 =	vshll.u32 v40, v1;
	v42 =	vbroadcast v42, $0x0;
	v41 =	vadd.s32 v10, v41  }
0x19c: {  	v49 =	vld [tilespmem:s6+$0xFFFFFF40];
	v39 =	vbroadcast v39, $0x0;
	v63 =	vbroadcast v43, $0x0;
	v38 =	vadd.s32 v11, v38  }
0x19d: {  	[tilespmem:v34+s19+$0x0] =	vst.idx.msk $0xffff, v35;
	v50 =	vld [tilespmem:s6+$0xFFFFFF80];
	v55 =	vbroadcast v40, $0x0;
	v62 =	vadd.s32 v12, v42;
	v40 =	vmul.f32 $8.000000000e+00, v56  }
0x19e: {  	v52 =	vld [tilespmem:s6+$0xFFFFFFC0];
	[tilespmem:v33+s19+$0x0] =	vst.idx.msk $0xffff, v36;
	v44 =	vshll.u32 v44, v1;
	v54 =	vadd.s32 v13, v39;
	v53 =	vmul.f32 $8.000000000e+00, v46  }
0x19f: {  	v45 =	vld [tilespmem:s6+$0x0];
	v44 =	vbroadcast v44, $0x0;
	v35 =	vadd.s32 v14, v63;
	v57 =	vmul.f32 $8.000000000e+00, v47;
	[tilespmem:v59+s19+$0x0] =	vst.idx.msk $0xffff, v40  }
0x1a0: {  	v39 =	vadd.s32 v15, v55;
	v58 =	vmul.f32 $8.000000000e+00, v48;
	[tilespmem:v41+s19+$0x0] =	vst.idx.msk $0xffff, v53  }
0x1a1: {  	p3 =	por $0x1, $0x1;
	s12 =	simm.s32 $0x2;
	v44 =	vadd.s32 v16, v44;
	v60 =	vmul.f32 $8.000000000e+00, v49;
	[tilespmem:v38+s19+$0x0] =	vst.idx.msk $0xffff, v57  }
.Ltmp16:
0x1a2: {  	s24 =	simm.s32 $0x4;
	s26 =	simm.s32 $0x6;
	v34 =	vmov s12;
	v61 =	vmul.f32 $8.000000000e+00, v50;
	[tilespmem:v62+s19+$0x0] =	vst.idx.msk $0xffff, v58;
	(pc) =	sbr.rel @!p3 .LBB2_30-.Ltmp16, $4  }
0x1a3: {  	s8 =	simm.s32 $0x0;
	s11 =	simm.s32 $0x1;
	v36 =	vmov s24;
	v37 =	vmov s26;
	v63 =	vmul.f32 $8.000000000e+00, v52;
	[tilespmem:v54+s19+$0x0] =	vst.idx.msk $0xffff, v60  }
0x1a4: {  	s13 =	simm.s32 $0x85E0;
	s14 =	simm.s32 $0x3;
	s25 =	simm.s32 $0x5;
	v51 =	vmul.f32 $8.000000000e+00, v45;
	v62 =	vmov s8;
	[tilespmem:v35+s19+$0x0] =	vst.idx.msk $0xffff, v61;
	v35 =	vmov s11  }
0x1a5: {  	p2 =	por $0x0, $0x0;
	p4 =	por $0x0, $0x0;
	s12 =	simm.s32 $0x7;
	v46 =	vmovc v34;
	v47 =	vmovc v36;
	v38 =	vmov s14;
	[tilespmem:v39+s19+$0x0] =	vst.idx.msk $0xffff, v63;
	v39 =	vmov s25;
	v33 =	vshrl.u32 v62, $0x3  }
0x1a6: {  	s6 =	simm.s32 $0x85E0;
	v49 =	vmovc v37;
	s11 =	simm.s32 $0x8;
	s8 =	simm.s32 $0x7;
	[tilespmem:v44+s19+$0x0] =	vst.idx.msk $0xffff, v51;
	v45 =	vmovc v35;
	v48 =	vmov v38;
	v50 =	vmov v39;
	v42 =	vmov v33  }
0x1a7: {  	v40 =	vshll.u32 v33, v1;
	v41 =	vshrl.u32 v35, $0x3;
	v42 =	vmov s12  }
0x1a8: {  	v43 =	vshrl.u32 v34, $0x3;
	v44 =	vshrl.u32 v38, $0x3;
	v45 =	vshrl.u32 v36, $0x3  }
0x1a9: {  	v46 =	vshrl.u32 v39, $0x3;
	v47 =	vshrl.u32 v37, $0x3;
	v41 =	vshll.u32 v41, v1  }
0x1aa: {  	v49 =	vld [tilespmem:s13+$0xFFFFFE80];
	v42 =	vshrl.u32 v42, $0x3;
	v43 =	vshll.u32 v43, v1;
	v41 =	vbroadcast v41, $0x0  }
0x1ab: {  	v50 =	vld [tilespmem:s13+$0xFFFFFEC0];
	v44 =	vshll.u32 v44, v1;
	v45 =	vshll.u32 v45, v1;
	v43 =	vbroadcast v43, $0x0  }
0x1ac: {  	v51 =	vld [tilespmem:s13+$0xFFFFFF00];
	v46 =	vshll.u32 v46, v1;
	v44 =	vbroadcast v44, $0x0;
	v41 =	vadd.s32 v18, v41  }
0x1ad: {  	v52 =	vld [tilespmem:s13+$0xFFFFFF40];
	v42 =	vshll.u32 v42, v1;
	v45 =	vbroadcast v45, $0x0;
	v43 =	vadd.s32 v19, v43  }
0x1ae: {  	v48 =	vld [tilespmem:s13+$0x0];
	v47 =	vshll.u32 v47, v1;
	v42 =	vbroadcast v42, $0x0;
	v44 =	vadd.s32 v20, v44  }
0x1af: {  	v53 =	vld [tilespmem:s13+$0xFFFFFF80];
	v46 =	vbroadcast v46, $0x0;
	v54 =	vadd.s32 v21, v45;
	v49 =	vmul.f32 $8.000000000e+00, v49  }
0x1b0: {  	v55 =	vld [tilespmem:s13+$0xFFFFFFC0];
	v62 =	vbroadcast v47, $0x0;
	v42 =	vadd.s32 v24, v42;
	v50 =	vmul.f32 $8.000000000e+00, v50  }
0x1b1: {  	v56 =	vld [tilespmem:s13+$0xFFFFFE40];
	p5 =	por $0x1, $0x1;
	v63 =	vbroadcast v40, $0x0;
	v57 =	vadd.s32 v22, v46;
	v61 =	vmul.f32 $8.000000000e+00, v51;
	[tilespmem:v41+s19+$0x0] =	vst.idx.msk $0xffff, v49  }
.Ltmp17:
0x1b2: {  	v60 =	vmov s11;
	s24 =	simm.s32 $0xC;
	v40 =	vadd.s32 v23, v62;
	v62 =	vmul.f32 $8.000000000e+00, v52;
	[tilespmem:v43+s19+$0x0] =	vst.idx.msk $0xffff, v50;
	(pc) =	sbr.rel @!p5 .LBB2_28-.Ltmp17, $4  }
0x1b3: {  	s6 =	simm.s32 $0x9;
	s7 =	simm.s32 $0xA;
	v47 =	vmov s24;
	v48 =	vmul.f32 $8.000000000e+00, v48;
	v41 =	vadd.s32 v17, v63;
	[tilespmem:v44+s19+$0x0] =	vst.idx.msk $0xffff, v61  }
0x1b4: {  	s25 =	simm.s32 $0xD;
	s26 =	simm.s32 $0xE;
	v45 =	vmov s6;
	v46 =	vmov s7;
	v63 =	vmul.f32 $8.000000000e+00, v53;
	[tilespmem:v54+s19+$0x0] =	vst.idx.msk $0xffff, v62  }
0x1b5: {  	s14 =	simm.s32 $0xB;
	s8 =	simm.s32 $0xF;
	v43 =	vmul.f32 $8.000000000e+00, v55;
	v50 =	vmov s25;
	v49 =	vmov s26;
	[tilespmem:v42+s19+$0x0] =	vst.idx.msk $0xffff, v48  }
0x1b6: {  	p4 =	por $0x1, $0x1;
	s7 =	simm.s32 $0x10;
	s6 =	simm.s32 $0x85E0;
	v44 =	vmul.f32 $8.000000000e+00, v56;
	v42 =	vshrl.u32 v60, $0x3;
	v48 =	vmov s14;
	[tilespmem:v57+s19+$0x0] =	vst.idx.msk $0xffff, v63  }
.LBB2_29:
0x1b7: {  	p5 =	slt.u32 s7, $0x78;
	v42 =	vshll.u32 v42, v1;
	v45 =	vshrl.u32 v45, $0x3;
	v51 =	vmov s8;
	[tilespmem:v40+s19+$0x0] =	vst.idx.msk $0xffff, v43  }
0x1b8: {  	v40 =	vshrl.u32 v46, $0x3;
	v43 =	vshrl.u32 v48, $0x3;
	v46 =	vshrl.u32 v51, $0x3;
	[tilespmem:v41+s19+$0x0] =	vst.idx.msk $0xffff, v44  }
0x1b9: {  	s6 =	sadd.s32 $0x200, s6;
	v41 =	vshrl.u32 v47, $0x3;
	v44 =	vshrl.u32 v50, $0x3;
	v46 =	vshll.u32 v46, v1  }
0x1ba: {  	v45 =	vshll.u32 v45, v1;
	v47 =	vshrl.u32 v49, $0x3;
	v48 =	vld [tilespmem:s6+$0x0];
	v46 =	vbroadcast v46, $0x0  }
0x1bb: {  	v40 =	vshll.u32 v40, v1;
	v43 =	vshll.u32 v43, v1;
	v45 =	vbroadcast v45, $0x0;
	v49 =	vld [tilespmem:s6+$0xFFFFFE80]  }
0x1bc: {  	v40 =	vbroadcast v40, $0x0;
	v41 =	vshll.u32 v41, v1;
	v50 =	vld [tilespmem:s6+$0xFFFFFEC0];
	v46 =	vadd.s32 v24, v46  }
0x1bd: {  	v43 =	vbroadcast v43, $0x0;
	v44 =	vshll.u32 v44, v1;
	v45 =	vadd.s32 v18, v45;
	v51 =	vld [tilespmem:s6+$0xFFFFFF00]  }
0x1be: {  	v52 =	vadd.s32 v19, v40;
	v40 =	vbroadcast v41, $0x0;
	v41 =	vshll.u32 v47, v1;
	v53 =	vld [tilespmem:s6+$0xFFFFFF40]  }
0x1bf: {  	v44 =	vbroadcast v44, $0x0;
	v43 =	vadd.s32 v20, v43;
	v47 =	vld [tilespmem:s6+$0xFFFFFF80];
	v48 =	vmul.f32 $8.000000000e+00, v48  }
0x1c0: {  	v54 =	vadd.s32 v21, v40;
	v40 =	vbroadcast v41, $0x0;
	v49 =	vmul.f32 $8.000000000e+00, v49;
	v55 =	vld [tilespmem:s6+$0xFFFFFFC0]  }
0x1c1: {  	v57 =	vadd.s32 v22, v44;
	v41 =	vbroadcast v42, $0x0;
	v56 =	vld [tilespmem:s6+$0xFFFFFE40];
	v50 =	vmul.f32 $8.000000000e+00, v50;
	[tilespmem:v46+s19+$0x0] =	vst.idx.msk $0xffff, v48  }
.Ltmp18:
0x1c2: {  	v42 =	vmov s7;
	v40 =	vadd.s32 v23, v40;
	[tilespmem:v45+s19+$0x0] =	vst.idx.msk $0xffff, v49;
	v44 =	vmul.f32 $8.000000000e+00, v51;
	(pc) =	sbr.rel @p5 .LBB2_29-.Ltmp18, $4  }
0x1c3: {  	s8 =	sadd.s32 $0x1, s7;
	s14 =	sadd.s32 $0x2, s7;
	v42 =	vshrl.u32 v42, $0x3;
	v41 =	vadd.s32 v17, v41;
	[tilespmem:v52+s19+$0x0] =	vst.idx.msk $0xffff, v50;
	v49 =	vmul.f32 $8.000000000e+00, v53  }
0x1c4: {  	v46 =	vmov s14;
	s14 =	sadd.s32 $0x4, s7;
	v45 =	vmov s8;
	s8 =	sadd.s32 $0x3, s7;
	[tilespmem:v43+s19+$0x0] =	vst.idx.msk $0xffff, v44;
	v51 =	vmul.f32 $8.000000000e+00, v47  }
0x1c5: {  	v48 =	vmov s8;
	s8 =	sadd.s32 $0x5, s7;
	v47 =	vmov s14;
	s14 =	sadd.s32 $0x6, s7;
	[tilespmem:v54+s19+$0x0] =	vst.idx.msk $0xffff, v49;
	v43 =	vmul.f32 $8.000000000e+00, v55  }
0x1c6: {  	v50 =	vmov s8;
	s8 =	sadd.s32 $0x7, s7;
	s7 =	sadd.s32 $0x8, s7;
	v49 =	vmov s14;
	v44 =	vmul.f32 $8.000000000e+00, v56;
	[tilespmem:v57+s19+$0x0] =	vst.idx.msk $0xffff, v51  }
.LBB2_30:
0x1c7: {  	v42 =	vshll.u32 v42, v1  }
0x1c8: {  	v45 =	vshrl.u32 v45, $0x3;
	v51 =	vmov s8;
	v46 =	vshrl.u32 v46, $0x3  }
0x1c9: {  	v48 =	vshrl.u32 v48, $0x3;
	s6 =	sadd.s32 @p4 $0x200, s6;
	v47 =	vshrl.u32 v47, $0x3;
	v50 =	vshrl.u32 v50, $0x3  }
0x1ca: {  	v49 =	vshrl.u32 v49, $0x3;
	v51 =	vshrl.u32 v51, $0x3;
	s13 =	smov.u32 @p4 s6;
	v45 =	vshll.u32 v45, v1  }
0x1cb: {  	v46 =	vshll.u32 v46, v1;
	v48 =	vshll.u32 v48, v1;
	v53 =	vld [tilespmem:s13+$0xFFFFFE80];
	v45 =	vbroadcast v45, $0x0  }
0x1cc: {  	v50 =	vshll.u32 v50, v1;
	v49 =	vshll.u32 v49, v1;
	v54 =	vld [tilespmem:s13+$0xFFFFFEC0];
	v46 =	vbroadcast v46, $0x0  }
0x1cd: {  	v51 =	vshll.u32 v51, v1;
	v55 =	vld [tilespmem:s13+$0xFFFFFF00];
	v48 =	vbroadcast v48, $0x0;
	v45 =	vadd.s32 v18, v45  }
0x1ce: {  	v59 =	vbroadcast v50, $0x0;
	v62 =	vld [tilespmem:s13+$0xFFFFFFC0];
	v49 =	vbroadcast v49, $0x0;
	v46 =	vadd.s32 v19, v46  }
0x1cf: {  	[tilespmem:v40+s19+$0x0] =	vst.idx.msk @p4 $0xffff, v43;
	v42 =	vbroadcast v42, $0x0;
	v63 =	vld [tilespmem:s13+$0xFFFFFE40];
	v51 =	vbroadcast v51, $0x0;
	v40 =	vadd.s32 v20, v48  }
0x1d0: {  	v52 =	vld [tilespmem:s13+$0x0];
	v48 =	vadd.s32 v22, v59;
	v59 =	vadd.s32 v23, v49;
	v61 =	vmul.f32 $8.000000000e+00, v53  }
0x1d1: {  	v47 =	vshll.u32 v47, v1;
	[tilespmem:v41+s19+$0x0] =	vst.idx.msk @p4 $0xffff, v44;
	v43 =	vld [tilespmem:s13+$0xFFFFFF80];
	v42 =	vadd.s32 v17, v42;
	v57 =	vmul.f32 $8.000000000e+00, v54  }
0x1d2: {  	v56 =	vld [tilespmem:s13+$0xFFFFFF40];
	v47 =	vbroadcast v47, $0x0;
	v51 =	vadd.s32 v24, v51;
	v58 =	vmul.f32 $8.000000000e+00, v55;
	[tilespmem:v45+s19+$0x0] =	vst.idx.msk $0xffff, v61  }
0x1d3: {  	v62 =	vmul.f32 $8.000000000e+00, v62;
	[tilespmem:v46+s19+$0x0] =	vst.idx.msk $0xffff, v57  }
0x1d4: {  	v44 =	vadd.s32 v21, v47;
	v63 =	vmul.f32 $8.000000000e+00, v63;
	[tilespmem:v40+s19+$0x0] =	vst.idx.msk $0xffff, v58  }
.Ltmp19:
0x1d5: {  	v60 =	vmul.f32 $8.000000000e+00, v52;
	[tilespmem:v59+s19+$0x0] =	vst.idx.msk $0xffff, v62;
	(pc) =	sbr.rel @!p3 .LBB2_31-.Ltmp19, $4  }
0x1d6: {  	v61 =	vmul.f32 $8.000000000e+00, v43;
	[tilespmem:v42+s19+$0x0] =	vst.idx.msk $0xffff, v63  }
0x1d7: {  	[tilespmem:v51+s19+$0x0] =	vst.idx.msk $0xffff, v60;
	v60 =	vmul.f32 $8.000000000e+00, v56  }
0x1d8: {  	[tilespmem:v48+s19+$0x0] =	vst.idx.msk $0xffff, v61  }
0x1d9: {  	s13 =	simm.s32 $0x85F0;
	[tilespmem:v44+s19+$0x0] =	vst.idx.msk $0xffff, v60  }
0x1da: {  	v33 =	vshll.u32 v33, v1;
	v35 =	vshrl.u32 v35, $0x3;
	v40 =	vmov s12  }
0x1db: {  	v34 =	vshrl.u32 v34, $0x3;
	v38 =	vshrl.u32 v38, $0x3;
	v36 =	vshrl.u32 v36, $0x3  }
0x1dc: {  	v39 =	vshrl.u32 v39, $0x3;
	v40 =	vshrl.u32 v40, $0x3;
	v35 =	vshll.u32 v35, v1  }
0x1dd: {  	v37 =	vshrl.u32 v37, $0x3;
	v42 =	vld [tilespmem:s13+$0xFFFFFE80];
	v40 =	vshll.u32 v40, v1;
	v35 =	vbroadcast v35, $0x0  }
0x1de: {  	v41 =	vld [tilespmem:s13+$0x0];
	v34 =	vshll.u32 v34, v1;
	v38 =	vshll.u32 v38, v1;
	v40 =	vbroadcast v40, $0x0  }
0x1df: {  	v43 =	vld [tilespmem:s13+$0xFFFFFEC0];
	v36 =	vshll.u32 v36, v1;
	v34 =	vbroadcast v34, $0x0;
	v35 =	vadd.s32 v26, v35  }
0x1e0: {  	v44 =	vld [tilespmem:s13+$0xFFFFFF00];
	v39 =	vshll.u32 v39, v1;
	v38 =	vbroadcast v38, $0x0;
	v40 =	vadd.s32 v32, v40  }
0x1e1: {  	v45 =	vld [tilespmem:s13+$0xFFFFFF40];
	v37 =	vshll.u32 v37, v1;
	v36 =	vbroadcast v36, $0x0;
	v34 =	vadd.s32 v27, v34  }
0x1e2: {  	v46 =	vld [tilespmem:s13+$0xFFFFFF80];
	v39 =	vbroadcast v39, $0x0;
	v38 =	vadd.s32 v28, v38;
	v42 =	vmul.f32 $8.000000000e+00, v42  }
0x1e3: {  	v48 =	vld [tilespmem:s13+$0xFFFFFFC0];
	v58 =	vbroadcast v37, $0x0;
	v47 =	vadd.s32 v29, v36;
	v41 =	vmul.f32 $8.000000000e+00, v41  }
0x1e4: {  	v49 =	vld [tilespmem:s13+$0xFFFFFE40];
	p3 =	por $0x1, $0x1;
	v59 =	vbroadcast v33, $0x0;
	v50 =	vadd.s32 v30, v39;
	v43 =	vmul.f32 $8.000000000e+00, v43;
	[tilespmem:v35+s19+$0x0] =	vst.idx.msk $0xffff, v42  }
.Ltmp20:
0x1e5: {  	v60 =	vmov s11;
	v61 =	vmul.f32 $8.000000000e+00, v44;
	[tilespmem:v40+s19+$0x0] =	vst.idx.msk $0xffff, v41;
	v40 =	vadd.s32 v31, v58;
	(pc) =	sbr.rel @!p3 .LBB2_33-.Ltmp20, $4  }
0x1e6: {  	s24 =	simm.s32 $0xC;
	s26 =	simm.s32 $0xE;
	v33 =	vshrl.u32 v60, $0x3;
	v62 =	vmul.f32 $8.000000000e+00, v45;
	[tilespmem:v34+s19+$0x0] =	vst.idx.msk $0xffff, v43;
	v41 =	vadd.s32 v25, v59  }
0x1e7: {  	s6 =	simm.s32 $0x9;
	s25 =	simm.s32 $0xD;
	v37 =	vmov s26;
	v36 =	vmov s24;
	v63 =	vmul.f32 $8.000000000e+00, v46;
	[tilespmem:v38+s19+$0x0] =	vst.idx.msk $0xffff, v61  }
0x1e8: {  	s7 =	simm.s32 $0xA;
	s14 =	simm.s32 $0xB;
	s12 =	simm.s32 $0xF;
	v39 =	vmov s25;
	v35 =	vmov s6;
	[tilespmem:v47+s19+$0x0] =	vst.idx.msk $0xffff, v62;
	v42 =	vmul.f32 $8.000000000e+00, v48  }
0x1e9: {  	p2 =	por $0x1, $0x1;
	v34 =	vmov s7;
	v38 =	vmov s14;
	s7 =	simm.s32 $0x10;
	v43 =	vmul.f32 $8.000000000e+00, v49;
	[tilespmem:v50+s19+$0x0] =	vst.idx.msk $0xffff, v63;
	s6 =	simm.s32 $0x85F0  }
.LBB2_34:
0x1ea: {  	p3 =	slt.u32 s7, $0x78;
	v33 =	vshll.u32 v33, v1;
	v35 =	vshrl.u32 v35, $0x3;
	v44 =	vmov s12;
	[tilespmem:v40+s19+$0x0] =	vst.idx.msk $0xffff, v42  }
0x1eb: {  	v34 =	vshrl.u32 v34, $0x3;
	v38 =	vshrl.u32 v38, $0x3;
	v40 =	vshrl.u32 v44, $0x3;
	[tilespmem:v41+s19+$0x0] =	vst.idx.msk $0xffff, v43  }
0x1ec: {  	v36 =	vshrl.u32 v36, $0x3;
	v39 =	vshrl.u32 v39, $0x3;
	s6 =	sadd.s32 $0x200, s6;
	v40 =	vshll.u32 v40, v1  }
0x1ed: {  	v37 =	vshrl.u32 v37, $0x3;
	v35 =	vshll.u32 v35, v1;
	v41 =	vld [tilespmem:s6+$0x0];
	v40 =	vbroadcast v40, $0x0  }
0x1ee: {  	v34 =	vshll.u32 v34, v1;
	v38 =	vshll.u32 v38, v1;
	v35 =	vbroadcast v35, $0x0;
	v42 =	vld [tilespmem:s6+$0xFFFFFE80]  }
0x1ef: {  	v36 =	vshll.u32 v36, v1;
	v34 =	vbroadcast v34, $0x0;
	v43 =	vld [tilespmem:s6+$0xFFFFFEC0];
	v40 =	vadd.s32 v32, v40  }
0x1f0: {  	v39 =	vshll.u32 v39, v1;
	v38 =	vbroadcast v38, $0x0;
	v35 =	vadd.s32 v26, v35;
	v44 =	vld [tilespmem:s6+$0xFFFFFF00]  }
0x1f1: {  	v37 =	vshll.u32 v37, v1;
	v36 =	vbroadcast v36, $0x0;
	v34 =	vadd.s32 v27, v34;
	v45 =	vld [tilespmem:s6+$0xFFFFFF40]  }
0x1f2: {  	v39 =	vbroadcast v39, $0x0;
	v38 =	vadd.s32 v28, v38;
	v46 =	vld [tilespmem:s6+$0xFFFFFF80];
	v41 =	vmul.f32 $8.000000000e+00, v41  }
0x1f3: {  	v47 =	vadd.s32 v29, v36;
	v36 =	vbroadcast v37, $0x0;
	v42 =	vmul.f32 $8.000000000e+00, v42;
	v48 =	vld [tilespmem:s6+$0xFFFFFFC0]  }
0x1f4: {  	v37 =	vbroadcast v33, $0x0;
	v50 =	vadd.s32 v30, v39;
	v49 =	vld [tilespmem:s6+$0xFFFFFE40];
	v43 =	vmul.f32 $8.000000000e+00, v43;
	[tilespmem:v40+s19+$0x0] =	vst.idx.msk $0xffff, v41  }
.Ltmp21:
0x1f5: {  	v33 =	vmov s7;
	v40 =	vadd.s32 v31, v36;
	[tilespmem:v35+s19+$0x0] =	vst.idx.msk $0xffff, v42;
	v39 =	vmul.f32 $8.000000000e+00, v44;
	(pc) =	sbr.rel @p3 .LBB2_34-.Ltmp21, $4  }
0x1f6: {  	s8 =	sadd.s32 $0x1, s7;
	s11 =	sadd.s32 $0x2, s7;
	v33 =	vshrl.u32 v33, $0x3;
	v41 =	vadd.s32 v25, v37;
	[tilespmem:v34+s19+$0x0] =	vst.idx.msk $0xffff, v43;
	v37 =	vmul.f32 $8.000000000e+00, v45  }
0x1f7: {  	v35 =	vmov s8;
	s8 =	sadd.s32 $0x3, s7;
	v34 =	vmov s11;
	s11 =	sadd.s32 $0x4, s7;
	[tilespmem:v38+s19+$0x0] =	vst.idx.msk $0xffff, v39;
	v44 =	vmul.f32 $8.000000000e+00, v46  }
0x1f8: {  	v38 =	vmov s8;
	v36 =	vmov s11;
	s8 =	sadd.s32 $0x5, s7;
	s11 =	sadd.s32 $0x6, s7;
	[tilespmem:v47+s19+$0x0] =	vst.idx.msk $0xffff, v37;
	v42 =	vmul.f32 $8.000000000e+00, v48  }
0x1f9: {  	s12 =	sadd.s32 $0x7, s7;
	s7 =	sadd.s32 $0x8, s7;
	v39 =	vmov s8;
	v37 =	vmov s11;
	v43 =	vmul.f32 $8.000000000e+00, v49;
	[tilespmem:v50+s19+$0x0] =	vst.idx.msk $0xffff, v44  }
.LBB2_35:
0x1fa: {  	v33 =	vshll.u32 v33, v1;
	v35 =	vshrl.u32 v35, $0x3;
	v44 =	vmov s12  }
0x1fb: {  	v34 =	vshrl.u32 v34, $0x3;
	v38 =	vshrl.u32 v38, $0x3;
	s6 =	sadd.s32 @p2 $0x200, s6;
	v36 =	vshrl.u32 v36, $0x3  }
0x1fc: {  	v39 =	vshrl.u32 v39, $0x3;
	v37 =	vshrl.u32 v37, $0x3;
	s13 =	smov.u32 @p2 s6;
	v35 =	vshll.u32 v35, v1  }
0x1fd: {  	v44 =	vshrl.u32 v44, $0x3;
	v34 =	vshll.u32 v34, v1;
	v46 =	vld [tilespmem:s13+$0xFFFFFE80];
	v35 =	vbroadcast v35, $0x0  }
0x1fe: {  	v38 =	vshll.u32 v38, v1;
	v36 =	vshll.u32 v36, v1;
	v47 =	vld [tilespmem:s13+$0xFFFFFEC0];
	v34 =	vbroadcast v34, $0x0  }
0x1ff: {  	v39 =	vshll.u32 v39, v1;
	v48 =	vld [tilespmem:s13+$0xFFFFFF00];
	v38 =	vbroadcast v38, $0x0;
	v35 =	vadd.s32 v26, v35  }
0x200: {  	v37 =	vshll.u32 v37, v1;
	v49 =	vld [tilespmem:s13+$0xFFFFFF40];
	v36 =	vbroadcast v36, $0x0;
	v34 =	vadd.s32 v27, v34  }
0x201: {  	v33 =	vbroadcast v33, $0x0;
	v53 =	vld [tilespmem:s13+$0xFFFFFF80];
	v39 =	vbroadcast v39, $0x0;
	v38 =	vadd.s32 v28, v38  }
0x202: {  	[tilespmem:v40+s19+$0x0] =	vst.idx.msk @p2 $0xffff, v42;
	v56 =	vld [tilespmem:s13+$0xFFFFFFC0];
	v37 =	vbroadcast v37, $0x0;
	v36 =	vadd.s32 v29, v36;
	v55 =	vmul.f32 $8.000000000e+00, v46  }
0x203: {  	[tilespmem:v41+s19+$0x0] =	vst.idx.msk @p2 $0xffff, v43;
	v44 =	vshll.u32 v44, v1;
	v57 =	vld [tilespmem:s13+$0xFFFFFE40];
	v39 =	vadd.s32 v30, v39;
	v58 =	vmul.f32 $8.000000000e+00, v47  }
0x204: {  	v45 =	vld [tilespmem:s13+$0x0];
	v44 =	vbroadcast v44, $0x0;
	v37 =	vadd.s32 v31, v37;
	v59 =	vmul.f32 $8.000000000e+00, v48;
	[tilespmem:v35+s19+$0x0] =	vst.idx.msk $0xffff, v55  }
0x205: {  	s12 =	sadd.s32 s5, s10;
	v33 =	vadd.s32 v25, v33;
	v60 =	vmul.f32 $8.000000000e+00, v49;
	[tilespmem:v34+s19+$0x0] =	vst.idx.msk $0xffff, v58  }
0x206: {  	s7 =	sshrl.u32 s12, $0x5;
	v44 =	vadd.s32 v32, v44;
	v61 =	vmul.f32 $8.000000000e+00, v53;
	[tilespmem:v38+s19+$0x0] =	vst.idx.msk $0xffff, v59  }
0x207: {  	s6 =	sshll.u32 s12, $0xA;
	s8 =	sshll.u32 s7, $0xF;
	v62 =	vmul.f32 $8.000000000e+00, v56;
	[tilespmem:v36+s19+$0x0] =	vst.idx.msk $0xffff, v60  }
0x208: {  	s7 =	sshll.u32 s7, $0x12;
	s6 =	ssub.s32 s6, s8;
	v63 =	vmul.f32 $8.000000000e+00, v57;
	[tilespmem:v39+s19+$0x0] =	vst.idx.msk $0xffff, v61  }
0x209: {  	s6 =	sadd.s32 s7, s6;
	v54 =	vmul.f32 $8.000000000e+00, v45;
	[tilespmem:v37+s19+$0x0] =	vst.idx.msk $0xffff, v62  }
0x20a: {  	s6 =	sshrl.u32 s6, $0x3;
	[tilespmem:v33+s19+$0x0] =	vst.idx.msk $0xffff, v63  }
0x20b: {  	s13 =	simm.s32 $0x10600;
	s7 =	sadd.s32 s2, s6;
	[tilespmem:v44+s19+$0x0] =	vst.idx.msk $0xffff, v54  }
0x20c: {  	[hbm4b:s7+s3] =	stream.linear.scatter [tilespmem:s13], [sflag:$0x6], $0x80, $0x38;
	[tilespmem:$0x16C00] =	vst v63  }
0x20d: {  	s14 =	simm.s32 $0x10688;
	s24 =	sadd.s32 $0x10, s7  }
0x20e: {  	[hbm4b:s24+s3] =	stream.linear.scatter [tilespmem:s14], [sflag:$0x6], $0x80, $0x38;
	[tilespmem:$0x16C00] =	vst v63  }
0x20f: {  	s25 =	simm.s32 $0x10710;
	s10 =	simm.s32 $0x10798;
	s26 =	sadd.s32 $0x20, s7  }
0x210: {  	[hbm4b:s26+s3] =	stream.linear.scatter [tilespmem:s25], [sflag:$0x6], $0x80, $0x38;
	[tilespmem:$0x16C00] =	vst v63  }
0x211: {  	s12 =	simm.s32 $0x10820;
	s8 =	simm.s32 $0x2200;
	s11 =	sadd.s32 $0x30, s7  }
0x212: {  	[hbm4b:s11+s3] =	stream.linear.scatter [tilespmem:s10], [sflag:$0x6], $0x80, $0x38;
	[tilespmem:$0x16C00] =	vst v63  }
0x213: {  	s6 =	simm.s32 $0x440;
	s13 =	sadd.s32 $0x40, s7;
	s14 =	simm.s32 $0x108A8  }
0x214: {  	[hbm4b:s13+s3] =	stream.linear.scatter [tilespmem:s12], [sflag:$0x6], $0x80, $0x38;
	[tilespmem:$0x16C00] =	vst v63  }
0x215: {  	s24 =	sadd.s32 $0x50, s7;
	s25 =	simm.s32 $0x10930;
	s26 =	sadd.s32 $0x60, s7  }
0x216: {  	[hbm4b:s24+s3] =	stream.linear.scatter [tilespmem:s14], [sflag:$0x6], $0x80, $0x38;
	[tilespmem:$0x16C00] =	vst v63  }
0x217: {  	s10 =	simm.s32 $0x109B8;
	s11 =	sadd.s32 $0x70, s7;
	s7 =	sadd.s32 $0x1000, s7  }
0x218: {  	[hbm4b:s26+s3] =	stream.linear.scatter [tilespmem:s25], [sflag:$0x6], $0x80, $0x38;
	[tilespmem:$0x16C00] =	vst v63  }
.LBB2_36:
0x219: {  	[hbm4b:s11+s3] =	stream.linear.scatter [tilespmem:s10], [sflag:$0x6], $0x80, $0x38;
	[tilespmem:$0x16C00] =	vst v63  }
0x21a: {  	s10 =	smov.u32 s6;
	s6 =	smov.u32 s8  }
0x21b: {  	s12 =	sadd.s32 $0x1100, s8;
	s6 =	sshra.s32 s6, $0x2;
	s11 =	sadd.s32 $0x10600, s10  }
0x21c: {  	[hbm4b:s7+s3] =	stream.linear.scatter [tilespmem:s11], [sflag:$0x6], $0x80, $0x38;
	[tilespmem:$0x16C00] =	vst v63  }
0x21d: {  	p2 =	sne.s32 s8, $0x7700;
	s8 =	sadd.s32 $0x10688, s10;
	s11 =	sadd.s32 $0x10, s7  }
0x21e: {  	[hbm4b:s11+s3] =	stream.linear.scatter [tilespmem:s8], [sflag:$0x6], $0x80, $0x38;
	[tilespmem:$0x16C00] =	vst v63  }
0x21f: {  	s8 =	sadd.s32 $0x10710, s10;
	s11 =	sadd.s32 $0x20, s7  }
0x220: {  	[hbm4b:s11+s3] =	stream.linear.scatter [tilespmem:s8], [sflag:$0x6], $0x80, $0x38;
	[tilespmem:$0x16C00] =	vst v63  }
0x221: {  	s8 =	sadd.s32 $0x10798, s10;
	s11 =	sadd.s32 $0x30, s7  }
0x222: {  	[hbm4b:s11+s3] =	stream.linear.scatter [tilespmem:s8], [sflag:$0x6], $0x80, $0x38;
	[tilespmem:$0x16C00] =	vst v63  }
0x223: {  	s8 =	sadd.s32 $0x10820, s10;
	s11 =	sadd.s32 $0x40, s7  }
0x224: {  	[hbm4b:s11+s3] =	stream.linear.scatter [tilespmem:s8], [sflag:$0x6], $0x80, $0x38;
	[tilespmem:$0x16C00] =	vst v63  }
.Ltmp22:
0x225: {  	s8 =	sadd.s32 $0x108A8, s10;
	s11 =	sadd.s32 $0x50, s7;
	(pc) =	sbr.rel @p2 .LBB2_36-.Ltmp22, $4  }
0x226: {  	[hbm4b:s11+s3] =	stream.linear.scatter [tilespmem:s8], [sflag:$0x6], $0x80, $0x38;
	[tilespmem:$0x16C00] =	vst v63  }
0x227: {  	s8 =	sadd.s32 $0x10930, s10;
	s11 =	sadd.s32 $0x60, s7;
	s10 =	sadd.s32 $0x109B8, s10  }
0x228: {  	[hbm4b:s11+s3] =	stream.linear.scatter [tilespmem:s8], [sflag:$0x6], $0x80, $0x38;
	[tilespmem:$0x16C00] =	vst v63  }
0x229: {  	s11 =	sadd.s32 $0x70, s7;
	s7 =	sadd.s32 $0x1000, s7;
	s8 =	smov.u32 s12  }
0x22a: {  	[hbm4b:s11+s3] =	stream.linear.scatter [tilespmem:s10], [sflag:$0x6], $0x80, $0x38;
	[tilespmem:$0x16C00] =	vst v63  }
0x22b: {  	s8 =	sadd.s32 $0x10600, s6  }
0x22c: {  	[hbm4b:s7+s3] =	stream.linear.scatter [tilespmem:s8], [sflag:$0x6], $0x80, $0x38;
	[tilespmem:$0x16C00] =	vst v63  }
0x22d: {  	s12 =	sadd.s32 $0x10688, s6;
	s13 =	sadd.s32 $0x10, s7  }
0x22e: {  	[hbm4b:s13+s3] =	stream.linear.scatter [tilespmem:s12], [sflag:$0x6], $0x80, $0x38;
	[tilespmem:$0x16C00] =	vst v63  }
0x22f: {  	s14 =	sadd.s32 $0x10710, s6;
	s24 =	sadd.s32 $0x20, s7  }
0x230: {  	[hbm4b:s24+s3] =	stream.linear.scatter [tilespmem:s14], [sflag:$0x6], $0x80, $0x38;
	[tilespmem:$0x16C00] =	vst v63  }
0x231: {  	s25 =	sadd.s32 $0x10798, s6;
	s26 =	sadd.s32 $0x30, s7  }
0x232: {  	[hbm4b:s26+s3] =	stream.linear.scatter [tilespmem:s25], [sflag:$0x6], $0x80, $0x38;
	[tilespmem:$0x16C00] =	vst v63  }
0x233: {  	s10 =	sadd.s32 $0x10820, s6;
	s11 =	sadd.s32 $0x40, s7  }
0x234: {  	[hbm4b:s11+s3] =	stream.linear.scatter [tilespmem:s10], [sflag:$0x6], $0x80, $0x38;
	[tilespmem:$0x16C00] =	vst v63  }
0x235: {  	s12 =	sadd.s32 $0x108A8, s6;
	s13 =	sadd.s32 $0x50, s7  }
0x236: {  	[hbm4b:s13+s3] =	stream.linear.scatter [tilespmem:s12], [sflag:$0x6], $0x80, $0x38;
	[tilespmem:$0x16C00] =	vst v63  }
0x237: {  	s14 =	sadd.s32 $0x10930, s6;
	s24 =	sadd.s32 $0x60, s7  }
0x238: {  	[hbm4b:s24+s3] =	stream.linear.scatter [tilespmem:s14], [sflag:$0x6], $0x80, $0x38;
	[tilespmem:$0x16C00] =	vst v63  }
0x239: {  	s25 =	sadd.s32 $0x109B8, s6;
	s26 =	sadd.s32 $0x70, s7  }
0x23a: {  	[hbm4b:s26+s3] =	stream.linear.scatter [tilespmem:s25], [sflag:$0x6], $0x80, $0x38;
	[tilespmem:$0x16C00] =	vst v63  }
0x23b: {  	s8 =	simm.s32 @!p1 $0x8400;
	s6 =	sadd.s32 @!p1 $0x280, s0;
	s7 =	simm.s32 @!p1 $0x80  }
0x23c: {  	[tilespmem:s8], [sflag:$0x2] =	stream.indirect.gather @!p1 [hbm4b:s4+s7], $0x40, s6, s7, $0xb8;
	[tilespmem:$0x16C00] =	vst v63  }
0x23d: {  	s10 =	simm.s32 $0x1;
	s11 =	simm.s32 $0x2;
	_ =	swait.ge [sflag:s20], $0x2000  }
0x23e: {  	v34 =	vmov s10;
	v35 =	vmov s11;
	s12 =	simm.s32 $0x3;
	[sflag:s20] =	ssyncset.done $0x0  }
0x23f: {  	s10 =	simm.s32 @!p0 $0x7;
	s13 =	simm.s32 $0x4;
	v59 =	vshrl.u32 v34, $0x3;
	v35 =	vshrl.u32 v35, $0x3;
	v36 =	vmov s12;
	[sflag:s20] =	ssyncadd.s32 $0xFFFFE000  }
0x240: {  	v37 =	vmov s13;
	v41 =	vshll.u32 v59, v1;
	v35 =	vshll.u32 v35, v1;
	s25 =	simm.s32 $0x7;
	_ =	swait.ge @!p0 [sflag:s10], $0x2000  }
0x241: {  	v36 =	vshrl.u32 v36, $0x3;
	v37 =	vshrl.u32 v37, $0x3;
	v60 =	vmov s25;
	s8 =	simm.s32 $0x0;
	[sflag:s10] =	ssyncset.done @!p0 $0x0  }
0x242: {  	s14 =	simm.s32 $0x5;
	v35 =	vbroadcast v35, $0x0;
	v34 =	vshrl.u32 v60, $0x3;
	v33 =	vmov s8;
	s8 =	simm.s32 $0xA5C0;
	[sflag:s10] =	ssyncadd.s32 @!p0 $0xFFFFE000  }
0x243: {  	s24 =	simm.s32 $0x6;
	v38 =	vmov s14;
	v34 =	vshll.u32 v34, v1;
	v33 =	vshrl.u32 v33, $0x3;
	v42 =	vld [tilespmem:s8+$0x0]  }
0x244: {  	v39 =	vmov s24;
	v40 =	vshll.u32 v33, v1;
	v33 =	vbroadcast v34, $0x0;
	v43 =	vld [tilespmem:s8+$0xFFFFFE80]  }
0x245: {  	v36 =	vshll.u32 v36, v1;
	v37 =	vshll.u32 v37, v1;
	v34 =	vbroadcast v41, $0x0;
	v61 =	vld [tilespmem:s8+$0xFFFFFEC0]  }
0x246: {  	v38 =	vshrl.u32 v38, $0x3;
	v39 =	vshrl.u32 v39, $0x3;
	v44 =	vadd.s32 v8, v33;
	v46 =	vld [tilespmem:s8+$0xFFFFFF00]  }
0x247: {  	v36 =	vbroadcast v36, $0x0;
	v47 =	vadd.s32 v3, v35;
	v45 =	vadd.s32 v2, v34;
	v48 =	vld [tilespmem:s8+$0xFFFFFF40]  }
0x248: {  	v37 =	vbroadcast v37, $0x0;
	v38 =	vshll.u32 v38, v1;
	v39 =	vshll.u32 v39, v1;
	v50 =	vld [tilespmem:s8+$0xFFFFFF80]  }
0x249: {  	v49 =	vadd.s32 v4, v36;
	v38 =	vbroadcast v38, $0x0;
	v54 =	vld [tilespmem:s8+$0xFFFFFE40];
	v42 =	vmul.f32 $8.000000000e+00, v42  }
0x24a: {  	v52 =	vadd.s32 v5, v37;
	v39 =	vbroadcast v39, $0x0;
	v53 =	vld [tilespmem:s8+$0xFFFFFFC0];
	v43 =	vmul.f32 $8.000000000e+00, v43  }
0x24b: {  	s26 =	simm.s32 $0x8;
	v55 =	vadd.s32 v6, v38;
	v40 =	vbroadcast v40, $0x0;
	v51 =	vmul.f32 $8.000000000e+00, v61;
	[tilespmem:v44+s21+$0x0] =	vst.idx.msk $0xffff, v42  }
0x24c: {  	s11 =	simm.s32 $0x9;
	v41 =	vmov s26;
	v62 =	vmul.f32 $8.000000000e+00, v46;
	[tilespmem:v45+s21+$0x0] =	vst.idx.msk $0xffff, v43;
	v43 =	vadd.s32 v7, v39  }
0x24d: {  	s7 =	simm.s32 $0xE;
	v63 =	vmul.f32 $8.000000000e+00, v48;
	v48 =	vmov s11;
	v42 =	vadd.s32 v0, v40;
	[tilespmem:v47+s21+$0x0] =	vst.idx.msk $0xffff, v51  }
0x24e: {  	s12 =	simm.s32 $0xA;
	v56 =	vmul.f32 $8.000000000e+00, v50;
	v50 =	vmov s7;
	v46 =	vmul.f32 $8.000000000e+00, v54;
	[tilespmem:v49+s21+$0x0] =	vst.idx.msk $0xffff, v62  }
0x24f: {  	s13 =	simm.s32 $0xB;
	s14 =	simm.s32 $0xC;
	s6 =	simm.s32 $0xD;
	v44 =	vshrl.u32 v41, $0x3;
	v47 =	vmov s12;
	[tilespmem:v52+s21+$0x0] =	vst.idx.msk $0xffff, v63;
	v45 =	vmul.f32 $8.000000000e+00, v53  }
0x250: {  	s24 =	simm.s32 $0x10;
	s25 =	simm.s32 $0xF;
	s10 =	sor.u32 $0x2, s1;
	v51 =	vmov s13;
	v49 =	vmov s14;
	v52 =	vmov s6;
	[tilespmem:v55+s21+$0x0] =	vst.idx.msk $0xffff, v56  }
.LBB2_38:
0x251: {  	p2 =	slt.u32 s24, $0x78;
	v44 =	vshll.u32 v44, v1;
	v48 =	vshrl.u32 v48, $0x3;
	v53 =	vmov s25;
	[tilespmem:v43+s21+$0x0] =	vst.idx.msk $0xffff, v45  }
0x252: {  	v43 =	vshrl.u32 v47, $0x3;
	v45 =	vshrl.u32 v51, $0x3;
	v47 =	vshrl.u32 v53, $0x3;
	[tilespmem:v42+s21+$0x0] =	vst.idx.msk $0xffff, v46  }
0x253: {  	s8 =	sadd.s32 $0x200, s8;
	v42 =	vshrl.u32 v49, $0x3;
	v46 =	vshrl.u32 v52, $0x3;
	v47 =	vshll.u32 v47, v1  }
0x254: {  	v48 =	vshll.u32 v48, v1;
	v49 =	vshrl.u32 v50, $0x3;
	v50 =	vld [tilespmem:s8+$0x0];
	v47 =	vbroadcast v47, $0x0  }
0x255: {  	v43 =	vshll.u32 v43, v1;
	v45 =	vshll.u32 v45, v1;
	v48 =	vbroadcast v48, $0x0;
	v51 =	vld [tilespmem:s8+$0xFFFFFE80]  }
0x256: {  	v43 =	vbroadcast v43, $0x0;
	v42 =	vshll.u32 v42, v1;
	v52 =	vld [tilespmem:s8+$0xFFFFFEC0];
	v47 =	vadd.s32 v8, v47  }
0x257: {  	v45 =	vbroadcast v45, $0x0;
	v46 =	vshll.u32 v46, v1;
	v48 =	vadd.s32 v2, v48;
	v53 =	vld [tilespmem:s8+$0xFFFFFF00]  }
0x258: {  	v42 =	vbroadcast v42, $0x0;
	v54 =	vadd.s32 v3, v43;
	v43 =	vshll.u32 v49, v1;
	v55 =	vld [tilespmem:s8+$0xFFFFFF40]  }
0x259: {  	v46 =	vbroadcast v46, $0x0;
	v45 =	vadd.s32 v4, v45;
	v49 =	vld [tilespmem:s8+$0xFFFFFF80];
	v50 =	vmul.f32 $8.000000000e+00, v50  }
0x25a: {  	v56 =	vadd.s32 v5, v42;
	v42 =	vbroadcast v43, $0x0;
	v51 =	vmul.f32 $8.000000000e+00, v51;
	v57 =	vld [tilespmem:s8+$0xFFFFFFC0]  }
0x25b: {  	v59 =	vbroadcast v44, $0x0;
	v60 =	vadd.s32 v6, v46;
	v58 =	vld [tilespmem:s8+$0xFFFFFE40];
	v52 =	vmul.f32 $8.000000000e+00, v52;
	[tilespmem:v47+s21+$0x0] =	vst.idx.msk $0xffff, v50  }
.Ltmp23:
0x25c: {  	v44 =	vmov s24;
	v43 =	vadd.s32 v7, v42;
	[tilespmem:v48+s21+$0x0] =	vst.idx.msk $0xffff, v51;
	v46 =	vmul.f32 $8.000000000e+00, v53;
	(pc) =	sbr.rel @p2 .LBB2_38-.Ltmp23, $4  }
0x25d: {  	s25 =	sadd.s32 $0x1, s24;
	s26 =	sadd.s32 $0x2, s24;
	v44 =	vshrl.u32 v44, $0x3;
	v42 =	vadd.s32 v0, v59;
	[tilespmem:v54+s21+$0x0] =	vst.idx.msk $0xffff, v52;
	v50 =	vmul.f32 $8.000000000e+00, v55  }
0x25e: {  	v47 =	vmov s26;
	s26 =	sadd.s32 $0x4, s24;
	v48 =	vmov s25;
	s25 =	sadd.s32 $0x3, s24;
	[tilespmem:v45+s21+$0x0] =	vst.idx.msk $0xffff, v46;
	v53 =	vmul.f32 $8.000000000e+00, v49  }
0x25f: {  	v51 =	vmov s25;
	s25 =	sadd.s32 $0x5, s24;
	v49 =	vmov s26;
	s26 =	sadd.s32 $0x6, s24;
	[tilespmem:v56+s21+$0x0] =	vst.idx.msk $0xffff, v50;
	v45 =	vmul.f32 $8.000000000e+00, v57  }
0x260: {  	v52 =	vmov s25;
	s25 =	sadd.s32 $0x7, s24;
	s24 =	sadd.s32 $0x8, s24;
	v50 =	vmov s26;
	v46 =	vmul.f32 $8.000000000e+00, v58;
	[tilespmem:v60+s21+$0x0] =	vst.idx.msk $0xffff, v53  }
0x261: {  	v44 =	vshll.u32 v44, v1;
	v48 =	vshrl.u32 v48, $0x3  }
0x262: {  	v53 =	vmov s25;
	v47 =	vshrl.u32 v47, $0x3;
	v51 =	vshrl.u32 v51, $0x3  }
0x263: {  	v49 =	vshrl.u32 v49, $0x3;
	v52 =	vshrl.u32 v52, $0x3;
	s8 =	sadd.s32 $0x200, s8;
	v50 =	vshrl.u32 v50, $0x3  }
0x264: {  	v53 =	vshrl.u32 v53, $0x3;
	v48 =	vshll.u32 v48, v1;
	v47 =	vshll.u32 v47, v1;
	v56 =	vld [tilespmem:s8+$0xFFFFFEC0]  }
0x265: {  	v51 =	vshll.u32 v51, v1;
	v49 =	vshll.u32 v49, v1;
	v60 =	vld [tilespmem:s8+$0xFFFFFE40];
	v44 =	vbroadcast v44, $0x0  }
0x266: {  	v55 =	vld [tilespmem:s8+$0xFFFFFE80];
	v52 =	vshll.u32 v52, v1;
	v53 =	vshll.u32 v53, v1;
	v48 =	vbroadcast v48, $0x0  }
0x267: {  	v47 =	vbroadcast v47, $0x0;
	v51 =	vbroadcast v51, $0x0;
	v44 =	vadd.s32 v0, v44  }
0x268: {  	v54 =	vld [tilespmem:s8+$0x0];
	v50 =	vshll.u32 v50, v1;
	v53 =	vbroadcast v53, $0x0;
	v48 =	vadd.s32 v2, v48  }
0x269: {  	[tilespmem:v43+s21+$0x0] =	vst.idx.msk $0xffff, v45;
	v58 =	vld [tilespmem:s8+$0xFFFFFF40];
	v49 =	vbroadcast v49, $0x0;
	v47 =	vadd.s32 v3, v47;
	v43 =	vadd.s32 v4, v51  }
0x26a: {  	v57 =	vld [tilespmem:s8+$0xFFFFFF00];
	v53 =	vadd.s32 v8, v53;
	v61 =	vmul.f32 $8.000000000e+00, v56;
	v56 =	vmul.f32 $8.000000000e+00, v60  }
0x26b: {  	v45 =	vld [tilespmem:s8+$0xFFFFFF80];
	[tilespmem:v42+s21+$0x0] =	vst.idx.msk $0xffff, v46;
	v51 =	vbroadcast v52, $0x0;
	v46 =	vadd.s32 v5, v49;
	v63 =	vmul.f32 $8.000000000e+00, v55  }
0x26c: {  	v59 =	vld [tilespmem:s8+$0xFFFFFFC0];
	v50 =	vbroadcast v50, $0x0;
	[tilespmem:v44+s21+$0x0] =	vst.idx.msk $0xffff, v56  }
0x26d: {  	v62 =	vmul.f32 $8.000000000e+00, v54;
	v51 =	vadd.s32 v6, v51;
	[tilespmem:v48+s21+$0x0] =	vst.idx.msk $0xffff, v63  }
0x26e: {  	v52 =	vmul.f32 $8.000000000e+00, v58;
	v63 =	vadd.s32 v7, v50;
	[tilespmem:v47+s21+$0x0] =	vst.idx.msk $0xffff, v61  }
0x26f: {  	[tilespmem:v53+s21+$0x0] =	vst.idx.msk $0xffff, v62;
	v62 =	vmul.f32 $8.000000000e+00, v57  }
0x270: {  	[tilespmem:v46+s21+$0x0] =	vst.idx.msk $0xffff, v52;
	v53 =	vmul.f32 $8.000000000e+00, v45  }
0x271: {  	v55 =	vmul.f32 $8.000000000e+00, v59;
	[tilespmem:v43+s21+$0x0] =	vst.idx.msk $0xffff, v62  }
0x272: {  	[tilespmem:v51+s21+$0x0] =	vst.idx.msk $0xffff, v53  }
0x273: {  	s8 =	simm.s32 $0xA5D0;
	[tilespmem:v63+s21+$0x0] =	vst.idx.msk $0xffff, v55  }
0x274: {  	v42 =	vld [tilespmem:s8+$0x0]  }
0x275: {  	v43 =	vld [tilespmem:s8+$0xFFFFFE80]  }
0x276: {  	v33 =	vadd.s32 v16, v33;
	v44 =	vld [tilespmem:s8+$0xFFFFFEC0]  }
0x277: {  	v34 =	vadd.s32 v10, v34;
	v45 =	vld [tilespmem:s8+$0xFFFFFF00]  }
0x278: {  	v35 =	vadd.s32 v11, v35;
	v46 =	vld [tilespmem:s8+$0xFFFFFF40]  }
0x279: {  	v36 =	vadd.s32 v12, v36;
	v47 =	vld [tilespmem:s8+$0xFFFFFF80];
	v42 =	vmul.f32 $8.000000000e+00, v42  }
0x27a: {  	v57 =	vadd.s32 v13, v37;
	v58 =	vld [tilespmem:s8+$0xFFFFFFC0];
	v43 =	vmul.f32 $8.000000000e+00, v43  }
0x27b: {  	v60 =	vadd.s32 v14, v38;
	v59 =	vld [tilespmem:s8+$0xFFFFFE40];
	v44 =	vmul.f32 $8.000000000e+00, v44;
	[tilespmem:v33+s21+$0x0] =	vst.idx.msk $0xffff, v42  }
0x27c: {  	v61 =	vmul.f32 $8.000000000e+00, v45;
	[tilespmem:v34+s21+$0x0] =	vst.idx.msk $0xffff, v43;
	v34 =	vadd.s32 v15, v39  }
0x27d: {  	v38 =	vmov s12;
	v62 =	vmul.f32 $8.000000000e+00, v46;
	v33 =	vadd.s32 v9, v40;
	[tilespmem:v35+s21+$0x0] =	vst.idx.msk $0xffff, v44  }
0x27e: {  	v37 =	vshrl.u32 v41, $0x3;
	v41 =	vmov s11;
	v63 =	vmul.f32 $8.000000000e+00, v47;
	[tilespmem:v36+s21+$0x0] =	vst.idx.msk $0xffff, v61  }
0x27f: {  	v42 =	vmov s13;
	v39 =	vmov s14;
	[tilespmem:v57+s21+$0x0] =	vst.idx.msk $0xffff, v62;
	v35 =	vmul.f32 $8.000000000e+00, v58  }
0x280: {  	v43 =	vmov s6;
	v40 =	vmov s7;
	s7 =	simm.s32 $0xF;
	s6 =	simm.s32 $0x10;
	v36 =	vmul.f32 $8.000000000e+00, v59;
	[tilespmem:v60+s21+$0x0] =	vst.idx.msk $0xffff, v63  }
.LBB2_40:
0x281: {  	p2 =	slt.u32 s6, $0x78;
	v37 =	vshll.u32 v37, v1;
	v41 =	vshrl.u32 v41, $0x3;
	v44 =	vmov s7;
	[tilespmem:v34+s21+$0x0] =	vst.idx.msk $0xffff, v35  }
0x282: {  	v34 =	vshrl.u32 v38, $0x3;
	v35 =	vshrl.u32 v42, $0x3;
	v38 =	vshrl.u32 v44, $0x3;
	[tilespmem:v33+s21+$0x0] =	vst.idx.msk $0xffff, v36  }
0x283: {  	s8 =	sadd.s32 $0x200, s8;
	v33 =	vshrl.u32 v39, $0x3;
	v36 =	vshrl.u32 v43, $0x3;
	v38 =	vshll.u32 v38, v1  }
0x284: {  	v40 =	vshrl.u32 v40, $0x3;
	v39 =	vshll.u32 v41, v1;
	v41 =	vld [tilespmem:s8+$0x0];
	v38 =	vbroadcast v38, $0x0  }
0x285: {  	v34 =	vshll.u32 v34, v1;
	v35 =	vshll.u32 v35, v1;
	v39 =	vbroadcast v39, $0x0;
	v42 =	vld [tilespmem:s8+$0xFFFFFE80]  }
0x286: {  	v34 =	vbroadcast v34, $0x0;
	v33 =	vshll.u32 v33, v1;
	v43 =	vld [tilespmem:s8+$0xFFFFFEC0];
	v38 =	vadd.s32 v16, v38  }
0x287: {  	v35 =	vbroadcast v35, $0x0;
	v36 =	vshll.u32 v36, v1;
	v39 =	vadd.s32 v10, v39;
	v44 =	vld [tilespmem:s8+$0xFFFFFF00]  }
0x288: {  	v33 =	vbroadcast v33, $0x0;
	v45 =	vadd.s32 v11, v34;
	v34 =	vshll.u32 v40, v1;
	v46 =	vld [tilespmem:s8+$0xFFFFFF40]  }
0x289: {  	v36 =	vbroadcast v36, $0x0;
	v35 =	vadd.s32 v12, v35;
	v40 =	vld [tilespmem:s8+$0xFFFFFF80];
	v41 =	vmul.f32 $8.000000000e+00, v41  }
0x28a: {  	v47 =	vadd.s32 v13, v33;
	v33 =	vbroadcast v34, $0x0;
	v42 =	vmul.f32 $8.000000000e+00, v42;
	v48 =	vld [tilespmem:s8+$0xFFFFFFC0]  }
0x28b: {  	v50 =	vbroadcast v37, $0x0;
	v51 =	vadd.s32 v14, v36;
	v49 =	vld [tilespmem:s8+$0xFFFFFE40];
	v43 =	vmul.f32 $8.000000000e+00, v43;
	[tilespmem:v38+s21+$0x0] =	vst.idx.msk $0xffff, v41  }
.Ltmp24:
0x28c: {  	v36 =	vmov s6;
	v34 =	vadd.s32 v15, v33;
	[tilespmem:v39+s21+$0x0] =	vst.idx.msk $0xffff, v42;
	v39 =	vmul.f32 $8.000000000e+00, v44;
	(pc) =	sbr.rel @p2 .LBB2_40-.Ltmp24, $4  }
0x28d: {  	s7 =	sadd.s32 $0x1, s6;
	s11 =	sadd.s32 $0x2, s6;
	v37 =	vshrl.u32 v36, $0x3;
	v33 =	vadd.s32 v9, v50;
	[tilespmem:v45+s21+$0x0] =	vst.idx.msk $0xffff, v43;
	v36 =	vmul.f32 $8.000000000e+00, v46  }
0x28e: {  	v41 =	vmov s7;
	v38 =	vmov s11;
	s7 =	sadd.s32 $0x3, s6;
	s11 =	sadd.s32 $0x4, s6;
	[tilespmem:v35+s21+$0x0] =	vst.idx.msk $0xffff, v39;
	v44 =	vmul.f32 $8.000000000e+00, v40  }
0x28f: {  	v42 =	vmov s7;
	s7 =	sadd.s32 $0x5, s6;
	v39 =	vmov s11;
	s11 =	sadd.s32 $0x6, s6;
	[tilespmem:v47+s21+$0x0] =	vst.idx.msk $0xffff, v36;
	v35 =	vmul.f32 $8.000000000e+00, v48  }
0x290: {  	v43 =	vmov s7;
	s7 =	sadd.s32 $0x7, s6;
	s6 =	sadd.s32 $0x8, s6;
	v40 =	vmov s11;
	v36 =	vmul.f32 $8.000000000e+00, v49;
	[tilespmem:v51+s21+$0x0] =	vst.idx.msk $0xffff, v44  }
0x291: {  	v37 =	vshll.u32 v37, v1;
	v41 =	vshrl.u32 v41, $0x3;
	v44 =	vmov s7  }
0x292: {  	v38 =	vshrl.u32 v38, $0x3;
	v42 =	vshrl.u32 v42, $0x3;
	v39 =	vshrl.u32 v39, $0x3  }
0x293: {  	s6 =	sadd.s32 $0x200, s8;
	v43 =	vshrl.u32 v43, $0x3;
	v40 =	vshrl.u32 v40, $0x3;
	v44 =	vshrl.u32 v44, $0x3  }
0x294: {  	v41 =	vshll.u32 v41, v1;
	v38 =	vshll.u32 v38, v1;
	v56 =	vld [tilespmem:s6+$0xFFFFFE40];
	v37 =	vbroadcast v37, $0x0  }
0x295: {  	v46 =	vld [tilespmem:s6+$0xFFFFFE80];
	v42 =	vshll.u32 v42, v1;
	v39 =	vshll.u32 v39, v1;
	v41 =	vbroadcast v41, $0x0  }
0x296: {  	v47 =	vld [tilespmem:s6+$0xFFFFFEC0];
	v43 =	vshll.u32 v43, v1;
	v38 =	vbroadcast v38, $0x0;
	v59 =	vadd.s32 v9, v37  }
0x297: {  	v48 =	vld [tilespmem:s6+$0xFFFFFF00];
	v40 =	vshll.u32 v40, v1;
	v42 =	vbroadcast v42, $0x0;
	v41 =	vadd.s32 v10, v41  }
0x298: {  	v49 =	vld [tilespmem:s6+$0xFFFFFF40];
	v39 =	vbroadcast v39, $0x0;
	v63 =	vbroadcast v43, $0x0;
	v38 =	vadd.s32 v11, v38  }
0x299: {  	[tilespmem:v34+s21+$0x0] =	vst.idx.msk $0xffff, v35;
	v50 =	vld [tilespmem:s6+$0xFFFFFF80];
	v55 =	vbroadcast v40, $0x0;
	v62 =	vadd.s32 v12, v42;
	v40 =	vmul.f32 $8.000000000e+00, v56  }
0x29a: {  	v52 =	vld [tilespmem:s6+$0xFFFFFFC0];
	[tilespmem:v33+s21+$0x0] =	vst.idx.msk $0xffff, v36;
	v44 =	vshll.u32 v44, v1;
	v54 =	vadd.s32 v13, v39;
	v53 =	vmul.f32 $8.000000000e+00, v46  }
0x29b: {  	v45 =	vld [tilespmem:s6+$0x0];
	v44 =	vbroadcast v44, $0x0;
	v35 =	vadd.s32 v14, v63;
	v57 =	vmul.f32 $8.000000000e+00, v47;
	[tilespmem:v59+s21+$0x0] =	vst.idx.msk $0xffff, v40  }
0x29c: {  	v39 =	vadd.s32 v15, v55;
	v58 =	vmul.f32 $8.000000000e+00, v48;
	[tilespmem:v41+s21+$0x0] =	vst.idx.msk $0xffff, v53  }
0x29d: {  	p3 =	por $0x1, $0x1;
	s12 =	simm.s32 $0x2;
	v44 =	vadd.s32 v16, v44;
	v60 =	vmul.f32 $8.000000000e+00, v49;
	[tilespmem:v38+s21+$0x0] =	vst.idx.msk $0xffff, v57  }
.Ltmp25:
0x29e: {  	s24 =	simm.s32 $0x4;
	s26 =	simm.s32 $0x6;
	v34 =	vmov s12;
	v61 =	vmul.f32 $8.000000000e+00, v50;
	[tilespmem:v62+s21+$0x0] =	vst.idx.msk $0xffff, v58;
	(pc) =	sbr.rel @!p3 .LBB2_45-.Ltmp25, $4  }
0x29f: {  	s8 =	simm.s32 $0x0;
	s11 =	simm.s32 $0x1;
	v36 =	vmov s24;
	v37 =	vmov s26;
	v63 =	vmul.f32 $8.000000000e+00, v52;
	[tilespmem:v54+s21+$0x0] =	vst.idx.msk $0xffff, v60  }
0x2a0: {  	s13 =	simm.s32 $0xA5E0;
	s14 =	simm.s32 $0x3;
	s25 =	simm.s32 $0x5;
	v51 =	vmul.f32 $8.000000000e+00, v45;
	v62 =	vmov s8;
	[tilespmem:v35+s21+$0x0] =	vst.idx.msk $0xffff, v61;
	v35 =	vmov s11  }
0x2a1: {  	p2 =	por $0x0, $0x0;
	p4 =	por $0x0, $0x0;
	s12 =	simm.s32 $0x7;
	v46 =	vmovc v34;
	v47 =	vmovc v36;
	v38 =	vmov s14;
	[tilespmem:v39+s21+$0x0] =	vst.idx.msk $0xffff, v63;
	v39 =	vmov s25;
	v33 =	vshrl.u32 v62, $0x3  }
0x2a2: {  	s6 =	simm.s32 $0xA5E0;
	v49 =	vmovc v37;
	s11 =	simm.s32 $0x8;
	s8 =	simm.s32 $0x7;
	[tilespmem:v44+s21+$0x0] =	vst.idx.msk $0xffff, v51;
	v45 =	vmovc v35;
	v48 =	vmov v38;
	v50 =	vmov v39;
	v42 =	vmov v33  }
0x2a3: {  	v40 =	vshll.u32 v33, v1;
	v41 =	vshrl.u32 v35, $0x3;
	v42 =	vmov s12  }
0x2a4: {  	v43 =	vshrl.u32 v34, $0x3;
	v44 =	vshrl.u32 v38, $0x3;
	v45 =	vshrl.u32 v36, $0x3  }
0x2a5: {  	v46 =	vshrl.u32 v39, $0x3;
	v47 =	vshrl.u32 v37, $0x3;
	v41 =	vshll.u32 v41, v1  }
0x2a6: {  	v49 =	vld [tilespmem:s13+$0xFFFFFE80];
	v42 =	vshrl.u32 v42, $0x3;
	v43 =	vshll.u32 v43, v1;
	v41 =	vbroadcast v41, $0x0  }
0x2a7: {  	v50 =	vld [tilespmem:s13+$0xFFFFFEC0];
	v44 =	vshll.u32 v44, v1;
	v45 =	vshll.u32 v45, v1;
	v43 =	vbroadcast v43, $0x0  }
0x2a8: {  	v51 =	vld [tilespmem:s13+$0xFFFFFF00];
	v46 =	vshll.u32 v46, v1;
	v44 =	vbroadcast v44, $0x0;
	v41 =	vadd.s32 v18, v41  }
0x2a9: {  	v52 =	vld [tilespmem:s13+$0xFFFFFF40];
	v42 =	vshll.u32 v42, v1;
	v45 =	vbroadcast v45, $0x0;
	v43 =	vadd.s32 v19, v43  }
0x2aa: {  	v48 =	vld [tilespmem:s13+$0x0];
	v47 =	vshll.u32 v47, v1;
	v42 =	vbroadcast v42, $0x0;
	v44 =	vadd.s32 v20, v44  }
0x2ab: {  	v53 =	vld [tilespmem:s13+$0xFFFFFF80];
	v46 =	vbroadcast v46, $0x0;
	v54 =	vadd.s32 v21, v45;
	v49 =	vmul.f32 $8.000000000e+00, v49  }
0x2ac: {  	v55 =	vld [tilespmem:s13+$0xFFFFFFC0];
	v62 =	vbroadcast v47, $0x0;
	v42 =	vadd.s32 v24, v42;
	v50 =	vmul.f32 $8.000000000e+00, v50  }
0x2ad: {  	v56 =	vld [tilespmem:s13+$0xFFFFFE40];
	p5 =	por $0x1, $0x1;
	v63 =	vbroadcast v40, $0x0;
	v57 =	vadd.s32 v22, v46;
	v61 =	vmul.f32 $8.000000000e+00, v51;
	[tilespmem:v41+s21+$0x0] =	vst.idx.msk $0xffff, v49  }
.Ltmp26:
0x2ae: {  	v60 =	vmov s11;
	s24 =	simm.s32 $0xC;
	v40 =	vadd.s32 v23, v62;
	v62 =	vmul.f32 $8.000000000e+00, v52;
	[tilespmem:v43+s21+$0x0] =	vst.idx.msk $0xffff, v50;
	(pc) =	sbr.rel @!p5 .LBB2_43-.Ltmp26, $4  }
0x2af: {  	s6 =	simm.s32 $0x9;
	s7 =	simm.s32 $0xA;
	v47 =	vmov s24;
	v48 =	vmul.f32 $8.000000000e+00, v48;
	v41 =	vadd.s32 v17, v63;
	[tilespmem:v44+s21+$0x0] =	vst.idx.msk $0xffff, v61  }
0x2b0: {  	s25 =	simm.s32 $0xD;
	s26 =	simm.s32 $0xE;
	v45 =	vmov s6;
	v46 =	vmov s7;
	v63 =	vmul.f32 $8.000000000e+00, v53;
	[tilespmem:v54+s21+$0x0] =	vst.idx.msk $0xffff, v62  }
0x2b1: {  	s14 =	simm.s32 $0xB;
	s8 =	simm.s32 $0xF;
	v43 =	vmul.f32 $8.000000000e+00, v55;
	v50 =	vmov s25;
	v49 =	vmov s26;
	[tilespmem:v42+s21+$0x0] =	vst.idx.msk $0xffff, v48  }
0x2b2: {  	p4 =	por $0x1, $0x1;
	s7 =	simm.s32 $0x10;
	s6 =	simm.s32 $0xA5E0;
	v44 =	vmul.f32 $8.000000000e+00, v56;
	v42 =	vshrl.u32 v60, $0x3;
	v48 =	vmov s14;
	[tilespmem:v57+s21+$0x0] =	vst.idx.msk $0xffff, v63  }
.LBB2_44:
0x2b3: {  	p5 =	slt.u32 s7, $0x78;
	v42 =	vshll.u32 v42, v1;
	v45 =	vshrl.u32 v45, $0x3;
	v51 =	vmov s8;
	[tilespmem:v40+s21+$0x0] =	vst.idx.msk $0xffff, v43  }
0x2b4: {  	v40 =	vshrl.u32 v46, $0x3;
	v43 =	vshrl.u32 v48, $0x3;
	v46 =	vshrl.u32 v51, $0x3;
	[tilespmem:v41+s21+$0x0] =	vst.idx.msk $0xffff, v44  }
0x2b5: {  	s6 =	sadd.s32 $0x200, s6;
	v41 =	vshrl.u32 v47, $0x3;
	v44 =	vshrl.u32 v50, $0x3;
	v46 =	vshll.u32 v46, v1  }
0x2b6: {  	v45 =	vshll.u32 v45, v1;
	v47 =	vshrl.u32 v49, $0x3;
	v48 =	vld [tilespmem:s6+$0x0];
	v46 =	vbroadcast v46, $0x0  }
0x2b7: {  	v40 =	vshll.u32 v40, v1;
	v43 =	vshll.u32 v43, v1;
	v45 =	vbroadcast v45, $0x0;
	v49 =	vld [tilespmem:s6+$0xFFFFFE80]  }
0x2b8: {  	v40 =	vbroadcast v40, $0x0;
	v41 =	vshll.u32 v41, v1;
	v50 =	vld [tilespmem:s6+$0xFFFFFEC0];
	v46 =	vadd.s32 v24, v46  }
0x2b9: {  	v43 =	vbroadcast v43, $0x0;
	v44 =	vshll.u32 v44, v1;
	v45 =	vadd.s32 v18, v45;
	v51 =	vld [tilespmem:s6+$0xFFFFFF00]  }
0x2ba: {  	v52 =	vadd.s32 v19, v40;
	v40 =	vbroadcast v41, $0x0;
	v41 =	vshll.u32 v47, v1;
	v53 =	vld [tilespmem:s6+$0xFFFFFF40]  }
0x2bb: {  	v44 =	vbroadcast v44, $0x0;
	v43 =	vadd.s32 v20, v43;
	v47 =	vld [tilespmem:s6+$0xFFFFFF80];
	v48 =	vmul.f32 $8.000000000e+00, v48  }
0x2bc: {  	v54 =	vadd.s32 v21, v40;
	v40 =	vbroadcast v41, $0x0;
	v49 =	vmul.f32 $8.000000000e+00, v49;
	v55 =	vld [tilespmem:s6+$0xFFFFFFC0]  }
0x2bd: {  	v57 =	vadd.s32 v22, v44;
	v41 =	vbroadcast v42, $0x0;
	v56 =	vld [tilespmem:s6+$0xFFFFFE40];
	v50 =	vmul.f32 $8.000000000e+00, v50;
	[tilespmem:v46+s21+$0x0] =	vst.idx.msk $0xffff, v48  }
.Ltmp27:
0x2be: {  	v42 =	vmov s7;
	v40 =	vadd.s32 v23, v40;
	[tilespmem:v45+s21+$0x0] =	vst.idx.msk $0xffff, v49;
	v44 =	vmul.f32 $8.000000000e+00, v51;
	(pc) =	sbr.rel @p5 .LBB2_44-.Ltmp27, $4  }
0x2bf: {  	s8 =	sadd.s32 $0x1, s7;
	s14 =	sadd.s32 $0x2, s7;
	v42 =	vshrl.u32 v42, $0x3;
	v41 =	vadd.s32 v17, v41;
	[tilespmem:v52+s21+$0x0] =	vst.idx.msk $0xffff, v50;
	v49 =	vmul.f32 $8.000000000e+00, v53  }
0x2c0: {  	v46 =	vmov s14;
	s14 =	sadd.s32 $0x4, s7;
	v45 =	vmov s8;
	s8 =	sadd.s32 $0x3, s7;
	[tilespmem:v43+s21+$0x0] =	vst.idx.msk $0xffff, v44;
	v51 =	vmul.f32 $8.000000000e+00, v47  }
0x2c1: {  	v48 =	vmov s8;
	s8 =	sadd.s32 $0x5, s7;
	v47 =	vmov s14;
	s14 =	sadd.s32 $0x6, s7;
	[tilespmem:v54+s21+$0x0] =	vst.idx.msk $0xffff, v49;
	v43 =	vmul.f32 $8.000000000e+00, v55  }
0x2c2: {  	v50 =	vmov s8;
	s8 =	sadd.s32 $0x7, s7;
	s7 =	sadd.s32 $0x8, s7;
	v49 =	vmov s14;
	v44 =	vmul.f32 $8.000000000e+00, v56;
	[tilespmem:v57+s21+$0x0] =	vst.idx.msk $0xffff, v51  }
.LBB2_45:
0x2c3: {  	v42 =	vshll.u32 v42, v1  }
0x2c4: {  	v45 =	vshrl.u32 v45, $0x3;
	v51 =	vmov s8;
	v46 =	vshrl.u32 v46, $0x3  }
0x2c5: {  	v48 =	vshrl.u32 v48, $0x3;
	s6 =	sadd.s32 @p4 $0x200, s6;
	v47 =	vshrl.u32 v47, $0x3;
	v50 =	vshrl.u32 v50, $0x3  }
0x2c6: {  	v49 =	vshrl.u32 v49, $0x3;
	v51 =	vshrl.u32 v51, $0x3;
	s13 =	smov.u32 @p4 s6;
	v45 =	vshll.u32 v45, v1  }
0x2c7: {  	v46 =	vshll.u32 v46, v1;
	v48 =	vshll.u32 v48, v1;
	v53 =	vld [tilespmem:s13+$0xFFFFFE80];
	v45 =	vbroadcast v45, $0x0  }
0x2c8: {  	v50 =	vshll.u32 v50, v1;
	v49 =	vshll.u32 v49, v1;
	v54 =	vld [tilespmem:s13+$0xFFFFFEC0];
	v46 =	vbroadcast v46, $0x0  }
0x2c9: {  	v51 =	vshll.u32 v51, v1;
	v55 =	vld [tilespmem:s13+$0xFFFFFF00];
	v48 =	vbroadcast v48, $0x0;
	v45 =	vadd.s32 v18, v45  }
0x2ca: {  	v59 =	vbroadcast v50, $0x0;
	v62 =	vld [tilespmem:s13+$0xFFFFFFC0];
	v49 =	vbroadcast v49, $0x0;
	v46 =	vadd.s32 v19, v46  }
0x2cb: {  	[tilespmem:v40+s21+$0x0] =	vst.idx.msk @p4 $0xffff, v43;
	v42 =	vbroadcast v42, $0x0;
	v63 =	vld [tilespmem:s13+$0xFFFFFE40];
	v51 =	vbroadcast v51, $0x0;
	v40 =	vadd.s32 v20, v48  }
0x2cc: {  	v52 =	vld [tilespmem:s13+$0x0];
	v48 =	vadd.s32 v22, v59;
	v59 =	vadd.s32 v23, v49;
	v61 =	vmul.f32 $8.000000000e+00, v53  }
0x2cd: {  	v47 =	vshll.u32 v47, v1;
	[tilespmem:v41+s21+$0x0] =	vst.idx.msk @p4 $0xffff, v44;
	v43 =	vld [tilespmem:s13+$0xFFFFFF80];
	v42 =	vadd.s32 v17, v42;
	v57 =	vmul.f32 $8.000000000e+00, v54  }
0x2ce: {  	v56 =	vld [tilespmem:s13+$0xFFFFFF40];
	v47 =	vbroadcast v47, $0x0;
	v51 =	vadd.s32 v24, v51;
	v58 =	vmul.f32 $8.000000000e+00, v55;
	[tilespmem:v45+s21+$0x0] =	vst.idx.msk $0xffff, v61  }
0x2cf: {  	v62 =	vmul.f32 $8.000000000e+00, v62;
	[tilespmem:v46+s21+$0x0] =	vst.idx.msk $0xffff, v57  }
0x2d0: {  	v44 =	vadd.s32 v21, v47;
	v63 =	vmul.f32 $8.000000000e+00, v63;
	[tilespmem:v40+s21+$0x0] =	vst.idx.msk $0xffff, v58  }
.Ltmp28:
0x2d1: {  	v60 =	vmul.f32 $8.000000000e+00, v52;
	[tilespmem:v59+s21+$0x0] =	vst.idx.msk $0xffff, v62;
	(pc) =	sbr.rel @!p3 .LBB2_46-.Ltmp28, $4  }
0x2d2: {  	v61 =	vmul.f32 $8.000000000e+00, v43;
	[tilespmem:v42+s21+$0x0] =	vst.idx.msk $0xffff, v63  }
0x2d3: {  	[tilespmem:v51+s21+$0x0] =	vst.idx.msk $0xffff, v60;
	v60 =	vmul.f32 $8.000000000e+00, v56  }
0x2d4: {  	[tilespmem:v48+s21+$0x0] =	vst.idx.msk $0xffff, v61  }
0x2d5: {  	s13 =	simm.s32 $0xA5F0;
	[tilespmem:v44+s21+$0x0] =	vst.idx.msk $0xffff, v60  }
0x2d6: {  	v33 =	vshll.u32 v33, v1;
	v35 =	vshrl.u32 v35, $0x3;
	v40 =	vmov s12  }
0x2d7: {  	v34 =	vshrl.u32 v34, $0x3;
	v38 =	vshrl.u32 v38, $0x3;
	v36 =	vshrl.u32 v36, $0x3  }
0x2d8: {  	v39 =	vshrl.u32 v39, $0x3;
	v40 =	vshrl.u32 v40, $0x3;
	v35 =	vshll.u32 v35, v1  }
0x2d9: {  	v37 =	vshrl.u32 v37, $0x3;
	v42 =	vld [tilespmem:s13+$0xFFFFFE80];
	v40 =	vshll.u32 v40, v1;
	v35 =	vbroadcast v35, $0x0  }
0x2da: {  	v41 =	vld [tilespmem:s13+$0x0];
	v34 =	vshll.u32 v34, v1;
	v38 =	vshll.u32 v38, v1;
	v40 =	vbroadcast v40, $0x0  }
0x2db: {  	v43 =	vld [tilespmem:s13+$0xFFFFFEC0];
	v36 =	vshll.u32 v36, v1;
	v34 =	vbroadcast v34, $0x0;
	v35 =	vadd.s32 v26, v35  }
0x2dc: {  	v44 =	vld [tilespmem:s13+$0xFFFFFF00];
	v39 =	vshll.u32 v39, v1;
	v38 =	vbroadcast v38, $0x0;
	v40 =	vadd.s32 v32, v40  }
0x2dd: {  	v45 =	vld [tilespmem:s13+$0xFFFFFF40];
	v37 =	vshll.u32 v37, v1;
	v36 =	vbroadcast v36, $0x0;
	v34 =	vadd.s32 v27, v34  }
0x2de: {  	v46 =	vld [tilespmem:s13+$0xFFFFFF80];
	v39 =	vbroadcast v39, $0x0;
	v38 =	vadd.s32 v28, v38;
	v42 =	vmul.f32 $8.000000000e+00, v42  }
0x2df: {  	v48 =	vld [tilespmem:s13+$0xFFFFFFC0];
	v58 =	vbroadcast v37, $0x0;
	v47 =	vadd.s32 v29, v36;
	v41 =	vmul.f32 $8.000000000e+00, v41  }
0x2e0: {  	v49 =	vld [tilespmem:s13+$0xFFFFFE40];
	p3 =	por $0x1, $0x1;
	v59 =	vbroadcast v33, $0x0;
	v50 =	vadd.s32 v30, v39;
	v43 =	vmul.f32 $8.000000000e+00, v43;
	[tilespmem:v35+s21+$0x0] =	vst.idx.msk $0xffff, v42  }
.Ltmp29:
0x2e1: {  	v60 =	vmov s11;
	v61 =	vmul.f32 $8.000000000e+00, v44;
	[tilespmem:v40+s21+$0x0] =	vst.idx.msk $0xffff, v41;
	v40 =	vadd.s32 v31, v58;
	(pc) =	sbr.rel @!p3 .LBB2_48-.Ltmp29, $4  }
0x2e2: {  	s24 =	simm.s32 $0xC;
	s26 =	simm.s32 $0xE;
	v33 =	vshrl.u32 v60, $0x3;
	v62 =	vmul.f32 $8.000000000e+00, v45;
	[tilespmem:v34+s21+$0x0] =	vst.idx.msk $0xffff, v43;
	v41 =	vadd.s32 v25, v59  }
0x2e3: {  	s6 =	simm.s32 $0x9;
	s25 =	simm.s32 $0xD;
	v37 =	vmov s26;
	v36 =	vmov s24;
	v63 =	vmul.f32 $8.000000000e+00, v46;
	[tilespmem:v38+s21+$0x0] =	vst.idx.msk $0xffff, v61  }
0x2e4: {  	s7 =	simm.s32 $0xA;
	s14 =	simm.s32 $0xB;
	s12 =	simm.s32 $0xF;
	v39 =	vmov s25;
	v35 =	vmov s6;
	[tilespmem:v47+s21+$0x0] =	vst.idx.msk $0xffff, v62;
	v42 =	vmul.f32 $8.000000000e+00, v48  }
0x2e5: {  	p2 =	por $0x1, $0x1;
	v34 =	vmov s7;
	v38 =	vmov s14;
	s7 =	simm.s32 $0x10;
	v43 =	vmul.f32 $8.000000000e+00, v49;
	[tilespmem:v50+s21+$0x0] =	vst.idx.msk $0xffff, v63;
	s6 =	simm.s32 $0xA5F0  }
.LBB2_49:
0x2e6: {  	p3 =	slt.u32 s7, $0x78;
	v33 =	vshll.u32 v33, v1;
	v35 =	vshrl.u32 v35, $0x3;
	v44 =	vmov s12;
	[tilespmem:v40+s21+$0x0] =	vst.idx.msk $0xffff, v42  }
0x2e7: {  	v34 =	vshrl.u32 v34, $0x3;
	v38 =	vshrl.u32 v38, $0x3;
	v40 =	vshrl.u32 v44, $0x3;
	[tilespmem:v41+s21+$0x0] =	vst.idx.msk $0xffff, v43  }
0x2e8: {  	v36 =	vshrl.u32 v36, $0x3;
	v39 =	vshrl.u32 v39, $0x3;
	s6 =	sadd.s32 $0x200, s6;
	v40 =	vshll.u32 v40, v1  }
0x2e9: {  	v37 =	vshrl.u32 v37, $0x3;
	v35 =	vshll.u32 v35, v1;
	v41 =	vld [tilespmem:s6+$0x0];
	v40 =	vbroadcast v40, $0x0  }
0x2ea: {  	v34 =	vshll.u32 v34, v1;
	v38 =	vshll.u32 v38, v1;
	v35 =	vbroadcast v35, $0x0;
	v42 =	vld [tilespmem:s6+$0xFFFFFE80]  }
0x2eb: {  	v36 =	vshll.u32 v36, v1;
	v34 =	vbroadcast v34, $0x0;
	v43 =	vld [tilespmem:s6+$0xFFFFFEC0];
	v40 =	vadd.s32 v32, v40  }
0x2ec: {  	v39 =	vshll.u32 v39, v1;
	v38 =	vbroadcast v38, $0x0;
	v35 =	vadd.s32 v26, v35;
	v44 =	vld [tilespmem:s6+$0xFFFFFF00]  }
0x2ed: {  	v37 =	vshll.u32 v37, v1;
	v36 =	vbroadcast v36, $0x0;
	v34 =	vadd.s32 v27, v34;
	v45 =	vld [tilespmem:s6+$0xFFFFFF40]  }
0x2ee: {  	v39 =	vbroadcast v39, $0x0;
	v38 =	vadd.s32 v28, v38;
	v46 =	vld [tilespmem:s6+$0xFFFFFF80];
	v41 =	vmul.f32 $8.000000000e+00, v41  }
0x2ef: {  	v47 =	vadd.s32 v29, v36;
	v36 =	vbroadcast v37, $0x0;
	v42 =	vmul.f32 $8.000000000e+00, v42;
	v48 =	vld [tilespmem:s6+$0xFFFFFFC0]  }
0x2f0: {  	v37 =	vbroadcast v33, $0x0;
	v50 =	vadd.s32 v30, v39;
	v49 =	vld [tilespmem:s6+$0xFFFFFE40];
	v43 =	vmul.f32 $8.000000000e+00, v43;
	[tilespmem:v40+s21+$0x0] =	vst.idx.msk $0xffff, v41  }
.Ltmp30:
0x2f1: {  	v33 =	vmov s7;
	v40 =	vadd.s32 v31, v36;
	[tilespmem:v35+s21+$0x0] =	vst.idx.msk $0xffff, v42;
	v39 =	vmul.f32 $8.000000000e+00, v44;
	(pc) =	sbr.rel @p3 .LBB2_49-.Ltmp30, $4  }
0x2f2: {  	s8 =	sadd.s32 $0x1, s7;
	s11 =	sadd.s32 $0x2, s7;
	v33 =	vshrl.u32 v33, $0x3;
	v41 =	vadd.s32 v25, v37;
	[tilespmem:v34+s21+$0x0] =	vst.idx.msk $0xffff, v43;
	v37 =	vmul.f32 $8.000000000e+00, v45  }
0x2f3: {  	v35 =	vmov s8;
	s8 =	sadd.s32 $0x3, s7;
	v34 =	vmov s11;
	s11 =	sadd.s32 $0x4, s7;
	[tilespmem:v38+s21+$0x0] =	vst.idx.msk $0xffff, v39;
	v44 =	vmul.f32 $8.000000000e+00, v46  }
0x2f4: {  	v38 =	vmov s8;
	v36 =	vmov s11;
	s8 =	sadd.s32 $0x5, s7;
	s11 =	sadd.s32 $0x6, s7;
	[tilespmem:v47+s21+$0x0] =	vst.idx.msk $0xffff, v37;
	v42 =	vmul.f32 $8.000000000e+00, v48  }
0x2f5: {  	s12 =	sadd.s32 $0x7, s7;
	s7 =	sadd.s32 $0x8, s7;
	v39 =	vmov s8;
	v37 =	vmov s11;
	v43 =	vmul.f32 $8.000000000e+00, v49;
	[tilespmem:v50+s21+$0x0] =	vst.idx.msk $0xffff, v44  }
.LBB2_50:
0x2f6: {  	v33 =	vshll.u32 v33, v1;
	v35 =	vshrl.u32 v35, $0x3;
	v44 =	vmov s12  }
0x2f7: {  	v34 =	vshrl.u32 v34, $0x3;
	v38 =	vshrl.u32 v38, $0x3;
	s6 =	sadd.s32 @p2 $0x200, s6;
	v36 =	vshrl.u32 v36, $0x3  }
0x2f8: {  	v39 =	vshrl.u32 v39, $0x3;
	v37 =	vshrl.u32 v37, $0x3;
	s13 =	smov.u32 @p2 s6;
	v35 =	vshll.u32 v35, v1  }
0x2f9: {  	v44 =	vshrl.u32 v44, $0x3;
	v34 =	vshll.u32 v34, v1;
	v46 =	vld [tilespmem:s13+$0xFFFFFE80];
	v35 =	vbroadcast v35, $0x0  }
0x2fa: {  	v38 =	vshll.u32 v38, v1;
	v36 =	vshll.u32 v36, v1;
	v47 =	vld [tilespmem:s13+$0xFFFFFEC0];
	v34 =	vbroadcast v34, $0x0  }
0x2fb: {  	v39 =	vshll.u32 v39, v1;
	v48 =	vld [tilespmem:s13+$0xFFFFFF00];
	v38 =	vbroadcast v38, $0x0;
	v35 =	vadd.s32 v26, v35  }
0x2fc: {  	v37 =	vshll.u32 v37, v1;
	v49 =	vld [tilespmem:s13+$0xFFFFFF40];
	v36 =	vbroadcast v36, $0x0;
	v34 =	vadd.s32 v27, v34  }
0x2fd: {  	v33 =	vbroadcast v33, $0x0;
	v53 =	vld [tilespmem:s13+$0xFFFFFF80];
	v39 =	vbroadcast v39, $0x0;
	v38 =	vadd.s32 v28, v38  }
0x2fe: {  	[tilespmem:v40+s21+$0x0] =	vst.idx.msk @p2 $0xffff, v42;
	v56 =	vld [tilespmem:s13+$0xFFFFFFC0];
	v37 =	vbroadcast v37, $0x0;
	v36 =	vadd.s32 v29, v36;
	v55 =	vmul.f32 $8.000000000e+00, v46  }
0x2ff: {  	[tilespmem:v41+s21+$0x0] =	vst.idx.msk @p2 $0xffff, v43;
	v44 =	vshll.u32 v44, v1;
	v57 =	vld [tilespmem:s13+$0xFFFFFE40];
	v39 =	vadd.s32 v30, v39;
	v58 =	vmul.f32 $8.000000000e+00, v47  }
0x300: {  	v45 =	vld [tilespmem:s13+$0x0];
	v44 =	vbroadcast v44, $0x0;
	v37 =	vadd.s32 v31, v37;
	v59 =	vmul.f32 $8.000000000e+00, v48;
	[tilespmem:v35+s21+$0x0] =	vst.idx.msk $0xffff, v55  }
0x301: {  	s12 =	sadd.s32 s5, s10;
	v33 =	vadd.s32 v25, v33;
	v60 =	vmul.f32 $8.000000000e+00, v49;
	[tilespmem:v34+s21+$0x0] =	vst.idx.msk $0xffff, v58  }
0x302: {  	s7 =	sshrl.u32 s12, $0x5;
	v44 =	vadd.s32 v32, v44;
	v61 =	vmul.f32 $8.000000000e+00, v53;
	[tilespmem:v38+s21+$0x0] =	vst.idx.msk $0xffff, v59  }
0x303: {  	s6 =	sshll.u32 s12, $0xA;
	s8 =	sshll.u32 s7, $0xF;
	v62 =	vmul.f32 $8.000000000e+00, v56;
	[tilespmem:v36+s21+$0x0] =	vst.idx.msk $0xffff, v60  }
0x304: {  	s7 =	sshll.u32 s7, $0x12;
	s6 =	ssub.s32 s6, s8;
	v63 =	vmul.f32 $8.000000000e+00, v57;
	[tilespmem:v39+s21+$0x0] =	vst.idx.msk $0xffff, v61  }
0x305: {  	s6 =	sadd.s32 s7, s6;
	v54 =	vmul.f32 $8.000000000e+00, v45;
	[tilespmem:v37+s21+$0x0] =	vst.idx.msk $0xffff, v62  }
0x306: {  	s6 =	sshrl.u32 s6, $0x3;
	[tilespmem:v33+s21+$0x0] =	vst.idx.msk $0xffff, v63  }
0x307: {  	s13 =	simm.s32 $0x12800;
	s7 =	sadd.s32 s2, s6;
	[tilespmem:v44+s21+$0x0] =	vst.idx.msk $0xffff, v54  }
0x308: {  	[hbm4b:s7+s3] =	stream.linear.scatter [tilespmem:s13], [sflag:$0x7], $0x80, $0x38;
	[tilespmem:$0x16C00] =	vst v63  }
0x309: {  	s14 =	simm.s32 $0x12888;
	s24 =	sadd.s32 $0x10, s7  }
0x30a: {  	[hbm4b:s24+s3] =	stream.linear.scatter [tilespmem:s14], [sflag:$0x7], $0x80, $0x38;
	[tilespmem:$0x16C00] =	vst v63  }
0x30b: {  	s25 =	simm.s32 $0x12910;
	s10 =	simm.s32 $0x12998;
	s26 =	sadd.s32 $0x20, s7  }
0x30c: {  	[hbm4b:s26+s3] =	stream.linear.scatter [tilespmem:s25], [sflag:$0x7], $0x80, $0x38;
	[tilespmem:$0x16C00] =	vst v63  }
0x30d: {  	s12 =	simm.s32 $0x12A20;
	s8 =	simm.s32 $0x2200;
	s11 =	sadd.s32 $0x30, s7  }
0x30e: {  	[hbm4b:s11+s3] =	stream.linear.scatter [tilespmem:s10], [sflag:$0x7], $0x80, $0x38;
	[tilespmem:$0x16C00] =	vst v63  }
0x30f: {  	s6 =	simm.s32 $0x440;
	s13 =	sadd.s32 $0x40, s7;
	s14 =	simm.s32 $0x12AA8  }
0x310: {  	[hbm4b:s13+s3] =	stream.linear.scatter [tilespmem:s12], [sflag:$0x7], $0x80, $0x38;
	[tilespmem:$0x16C00] =	vst v63  }
0x311: {  	s24 =	sadd.s32 $0x50, s7;
	s25 =	simm.s32 $0x12B30;
	s26 =	sadd.s32 $0x60, s7  }
0x312: {  	[hbm4b:s24+s3] =	stream.linear.scatter [tilespmem:s14], [sflag:$0x7], $0x80, $0x38;
	[tilespmem:$0x16C00] =	vst v63  }
0x313: {  	s10 =	simm.s32 $0x12BB8;
	s11 =	sadd.s32 $0x70, s7;
	s7 =	sadd.s32 $0x1000, s7  }
0x314: {  	[hbm4b:s26+s3] =	stream.linear.scatter [tilespmem:s25], [sflag:$0x7], $0x80, $0x38;
	[tilespmem:$0x16C00] =	vst v63  }
.LBB2_51:
0x315: {  	[hbm4b:s11+s3] =	stream.linear.scatter [tilespmem:s10], [sflag:$0x7], $0x80, $0x38;
	[tilespmem:$0x16C00] =	vst v63  }
0x316: {  	s10 =	smov.u32 s6;
	s6 =	smov.u32 s8  }
0x317: {  	s12 =	sadd.s32 $0x1100, s8;
	s6 =	sshra.s32 s6, $0x2;
	s11 =	sadd.s32 $0x12800, s10  }
0x318: {  	[hbm4b:s7+s3] =	stream.linear.scatter [tilespmem:s11], [sflag:$0x7], $0x80, $0x38;
	[tilespmem:$0x16C00] =	vst v63  }
0x319: {  	p2 =	sne.s32 s8, $0x7700;
	s8 =	sadd.s32 $0x12888, s10;
	s11 =	sadd.s32 $0x10, s7  }
0x31a: {  	[hbm4b:s11+s3] =	stream.linear.scatter [tilespmem:s8], [sflag:$0x7], $0x80, $0x38;
	[tilespmem:$0x16C00] =	vst v63  }
0x31b: {  	s8 =	sadd.s32 $0x12910, s10;
	s11 =	sadd.s32 $0x20, s7  }
0x31c: {  	[hbm4b:s11+s3] =	stream.linear.scatter [tilespmem:s8], [sflag:$0x7], $0x80, $0x38;
	[tilespmem:$0x16C00] =	vst v63  }
0x31d: {  	s8 =	sadd.s32 $0x12998, s10;
	s11 =	sadd.s32 $0x30, s7  }
0x31e: {  	[hbm4b:s11+s3] =	stream.linear.scatter [tilespmem:s8], [sflag:$0x7], $0x80, $0x38;
	[tilespmem:$0x16C00] =	vst v63  }
0x31f: {  	s8 =	sadd.s32 $0x12A20, s10;
	s11 =	sadd.s32 $0x40, s7  }
0x320: {  	[hbm4b:s11+s3] =	stream.linear.scatter [tilespmem:s8], [sflag:$0x7], $0x80, $0x38;
	[tilespmem:$0x16C00] =	vst v63  }
.Ltmp31:
0x321: {  	s8 =	sadd.s32 $0x12AA8, s10;
	s11 =	sadd.s32 $0x50, s7;
	(pc) =	sbr.rel @p2 .LBB2_51-.Ltmp31, $4  }
0x322: {  	[hbm4b:s11+s3] =	stream.linear.scatter [tilespmem:s8], [sflag:$0x7], $0x80, $0x38;
	[tilespmem:$0x16C00] =	vst v63  }
0x323: {  	s8 =	sadd.s32 $0x12B30, s10;
	s11 =	sadd.s32 $0x60, s7;
	s10 =	sadd.s32 $0x12BB8, s10  }
0x324: {  	[hbm4b:s11+s3] =	stream.linear.scatter [tilespmem:s8], [sflag:$0x7], $0x80, $0x38;
	[tilespmem:$0x16C00] =	vst v63  }
0x325: {  	s11 =	sadd.s32 $0x70, s7;
	s7 =	sadd.s32 $0x1000, s7;
	s8 =	smov.u32 s12  }
0x326: {  	[hbm4b:s11+s3] =	stream.linear.scatter [tilespmem:s10], [sflag:$0x7], $0x80, $0x38;
	[tilespmem:$0x16C00] =	vst v63  }
0x327: {  	s8 =	sadd.s32 $0x12800, s6  }
0x328: {  	[hbm4b:s7+s3] =	stream.linear.scatter [tilespmem:s8], [sflag:$0x7], $0x80, $0x38;
	[tilespmem:$0x16C00] =	vst v63  }
0x329: {  	s12 =	sadd.s32 $0x12888, s6;
	s13 =	sadd.s32 $0x10, s7  }
0x32a: {  	[hbm4b:s13+s3] =	stream.linear.scatter [tilespmem:s12], [sflag:$0x7], $0x80, $0x38;
	[tilespmem:$0x16C00] =	vst v63  }
0x32b: {  	s14 =	sadd.s32 $0x12910, s6;
	s24 =	sadd.s32 $0x20, s7  }
0x32c: {  	[hbm4b:s24+s3] =	stream.linear.scatter [tilespmem:s14], [sflag:$0x7], $0x80, $0x38;
	[tilespmem:$0x16C00] =	vst v63  }
0x32d: {  	s25 =	sadd.s32 $0x12998, s6;
	s26 =	sadd.s32 $0x30, s7  }
0x32e: {  	[hbm4b:s26+s3] =	stream.linear.scatter [tilespmem:s25], [sflag:$0x7], $0x80, $0x38;
	[tilespmem:$0x16C00] =	vst v63  }
0x32f: {  	s10 =	sadd.s32 $0x12A20, s6;
	s11 =	sadd.s32 $0x40, s7  }
0x330: {  	[hbm4b:s11+s3] =	stream.linear.scatter [tilespmem:s10], [sflag:$0x7], $0x80, $0x38;
	[tilespmem:$0x16C00] =	vst v63  }
0x331: {  	s12 =	sadd.s32 $0x12AA8, s6;
	s13 =	sadd.s32 $0x50, s7  }
0x332: {  	[hbm4b:s13+s3] =	stream.linear.scatter [tilespmem:s12], [sflag:$0x7], $0x80, $0x38;
	[tilespmem:$0x16C00] =	vst v63  }
0x333: {  	s14 =	sadd.s32 $0x12B30, s6;
	s24 =	sadd.s32 $0x60, s7  }
0x334: {  	[hbm4b:s24+s3] =	stream.linear.scatter [tilespmem:s14], [sflag:$0x7], $0x80, $0x38;
	[tilespmem:$0x16C00] =	vst v63  }
0x335: {  	s0 =	sadd.s32 @!p1 $0x300, s0;
	s25 =	sadd.s32 $0x12BB8, s6;
	s26 =	sadd.s32 $0x70, s7  }
0x336: {  	[hbm4b:s26+s3] =	stream.linear.scatter [tilespmem:s25], [sflag:$0x7], $0x80, $0x38;
	[tilespmem:$0x16C00] =	vst v63  }
0x337: {  	s8 =	simm.s32 $0x0;
	s6 =	simm.s32 @!p1 $0x80;
	s7 =	simm.s32 @!p1 $0xA400  }
0x338: {  	[tilespmem:s7], [sflag:$0x3] =	stream.indirect.gather @!p1 [hbm4b:s4+s6], $0x40, s0, s6, $0xb8;
	[tilespmem:$0x16C00] =	vst v63  }
0x339: {  	v33 =	vmov s8;
	_ =	swait.ge [sflag:s22], $0x2000  }
0x33a: {  	v33 =	vshrl.u32 v33, $0x3;
	s10 =	simm.s32 $0x1;
	s11 =	simm.s32 $0x2;
	[sflag:s22] =	ssyncset.done $0x0  }
0x33b: {  	s8 =	simm.s32 @!p0 $0x8;
	v40 =	vshll.u32 v33, v1;
	v34 =	vmov s10;
	v35 =	vmov s11;
	s12 =	simm.s32 $0x3;
	[sflag:s22] =	ssyncadd.s32 $0xFFFFE000  }
0x33c: {  	s13 =	simm.s32 $0x4;
	v59 =	vshrl.u32 v34, $0x3;
	v35 =	vshrl.u32 v35, $0x3;
	v36 =	vmov s12;
	s25 =	simm.s32 $0x7;
	_ =	swait.ge @!p0 [sflag:s8], $0x2000  }
0x33d: {  	v37 =	vmov s13;
	v41 =	vshll.u32 v59, v1;
	v60 =	vmov s25;
	[sflag:s8] =	ssyncset.done @!p0 $0x0  }
0x33e: {  	v35 =	vshll.u32 v35, v1;
	v36 =	vshrl.u32 v36, $0x3;
	v34 =	vshrl.u32 v60, $0x3;
	[sflag:s8] =	ssyncadd.s32 @!p0 $0xFFFFE000;
	s8 =	simm.s32 $0xC5C0  }
0x33f: {  	s14 =	simm.s32 $0x5;
	s24 =	simm.s32 $0x6;
	v37 =	vshrl.u32 v37, $0x3;
	v35 =	vbroadcast v35, $0x0;
	v34 =	vshll.u32 v34, v1;
	v42 =	vld [tilespmem:s8+$0x0]  }
0x340: {  	v38 =	vmov s14;
	v39 =	vmov s24;
	v33 =	vbroadcast v34, $0x0;
	v43 =	vld [tilespmem:s8+$0xFFFFFE80]  }
0x341: {  	v36 =	vshll.u32 v36, v1;
	v37 =	vshll.u32 v37, v1;
	v34 =	vbroadcast v41, $0x0;
	v61 =	vld [tilespmem:s8+$0xFFFFFEC0]  }
0x342: {  	v38 =	vshrl.u32 v38, $0x3;
	v39 =	vshrl.u32 v39, $0x3;
	v44 =	vadd.s32 v8, v33;
	v46 =	vld [tilespmem:s8+$0xFFFFFF00]  }
0x343: {  	v36 =	vbroadcast v36, $0x0;
	v47 =	vadd.s32 v3, v35;
	v45 =	vadd.s32 v2, v34;
	v48 =	vld [tilespmem:s8+$0xFFFFFF40]  }
0x344: {  	v37 =	vbroadcast v37, $0x0;
	v38 =	vshll.u32 v38, v1;
	v39 =	vshll.u32 v39, v1;
	v50 =	vld [tilespmem:s8+$0xFFFFFF80]  }
0x345: {  	v49 =	vadd.s32 v4, v36;
	v38 =	vbroadcast v38, $0x0;
	v54 =	vld [tilespmem:s8+$0xFFFFFE40];
	v42 =	vmul.f32 $8.000000000e+00, v42  }
0x346: {  	v52 =	vadd.s32 v5, v37;
	v39 =	vbroadcast v39, $0x0;
	v53 =	vld [tilespmem:s8+$0xFFFFFFC0];
	v43 =	vmul.f32 $8.000000000e+00, v43  }
0x347: {  	v40 =	vbroadcast v40, $0x0;
	s26 =	simm.s32 $0x8;
	v55 =	vadd.s32 v6, v38;
	v51 =	vmul.f32 $8.000000000e+00, v61;
	[tilespmem:v44+s23+$0x0] =	vst.idx.msk $0xffff, v42  }
0x348: {  	s10 =	simm.s32 $0x9;
	v41 =	vmov s26;
	v62 =	vmul.f32 $8.000000000e+00, v46;
	[tilespmem:v45+s23+$0x0] =	vst.idx.msk $0xffff, v43;
	v43 =	vadd.s32 v7, v39  }
0x349: {  	s7 =	simm.s32 $0xE;
	v63 =	vmul.f32 $8.000000000e+00, v48;
	v48 =	vmov s10;
	v42 =	vadd.s32 v0, v40;
	[tilespmem:v47+s23+$0x0] =	vst.idx.msk $0xffff, v51  }
0x34a: {  	s11 =	simm.s32 $0xA;
	v56 =	vmul.f32 $8.000000000e+00, v50;
	v50 =	vmov s7;
	v46 =	vmul.f32 $8.000000000e+00, v54;
	[tilespmem:v49+s23+$0x0] =	vst.idx.msk $0xffff, v62  }
0x34b: {  	s12 =	simm.s32 $0xB;
	s13 =	simm.s32 $0xC;
	s6 =	simm.s32 $0xD;
	v44 =	vshrl.u32 v41, $0x3;
	v47 =	vmov s11;
	[tilespmem:v52+s23+$0x0] =	vst.idx.msk $0xffff, v63;
	v45 =	vmul.f32 $8.000000000e+00, v53  }
0x34c: {  	s14 =	simm.s32 $0xF;
	s0 =	sor.u32 $0x3, s1;
	s1 =	simm.s32 $0x10;
	v51 =	vmov s12;
	v49 =	vmov s13;
	v52 =	vmov s6;
	[tilespmem:v55+s23+$0x0] =	vst.idx.msk $0xffff, v56  }
.LBB2_53:
0x34d: {  	p0 =	slt.u32 s1, $0x78;
	v44 =	vshll.u32 v44, v1;
	v48 =	vshrl.u32 v48, $0x3;
	v53 =	vmov s14;
	[tilespmem:v43+s23+$0x0] =	vst.idx.msk $0xffff, v45  }
0x34e: {  	v43 =	vshrl.u32 v47, $0x3;
	v45 =	vshrl.u32 v51, $0x3;
	v47 =	vshrl.u32 v53, $0x3;
	[tilespmem:v42+s23+$0x0] =	vst.idx.msk $0xffff, v46  }
0x34f: {  	s8 =	sadd.s32 $0x200, s8;
	v42 =	vshrl.u32 v49, $0x3;
	v46 =	vshrl.u32 v52, $0x3;
	v47 =	vshll.u32 v47, v1  }
0x350: {  	v48 =	vshll.u32 v48, v1;
	v49 =	vshrl.u32 v50, $0x3;
	v50 =	vld [tilespmem:s8+$0x0];
	v47 =	vbroadcast v47, $0x0  }
0x351: {  	v43 =	vshll.u32 v43, v1;
	v45 =	vshll.u32 v45, v1;
	v48 =	vbroadcast v48, $0x0;
	v51 =	vld [tilespmem:s8+$0xFFFFFE80]  }
0x352: {  	v43 =	vbroadcast v43, $0x0;
	v42 =	vshll.u32 v42, v1;
	v52 =	vld [tilespmem:s8+$0xFFFFFEC0];
	v47 =	vadd.s32 v8, v47  }
0x353: {  	v45 =	vbroadcast v45, $0x0;
	v46 =	vshll.u32 v46, v1;
	v48 =	vadd.s32 v2, v48;
	v53 =	vld [tilespmem:s8+$0xFFFFFF00]  }
0x354: {  	v42 =	vbroadcast v42, $0x0;
	v54 =	vadd.s32 v3, v43;
	v43 =	vshll.u32 v49, v1;
	v55 =	vld [tilespmem:s8+$0xFFFFFF40]  }
0x355: {  	v46 =	vbroadcast v46, $0x0;
	v45 =	vadd.s32 v4, v45;
	v49 =	vld [tilespmem:s8+$0xFFFFFF80];
	v50 =	vmul.f32 $8.000000000e+00, v50  }
0x356: {  	v56 =	vadd.s32 v5, v42;
	v42 =	vbroadcast v43, $0x0;
	v51 =	vmul.f32 $8.000000000e+00, v51;
	v57 =	vld [tilespmem:s8+$0xFFFFFFC0]  }
0x357: {  	v59 =	vbroadcast v44, $0x0;
	v60 =	vadd.s32 v6, v46;
	v58 =	vld [tilespmem:s8+$0xFFFFFE40];
	v52 =	vmul.f32 $8.000000000e+00, v52;
	[tilespmem:v47+s23+$0x0] =	vst.idx.msk $0xffff, v50  }
.Ltmp32:
0x358: {  	v44 =	vmov s1;
	v43 =	vadd.s32 v7, v42;
	[tilespmem:v48+s23+$0x0] =	vst.idx.msk $0xffff, v51;
	v46 =	vmul.f32 $8.000000000e+00, v53;
	(pc) =	sbr.rel @p0 .LBB2_53-.Ltmp32, $4  }
0x359: {  	s14 =	sadd.s32 $0x1, s1;
	s24 =	sadd.s32 $0x2, s1;
	v44 =	vshrl.u32 v44, $0x3;
	v42 =	vadd.s32 v0, v59;
	[tilespmem:v54+s23+$0x0] =	vst.idx.msk $0xffff, v52;
	v50 =	vmul.f32 $8.000000000e+00, v55  }
0x35a: {  	v47 =	vmov s24;
	s24 =	sadd.s32 $0x4, s1;
	v48 =	vmov s14;
	s14 =	sadd.s32 $0x3, s1;
	[tilespmem:v45+s23+$0x0] =	vst.idx.msk $0xffff, v46;
	v53 =	vmul.f32 $8.000000000e+00, v49  }
0x35b: {  	v51 =	vmov s14;
	s14 =	sadd.s32 $0x5, s1;
	v49 =	vmov s24;
	s24 =	sadd.s32 $0x6, s1;
	[tilespmem:v56+s23+$0x0] =	vst.idx.msk $0xffff, v50;
	v45 =	vmul.f32 $8.000000000e+00, v57  }
0x35c: {  	v52 =	vmov s14;
	s14 =	sadd.s32 $0x7, s1;
	s1 =	sadd.s32 $0x8, s1;
	v50 =	vmov s24;
	v46 =	vmul.f32 $8.000000000e+00, v58;
	[tilespmem:v60+s23+$0x0] =	vst.idx.msk $0xffff, v53  }
0x35d: {  	v44 =	vshll.u32 v44, v1;
	v48 =	vshrl.u32 v48, $0x3  }
0x35e: {  	v53 =	vmov s14;
	v47 =	vshrl.u32 v47, $0x3;
	v51 =	vshrl.u32 v51, $0x3  }
0x35f: {  	v49 =	vshrl.u32 v49, $0x3;
	v52 =	vshrl.u32 v52, $0x3;
	s1 =	sadd.s32 $0x200, s8;
	v50 =	vshrl.u32 v50, $0x3  }
0x360: {  	v53 =	vshrl.u32 v53, $0x3;
	v48 =	vshll.u32 v48, v1;
	v47 =	vshll.u32 v47, v1;
	v56 =	vld [tilespmem:s1+$0xFFFFFEC0]  }
0x361: {  	v51 =	vshll.u32 v51, v1;
	v49 =	vshll.u32 v49, v1;
	v60 =	vld [tilespmem:s1+$0xFFFFFE40];
	v44 =	vbroadcast v44, $0x0  }
0x362: {  	v55 =	vld [tilespmem:s1+$0xFFFFFE80];
	v52 =	vshll.u32 v52, v1;
	v53 =	vshll.u32 v53, v1;
	v48 =	vbroadcast v48, $0x0  }
0x363: {  	v47 =	vbroadcast v47, $0x0;
	v51 =	vbroadcast v51, $0x0;
	v44 =	vadd.s32 v0, v44  }
0x364: {  	v54 =	vld [tilespmem:s1+$0x0];
	v50 =	vshll.u32 v50, v1;
	v53 =	vbroadcast v53, $0x0;
	v48 =	vadd.s32 v2, v48  }
0x365: {  	[tilespmem:v43+s23+$0x0] =	vst.idx.msk $0xffff, v45;
	v58 =	vld [tilespmem:s1+$0xFFFFFF40];
	v49 =	vbroadcast v49, $0x0;
	v47 =	vadd.s32 v3, v47;
	v43 =	vadd.s32 v4, v51  }
0x366: {  	v57 =	vld [tilespmem:s1+$0xFFFFFF00];
	v53 =	vadd.s32 v8, v53;
	v61 =	vmul.f32 $8.000000000e+00, v56;
	v56 =	vmul.f32 $8.000000000e+00, v60  }
0x367: {  	v45 =	vld [tilespmem:s1+$0xFFFFFF80];
	[tilespmem:v42+s23+$0x0] =	vst.idx.msk $0xffff, v46;
	v51 =	vbroadcast v52, $0x0;
	v46 =	vadd.s32 v5, v49;
	v63 =	vmul.f32 $8.000000000e+00, v55  }
0x368: {  	v59 =	vld [tilespmem:s1+$0xFFFFFFC0];
	v50 =	vbroadcast v50, $0x0;
	[tilespmem:v44+s23+$0x0] =	vst.idx.msk $0xffff, v56  }
0x369: {  	v62 =	vmul.f32 $8.000000000e+00, v54;
	v51 =	vadd.s32 v6, v51;
	[tilespmem:v48+s23+$0x0] =	vst.idx.msk $0xffff, v63  }
0x36a: {  	v52 =	vmul.f32 $8.000000000e+00, v58;
	v63 =	vadd.s32 v7, v50;
	[tilespmem:v47+s23+$0x0] =	vst.idx.msk $0xffff, v61  }
0x36b: {  	[tilespmem:v53+s23+$0x0] =	vst.idx.msk $0xffff, v62;
	v62 =	vmul.f32 $8.000000000e+00, v57  }
0x36c: {  	[tilespmem:v46+s23+$0x0] =	vst.idx.msk $0xffff, v52;
	v53 =	vmul.f32 $8.000000000e+00, v45  }
0x36d: {  	v55 =	vmul.f32 $8.000000000e+00, v59;
	[tilespmem:v43+s23+$0x0] =	vst.idx.msk $0xffff, v62  }
0x36e: {  	[tilespmem:v51+s23+$0x0] =	vst.idx.msk $0xffff, v53  }
0x36f: {  	s1 =	simm.s32 $0xC5D0;
	[tilespmem:v63+s23+$0x0] =	vst.idx.msk $0xffff, v55  }
0x370: {  	v42 =	vld [tilespmem:s1+$0x0]  }
0x371: {  	v43 =	vld [tilespmem:s1+$0xFFFFFE80]  }
0x372: {  	v33 =	vadd.s32 v16, v33;
	v44 =	vld [tilespmem:s1+$0xFFFFFEC0]  }
0x373: {  	v34 =	vadd.s32 v10, v34;
	v45 =	vld [tilespmem:s1+$0xFFFFFF00]  }
0x374: {  	v35 =	vadd.s32 v11, v35;
	v46 =	vld [tilespmem:s1+$0xFFFFFF40]  }
0x375: {  	v36 =	vadd.s32 v12, v36;
	v47 =	vld [tilespmem:s1+$0xFFFFFF80];
	v42 =	vmul.f32 $8.000000000e+00, v42  }
0x376: {  	v57 =	vadd.s32 v13, v37;
	v58 =	vld [tilespmem:s1+$0xFFFFFFC0];
	v43 =	vmul.f32 $8.000000000e+00, v43  }
0x377: {  	v60 =	vadd.s32 v14, v38;
	v59 =	vld [tilespmem:s1+$0xFFFFFE40];
	v44 =	vmul.f32 $8.000000000e+00, v44;
	[tilespmem:v33+s23+$0x0] =	vst.idx.msk $0xffff, v42  }
0x378: {  	v61 =	vmul.f32 $8.000000000e+00, v45;
	[tilespmem:v34+s23+$0x0] =	vst.idx.msk $0xffff, v43;
	v34 =	vadd.s32 v15, v39  }
0x379: {  	v38 =	vmov s11;
	v62 =	vmul.f32 $8.000000000e+00, v46;
	v33 =	vadd.s32 v9, v40;
	[tilespmem:v35+s23+$0x0] =	vst.idx.msk $0xffff, v44  }
0x37a: {  	v37 =	vshrl.u32 v41, $0x3;
	v41 =	vmov s10;
	v63 =	vmul.f32 $8.000000000e+00, v47;
	[tilespmem:v36+s23+$0x0] =	vst.idx.msk $0xffff, v61  }
0x37b: {  	v42 =	vmov s12;
	v39 =	vmov s13;
	[tilespmem:v57+s23+$0x0] =	vst.idx.msk $0xffff, v62;
	v35 =	vmul.f32 $8.000000000e+00, v58  }
0x37c: {  	v43 =	vmov s6;
	v40 =	vmov s7;
	s7 =	simm.s32 $0xF;
	s6 =	simm.s32 $0x10;
	v36 =	vmul.f32 $8.000000000e+00, v59;
	[tilespmem:v60+s23+$0x0] =	vst.idx.msk $0xffff, v63  }
.LBB2_55:
0x37d: {  	p0 =	slt.u32 s6, $0x78;
	v37 =	vshll.u32 v37, v1;
	v41 =	vshrl.u32 v41, $0x3;
	v44 =	vmov s7;
	[tilespmem:v34+s23+$0x0] =	vst.idx.msk $0xffff, v35  }
0x37e: {  	v34 =	vshrl.u32 v38, $0x3;
	v35 =	vshrl.u32 v42, $0x3;
	v38 =	vshrl.u32 v44, $0x3;
	[tilespmem:v33+s23+$0x0] =	vst.idx.msk $0xffff, v36  }
0x37f: {  	s1 =	sadd.s32 $0x200, s1;
	v33 =	vshrl.u32 v39, $0x3;
	v36 =	vshrl.u32 v43, $0x3;
	v38 =	vshll.u32 v38, v1  }
0x380: {  	v40 =	vshrl.u32 v40, $0x3;
	v39 =	vshll.u32 v41, v1;
	v41 =	vld [tilespmem:s1+$0x0];
	v38 =	vbroadcast v38, $0x0  }
0x381: {  	v34 =	vshll.u32 v34, v1;
	v35 =	vshll.u32 v35, v1;
	v39 =	vbroadcast v39, $0x0;
	v42 =	vld [tilespmem:s1+$0xFFFFFE80]  }
0x382: {  	v34 =	vbroadcast v34, $0x0;
	v33 =	vshll.u32 v33, v1;
	v43 =	vld [tilespmem:s1+$0xFFFFFEC0];
	v38 =	vadd.s32 v16, v38  }
0x383: {  	v35 =	vbroadcast v35, $0x0;
	v36 =	vshll.u32 v36, v1;
	v39 =	vadd.s32 v10, v39;
	v44 =	vld [tilespmem:s1+$0xFFFFFF00]  }
0x384: {  	v33 =	vbroadcast v33, $0x0;
	v45 =	vadd.s32 v11, v34;
	v34 =	vshll.u32 v40, v1;
	v46 =	vld [tilespmem:s1+$0xFFFFFF40]  }
0x385: {  	v36 =	vbroadcast v36, $0x0;
	v35 =	vadd.s32 v12, v35;
	v40 =	vld [tilespmem:s1+$0xFFFFFF80];
	v41 =	vmul.f32 $8.000000000e+00, v41  }
0x386: {  	v47 =	vadd.s32 v13, v33;
	v33 =	vbroadcast v34, $0x0;
	v42 =	vmul.f32 $8.000000000e+00, v42;
	v48 =	vld [tilespmem:s1+$0xFFFFFFC0]  }
0x387: {  	v50 =	vbroadcast v37, $0x0;
	v51 =	vadd.s32 v14, v36;
	v49 =	vld [tilespmem:s1+$0xFFFFFE40];
	v43 =	vmul.f32 $8.000000000e+00, v43;
	[tilespmem:v38+s23+$0x0] =	vst.idx.msk $0xffff, v41  }
.Ltmp33:
0x388: {  	v36 =	vmov s6;
	v34 =	vadd.s32 v15, v33;
	[tilespmem:v39+s23+$0x0] =	vst.idx.msk $0xffff, v42;
	v39 =	vmul.f32 $8.000000000e+00, v44;
	(pc) =	sbr.rel @p0 .LBB2_55-.Ltmp33, $4  }
0x389: {  	s7 =	sadd.s32 $0x1, s6;
	s8 =	sadd.s32 $0x2, s6;
	v37 =	vshrl.u32 v36, $0x3;
	v33 =	vadd.s32 v9, v50;
	[tilespmem:v45+s23+$0x0] =	vst.idx.msk $0xffff, v43;
	v36 =	vmul.f32 $8.000000000e+00, v46  }
0x38a: {  	v41 =	vmov s7;
	v38 =	vmov s8;
	s7 =	sadd.s32 $0x3, s6;
	s8 =	sadd.s32 $0x4, s6;
	[tilespmem:v35+s23+$0x0] =	vst.idx.msk $0xffff, v39;
	v44 =	vmul.f32 $8.000000000e+00, v40  }
0x38b: {  	v42 =	vmov s7;
	s7 =	sadd.s32 $0x5, s6;
	v39 =	vmov s8;
	s8 =	sadd.s32 $0x6, s6;
	[tilespmem:v47+s23+$0x0] =	vst.idx.msk $0xffff, v36;
	v35 =	vmul.f32 $8.000000000e+00, v48  }
0x38c: {  	v43 =	vmov s7;
	s7 =	sadd.s32 $0x7, s6;
	s6 =	sadd.s32 $0x8, s6;
	v40 =	vmov s8;
	v36 =	vmul.f32 $8.000000000e+00, v49;
	[tilespmem:v51+s23+$0x0] =	vst.idx.msk $0xffff, v44  }
0x38d: {  	v37 =	vshll.u32 v37, v1;
	v41 =	vshrl.u32 v41, $0x3;
	v44 =	vmov s7  }
0x38e: {  	v38 =	vshrl.u32 v38, $0x3;
	v42 =	vshrl.u32 v42, $0x3;
	v39 =	vshrl.u32 v39, $0x3  }
0x38f: {  	s1 =	sadd.s32 $0x200, s1;
	v43 =	vshrl.u32 v43, $0x3;
	v40 =	vshrl.u32 v40, $0x3;
	v44 =	vshrl.u32 v44, $0x3  }
0x390: {  	v41 =	vshll.u32 v41, v1;
	v38 =	vshll.u32 v38, v1;
	v56 =	vld [tilespmem:s1+$0xFFFFFE40];
	v37 =	vbroadcast v37, $0x0  }
0x391: {  	v46 =	vld [tilespmem:s1+$0xFFFFFE80];
	v42 =	vshll.u32 v42, v1;
	v39 =	vshll.u32 v39, v1;
	v41 =	vbroadcast v41, $0x0  }
0x392: {  	v47 =	vld [tilespmem:s1+$0xFFFFFEC0];
	v43 =	vshll.u32 v43, v1;
	v38 =	vbroadcast v38, $0x0;
	v59 =	vadd.s32 v9, v37  }
0x393: {  	v48 =	vld [tilespmem:s1+$0xFFFFFF00];
	v40 =	vshll.u32 v40, v1;
	v42 =	vbroadcast v42, $0x0;
	v41 =	vadd.s32 v10, v41  }
0x394: {  	v49 =	vld [tilespmem:s1+$0xFFFFFF40];
	v39 =	vbroadcast v39, $0x0;
	v63 =	vbroadcast v43, $0x0;
	v38 =	vadd.s32 v11, v38  }
0x395: {  	[tilespmem:v34+s23+$0x0] =	vst.idx.msk $0xffff, v35;
	v50 =	vld [tilespmem:s1+$0xFFFFFF80];
	v55 =	vbroadcast v40, $0x0;
	v62 =	vadd.s32 v12, v42;
	v40 =	vmul.f32 $8.000000000e+00, v56  }
0x396: {  	v52 =	vld [tilespmem:s1+$0xFFFFFFC0];
	[tilespmem:v33+s23+$0x0] =	vst.idx.msk $0xffff, v36;
	v44 =	vshll.u32 v44, v1;
	v54 =	vadd.s32 v13, v39;
	v53 =	vmul.f32 $8.000000000e+00, v46  }
0x397: {  	v45 =	vld [tilespmem:s1+$0x0];
	v44 =	vbroadcast v44, $0x0;
	v35 =	vadd.s32 v14, v63;
	v57 =	vmul.f32 $8.000000000e+00, v47;
	[tilespmem:v59+s23+$0x0] =	vst.idx.msk $0xffff, v40  }
0x398: {  	v39 =	vadd.s32 v15, v55;
	v58 =	vmul.f32 $8.000000000e+00, v48;
	[tilespmem:v41+s23+$0x0] =	vst.idx.msk $0xffff, v53  }
0x399: {  	p2 =	por $0x1, $0x1;
	s6 =	simm.s32 $0x2;
	v44 =	vadd.s32 v16, v44;
	v60 =	vmul.f32 $8.000000000e+00, v49;
	[tilespmem:v38+s23+$0x0] =	vst.idx.msk $0xffff, v57  }
.Ltmp34:
0x39a: {  	s24 =	simm.s32 $0x4;
	s26 =	simm.s32 $0x6;
	v34 =	vmov s6;
	v61 =	vmul.f32 $8.000000000e+00, v50;
	[tilespmem:v62+s23+$0x0] =	vst.idx.msk $0xffff, v58;
	(pc) =	sbr.rel @!p2 .LBB2_60-.Ltmp34, $4  }
0x39b: {  	s12 =	simm.s32 $0x0;
	s13 =	simm.s32 $0x1;
	v36 =	vmov s24;
	v37 =	vmov s26;
	v63 =	vmul.f32 $8.000000000e+00, v52;
	[tilespmem:v54+s23+$0x0] =	vst.idx.msk $0xffff, v60  }
0x39c: {  	s11 =	simm.s32 $0xC5E0;
	s14 =	simm.s32 $0x3;
	s25 =	simm.s32 $0x5;
	v51 =	vmul.f32 $8.000000000e+00, v45;
	v62 =	vmov s12;
	[tilespmem:v35+s23+$0x0] =	vst.idx.msk $0xffff, v61;
	v35 =	vmov s13  }
0x39d: {  	s10 =	simm.s32 $0x7;
	p0 =	por $0x0, $0x0;
	s8 =	simm.s32 $0x7;
	v46 =	vmovc v34;
	v47 =	vmovc v36;
	v38 =	vmov s14;
	[tilespmem:v39+s23+$0x0] =	vst.idx.msk $0xffff, v63;
	v39 =	vmov s25;
	v33 =	vshrl.u32 v62, $0x3  }
0x39e: {  	p3 =	por $0x0, $0x0;
	s1 =	simm.s32 $0x8;
	s6 =	simm.s32 $0xC5E0;
	v49 =	vmovc v37;
	[tilespmem:v44+s23+$0x0] =	vst.idx.msk $0xffff, v51;
	v45 =	vmovc v35;
	v48 =	vmov v38;
	v50 =	vmov v39;
	v42 =	vmov v33  }
0x39f: {  	v40 =	vshll.u32 v33, v1;
	v41 =	vshrl.u32 v35, $0x3;
	v42 =	vmov s10  }
0x3a0: {  	v43 =	vshrl.u32 v34, $0x3;
	v44 =	vshrl.u32 v38, $0x3;
	v45 =	vshrl.u32 v36, $0x3  }
0x3a1: {  	v46 =	vshrl.u32 v39, $0x3;
	v47 =	vshrl.u32 v37, $0x3;
	v41 =	vshll.u32 v41, v1  }
0x3a2: {  	v49 =	vld [tilespmem:s11+$0xFFFFFE80];
	v42 =	vshrl.u32 v42, $0x3;
	v43 =	vshll.u32 v43, v1;
	v41 =	vbroadcast v41, $0x0  }
0x3a3: {  	v50 =	vld [tilespmem:s11+$0xFFFFFEC0];
	v44 =	vshll.u32 v44, v1;
	v45 =	vshll.u32 v45, v1;
	v43 =	vbroadcast v43, $0x0  }
0x3a4: {  	v51 =	vld [tilespmem:s11+$0xFFFFFF00];
	v46 =	vshll.u32 v46, v1;
	v44 =	vbroadcast v44, $0x0;
	v41 =	vadd.s32 v18, v41  }
0x3a5: {  	v52 =	vld [tilespmem:s11+$0xFFFFFF40];
	v42 =	vshll.u32 v42, v1;
	v45 =	vbroadcast v45, $0x0;
	v43 =	vadd.s32 v19, v43  }
0x3a6: {  	v48 =	vld [tilespmem:s11+$0x0];
	v47 =	vshll.u32 v47, v1;
	v42 =	vbroadcast v42, $0x0;
	v44 =	vadd.s32 v20, v44  }
0x3a7: {  	v53 =	vld [tilespmem:s11+$0xFFFFFF80];
	v46 =	vbroadcast v46, $0x0;
	v54 =	vadd.s32 v21, v45;
	v49 =	vmul.f32 $8.000000000e+00, v49  }
0x3a8: {  	v55 =	vld [tilespmem:s11+$0xFFFFFFC0];
	v62 =	vbroadcast v47, $0x0;
	v42 =	vadd.s32 v24, v42;
	v50 =	vmul.f32 $8.000000000e+00, v50  }
0x3a9: {  	v56 =	vld [tilespmem:s11+$0xFFFFFE40];
	p4 =	por $0x1, $0x1;
	v63 =	vbroadcast v40, $0x0;
	v57 =	vadd.s32 v22, v46;
	v61 =	vmul.f32 $8.000000000e+00, v51;
	[tilespmem:v41+s23+$0x0] =	vst.idx.msk $0xffff, v49  }
.Ltmp35:
0x3aa: {  	v60 =	vmov s1;
	s24 =	simm.s32 $0xC;
	v40 =	vadd.s32 v23, v62;
	v62 =	vmul.f32 $8.000000000e+00, v52;
	[tilespmem:v43+s23+$0x0] =	vst.idx.msk $0xffff, v50;
	(pc) =	sbr.rel @!p4 .LBB2_58-.Ltmp35, $4  }
0x3ab: {  	s6 =	simm.s32 $0x9;
	s7 =	simm.s32 $0xA;
	v47 =	vmov s24;
	v48 =	vmul.f32 $8.000000000e+00, v48;
	v41 =	vadd.s32 v17, v63;
	[tilespmem:v44+s23+$0x0] =	vst.idx.msk $0xffff, v61  }
0x3ac: {  	s25 =	simm.s32 $0xD;
	s26 =	simm.s32 $0xE;
	v45 =	vmov s6;
	v46 =	vmov s7;
	v63 =	vmul.f32 $8.000000000e+00, v53;
	[tilespmem:v54+s23+$0x0] =	vst.idx.msk $0xffff, v62  }
0x3ad: {  	s14 =	simm.s32 $0xB;
	s8 =	simm.s32 $0xF;
	v43 =	vmul.f32 $8.000000000e+00, v55;
	v50 =	vmov s25;
	v49 =	vmov s26;
	[tilespmem:v42+s23+$0x0] =	vst.idx.msk $0xffff, v48  }
0x3ae: {  	p3 =	por $0x1, $0x1;
	s7 =	simm.s32 $0x10;
	s6 =	simm.s32 $0xC5E0;
	v44 =	vmul.f32 $8.000000000e+00, v56;
	v42 =	vshrl.u32 v60, $0x3;
	v48 =	vmov s14;
	[tilespmem:v57+s23+$0x0] =	vst.idx.msk $0xffff, v63  }
.LBB2_59:
0x3af: {  	p4 =	slt.u32 s7, $0x78;
	v42 =	vshll.u32 v42, v1;
	v45 =	vshrl.u32 v45, $0x3;
	v51 =	vmov s8;
	[tilespmem:v40+s23+$0x0] =	vst.idx.msk $0xffff, v43  }
0x3b0: {  	v40 =	vshrl.u32 v46, $0x3;
	v43 =	vshrl.u32 v48, $0x3;
	v46 =	vshrl.u32 v51, $0x3;
	[tilespmem:v41+s23+$0x0] =	vst.idx.msk $0xffff, v44  }
0x3b1: {  	s6 =	sadd.s32 $0x200, s6;
	v41 =	vshrl.u32 v47, $0x3;
	v44 =	vshrl.u32 v50, $0x3;
	v46 =	vshll.u32 v46, v1  }
0x3b2: {  	v45 =	vshll.u32 v45, v1;
	v47 =	vshrl.u32 v49, $0x3;
	v48 =	vld [tilespmem:s6+$0x0];
	v46 =	vbroadcast v46, $0x0  }
0x3b3: {  	v40 =	vshll.u32 v40, v1;
	v43 =	vshll.u32 v43, v1;
	v45 =	vbroadcast v45, $0x0;
	v49 =	vld [tilespmem:s6+$0xFFFFFE80]  }
0x3b4: {  	v40 =	vbroadcast v40, $0x0;
	v41 =	vshll.u32 v41, v1;
	v50 =	vld [tilespmem:s6+$0xFFFFFEC0];
	v46 =	vadd.s32 v24, v46  }
0x3b5: {  	v43 =	vbroadcast v43, $0x0;
	v44 =	vshll.u32 v44, v1;
	v45 =	vadd.s32 v18, v45;
	v51 =	vld [tilespmem:s6+$0xFFFFFF00]  }
0x3b6: {  	v52 =	vadd.s32 v19, v40;
	v40 =	vbroadcast v41, $0x0;
	v41 =	vshll.u32 v47, v1;
	v53 =	vld [tilespmem:s6+$0xFFFFFF40]  }
0x3b7: {  	v44 =	vbroadcast v44, $0x0;
	v43 =	vadd.s32 v20, v43;
	v47 =	vld [tilespmem:s6+$0xFFFFFF80];
	v48 =	vmul.f32 $8.000000000e+00, v48  }
0x3b8: {  	v54 =	vadd.s32 v21, v40;
	v40 =	vbroadcast v41, $0x0;
	v49 =	vmul.f32 $8.000000000e+00, v49;
	v55 =	vld [tilespmem:s6+$0xFFFFFFC0]  }
0x3b9: {  	v57 =	vadd.s32 v22, v44;
	v41 =	vbroadcast v42, $0x0;
	v56 =	vld [tilespmem:s6+$0xFFFFFE40];
	v50 =	vmul.f32 $8.000000000e+00, v50;
	[tilespmem:v46+s23+$0x0] =	vst.idx.msk $0xffff, v48  }
.Ltmp36:
0x3ba: {  	v42 =	vmov s7;
	v40 =	vadd.s32 v23, v40;
	[tilespmem:v45+s23+$0x0] =	vst.idx.msk $0xffff, v49;
	v44 =	vmul.f32 $8.000000000e+00, v51;
	(pc) =	sbr.rel @p4 .LBB2_59-.Ltmp36, $4  }
0x3bb: {  	s8 =	sadd.s32 $0x1, s7;
	s12 =	sadd.s32 $0x2, s7;
	v42 =	vshrl.u32 v42, $0x3;
	v41 =	vadd.s32 v17, v41;
	[tilespmem:v52+s23+$0x0] =	vst.idx.msk $0xffff, v50;
	v49 =	vmul.f32 $8.000000000e+00, v53  }
0x3bc: {  	v46 =	vmov s12;
	s12 =	sadd.s32 $0x4, s7;
	v45 =	vmov s8;
	s8 =	sadd.s32 $0x3, s7;
	[tilespmem:v43+s23+$0x0] =	vst.idx.msk $0xffff, v44;
	v51 =	vmul.f32 $8.000000000e+00, v47  }
0x3bd: {  	v48 =	vmov s8;
	s8 =	sadd.s32 $0x5, s7;
	v47 =	vmov s12;
	s12 =	sadd.s32 $0x6, s7;
	[tilespmem:v54+s23+$0x0] =	vst.idx.msk $0xffff, v49;
	v43 =	vmul.f32 $8.000000000e+00, v55  }
0x3be: {  	v50 =	vmov s8;
	s8 =	sadd.s32 $0x7, s7;
	s7 =	sadd.s32 $0x8, s7;
	v49 =	vmov s12;
	v44 =	vmul.f32 $8.000000000e+00, v56;
	[tilespmem:v57+s23+$0x0] =	vst.idx.msk $0xffff, v51  }
.LBB2_60:
0x3bf: {  	v42 =	vshll.u32 v42, v1  }
0x3c0: {  	v45 =	vshrl.u32 v45, $0x3;
	v51 =	vmov s8;
	v46 =	vshrl.u32 v46, $0x3  }
0x3c1: {  	v48 =	vshrl.u32 v48, $0x3;
	s6 =	sadd.s32 @p3 $0x200, s6;
	v47 =	vshrl.u32 v47, $0x3;
	v50 =	vshrl.u32 v50, $0x3  }
0x3c2: {  	v49 =	vshrl.u32 v49, $0x3;
	v51 =	vshrl.u32 v51, $0x3;
	s11 =	smov.u32 @p3 s6;
	v45 =	vshll.u32 v45, v1  }
0x3c3: {  	v46 =	vshll.u32 v46, v1;
	v48 =	vshll.u32 v48, v1;
	v53 =	vld [tilespmem:s11+$0xFFFFFE80];
	v45 =	vbroadcast v45, $0x0  }
0x3c4: {  	v50 =	vshll.u32 v50, v1;
	v49 =	vshll.u32 v49, v1;
	v54 =	vld [tilespmem:s11+$0xFFFFFEC0];
	v46 =	vbroadcast v46, $0x0  }
0x3c5: {  	v51 =	vshll.u32 v51, v1;
	v55 =	vld [tilespmem:s11+$0xFFFFFF00];
	v48 =	vbroadcast v48, $0x0;
	v45 =	vadd.s32 v18, v45  }
0x3c6: {  	v59 =	vbroadcast v50, $0x0;
	v62 =	vld [tilespmem:s11+$0xFFFFFFC0];
	v49 =	vbroadcast v49, $0x0;
	v46 =	vadd.s32 v19, v46  }
0x3c7: {  	[tilespmem:v40+s23+$0x0] =	vst.idx.msk @p3 $0xffff, v43;
	v42 =	vbroadcast v42, $0x0;
	v63 =	vld [tilespmem:s11+$0xFFFFFE40];
	v51 =	vbroadcast v51, $0x0;
	v40 =	vadd.s32 v20, v48  }
0x3c8: {  	v52 =	vld [tilespmem:s11+$0x0];
	v48 =	vadd.s32 v22, v59;
	v59 =	vadd.s32 v23, v49;
	v61 =	vmul.f32 $8.000000000e+00, v53  }
0x3c9: {  	v47 =	vshll.u32 v47, v1;
	[tilespmem:v41+s23+$0x0] =	vst.idx.msk @p3 $0xffff, v44;
	v43 =	vld [tilespmem:s11+$0xFFFFFF80];
	v42 =	vadd.s32 v17, v42;
	v57 =	vmul.f32 $8.000000000e+00, v54  }
0x3ca: {  	v56 =	vld [tilespmem:s11+$0xFFFFFF40];
	v47 =	vbroadcast v47, $0x0;
	v51 =	vadd.s32 v24, v51;
	v58 =	vmul.f32 $8.000000000e+00, v55;
	[tilespmem:v45+s23+$0x0] =	vst.idx.msk $0xffff, v61  }
0x3cb: {  	v62 =	vmul.f32 $8.000000000e+00, v62;
	[tilespmem:v46+s23+$0x0] =	vst.idx.msk $0xffff, v57  }
0x3cc: {  	v44 =	vadd.s32 v21, v47;
	v63 =	vmul.f32 $8.000000000e+00, v63;
	[tilespmem:v40+s23+$0x0] =	vst.idx.msk $0xffff, v58  }
.Ltmp37:
0x3cd: {  	v60 =	vmul.f32 $8.000000000e+00, v52;
	[tilespmem:v59+s23+$0x0] =	vst.idx.msk $0xffff, v62;
	(pc) =	sbr.rel @!p2 .LBB2_61-.Ltmp37, $4  }
0x3ce: {  	v61 =	vmul.f32 $8.000000000e+00, v43;
	[tilespmem:v42+s23+$0x0] =	vst.idx.msk $0xffff, v63  }
0x3cf: {  	[tilespmem:v51+s23+$0x0] =	vst.idx.msk $0xffff, v60;
	v60 =	vmul.f32 $8.000000000e+00, v56  }
0x3d0: {  	[tilespmem:v48+s23+$0x0] =	vst.idx.msk $0xffff, v61  }
0x3d1: {  	s11 =	simm.s32 $0xC5F0;
	[tilespmem:v44+s23+$0x0] =	vst.idx.msk $0xffff, v60  }
0x3d2: {  	v33 =	vshll.u32 v33, v1;
	v35 =	vshrl.u32 v35, $0x3;
	v40 =	vmov s10  }
0x3d3: {  	v34 =	vshrl.u32 v34, $0x3;
	v38 =	vshrl.u32 v38, $0x3;
	v36 =	vshrl.u32 v36, $0x3  }
0x3d4: {  	v39 =	vshrl.u32 v39, $0x3;
	v40 =	vshrl.u32 v40, $0x3;
	v35 =	vshll.u32 v35, v1  }
0x3d5: {  	v37 =	vshrl.u32 v37, $0x3;
	v42 =	vld [tilespmem:s11+$0xFFFFFE80];
	v40 =	vshll.u32 v40, v1;
	v35 =	vbroadcast v35, $0x0  }
0x3d6: {  	v41 =	vld [tilespmem:s11+$0x0];
	v34 =	vshll.u32 v34, v1;
	v38 =	vshll.u32 v38, v1;
	v40 =	vbroadcast v40, $0x0  }
0x3d7: {  	v43 =	vld [tilespmem:s11+$0xFFFFFEC0];
	v36 =	vshll.u32 v36, v1;
	v34 =	vbroadcast v34, $0x0;
	v35 =	vadd.s32 v26, v35  }
0x3d8: {  	v44 =	vld [tilespmem:s11+$0xFFFFFF00];
	v39 =	vshll.u32 v39, v1;
	v38 =	vbroadcast v38, $0x0;
	v40 =	vadd.s32 v32, v40  }
0x3d9: {  	v45 =	vld [tilespmem:s11+$0xFFFFFF40];
	v37 =	vshll.u32 v37, v1;
	v36 =	vbroadcast v36, $0x0;
	v34 =	vadd.s32 v27, v34  }
0x3da: {  	v46 =	vld [tilespmem:s11+$0xFFFFFF80];
	v39 =	vbroadcast v39, $0x0;
	v38 =	vadd.s32 v28, v38;
	v42 =	vmul.f32 $8.000000000e+00, v42  }
0x3db: {  	v48 =	vld [tilespmem:s11+$0xFFFFFFC0];
	v58 =	vbroadcast v37, $0x0;
	v47 =	vadd.s32 v29, v36;
	v41 =	vmul.f32 $8.000000000e+00, v41  }
0x3dc: {  	v49 =	vld [tilespmem:s11+$0xFFFFFE40];
	p2 =	por $0x1, $0x1;
	v59 =	vbroadcast v33, $0x0;
	v50 =	vadd.s32 v30, v39;
	v43 =	vmul.f32 $8.000000000e+00, v43;
	[tilespmem:v35+s23+$0x0] =	vst.idx.msk $0xffff, v42  }
.Ltmp38:
0x3dd: {  	v60 =	vmov s1;
	v61 =	vmul.f32 $8.000000000e+00, v44;
	[tilespmem:v40+s23+$0x0] =	vst.idx.msk $0xffff, v41;
	v40 =	vadd.s32 v31, v58;
	(pc) =	sbr.rel @!p2 .LBB2_63-.Ltmp38, $4  }
0x3de: {  	s24 =	simm.s32 $0xC;
	s26 =	simm.s32 $0xE;
	v33 =	vshrl.u32 v60, $0x3;
	v62 =	vmul.f32 $8.000000000e+00, v45;
	[tilespmem:v34+s23+$0x0] =	vst.idx.msk $0xffff, v43;
	v41 =	vadd.s32 v25, v59  }
0x3df: {  	s13 =	simm.s32 $0x9;
	s25 =	simm.s32 $0xD;
	v37 =	vmov s26;
	v36 =	vmov s24;
	v63 =	vmul.f32 $8.000000000e+00, v46;
	[tilespmem:v38+s23+$0x0] =	vst.idx.msk $0xffff, v61  }
0x3e0: {  	s6 =	simm.s32 $0xA;
	s14 =	simm.s32 $0xB;
	s10 =	simm.s32 $0xF;
	v39 =	vmov s25;
	v35 =	vmov s13;
	[tilespmem:v47+s23+$0x0] =	vst.idx.msk $0xffff, v62;
	v42 =	vmul.f32 $8.000000000e+00, v48  }
0x3e1: {  	p0 =	por $0x1, $0x1;
	s1 =	simm.s32 $0xC5F0;
	v34 =	vmov s6;
	v38 =	vmov s14;
	s6 =	simm.s32 $0x10;
	v43 =	vmul.f32 $8.000000000e+00, v49;
	[tilespmem:v50+s23+$0x0] =	vst.idx.msk $0xffff, v63  }
.LBB2_64:
0x3e2: {  	p2 =	slt.u32 s6, $0x78;
	v33 =	vshll.u32 v33, v1;
	v35 =	vshrl.u32 v35, $0x3;
	v44 =	vmov s10;
	[tilespmem:v40+s23+$0x0] =	vst.idx.msk $0xffff, v42  }
0x3e3: {  	v34 =	vshrl.u32 v34, $0x3;
	v38 =	vshrl.u32 v38, $0x3;
	v40 =	vshrl.u32 v44, $0x3;
	[tilespmem:v41+s23+$0x0] =	vst.idx.msk $0xffff, v43  }
0x3e4: {  	v36 =	vshrl.u32 v36, $0x3;
	v39 =	vshrl.u32 v39, $0x3;
	s1 =	sadd.s32 $0x200, s1;
	v40 =	vshll.u32 v40, v1  }
0x3e5: {  	v37 =	vshrl.u32 v37, $0x3;
	v35 =	vshll.u32 v35, v1;
	v41 =	vld [tilespmem:s1+$0x0];
	v40 =	vbroadcast v40, $0x0  }
0x3e6: {  	v34 =	vshll.u32 v34, v1;
	v38 =	vshll.u32 v38, v1;
	v35 =	vbroadcast v35, $0x0;
	v42 =	vld [tilespmem:s1+$0xFFFFFE80]  }
0x3e7: {  	v36 =	vshll.u32 v36, v1;
	v34 =	vbroadcast v34, $0x0;
	v43 =	vld [tilespmem:s1+$0xFFFFFEC0];
	v40 =	vadd.s32 v32, v40  }
0x3e8: {  	v39 =	vshll.u32 v39, v1;
	v38 =	vbroadcast v38, $0x0;
	v35 =	vadd.s32 v26, v35;
	v44 =	vld [tilespmem:s1+$0xFFFFFF00]  }
0x3e9: {  	v37 =	vshll.u32 v37, v1;
	v36 =	vbroadcast v36, $0x0;
	v34 =	vadd.s32 v27, v34;
	v45 =	vld [tilespmem:s1+$0xFFFFFF40]  }
0x3ea: {  	v39 =	vbroadcast v39, $0x0;
	v38 =	vadd.s32 v28, v38;
	v46 =	vld [tilespmem:s1+$0xFFFFFF80];
	v41 =	vmul.f32 $8.000000000e+00, v41  }
0x3eb: {  	v47 =	vadd.s32 v29, v36;
	v36 =	vbroadcast v37, $0x0;
	v42 =	vmul.f32 $8.000000000e+00, v42;
	v48 =	vld [tilespmem:s1+$0xFFFFFFC0]  }
0x3ec: {  	v37 =	vbroadcast v33, $0x0;
	v50 =	vadd.s32 v30, v39;
	v49 =	vld [tilespmem:s1+$0xFFFFFE40];
	v43 =	vmul.f32 $8.000000000e+00, v43;
	[tilespmem:v40+s23+$0x0] =	vst.idx.msk $0xffff, v41  }
.Ltmp39:
0x3ed: {  	v33 =	vmov s6;
	v40 =	vadd.s32 v31, v36;
	[tilespmem:v35+s23+$0x0] =	vst.idx.msk $0xffff, v42;
	v39 =	vmul.f32 $8.000000000e+00, v44;
	(pc) =	sbr.rel @p2 .LBB2_64-.Ltmp39, $4  }
0x3ee: {  	s7 =	sadd.s32 $0x1, s6;
	s8 =	sadd.s32 $0x2, s6;
	v33 =	vshrl.u32 v33, $0x3;
	v41 =	vadd.s32 v25, v37;
	[tilespmem:v34+s23+$0x0] =	vst.idx.msk $0xffff, v43;
	v37 =	vmul.f32 $8.000000000e+00, v45  }
0x3ef: {  	v35 =	vmov s7;
	s7 =	sadd.s32 $0x3, s6;
	v34 =	vmov s8;
	s8 =	sadd.s32 $0x4, s6;
	[tilespmem:v38+s23+$0x0] =	vst.idx.msk $0xffff, v39;
	v44 =	vmul.f32 $8.000000000e+00, v46  }
0x3f0: {  	v38 =	vmov s7;
	v36 =	vmov s8;
	s7 =	sadd.s32 $0x5, s6;
	s8 =	sadd.s32 $0x6, s6;
	[tilespmem:v47+s23+$0x0] =	vst.idx.msk $0xffff, v37;
	v42 =	vmul.f32 $8.000000000e+00, v48  }
0x3f1: {  	s10 =	sadd.s32 $0x7, s6;
	s6 =	sadd.s32 $0x8, s6;
	v39 =	vmov s7;
	v37 =	vmov s8;
	v43 =	vmul.f32 $8.000000000e+00, v49;
	[tilespmem:v50+s23+$0x0] =	vst.idx.msk $0xffff, v44  }
.LBB2_65:
0x3f2: {  	v33 =	vshll.u32 v33, v1;
	v35 =	vshrl.u32 v35, $0x3;
	v44 =	vmov s10  }
0x3f3: {  	v34 =	vshrl.u32 v34, $0x3;
	v38 =	vshrl.u32 v38, $0x3;
	s1 =	sadd.s32 @p0 $0x200, s1;
	v36 =	vshrl.u32 v36, $0x3  }
0x3f4: {  	v39 =	vshrl.u32 v39, $0x3;
	v37 =	vshrl.u32 v37, $0x3;
	s11 =	smov.u32 @p0 s1;
	v35 =	vshll.u32 v35, v1  }
0x3f5: {  	v44 =	vshrl.u32 v44, $0x3;
	v34 =	vshll.u32 v34, v1;
	v46 =	vld [tilespmem:s11+$0xFFFFFE80];
	v35 =	vbroadcast v35, $0x0  }
0x3f6: {  	v38 =	vshll.u32 v38, v1;
	v36 =	vshll.u32 v36, v1;
	v47 =	vld [tilespmem:s11+$0xFFFFFEC0];
	v34 =	vbroadcast v34, $0x0  }
0x3f7: {  	v39 =	vshll.u32 v39, v1;
	v48 =	vld [tilespmem:s11+$0xFFFFFF00];
	v38 =	vbroadcast v38, $0x0;
	v35 =	vadd.s32 v26, v35  }
0x3f8: {  	v37 =	vshll.u32 v37, v1;
	v49 =	vld [tilespmem:s11+$0xFFFFFF40];
	v36 =	vbroadcast v36, $0x0;
	v34 =	vadd.s32 v27, v34  }
0x3f9: {  	v33 =	vbroadcast v33, $0x0;
	v53 =	vld [tilespmem:s11+$0xFFFFFF80];
	v39 =	vbroadcast v39, $0x0;
	v38 =	vadd.s32 v28, v38  }
0x3fa: {  	[tilespmem:v40+s23+$0x0] =	vst.idx.msk @p0 $0xffff, v42;
	v56 =	vld [tilespmem:s11+$0xFFFFFFC0];
	v37 =	vbroadcast v37, $0x0;
	v36 =	vadd.s32 v29, v36;
	v55 =	vmul.f32 $8.000000000e+00, v46  }
0x3fb: {  	[tilespmem:v41+s23+$0x0] =	vst.idx.msk @p0 $0xffff, v43;
	v44 =	vshll.u32 v44, v1;
	v57 =	vld [tilespmem:s11+$0xFFFFFE40];
	v39 =	vadd.s32 v30, v39;
	v58 =	vmul.f32 $8.000000000e+00, v47  }
0x3fc: {  	v45 =	vld [tilespmem:s11+$0x0];
	v44 =	vbroadcast v44, $0x0;
	v37 =	vadd.s32 v31, v37;
	v59 =	vmul.f32 $8.000000000e+00, v48;
	[tilespmem:v35+s23+$0x0] =	vst.idx.msk $0xffff, v55  }
0x3fd: {  	s0 =	sadd.s32 s5, s0;
	v33 =	vadd.s32 v25, v33;
	v60 =	vmul.f32 $8.000000000e+00, v49;
	[tilespmem:v34+s23+$0x0] =	vst.idx.msk $0xffff, v58  }
0x3fe: {  	s14 =	sshrl.u32 s0, $0x5;
	v44 =	vadd.s32 v32, v44;
	v61 =	vmul.f32 $8.000000000e+00, v53;
	[tilespmem:v38+s23+$0x0] =	vst.idx.msk $0xffff, v59  }
0x3ff: {  	s0 =	sshll.u32 s0, $0xA;
	s6 =	sshll.u32 s14, $0xF;
	v62 =	vmul.f32 $8.000000000e+00, v56;
	[tilespmem:v36+s23+$0x0] =	vst.idx.msk $0xffff, v60  }
0x400: {  	s1 =	sshll.u32 s14, $0x12;
	s0 =	ssub.s32 s0, s6;
	v63 =	vmul.f32 $8.000000000e+00, v57;
	[tilespmem:v39+s23+$0x0] =	vst.idx.msk $0xffff, v61  }
0x401: {  	s0 =	sadd.s32 s1, s0;
	v54 =	vmul.f32 $8.000000000e+00, v45;
	[tilespmem:v37+s23+$0x0] =	vst.idx.msk $0xffff, v62  }
0x402: {  	s0 =	sshrl.u32 s0, $0x3;
	[tilespmem:v33+s23+$0x0] =	vst.idx.msk $0xffff, v63  }
0x403: {  	s24 =	simm.s32 $0x14A00;
	s1 =	sadd.s32 s2, s0;
	[tilespmem:v44+s23+$0x0] =	vst.idx.msk $0xffff, v54  }
0x404: {  	[hbm4b:s1+s3] =	stream.linear.scatter [tilespmem:s24], [sflag:$0x8], $0x80, $0x38;
	[tilespmem:$0x16C00] =	vst v63  }
0x405: {  	s25 =	simm.s32 $0x14A88;
	s26 =	sadd.s32 $0x10, s1  }
0x406: {  	[hbm4b:s26+s3] =	stream.linear.scatter [tilespmem:s25], [sflag:$0x8], $0x80, $0x38;
	[tilespmem:$0x16C00] =	vst v63  }
0x407: {  	s7 =	simm.s32 $0x14B10;
	s10 =	simm.s32 $0x14B98;
	s8 =	sadd.s32 $0x20, s1  }
0x408: {  	[hbm4b:s8+s3] =	stream.linear.scatter [tilespmem:s7], [sflag:$0x8], $0x80, $0x38;
	[tilespmem:$0x16C00] =	vst v63  }
0x409: {  	s12 =	simm.s32 $0x14C20;
	s14 =	simm.s32 $0x14CA8;
	s11 =	sadd.s32 $0x30, s1  }
0x40a: {  	[hbm4b:s11+s3] =	stream.linear.scatter [tilespmem:s10], [sflag:$0x8], $0x80, $0x38;
	[tilespmem:$0x16C00] =	vst v63  }
0x40b: {  	s6 =	simm.s32 $0x2200;
	s0 =	simm.s32 $0x440;
	s13 =	sadd.s32 $0x40, s1  }
0x40c: {  	[hbm4b:s13+s3] =	stream.linear.scatter [tilespmem:s12], [sflag:$0x8], $0x80, $0x38;
	[tilespmem:$0x16C00] =	vst v63  }
0x40d: {  	s24 =	sadd.s32 $0x50, s1;
	s25 =	simm.s32 $0x14D30;
	s26 =	sadd.s32 $0x60, s1  }
0x40e: {  	[hbm4b:s24+s3] =	stream.linear.scatter [tilespmem:s14], [sflag:$0x8], $0x80, $0x38;
	[tilespmem:$0x16C00] =	vst v63  }
0x40f: {  	s7 =	simm.s32 $0x14DB8;
	s8 =	sadd.s32 $0x70, s1;
	s1 =	sadd.s32 $0x1000, s1  }
0x410: {  	[hbm4b:s26+s3] =	stream.linear.scatter [tilespmem:s25], [sflag:$0x8], $0x80, $0x38;
	[tilespmem:$0x16C00] =	vst v63  }
.LBB2_66:
0x411: {  	[hbm4b:s8+s3] =	stream.linear.scatter [tilespmem:s7], [sflag:$0x8], $0x80, $0x38;
	[tilespmem:$0x16C00] =	vst v63  }
0x412: {  	s7 =	smov.u32 s0;
	s0 =	smov.u32 s6  }
0x413: {  	s10 =	sadd.s32 $0x1100, s6;
	s0 =	sshra.s32 s0, $0x2;
	s8 =	sadd.s32 $0x14A00, s7  }
0x414: {  	[hbm4b:s1+s3] =	stream.linear.scatter [tilespmem:s8], [sflag:$0x8], $0x80, $0x38;
	[tilespmem:$0x16C00] =	vst v63  }
0x415: {  	p0 =	sne.s32 s6, $0x7700;
	s6 =	sadd.s32 $0x14A88, s7;
	s8 =	sadd.s32 $0x10, s1  }
0x416: {  	[hbm4b:s8+s3] =	stream.linear.scatter [tilespmem:s6], [sflag:$0x8], $0x80, $0x38;
	[tilespmem:$0x16C00] =	vst v63  }
0x417: {  	s6 =	sadd.s32 $0x14B10, s7;
	s8 =	sadd.s32 $0x20, s1  }
0x418: {  	[hbm4b:s8+s3] =	stream.linear.scatter [tilespmem:s6], [sflag:$0x8], $0x80, $0x38;
	[tilespmem:$0x16C00] =	vst v63  }
0x419: {  	s6 =	sadd.s32 $0x14B98, s7;
	s8 =	sadd.s32 $0x30, s1  }
0x41a: {  	[hbm4b:s8+s3] =	stream.linear.scatter [tilespmem:s6], [sflag:$0x8], $0x80, $0x38;
	[tilespmem:$0x16C00] =	vst v63  }
0x41b: {  	s6 =	sadd.s32 $0x14C20, s7;
	s8 =	sadd.s32 $0x40, s1  }
0x41c: {  	[hbm4b:s8+s3] =	stream.linear.scatter [tilespmem:s6], [sflag:$0x8], $0x80, $0x38;
	[tilespmem:$0x16C00] =	vst v63  }
.Ltmp40:
0x41d: {  	s6 =	sadd.s32 $0x14CA8, s7;
	s8 =	sadd.s32 $0x50, s1;
	(pc) =	sbr.rel @p0 .LBB2_66-.Ltmp40, $4  }
0x41e: {  	[hbm4b:s8+s3] =	stream.linear.scatter [tilespmem:s6], [sflag:$0x8], $0x80, $0x38;
	[tilespmem:$0x16C00] =	vst v63  }
0x41f: {  	s6 =	sadd.s32 $0x14D30, s7;
	s8 =	sadd.s32 $0x60, s1;
	s7 =	sadd.s32 $0x14DB8, s7  }
0x420: {  	[hbm4b:s8+s3] =	stream.linear.scatter [tilespmem:s6], [sflag:$0x8], $0x80, $0x38;
	[tilespmem:$0x16C00] =	vst v63  }
0x421: {  	s8 =	sadd.s32 $0x70, s1;
	s1 =	sadd.s32 $0x1000, s1;
	s6 =	smov.u32 s10  }
0x422: {  	[hbm4b:s8+s3] =	stream.linear.scatter [tilespmem:s7], [sflag:$0x8], $0x80, $0x38;
	[tilespmem:$0x16C00] =	vst v63  }
0x423: {  	s6 =	sadd.s32 $0x14A00, s0  }
0x424: {  	[hbm4b:s1+s3] =	stream.linear.scatter [tilespmem:s6], [sflag:$0x8], $0x80, $0x38;
	[tilespmem:$0x16C00] =	vst v63  }
0x425: {  	s14 =	sadd.s32 $0x14A88, s0;
	s24 =	sadd.s32 $0x10, s1  }
0x426: {  	[hbm4b:s24+s3] =	stream.linear.scatter [tilespmem:s14], [sflag:$0x8], $0x80, $0x38;
	[tilespmem:$0x16C00] =	vst v63  }
0x427: {  	s25 =	sadd.s32 $0x14B10, s0;
	s26 =	sadd.s32 $0x20, s1  }
0x428: {  	[hbm4b:s26+s3] =	stream.linear.scatter [tilespmem:s25], [sflag:$0x8], $0x80, $0x38;
	[tilespmem:$0x16C00] =	vst v63  }
0x429: {  	s7 =	sadd.s32 $0x14B98, s0;
	s8 =	sadd.s32 $0x30, s1  }
0x42a: {  	[hbm4b:s8+s3] =	stream.linear.scatter [tilespmem:s7], [sflag:$0x8], $0x80, $0x38;
	[tilespmem:$0x16C00] =	vst v63  }
0x42b: {  	s10 =	sadd.s32 $0x14C20, s0;
	s11 =	sadd.s32 $0x40, s1  }
0x42c: {  	[hbm4b:s11+s3] =	stream.linear.scatter [tilespmem:s10], [sflag:$0x8], $0x80, $0x38;
	[tilespmem:$0x16C00] =	vst v63  }
0x42d: {  	s12 =	sadd.s32 $0x14CA8, s0;
	s13 =	sadd.s32 $0x50, s1  }
0x42e: {  	[hbm4b:s13+s3] =	stream.linear.scatter [tilespmem:s12], [sflag:$0x8], $0x80, $0x38;
	[tilespmem:$0x16C00] =	vst v63  }
.Ltmp41:
0x42f: {  	_ = 	snop;
	(pc) =	sbr.rel @p1 .LBB2_69-.Ltmp41, $4  }
0x430: {  	s14 =	sadd.s32 $0x14D30, s0;
	s24 =	sadd.s32 $0x60, s1  }
0x431: {  	[hbm4b:s24+s3] =	stream.linear.scatter [tilespmem:s14], [sflag:$0x8], $0x80, $0x38;
	[tilespmem:$0x16C00] =	vst v63  }
0x432: {  	s25 =	sadd.s32 $0x14DB8, s0;
	s26 =	sadd.s32 $0x70, s1  }
0x433: {  	[hbm4b:s26+s3] =	stream.linear.scatter [tilespmem:s25], [sflag:$0x8], $0x80, $0x38;
	[tilespmem:$0x16C00] =	vst v63  }
.Ltmp42:
0x434: {  	(pc) =	sbr.rel .LBB2_4-.Ltmp42, $4  }
0x435: {  	s0 =	sshll.u32 s31, $0x9  }
0x436: {  	s0 =	sand.u32 $0x3FFFFE00, s0  }
0x437: {  	s31 =	sadd.s32 $0x1, s31;
	s0 =	sadd.s32 $0x380, s0  }
0x438: {  	[tilespmem:s15], [sflag:$0x4] =	stream.indirect.gather [hbm4b:s4+s9], $0x40, s0, s9, $0xb8;
	[tilespmem:$0x16C00] =	vst v63  }
.LBB2_11:
.Ltmp43:
0x439: {  	(pc) =	sbr.rel .LBB2_15-.Ltmp43, $2  }
0x43a: {  	_ =	sdelay $0x2  }
0x43b: {  	s0 =	simm.s32 $0x6520  }
.LBB2_16:
.Ltmp44:
0x43c: {  	(pc) =	sbr.rel .LBB2_20-.Ltmp44, $2  }
0x43d: {  	_ =	sdelay $0x2  }
0x43e: {  	s6 =	simm.s32 $0x6530  }
.LBB2_31:
.Ltmp45:
0x43f: {  	(pc) =	sbr.rel .LBB2_35-.Ltmp45, $2  }
0x440: {  	_ =	sdelay $0x2  }
0x441: {  	s6 =	simm.s32 $0x85F0  }
.LBB2_46:
.Ltmp46:
0x442: {  	(pc) =	sbr.rel .LBB2_50-.Ltmp46, $2  }
0x443: {  	_ =	sdelay $0x2  }
0x444: {  	s6 =	simm.s32 $0xA5F0  }
.LBB2_61:
.Ltmp47:
0x445: {  	(pc) =	sbr.rel .LBB2_65-.Ltmp47, $2  }
0x446: {  	_ =	sdelay $0x2  }
0x447: {  	s1 =	simm.s32 $0xC5F0  }
.LBB2_8:
.Ltmp48:
0x448: {  	(pc) =	sbr.rel .LBB2_10-.Ltmp48, $2  }
0x449: {  	_ =	sdelay $0x2  }
0x44a: {  	s6 =	simm.s32 $0x6510  }
.LBB2_13:
.Ltmp49:
0x44b: {  	(pc) =	sbr.rel .LBB2_15-.Ltmp49, $2  }
0x44c: {  	_ =	sdelay $0x2  }
0x44d: {  	s0 =	simm.s32 $0x6520  }
.LBB2_18:
.Ltmp50:
0x44e: {  	(pc) =	sbr.rel .LBB2_20-.Ltmp50, $2  }
0x44f: {  	_ =	sdelay $0x2  }
0x450: {  	s6 =	simm.s32 $0x6530  }
.LBB2_28:
.Ltmp51:
0x451: {  	(pc) =	sbr.rel .LBB2_30-.Ltmp51, $2  }
0x452: {  	_ =	sdelay $0x2  }
0x453: {  	s6 =	simm.s32 $0x85E0  }
.LBB2_33:
.Ltmp52:
0x454: {  	(pc) =	sbr.rel .LBB2_35-.Ltmp52, $2  }
0x455: {  	_ =	sdelay $0x2  }
0x456: {  	s6 =	simm.s32 $0x85F0  }
.LBB2_43:
.Ltmp53:
0x457: {  	(pc) =	sbr.rel .LBB2_45-.Ltmp53, $2  }
0x458: {  	_ =	sdelay $0x2  }
0x459: {  	s6 =	simm.s32 $0xA5E0  }
.LBB2_48:
.Ltmp54:
0x45a: {  	(pc) =	sbr.rel .LBB2_50-.Ltmp54, $2  }
0x45b: {  	_ =	sdelay $0x2  }
0x45c: {  	s6 =	simm.s32 $0xA5F0  }
.LBB2_58:
.Ltmp55:
0x45d: {  	(pc) =	sbr.rel .LBB2_60-.Ltmp55, $2  }
0x45e: {  	_ =	sdelay $0x2  }
0x45f: {  	s6 =	simm.s32 $0xC5E0  }
.LBB2_63:
.Ltmp56:
0x460: {  	(pc) =	sbr.rel .LBB2_65-.Ltmp56, $2  }
0x461: {  	_ =	sdelay $0x2  }
0x462: {  	s1 =	simm.s32 $0xC5F0  }
.LBB2_70:
0x463: {  	_ =	sfence.sel $0x180000  }
0x464: {  	[bflag:$0x0] =	sbarrier.arrive $0xFFFF  }
0x465: {  	_ =	strace $0x9000004A  }
0x466: {  	s0 =	stileid.u32;
	[bflag:$0x2] =	sbarrier.arrive $0xFFFF  }
0x467: {  	p0 =	sne.s32 s0, $0x0;
	s0 =	rddreg [dreg:$0x2]  }
0x468: {  	s0 =	sadd.s32 @!p0 $0x100000, s0  }
0x469: {  	[sflag:s0] =	ssyncadd.tile.s32 @!p0 $0x1;
	_ =	shalt  }
.Lfunc_end2:
_tile_overlayer_lowered:
.L_overlay_start_2:
0x46a: {  	(tag) =	ssettag $0x2  }
0x46b: {  	s0 =	rddreg [dreg:$0x0];
	s2 =	stileid.u32  }
0x46c: {  	s1 =	rddreg [dreg:$0x1];
	p0 =	sne.s32 s2, $0x0  }
0x46d: {  	s3 =	rddreg [dreg:$0x2];
	[bflag:$0x3] =	sbarrier.arrive $0xFFFF;
	s2 =	simm.s32 @!p0 $0x1C09  }
0x46e: {  	[timem:s3], [sflag:s2] =	dma.local @!p0 [hbm:s0], s1  }
0x46f: {  	s0 =	simm.s32 @!p0 $0x9  }
0x470: {  	_ =	swait.ge @!p0 [sflag:s0], s1  }
0x471: {  	s1 =	ssub.s32 @!p0 $0x0, s1;
	[sflag:s0] =	ssyncset.done @!p0 $0x0  }
0x472: {  	[sflag:s0] =	ssyncadd.s32 @!p0 s1  }
0x473: {  	[bflag:$0x3] =	sbarrier.arrive $0xFFFF  }
0x474: {  	_ =	shalt  }

// kernel: sparse-core-data-format-call.cloned.1.call-start
scs
called_computation_lowered:
.L_overlay_start_0:
0x0: {  	s2 =	sld [smem:$0x3FD9]  }
0x1: {  	s3 =	sld [smem:$0x3FFE];
	_ =	sdelay $0x1  }
0x2: {  	s1 =	srdreg.scid  }
0x3: {  	s0 =	sand.u32 $0x1, s1  }
0x4: {  	s18 =	sshll.u32 s0, $0xA;
	s2 =	sadd.s32 s3, s2  }
0x5: {  	s2 =	sadd.s32 s2, s18  }
0x6: {  	[smem:$0x3FC6] =	sst s2  }
0x7: {  	_ = 	snop  }
0x8: {  	s2 =	sld [smem:$0x3FC8];
	(tm) =	ssettm $0x1  }
0x9: {  	s19 =	sld [smem:$0x3FFB];
	_ =	sdelay $0x3  }
0xa: {  	_ =	strace s19  }
0xb: {  	s3 =	sld [smem:$0x3FFC];
	_ =	sdelay $0x3  }
0xc: {  	_ =	strace s3  }
0xd: {  	s3 =	sld [smem:$0x3FFD];
	_ =	sdelay $0x3  }
0xe: {  	_ =	strace s3  }
0xf: {  	_ =	strace $0x8FFFFFFF  }
0x10: {  	s20 =	sld [smem:$0x3FDB];
	_ =	sdelay $0x1  }
0x11: {  	s4 =	simm.s32 $_scs_section_size  }
0x12: {  	s5 =	simm.s32 $_size__tile_overlayer_lowered;
	s6 =	simm.s32 $_tile_overlayer_lowered  }
0x13: {  	s23 =	simm.s32 $0x1BFF;
	s22 =	sshll.u32 s6, $0x1;
	s3 =	sadd.s32 s4, s20  }
0x14: {  	s7 =	simm.s32 $0x0;
	s21 =	sshll.u32 s5, $0x1;
	s5 =	sadd.s32 s22, s3  }
0x15: {  	[timem:s7], [sflag:s23] =	dma.local [hbm:s5], s21  }
0x16: {  	_ =	swait.ge [sflag:s23], s21  }
0x17: {  	s4 =	ssub.s32 $0x0, s21;
	[sflag:s23] =	ssyncset.done $0x0  }
0x18: {  	[sflag:s23] =	ssyncadd.s32 s4;
	_ =	sdelay $0x1  }
0x19: {  	s24 =	simm.s32 $0x1B8B  }
0x1a: {  	_ =	swait.ge [sflag:s24], $0x1  }
0x1b: {  	[sflag:s24] =	ssyncset.done $0x0  }
0x1c: {  	s26 =	simm.s32 $0x1B8E;
	s25 =	sld [smem:$0x3FFE];
	[sflag:s24] =	ssyncadd.s32 $0xFFFFFFFF  }
0x1d: {  	s27 =	simm.s32 $execute0_lowered;
	[smem:$0x3FD2] =	sst s26  }
0x1e: {  	s5 =	sshll.u32 s27, $0x1;
	_ =	strace $0x80000046;
	[dreg:$0x1] =	wrdreg $0xFFFFFFFF  }
0x1f: {  	s28 =	simm.s32 $_size_execute0_lowered;
	s3 =	sadd.s32 s3, s5;
	[dreg:$0x0] =	wrdreg $0x0  }
0x20: {  	s5 =	sshll.u32 s28, $0x1;
	[dreg:$0x2] =	wrdreg s3  }
0x21: {  	[dreg:$0x3] =	wrdreg s5  }
0x22: {  	[dreg:$0x4] =	wrdreg $0xC0  }
0x23: {  	_ =	task [dreg:s7], $0x5FFFF  }
0x24: {  	[dreg:$0x1] =	wrdreg $0xFFFFFFFF  }
0x25: {  	[dreg:$0x0] =	wrdreg $0x60  }
0x26: {  	[dreg:$0x2] =	wrdreg s2  }
0x27: {  	[dreg:$0x3] =	wrdreg s25  }
0x28: {  	[dreg:$0x4] =	wrdreg $0x9  }
0x29: {  	_ =	task.clear_ibuf [dreg:s7], $0x5FFFF;
	_ =	strace $0x90000046  }
0x2a: {  	s29 =	simm.s32 $0x9;
	_ =	strace $0x80000048  }
0x2b: {  	_ =	swait.ge [sflag:s29], $0x1  }
0x2c: {  	[sflag:s29] =	ssyncadd.s32 $0xFFFFFFFF  }
0x2d: {  	_ =	strace $0x90000048  }
0x2e: {  	_ =	sfence  }
0x2f: {  	s30 =	sld [smem:$0x0];
	_ =	sdelay $0x2  }
0x30: {  	s31 =	sshll.u32 s1, $0xD;
	s1 =	sshrl.u32 s1, $0x2  }
0x31: {  	s3 =	sand.u32 $0x4000, s31;
	s1 =	sadd.s32 s1, s30  }
0x32: {  	s0 =	sor.u32 s3, s0;
	s1 =	sshll.u32 s1, $0x11  }
0x33: {  	s0 =	sor.u32 s1, s0  }
0x34: {  	s0 =	sadd.s32 $0x8F2B, s0  }
0x35: {  	[sflag:s0] =	ssyncadd.remote.s32 $0x1  }
0x36: {  	_ =	sfence.sel $0xFFFF  }
0x37: {  	[dreg:$0x0] =	wrdreg $0xFFFFFFFF;
	(pc) =	sbr.abs _section_cstart, $3  }
0x38: {  	[dreg:$0x1] =	wrdreg $0xFFFFFFFF  }
0x39: {  	_ =	task.clear_ibuf [dreg:s7], $0x2FFFF;
	_ =	strace $0x9FFFFFFF  }
0x3a: {  	(tm) =	ssettm $0x7FFFFFFF  }
0x3b: {  	_ =	shalt  }
tec
execute0_lowered:
.L_overlay_start_1:
0x0: {  	(tag) =	ssettag $0x1  }
0x1: {  	s0 =	srdreg.scid;
	s2 =	rddreg [dreg:$0x0]  }
0x2: {  	s5 =	rddreg [dreg:$0x1];
	s1 =	stileid.u32  }
0x3: {  	s4 =	simm.s32 $0x1;
	s6 =	simm.s32 $0x2;
	s15 =	simm.s32 $0x0  }
0x4: {  	p0 =	por $0x0, $0x0;
	s8 =	simm.s32 $0x80;
	s0 =	sshll.u32 s0, $0x4  }
0x5: {  	s14 =	simm.s32 $0x0;
	s9 =	simm.s32 $0x0;
	s3 =	sand.u32 $0x10, s0  }
.Ltmp0:
0x6: {  	s10 =	simm.s32 $0x0;
	s3 =	sor.u32 s1, s3;
	(pc) =	sbr.rel .LBB1_1-.Ltmp0, $4  }
0x7: {  	s0 =	rddreg [dreg:$0x2];
	_ =	strace $0x80000047;
	s3 =	sshll.u32 s3, $0x7  }
0x8: {  	s12 =	simm.s32 $0x0;
	[sflag:s4] =	ssyncpa.u1 $0x0;
	s7 =	ssub.s32 $0xF4200, s3  }
0x9: {  	s13 =	simm.s32 $0x0;
	[sflag:s6] =	ssyncpa.u1 $0x0;
	s6 =	sshrl.u32 s7, $0xC  }
0xa: {  	s5 =	sadd.s32 $0xA00, s5;
	s11 =	smov.u32 s3;
	s7 =	sadd.s32 $0x2, s6  }
.LBB1_5:
0xb: {  	p1 =	slt.u32 s13, $0x2  }
0xc: {  	s17 =	smov.u32 s15;
	p2 =	sgt.s32 @!p1 s15, $0xF41C0;
	s16 =	sshra.s32 @!p1 s15, $0x1F  }
0xd: {  	p3 =	sgt.s32 @!p1 s14, $0x40;
	s18 =	sshra.s32 @!p1 s14, $0x1F;
	p2 =	por !p2, p1  }
0xe: {  	s15 =	sand.u32 @!p1 s16, s15;
	p3 =	por !p3, p1;
	s16 =	smov.u32 s14  }
0xf: {  	s14 =	sand.u32 @!p1 s18, s14;
	s17 =	simm.s32 @p2 $0xF41C0;
	s16 =	simm.s32 @p3 $0x40  }
0x10: {  	s15 =	ssub.s32 @!p1 s17, s15;
	s14 =	ssub.s32 @!p1 s16, s14  }
0x11: {  	s18 =	smov.u32 s12;
	s16 =	sadd.s32 @!p1 $0xFFF0BE40, s15;
	s17 =	sadd.s32 @!p1 $0xFFFFFFC0, s14  }
0x12: {  	s15 =	ssub.s32 @!p1 $0xF4240, s15;
	p2 =	sgt.s32 @!p1 s16, $0x7F;
	p3 =	sgt.s32 @!p1 s17, $0x3F  }
0x13: {  	s14 =	ssub.s32 @!p1 $0x80, s14;
	p2 =	por !p2, p1;
	p3 =	por !p3, p1  }
0x14: {  	s16 =	sadd.s32 $0x1000, s11;
	s15 =	simm.s32 @!p2 $0x0;
	s14 =	simm.s32 @!p3 $0x0  }
0x15: {  	p2 =	sgt.s32 s16, $0xF423F;
	s14 =	smul.u32 @!p1 s14, s15;
	s15 =	sadd.s32 $0x40, s12  }
0x16: {  	s18 =	smov.u32 @p2 s15  }
0x17: {  	s16 =	smov.u32 @p2 s3;
	p2 =	sgt.s32 s18, $0x3F  }
0x18: {  	s18 =	simm.s32 @p2 $0x0;
	p2 =	sne.s32 s13, s7  }
.Ltmp1:
0x19: {  	p0 =	por !p0, !p0;
	s17 =	simm.s32 @!p1 $0x2;
	(pc) =	sbr.rel @!p2 .LBB1_6-.Ltmp1, $4  }
0x1a: {  	s15 =	smov.u32 s9;
	s9 =	smov.u32 s11;
	s14 =	sand.u32 @!p1 $0x3FFFFFFF, s14  }
0x1b: {  	s11 =	smov.u32 s16;
	_ =	swait.ge @!p1 [sflag:s17], s14;
	s19 =	ssub.s32 @!p1 $0x0, s14  }
0x1c: {  	s14 =	smov.u32 s10;
	s13 =	sadd.s32 $0x1, s13;
	[sflag:s17] =	ssyncset.done @!p1 $0x0  }
0x1d: {  	s10 =	smov.u32 s12;
	s12 =	smov.u32 s18;
	[sflag:s17] =	ssyncadd.s32 @!p1 s19  }
.LBB1_1:
0x1e: {  	p1 =	sgt.u32 s13, s6  }
0x1f: {  	s16 =	sshrl.u32 @!p1 s12, $0x3  }
0x20: {  	s17 =	sshll.u32 @!p1 s11, $0x3;
	s16 =	smul.u32 @!p1 $0x7A1400, s16  }
0x21: {  	s18 =	sshll.u32 @!p1 s12, $0x7;
	s17 =	sand.u32 @!p1 $0xFFFFFC00, s17  }
0x22: {  	s16 =	sadd.s32 @!p1 s16, s17;
	s17 =	sand.u32 @!p1 $0x380, s18  }
0x23: {  	s18 =	sand.u32 @!p1 $0x7F, s11;
	s16 =	sor.u32 @!p1 s17, s16  }
0x24: {  	s17 =	sor.u32 @!p1 s18, s16  }
0x25: {  	s18 =	smulhi.u32 @!p1 $0x218D6287, s17;
	_ =	sdelay $0x1  }
0x26: {  	s16 =	smulhi.u32 @!p1 $0x218D6287, s16;
	s18 =	sshrl.u32 @!p1 s18, $0x11  }
0x27: {  	s18 =	smul.u32 @!p1 $0xF4280, s18  }
0x28: {  	s19 =	sxor.u32 @!p1 $0xFFFFFFFF, s13;
	s16 =	sshrl.u32 @!p1 s16, $0x11  }
0x29: {  	s19 =	sshll.u32 @!p1 s19, $0xD;
	s16 =	sand.u32 @!p1 $0x3F, s16;
	s17 =	ssub.s32 @!p1 s17, s18  }
0x2a: {  	s16 =	smul.u32 @!p1 $0x1E850, s16;
	s18 =	sshrl.u32 @!p1 s17, $0x3;
	s17 =	sand.u32 @!p1 $0x7, s17  }
0x2b: {  	s19 =	sand.u32 @!p1 $0x2000, s19;
	s18 =	sadd.s32 @!p1 s2, s18;
	s17 =	sshll.u32 @!p1 s17, $0x12  }
0x2c: {  	s16 =	sadd.s32 @!p1 s16, s18;
	s17 =	sor.u32 @!p1 $0x400, s17;
	s18 =	simm.s32 @!p1 $0x7A1400  }
0x2d: {  	[tilespmem:s19], [sflag:$0x1] =	stream.strided.gather @!p1 [hbm4b:s16+s17], $0x2000, s18, s17, $0x38;
	[tilespmem:$0x8100] =	vst v63  }
0x2e: {  	p1 =	seq.s32 s13, $0x0  }
0x2f: {  	p2 =	sge.u32 @!p1 s13, s7  }
0x30: {  	p1 =	por p1, p2  }
.Ltmp2:
0x31: {  	_ = 	snop;
	(pc) =	sbr.rel @p1 .LBB1_5-.Ltmp2, $1  }
0x32: {  	_ =	sdelay $0x3  }
0x33: {  	s16 =	simm.s32 $0x1  }
0x34: {  	_ =	swait.ge [sflag:s4], $0x2000;
	s16 =	simm.s32 @!p0 $0x0  }
0x35: {  	[sflag:s4] =	ssyncset.done $0x0;
	s17 =	sshll.u32 s16, $0xD  }
0x36: {  	[sflag:s4] =	ssyncadd.s32 $0xFFFFE000;
	s17 =	sor.u32 $0x40, s17  }
0x37: {  	s16 =	smul.u32 $0x8200, s16;
	v0 =	vld [tilespmem:s17+$0x30]  }
0x38: {  	v1 =	vld [tilespmem:s17+$0xFFFFFFD0]  }
0x39: {  	s16 =	sshrl.u32 s16, $0x2;
	v5 =	vld [tilespmem:s17+$0xFFFFFFE0]  }
0x3a: {  	v6 =	vld [tilespmem:s17+$0xFFFFFFF0];
	s19 =	sor.u32 $0x4000, s16  }
0x3b: {  	s31 =	sand.u32 $0x1, s13;
	v4 =	vld [tilespmem:s17+$0x0];
	s18 =	sadd.s32 $0x0, s19  }
0x3c: {  	v3 =	vld [tilespmem:s17+$0x10];
	s16 =	smul.u32 $0x8200, s31;
	[tilespmem:s18+$0x1C70 ss:$0x41] =	vst.msk $0xffff, v0  }
0x3d: {  	v2 =	vld [tilespmem:s17+$0x20];
	[tilespmem:s18+$0x410 ss:$0x41] =	vst.msk $0xffff, v1  }
0x3e: {  	s16 =	sshrl.u32 s16, $0x2;
	v1 =	vld [tilespmem:s17+$0xFFFFFFC0];
	[tilespmem:s18+$0x820 ss:$0x41] =	vst.msk $0xffff, v5;
	s17 =	sadd.s32 $0x80, s17  }
0x3f: {  	s20 =	simm.s32 $0x4;
	s21 =	simm.s32 $0x8;
	s16 =	sor.u32 $0x4000, s16;
	[tilespmem:s18+$0xC30 ss:$0x41] =	vst.msk $0xffff, v6;
	v0 =	vld [tilespmem:s17+$0x30]  }
.LBB1_3:
0x40: {  	p1 =	sne.s32 s21, $0xFC;
	v5 =	vld [tilespmem:s17+$0xFFFFFFD0];
	[tilespmem:s18+$0x1040 ss:$0x41] =	vst.msk $0xffff, v4  }
0x41: {  	v6 =	vld [tilespmem:s17+$0xFFFFFFE0];
	[tilespmem:s18+$0x1450 ss:$0x41] =	vst.msk $0xffff, v3  }
0x42: {  	s22 =	sshra.s32 s20, $0x2;
	s20 =	smov.u32 s21;
	v7 =	vld [tilespmem:s17+$0xFFFFFFF0];
	[tilespmem:s18+$0x1860 ss:$0x41] =	vst.msk $0xffff, v2  }
.Ltmp3:
0x43: {  	v4 =	vld [tilespmem:s17+$0x0];
	[tilespmem:s18+$0x0 ss:$0x41] =	vst.msk $0xffff, v1;
	s18 =	sadd.s32 s22, s19;
	(pc) =	sbr.rel @p1 .LBB1_3-.Ltmp3, $4  }
0x44: {  	v3 =	vld [tilespmem:s17+$0x10];
	[tilespmem:s18+$0x1C70 ss:$0x41] =	vst.msk $0xffff, v0  }
0x45: {  	[tilespmem:s18+$0x410 ss:$0x41] =	vst.msk $0xffff, v5;
	v2 =	vld [tilespmem:s17+$0x20]  }
0x46: {  	v1 =	vld [tilespmem:s17+$0xFFFFFFC0];
	[tilespmem:s18+$0x820 ss:$0x41] =	vst.msk $0xffff, v6;
	s17 =	sadd.s32 $0x80, s17  }
0x47: {  	s21 =	sadd.s32 $0x4, s21;
	v0 =	vld [tilespmem:s17+$0x30];
	[tilespmem:s18+$0xC30 ss:$0x41] =	vst.msk $0xffff, v7  }
0x48: {  	s21 =	sshll.u32 s9, $0x7;
	s22 =	sshll.u32 s10, $0x3;
	s20 =	sshra.s32 s20, $0x2  }
0x49: {  	p1 =	sgt.s32 s9, $0xF41C0;
	s30 =	sshra.s32 s9, $0x1F;
	s25 =	sshra.s32 s10, $0x1F  }
0x4a: {  	v5 =	vld [tilespmem:s17+$0xFFFFFFD0];
	s28 =	sshrl.u32 s10, $0x3;
	s23 =	sand.u32 $0xFFFFFC00, s21;
	s22 =	sand.u32 $0xFFFFFC00, s22  }
0x4b: {  	[tilespmem:s18+$0x1040 ss:$0x41] =	vst.msk $0xffff, v4;
	v58 =	vld [tilespmem:s17+$0xFFFFFFE0];
	s21 =	sand.u32 $0x380, s21;
	s19 =	sadd.s32 s20, s19;
	s22 =	sadd.s32 s22, s23  }
0x4c: {  	v59 =	vld [tilespmem:s17+$0xFFFFFFF0];
	[tilespmem:s18+$0x1450 ss:$0x41] =	vst.msk $0xffff, v3;
	s29 =	sor.u32 s21, s22;
	s21 =	smov.u32 s9;
	s22 =	sand.u32 s30, s9  }
0x4d: {  	v60 =	vld [tilespmem:s17+$0x0];
	[tilespmem:s18+$0x1860 ss:$0x41] =	vst.msk $0xffff, v2;
	s30 =	sand.u32 $0x7, s10;
	s20 =	sshrl.u32 s29, $0x7;
	s21 =	simm.s32 @!p1 $0xF41C0  }
0x4e: {  	v61 =	vld [tilespmem:s17+$0x10];
	[tilespmem:s18+$0x0 ss:$0x41] =	vst.msk $0xffff, v1;
	p1 =	sgt.s32 s10, $0x40;
	s24 =	ssub.s32 s21, s22;
	s21 =	smov.u32 s10  }
0x4f: {  	v62 =	vld [tilespmem:s17+$0x20];
	[tilespmem:s19+$0x1C70 ss:$0x41] =	vst.msk $0xffff, v0;
	s31 =	smulhi.u32 $0x218DEF5, s20;
	s22 =	sand.u32 s25, s10;
	s21 =	simm.s32 @!p1 $0x40  }
0x50: {  	v63 =	vld [tilespmem:s17+$0xFFFFFFC0];
	[tilespmem:s19+$0x410 ss:$0x41] =	vst.msk $0xffff, v5;
	s26 =	sadd.s32 $0xFFF0BE40, s24;
	s17 =	ssub.s32 $0xF4240, s24;
	s21 =	ssub.s32 s21, s22  }
0x51: {  	[tilespmem:s19+$0x820 ss:$0x41] =	vst.msk $0xffff, v58;
	s23 =	sshrl.u32 s31, $0xD;
	p1 =	sgt.s32 s26, $0x7F;
	s27 =	sadd.s32 $0xFFFFFFC0, s21  }
0x52: {  	[tilespmem:s19+$0xC30 ss:$0x41] =	vst.msk $0xffff, v59;
	s23 =	smul.u32 $0xF4240, s23;
	s18 =	ssub.s32 $0x80, s21;
	p2 =	sgt.s32 s27, $0x3F  }
.Ltmp4:
0x53: {  	[tilespmem:s19+$0x1040 ss:$0x41] =	vst.msk $0xffff, v60;
	s17 =	simm.s32 @p1 $0x0;
	s18 =	simm.s32 @p2 $0x0;
	(pc) =	sbr.rel .LBB1_5-.Ltmp4, $4  }
0x54: {  	s29 =	sand.u32 $0xF, s28;
	[tilespmem:s19+$0x1450 ss:$0x41] =	vst.msk $0xffff, v61;
	s20 =	ssub.s32 s20, s23;
	s17 =	smul.u32 s18, s17  }
0x55: {  	[tilespmem:s19+$0x1860 ss:$0x41] =	vst.msk $0xffff, v62;
	s21 =	sshll.u32 s30, $0x12;
	s20 =	sshll.u32 s20, $0x4;
	s18 =	sadd.s32 s5, s29  }
0x56: {  	[tilespmem:s19+$0x0 ss:$0x41] =	vst.msk $0xffff, v63;
	s31 =	sor.u32 $0x40, s21;
	s18 =	sadd.s32 s20, s18;
	s17 =	sand.u32 $0x3FFFFFFF, s17  }
0x57: {  	[hbm4b:s18+s31] =	stream.strided.scatter [tilespmem:s16], [sflag:$0x2], s17, s8, s31, $0x18;
	[tilespmem:$0x8100] =	vst v63  }
.LBB1_6:
0x58: {  	_ =	sfence.sel $0x180000  }
0x59: {  	s2 =	simm.s32 $0x1;
	[bflag:$0x0] =	sbarrier.arrive $0xFFFF  }
0x5a: {  	s31 =	simm.s32 $0x2;
	[sflag:s2] =	ssyncpa.u1 $0x1  }
0x5b: {  	[sflag:s31] =	ssyncpa.u1 $0x1  }
0x5c: {  	p0 =	sne.s32 s1, $0x0;
	_ =	strace $0x90000047  }
0x5d: {  	s0 =	sadd.s32 @!p0 $0x100000, s0;
	[bflag:$0x2] =	sbarrier.arrive $0xFFFF  }
0x5e: {  	[sflag:s0] =	ssyncadd.tile.s32 @!p0 $0x1;
	_ =	shalt  }
.Lfunc_end1:
_tile_overlayer_lowered:
.L_overlay_start_2:
0x5f: {  	(tag) =	ssettag $0x2  }
0x60: {  	s0 =	rddreg [dreg:$0x0];
	s2 =	stileid.u32  }
0x61: {  	s1 =	rddreg [dreg:$0x1];
	p0 =	sne.s32 s2, $0x0  }
0x62: {  	s3 =	rddreg [dreg:$0x2];
	[bflag:$0x3] =	sbarrier.arrive $0xFFFF;
	s2 =	simm.s32 @!p0 $0x1C01  }
0x63: {  	[timem:s3], [sflag:s2] =	dma.local @!p0 [hbm:s0], s1  }
0x64: {  	s0 =	simm.s32 @!p0 $0x1  }
0x65: {  	_ =	swait.ge @!p0 [sflag:s0], s1  }
0x66: {  	s1 =	ssub.s32 @!p0 $0x0, s1;
	[sflag:s0] =	ssyncset.done @!p0 $0x0  }
0x67: {  	[sflag:s0] =	ssyncadd.s32 @!p0 s1  }
0x68: {  	[bflag:$0x3] =	sbarrier.arrive $0xFFFF  }
0x69: {  	_ =	shalt  }

</sc_bundles>
